<compile_context>
chip_gen: v7x
topology: tpu7x:2x2x1
jax: 0.10.2.dev20260603
libtpu: 0.0.44.dev20260713+nightly
codegen_flags: <defaults>
</compile_context>

<pallas_src>
import functools

import jax
import jax.numpy as jnp
import numpy as np
from jax import lax
from jax.experimental import pallas as pl
from jax.experimental.pallas import tpu as pltpu
from jax.experimental.pallas import tpu_sc as plsc

N = 10000
E = 320000
NP = 10016
NC = 2
NS = 16
NW = NC * NS
CH = 120
NB = 3
NCH = 84
NT = NCH // NB
EPT = NW * NCH * CH
NCHD = 79
EPD = NW * NCHD * 128
NPD = 10112
BNS = 1.0 / (1.0 + 1e-5) ** 0.5
R = 5000

_mesh = plsc.VectorSubcoreMesh(core_axis_name="c", subcore_axis_name="s")
_sc_params = pltpu.CompilerParams(needs_layout_passes=False)

_SRC_BASE = np.zeros((EPT,), np.int32)
_SRC_BASE[E:] = np.arange(EPT - E, dtype=np.int32) % N
_DST_BASE = np.zeros((EPT,), np.int32)
_DST_BASE[E:] = N + np.arange(EPT - E, dtype=np.int32) % (NP - N)
_DSTD_BASE = np.zeros((EPD,), np.int32)
_DSTD_BASE[E:] = N + np.arange(EPD - E, dtype=np.int32) % (NP - N)


def _deg_body(dst_hbm, deg_hbm, dstbuf, degbuf, stage, colbuf, sumbuf):
    c = lax.axis_index("c")
    s = lax.axis_index("s")
    wid = c * NS + s
    pltpu.sync_copy(dst_hbm.at[pl.ds(wid * NCHD * 128, NCHD * 128)], dstbuf)
    z = jnp.zeros((16,), jnp.float32)

    def zero(i, carry):
        degbuf[pl.ds(i * 16, 16)] = z
        return carry

    lax.fori_loop(0, NPD // 16, zero, 0)
    ones = jnp.ones((16,), jnp.float32)

    def body(g, carry):
        for k in range(8):
            idx = dstbuf[pl.ds(g * 128 + k * 16, 16)]
            plsc.addupdate_scatter(degbuf, [idx], ones)
        return carry

    lax.fori_loop(0, NCHD, body, 0)
    pltpu.sync_copy(degbuf, stage.at[s])
    plsc.subcore_barrier()
    cw = 640

    @pl.when(s == 15)
    def _():
        pltpu.sync_copy(stage.at[:, pl.ds(15 * cw, NPD - 15 * cw)],
                        colbuf.at[:, pl.ds(0, NPD - 15 * cw)])

    @pl.when(s < 15)
    def _():
        pltpu.sync_copy(stage.at[:, pl.ds(s * cw, cw)], colbuf)

    ngrp = jnp.where(s < 15, cw // 16, (NPD - 15 * cw) // 16)

    def red(g, carry):
        v = colbuf[0, pl.ds(g * 16, 16)]
        for k in range(1, NS):
            v = v + colbuf[k, pl.ds(g * 16, 16)]
        sumbuf[pl.ds(g * 16, 16)] = v
        return carry

    lax.fori_loop(0, ngrp, red, 0)

    @pl.when(s < 15)
    def _():
        pltpu.sync_copy(sumbuf, deg_hbm.at[c, pl.ds(s * cw, cw)])

    @pl.when(s == 15)
    def _():
        pltpu.sync_copy(sumbuf.at[pl.ds(0, NPD - 15 * cw)],
                        deg_hbm.at[c, pl.ds(15 * cw, NPD - 15 * cw)])


_deg_call = pl.kernel(
    _deg_body,
    out_type=jax.ShapeDtypeStruct((NC, NPD), jnp.float32),
    mesh=_mesh,
    compiler_params=_sc_params,
    scratch_types=[
        pltpu.VMEM((NCHD * 128,), jnp.int32),
        pltpu.VMEM((NPD,), jnp.float32),
        pltpu.VMEM_SHARED((NS, NPD), jnp.float32),
        pltpu.VMEM((NS, 640), jnp.float32),
        pltpu.VMEM((640,), jnp.float32),
    ],
)


def _make_scatter(F):
    def body(mp_hbm, src_hbm, dst_hbm, out_hbm, idxbuf, *rest):
        rows = rest[:NB]
        acc = rest[NB]
        gsems = rest[NB + 1:2 * NB + 1]
        isem = rest[2 * NB + 1]
        rows0 = rows[0]
        c = lax.axis_index("c")
        s = lax.axis_index("s")
        wid = c * NS + s

        z = jnp.zeros((16,), jnp.float32)

        def zero(i, carry):
            for k in range(F // 16):
                rows0[i, pl.ds(k * 16, 16)] = z
            return carry

        lax.fori_loop(0, CH, zero, 0)
        base = s * 632

        def _zero_slice(nrows):
            nf = nrows // CH
            rm = nrows - nf * CH
            for k in range(nf):
                pltpu.sync_copy(rows0, acc.at[pl.ds(base + k * CH, CH)])
            if rm:
                pltpu.sync_copy(rows0.at[pl.ds(0, rm)],
                                acc.at[pl.ds(base + nf * CH, rm)])

        @pl.when(s < 15)
        def _():
            _zero_slice(632)

        @pl.when(s == 15)
        def _():
            _zero_slice(536)

        plsc.subcore_barrier()

        BLK = NB * CH
        base_e = wid * NCH * CH
        pltpu.sync_copy(src_hbm.at[pl.ds(base_e, BLK)],
                        idxbuf.at[pl.ds(0, BLK)])
        pltpu.sync_copy(dst_hbm.at[pl.ds(base_e, BLK)],
                        idxbuf.at[pl.ds(2 * BLK, BLK)])
        for j in range(NB - 1):
            pltpu.async_copy(mp_hbm.at[idxbuf.at[pl.ds(j * CH, CH)]],
                             rows[j], gsems[j])

        def macro(t, carry):
            slot = lax.rem(t, 2)
            nslot = 1 - slot
            nxt = t + 1

            @pl.when(nxt < NT)
            def _():
                pltpu.async_copy(src_hbm.at[pl.ds(base_e + nxt * BLK, BLK)],
                                 idxbuf.at[pl.ds(nslot * BLK, BLK)], isem)
                pltpu.async_copy(dst_hbm.at[pl.ds(base_e + nxt * BLK, BLK)],
                                 idxbuf.at[pl.ds(2 * BLK + nslot * BLK, BLK)],
                                 isem)

            for j in range(NB):
                pltpu.make_async_copy(
                    mp_hbm.at[idxbuf.at[pl.ds(slot * BLK + j * CH, CH)]],
                    rows[j], gsems[j]).wait()
                if j == 0:
                    pltpu.async_copy(
                        mp_hbm.at[
                            idxbuf.at[pl.ds(slot * BLK + (NB - 1) * CH, CH)]],
                        rows[NB - 1], gsems[NB - 1])
                elif j == 1:
                    @pl.when(nxt < NT)
                    def _():
                        pltpu.make_async_copy(
                            src_hbm.at[pl.ds(base_e + nxt * BLK, BLK)],
                            idxbuf.at[pl.ds(nslot * BLK, BLK)], isem).wait()
                        pltpu.make_async_copy(
                            dst_hbm.at[pl.ds(base_e + nxt * BLK, BLK)],
                            idxbuf.at[pl.ds(2 * BLK + nslot * BLK, BLK)],
                            isem).wait()
                        pltpu.async_copy(
                            mp_hbm.at[idxbuf.at[pl.ds(nslot * BLK, CH)]],
                            rows[0], gsems[0])
                else:
                    @pl.when(nxt < NT)
                    def _():
                        pltpu.async_copy(
                            mp_hbm.at[
                                idxbuf.at[
                                    pl.ds(nslot * BLK + (j - 1) * CH, CH)]],
                            rows[j - 1], gsems[j - 1])
                pltpu.sync_copy(
                    rows[j],
                    acc.at[idxbuf.at[pl.ds(2 * BLK + slot * BLK + j * CH,
                                           CH)]],
                    add=True)
            return carry

        lax.fori_loop(0, NT, macro, 0)
        plsc.subcore_barrier()

        @pl.when(s < 15)
        def _():
            pltpu.sync_copy(acc.at[pl.ds(base, 632)],
                            out_hbm.at[c, pl.ds(base, 632)])

        @pl.when(s == 15)
        def _():
            pltpu.sync_copy(acc.at[pl.ds(base, 536)],
                            out_hbm.at[c, pl.ds(base, 536)])

    return pl.kernel(
        body,
        out_type=jax.ShapeDtypeStruct((NC, NP, F), jnp.float32),
        mesh=_mesh,
        compiler_params=_sc_params,
        scratch_types=(
            [pltpu.VMEM((4 * NB * CH,), jnp.int32)]
            + [pltpu.VMEM((CH, F), jnp.float32) for _ in range(NB)]
            + [pltpu.VMEM_SHARED((NP, F), jnp.float32)]
            + [pltpu.SemaphoreType.DMA for _ in range(NB + 1)]
        ),
    )


_scat128 = _make_scatter(128)


def _b1_body(deg_ref, x_ref, w_ref, mp_ref, dis_ref):
    dis = lax.rsqrt(1.0 + deg_ref[...])
    dis_ref[...] = dis
    m = jnp.dot(x_ref[...], w_ref[...], preferred_element_type=jnp.float32)
    mp_ref[...] = m * dis


_b1_call = pl.pallas_call(
    _b1_body,
    grid=(N // R,),
    in_specs=[
        pl.BlockSpec((R, 1), lambda i: (i, 0)),
        pl.BlockSpec((R, 128), lambda i: (i, 0)),
        pl.BlockSpec((128, 128), lambda i: (0, 0)),
    ],
    out_specs=[
        pl.BlockSpec((R, 128), lambda i: (i, 0)),
        pl.BlockSpec((R, 1), lambda i: (i, 0)),
    ],
    out_shape=[
        jax.ShapeDtypeStruct((N, 128), jnp.float32),
        jax.ShapeDtypeStruct((N, 1), jnp.float32),
    ],
)


def _b2_body(dis_ref, acc_ref, mp1_ref, a1_ref, b1_ref, w2_ref,
             h1_ref, mp2_ref):
    sdis = dis_ref[...]
    conv = sdis * (acc_ref[0] + acc_ref[1] + mp1_ref[...])
    h1 = jnp.maximum(conv * a1_ref[...][None, :] + b1_ref[...][None, :], 0.0)
    h1_ref[...] = h1
    mp2_ref[...] = sdis * jnp.dot(h1, w2_ref[...],
                                  preferred_element_type=jnp.float32)


_b2_call = pl.pallas_call(
    _b2_body,
    grid=(N // R,),
    in_specs=[
        pl.BlockSpec((R, 1), lambda i: (i, 0)),
        pl.BlockSpec((NC, R, 128), lambda i: (0, i, 0)),
        pl.BlockSpec((R, 128), lambda i: (i, 0)),
        pl.BlockSpec((128,), lambda i: (0,)),
        pl.BlockSpec((128,), lambda i: (0,)),
        pl.BlockSpec((128, 128), lambda i: (0, 0)),
    ],
    out_specs=[
        pl.BlockSpec((R, 128), lambda i: (i, 0)),
        pl.BlockSpec((R, 128), lambda i: (i, 0)),
    ],
    out_shape=[
        jax.ShapeDtypeStruct((N, 128), jnp.float32),
        jax.ShapeDtypeStruct((N, 128), jnp.float32),
    ],
)


def _b3_body(dis_ref, acc_ref, mp2_ref, h1_ref, a2_ref, b2_ref,
             lng_ref, lnb_ref, wavg_ref, bavg_ref, w3_ref, mp3_ref):
    sdis = dis_ref[...]
    conv = sdis * (acc_ref[0] + acc_ref[1] + mp2_ref[...])
    h2 = jnp.maximum(conv * a2_ref[...][None, :] + b2_ref[...][None, :], 0.0)
    d = (h2 - h1_ref[...]) * 0.5
    mu = jnp.mean(d, axis=1, keepdims=True)
    dc = d - mu
    var = jnp.mean(dc * dc, axis=1, keepdims=True)
    z = dc / jnp.sqrt(var) * lng_ref[...][None, :] + lnb_ref[...][None, :]
    xr = h2 + jnp.dot(z, wavg_ref[...], preferred_element_type=jnp.float32) \
        + bavg_ref[...][None, :]
    mp3_ref[...] = sdis * jnp.dot(xr, w3_ref[...],
                                  preferred_element_type=jnp.float32)


_b3_call = pl.pallas_call(
    _b3_body,
    grid=(N // R,),
    in_specs=[
        pl.BlockSpec((R, 1), lambda i: (i, 0)),
        pl.BlockSpec((NC, R, 128), lambda i: (0, i, 0)),
        pl.BlockSpec((R, 128), lambda i: (i, 0)),
        pl.BlockSpec((R, 128), lambda i: (i, 0)),
        pl.BlockSpec((128,), lambda i: (0,)),
        pl.BlockSpec((128,), lambda i: (0,)),
        pl.BlockSpec((128,), lambda i: (0,)),
        pl.BlockSpec((128,), lambda i: (0,)),
        pl.BlockSpec((128, 128), lambda i: (0, 0)),
        pl.BlockSpec((128,), lambda i: (0,)),
        pl.BlockSpec((128, 128), lambda i: (0, 0)),
    ],
    out_specs=pl.BlockSpec((R, 128), lambda i: (i, 0)),
    out_shape=jax.ShapeDtypeStruct((N, 128), jnp.float32),
)


def _b4_body(dis_ref, acc_ref, mp3_ref, b3_ref, out_ref):
    sdis = dis_ref[...]
    out_ref[...] = sdis * (acc_ref[0][:, :64] + acc_ref[1][:, :64]
                           + mp3_ref[...][:, :64]) + b3_ref[...][None, :]


_b4_call = pl.pallas_call(
    _b4_body,
    grid=(N // R,),
    in_specs=[
        pl.BlockSpec((R, 1), lambda i: (i, 0)),
        pl.BlockSpec((NC, R, 128), lambda i: (0, i, 0)),
        pl.BlockSpec((R, 128), lambda i: (i, 0)),
        pl.BlockSpec((64,), lambda i: (0,)),
    ],
    out_specs=pl.BlockSpec((R, 64), lambda i: (i, 0)),
    out_shape=jax.ShapeDtypeStruct((N, 64), jnp.float32),
)


def kernel(x, adj, W1, b1, g1, be1, W2, b2, g2, be2,
           lng, lnb, Wavg, bavg, W3, b3):
    src = adj[0]
    dst = adj[1]
    srcp = lax.dynamic_update_slice(
        jnp.asarray(_SRC_BASE), src, (0,))
    dstp = lax.dynamic_update_slice(
        jnp.asarray(_DST_BASE), dst, (0,))
    dstp_deg = lax.dynamic_update_slice(
        jnp.asarray(_DSTD_BASE), dst, (0,))
    degparts = _deg_call(dstp_deg)
    degsum = (degparts[0] + degparts[1]).reshape(NPD, 1)

    a1 = BNS * g1
    b1e = b1 * a1 + be1
    a2 = BNS * g2
    b2e = b2 * a2 + be2

    mp1, dis = _b1_call(degsum, x, W1)
    acc1 = _scat128(mp1, srcp, dstp)
    h1, mp2 = _b2_call(dis, acc1, mp1, a1, b1e, W2)
    acc2 = _scat128(mp2, srcp, dstp)
    W3p = jnp.pad(W3, ((0, 0), (0, 64)))
    mp3 = _b3_call(dis, acc2, mp2, h1, a2, b2e, lng, lnb, Wavg, bavg, W3p)
    acc3 = _scat128(mp3, srcp, dstp)
    out = _b4_call(dis, acc3, mp3, b3)
    return out

# --- scband reference (transcript-rebuilt; emitter-appended) ---
"""Pipeline reference for scband-trail-69724499083752 (READ-ONLY COPY).

The authoritative reference and input builder live on the scoring server;
editing this copy changes nothing except your own understanding.
"""

import jax, jax.numpy as jnp
import numpy as np

N_NODES = 10000
N_EDGES = 320000
NFEAT = 128
NHID = 128
NCLASS = 64


def setup_inputs(seed: int = 0) -> dict:
    key = jax.random.key(seed)
    ks = jax.random.split(key, 16)
    x = jax.random.normal(ks[0], (N_NODES, NFEAT), dtype=jnp.float32)
    adj = jax.random.randint(ks[1], (2, N_EDGES), 0, N_NODES, dtype=jnp.int32)
    # GCNConv weights (in, out) layout; PyG uses Glorot init
    def glorot(k, fan_in, fan_out):
        lim = jnp.sqrt(6.0 / (fan_in + fan_out))
        return jax.random.uniform(k, (fan_in, fan_out), dtype=jnp.float32, minval=-lim, maxval=lim)
    W1 = glorot(ks[2], NFEAT, NHID)
    b1 = jnp.zeros((NHID,), jnp.float32)
    W2 = glorot(ks[3], NHID, NHID)
    b2 = jnp.zeros((NHID,), jnp.float32)
    W3 = glorot(ks[4], NHID, NCLASS)
    b3 = jnp.zeros((NCLASS,), jnp.float32)
    # BatchNorm1d params (eval mode: running_mean=0, running_var=1)
    g1 = jnp.ones((NHID,), jnp.float32)
    be1 = jnp.zeros((NHID,), jnp.float32)
    g2 = jnp.ones((NHID,), jnp.float32)
    be2 = jnp.zeros((NHID,), jnp.float32)
    # LayerNorm params (eps=0)
    lng = jnp.ones((NHID,), jnp.float32)
    lnb = jnp.zeros((NHID,), jnp.float32)
    # avg_lin Linear(nhid, nhid)
    lim = 1.0 / np.sqrt(NHID)
    Wavg = jax.random.uniform(ks[5], (NHID, NHID), dtype=jnp.float32, minval=-lim, maxval=lim)
    bavg = jax.random.uniform(ks[6], (NHID,), dtype=jnp.float32, minval=-lim, maxval=lim)
    return {"x": x, "adj": adj, "W1": W1, "b1": b1, "g1": g1, "be1": be1,
            "W2": W2, "b2": b2, "g2": g2, "be2": be2,
            "lng": lng, "lnb": lnb, "Wavg": Wavg, "bavg": bavg,
            "W3": W3, "b3": b3}


def _gcn_norm(adj, n):
    loop = jnp.arange(n, dtype=adj.dtype)
    src = jnp.concatenate([adj[0], loop])
    dst = jnp.concatenate([adj[1], loop])
    deg = jnp.zeros((n,), jnp.float32).at[dst].add(1.0)
    dis = jnp.where(deg > 0, 1.0 / jnp.sqrt(deg), 0.0)
    norm = dis[src] * dis[dst]
    return src, dst, norm


def _gcn_conv(h, W, b, src, dst, norm, n):
    m = h @ W
    msg = m[src] * norm[:, None]
    out = jnp.zeros((n, W.shape[1]), m.dtype).at[dst].add(msg)
    return out + b


def _bn_eval(h, g, b):
    # BatchNorm1d eval: running_mean=0, running_var=1, eps=1e-5
    return h / jnp.sqrt(1.0 + 1e-5) * g + b


def _ln0(z, g, b):
    # LayerNorm with eps=0
    mu = jnp.mean(z, axis=-1, keepdims=True)
    var = jnp.mean((z - mu) ** 2, axis=-1, keepdims=True)
    return (z - mu) / jnp.sqrt(var) * g + b


def reference(x, adj, W1, b1, g1, be1, W2, b2, g2, be2, lng, lnb, Wavg, bavg, W3, b3):
    n = x.shape[0]
    src, dst, norm = _gcn_norm(adj, n)
    # layer 1 (dropout is identity in eval mode)
    h1 = _gcn_conv(x, W1, b1, src, dst, norm, n)
    h1 = jax.nn.relu(_bn_eval(h1, g1, be1))
    # layer 2
    h2 = _gcn_conv(h1, W2, b2, src, dst, norm, n)
    h2 = jax.nn.relu(_bn_eval(h2, g2, be2))
    # pile embedding average + residual correction
    avg_vec = (h1 + h2) / 2.0
    z = _ln0(h2 - avg_vec, lng, lnb)
    xr = h2 + z @ Wavg + bavg
    # last layer
    out = _gcn_conv(xr, W3, b3, src, dst, norm, n)
    return out

if __name__ == "__main__":
    import jax
    _d = setup_inputs()
    print(jax.jit(kernel)(*tuple(_d.values())))

</pallas_src>

<mosaic_0001>
#map = affine_map<(d0, d1) -> (0)>
#map1 = affine_map<(d0, d1) -> (0, 0)>
module attributes {stable_mosaic.version = 14 : i64} {
  func.func @_deg_body(%arg0: i32, %arg1: i32, %arg2: memref<323584xi32, #tpu.memory_space<hbm>>, %arg3: memref<2x10112xf32, #tpu.memory_space<hbm>>, %arg4: memref<10112xi32, #tpu.memory_space<vmem>>, %arg5: memref<10112xf32, #tpu.memory_space<vmem>>, %arg6: memref<16x10112xf32, #tpu.memory_space<vmem_shared>>, %arg7: memref<16x640xf32, #tpu.memory_space<vmem>>, %arg8: memref<640xf32, #tpu.memory_space<vmem>>) attributes {dimension_semantics = [#tpu.dimension_semantics<core_parallel>, #tpu.dimension_semantics<subcore_parallel>], iteration_bounds = array<i64: 2, 16>, scalar_prefetch = 0 : i64, scratch_operands = 5 : i64, tpu.core_type = #tpu.core_type<sc_vector_subcore>, window_params = [{transform_indices = #map}, {transform_indices = #map1}]} {
    %mul3A = arith.constant 16 : i32
    %mul3A_0 = arith.muli %arg0, %mul3A : i32
    %add3A = arith.addi %mul3A_0, %arg1 : i32
    %mul3A_1 = arith.constant 79 : i32
    %mul3A_2 = arith.muli %add3A, %mul3A_1 : i32
    %mul3A_3 = arith.constant 128 : i32
    %mul3A_4 = arith.muli %mul3A_2, %mul3A_3 : i32
    "tpu.region"() ({
      %run_scoped3A = tpu.sem_alloc : memref<!tpu.dma_semaphore, #tpu.memory_space<semaphore_mem>>
      %dma_start3A = tpu.memref_slice %arg2[%mul3A_4] : memref<323584xi32, #tpu.memory_space<hbm>> -> memref<10112xi32, #tpu.memory_space<hbm>>
      %dma_start3A_47 = tpu.memref_slice %arg2[%mul3A_4] : memref<323584xi32, #tpu.memory_space<hbm>> -> memref<10112xi32, #tpu.memory_space<hbm>>
      tpu.enqueue_dma source(%dma_start3A_47 : memref<10112xi32, #tpu.memory_space<hbm>>) target(%arg4 : memref<10112xi32, #tpu.memory_space<vmem>>) target_semaphore(%run_scoped3A : memref<!tpu.dma_semaphore, #tpu.memory_space<semaphore_mem>>)
      %dma_wait3A = tpu.memref_slice %arg2[%mul3A_4] : memref<323584xi32, #tpu.memory_space<hbm>> -> memref<10112xi32, #tpu.memory_space<hbm>>
      %dma_wait3A_48 = tpu.memref_slice %arg2[%mul3A_4] : memref<323584xi32, #tpu.memory_space<hbm>> -> memref<10112xi32, #tpu.memory_space<hbm>>
      tpu.wait_dma2 semaphore(%run_scoped3A : memref<!tpu.dma_semaphore, #tpu.memory_space<semaphore_mem>>) src(%dma_wait3A_48 : memref<10112xi32, #tpu.memory_space<hbm>>) dst(%arg4 : memref<10112xi32, #tpu.memory_space<vmem>>)
      tpu.yield
    }) : () -> ()
    %broadcast_in_dim3A = arith.constant 0.000000e+00 : f32
    %broadcast_in_dim3A_5 = vector.broadcast %broadcast_in_dim3A : f32 to vector<16xf32>
    %scan3A = arith.constant 0 : i32
    %scan3A_6 = arith.constant 0 : i32
    %scan3A_7 = arith.constant 632 : i32
    %scan3A_8 = arith.addi %scan3A_6, %scan3A_7 : i32
    %scan3A_9 = arith.constant 1 : i32
    scf.for %scan3A_47 = %scan3A_6 to %scan3A_8 step %scan3A_9  : i32 {
      %mul3A_48 = arith.constant 16 : i32
      %mul3A_49 = arith.muli %scan3A_47, %mul3A_48 : i32
      %swap3A = arith.index_cast %mul3A_49 : i32 to index
      %swap3A_50 = tpu.vector_load %arg5[%swap3A] {strides = array<i32>} : memref<10112xf32, #tpu.memory_space<vmem>>, vector<16xf32>,
      tpu.vector_store %arg5[%swap3A], %broadcast_in_dim3A_5 {strides = array<i32>} : memref<10112xf32, #tpu.memory_space<vmem>>, vector<16xf32>,
    }
    %scan3A_10 = arith.constant 632 : i32
    %broadcast_in_dim3A_11 = arith.constant 1.000000e+00 : f32
    %broadcast_in_dim3A_12 = vector.broadcast %broadcast_in_dim3A_11 : f32 to vector<16xf32>
    %scan3A_13 = arith.constant 0 : i32
    %scan3A_14 = arith.constant 0 : i32
    %scan3A_15 = arith.constant 79 : i32
    %scan3A_16 = arith.addi %scan3A_14, %scan3A_15 : i32
    %scan3A_17 = arith.constant 1 : i32
    scf.for %scan3A_47 = %scan3A_14 to %scan3A_16 step %scan3A_17  : i32 {
      %mul3A_48 = arith.constant 128 : i32
      %mul3A_49 = arith.muli %scan3A_47, %mul3A_48 : i32
      %add3A_50 = arith.constant 0 : i32
      %add3A_51 = arith.addi %mul3A_49, %add3A_50 : i32
      %get3A = arith.index_cast %add3A_51 : i32 to index
      %get3A_52 = tpu.vector_load %arg4[%get3A] {strides = array<i32>} : memref<10112xi32, #tpu.memory_space<vmem>>, vector<16xi32>,
      tpu.vector_store_idx %arg5[%get3A_52], %broadcast_in_dim3A_12 {add = true} : memref<10112xf32, #tpu.memory_space<vmem>>[vector<16xi32>], vector<16xf32>,
      %mul3A_53 = arith.constant 128 : i32
      %mul3A_54 = arith.muli %scan3A_47, %mul3A_53 : i32
      %add3A_55 = arith.constant 16 : i32
      %add3A_56 = arith.addi %mul3A_54, %add3A_55 : i32
      %get3A_57 = arith.index_cast %add3A_56 : i32 to index
      %get3A_58 = tpu.vector_load %arg4[%get3A_57] {strides = array<i32>} : memref<10112xi32, #tpu.memory_space<vmem>>, vector<16xi32>,
      tpu.vector_store_idx %arg5[%get3A_58], %broadcast_in_dim3A_12 {add = true} : memref<10112xf32, #tpu.memory_space<vmem>>[vector<16xi32>], vector<16xf32>,
      %mul3A_59 = arith.constant 128 : i32
      %mul3A_60 = arith.muli %scan3A_47, %mul3A_59 : i32
      %add3A_61 = arith.constant 32 : i32
      %add3A_62 = arith.addi %mul3A_60, %add3A_61 : i32
      %get3A_63 = arith.index_cast %add3A_62 : i32 to index
      %get3A_64 = tpu.vector_load %arg4[%get3A_63] {strides = array<i32>} : memref<10112xi32, #tpu.memory_space<vmem>>, vector<16xi32>,
      tpu.vector_store_idx %arg5[%get3A_64], %broadcast_in_dim3A_12 {add = true} : memref<10112xf32, #tpu.memory_space<vmem>>[vector<16xi32>], vector<16xf32>,
      %mul3A_65 = arith.constant 128 : i32
      %mul3A_66 = arith.muli %scan3A_47, %mul3A_65 : i32
      %add3A_67 = arith.constant 48 : i32
      %add3A_68 = arith.addi %mul3A_66, %add3A_67 : i32
      %get3A_69 = arith.index_cast %add3A_68 : i32 to index
      %get3A_70 = tpu.vector_load %arg4[%get3A_69] {strides = array<i32>} : memref<10112xi32, #tpu.memory_space<vmem>>, vector<16xi32>,
      tpu.vector_store_idx %arg5[%get3A_70], %broadcast_in_dim3A_12 {add = true} : memref<10112xf32, #tpu.memory_space<vmem>>[vector<16xi32>], vector<16xf32>,
      %mul3A_71 = arith.constant 128 : i32
      %mul3A_72 = arith.muli %scan3A_47, %mul3A_71 : i32
      %add3A_73 = arith.constant 64 : i32
      %add3A_74 = arith.addi %mul3A_72, %add3A_73 : i32
      %get3A_75 = arith.index_cast %add3A_74 : i32 to index
      %get3A_76 = tpu.vector_load %arg4[%get3A_75] {strides = array<i32>} : memref<10112xi32, #tpu.memory_space<vmem>>, vector<16xi32>,
      tpu.vector_store_idx %arg5[%get3A_76], %broadcast_in_dim3A_12 {add = true} : memref<10112xf32, #tpu.memory_space<vmem>>[vector<16xi32>], vector<16xf32>,
      %mul3A_77 = arith.constant 128 : i32
      %mul3A_78 = arith.muli %scan3A_47, %mul3A_77 : i32
      %add3A_79 = arith.constant 80 : i32
      %add3A_80 = arith.addi %mul3A_78, %add3A_79 : i32
      %get3A_81 = arith.index_cast %add3A_80 : i32 to index
      %get3A_82 = tpu.vector_load %arg4[%get3A_81] {strides = array<i32>} : memref<10112xi32, #tpu.memory_space<vmem>>, vector<16xi32>,
      tpu.vector_store_idx %arg5[%get3A_82], %broadcast_in_dim3A_12 {add = true} : memref<10112xf32, #tpu.memory_space<vmem>>[vector<16xi32>], vector<16xf32>,
      %mul3A_83 = arith.constant 128 : i32
      %mul3A_84 = arith.muli %scan3A_47, %mul3A_83 : i32
      %add3A_85 = arith.constant 96 : i32
      %add3A_86 = arith.addi %mul3A_84, %add3A_85 : i32
      %get3A_87 = arith.index_cast %add3A_86 : i32 to index
      %get3A_88 = tpu.vector_load %arg4[%get3A_87] {strides = array<i32>} : memref<10112xi32, #tpu.memory_space<vmem>>, vector<16xi32>,
      tpu.vector_store_idx %arg5[%get3A_88], %broadcast_in_dim3A_12 {add = true} : memref<10112xf32, #tpu.memory_space<vmem>>[vector<16xi32>], vector<16xf32>,
      %mul3A_89 = arith.constant 128 : i32
      %mul3A_90 = arith.muli %scan3A_47, %mul3A_89 : i32
      %add3A_91 = arith.constant 112 : i32
      %add3A_92 = arith.addi %mul3A_90, %add3A_91 : i32
      %get3A_93 = arith.index_cast %add3A_92 : i32 to index
      %get3A_94 = tpu.vector_load %arg4[%get3A_93] {strides = array<i32>} : memref<10112xi32, #tpu.memory_space<vmem>>, vector<16xi32>,
      tpu.vector_store_idx %arg5[%get3A_94], %broadcast_in_dim3A_12 {add = true} : memref<10112xf32, #tpu.memory_space<vmem>>[vector<16xi32>], vector<16xf32>,
    }
    %scan3A_18 = arith.constant 79 : i32
    "tpu.region"() ({
      %run_scoped3A = tpu.sem_alloc : memref<!tpu.dma_semaphore, #tpu.memory_space<semaphore_mem>>
      %dma_start3A = arith.constant 0 : i32
      %dma_start3A_47 = tpu.memref_slice %arg6[%arg1, %dma_start3A] : memref<16x10112xf32, #tpu.memory_space<vmem_shared>> -> memref<1x10112xf32, #tpu.memory_space<vmem_shared>>
      %dma_start3A_48 = tpu.memref_squeeze %dma_start3A_47 : memref<1x10112xf32, #tpu.memory_space<vmem_shared>> -> memref<10112xf32, #tpu.memory_space<vmem_shared>>
      %dma_start3A_49 = arith.constant 0 : i32
      %dma_start3A_50 = tpu.memref_slice %arg6[%arg1, %dma_start3A_49] : memref<16x10112xf32, #tpu.memory_space<vmem_shared>> -> memref<1x10112xf32, #tpu.memory_space<vmem_shared>>
      %dma_start3A_51 = tpu.memref_squeeze %dma_start3A_50 : memref<1x10112xf32, #tpu.memory_space<vmem_shared>> -> memref<10112xf32, #tpu.memory_space<vmem_shared>>
      tpu.enqueue_dma source(%arg5 : memref<10112xf32, #tpu.memory_space<vmem>>) target(%dma_start3A_51 : memref<10112xf32, #tpu.memory_space<vmem_shared>>) target_semaphore(%run_scoped3A : memref<!tpu.dma_semaphore, #tpu.memory_space<semaphore_mem>>)
      %dma_wait3A = arith.constant 0 : i32
      %dma_wait3A_52 = tpu.memref_slice %arg6[%arg1, %dma_wait3A] : memref<16x10112xf32, #tpu.memory_space<vmem_shared>> -> memref<1x10112xf32, #tpu.memory_space<vmem_shared>>
      %dma_wait3A_53 = tpu.memref_squeeze %dma_wait3A_52 : memref<1x10112xf32, #tpu.memory_space<vmem_shared>> -> memref<10112xf32, #tpu.memory_space<vmem_shared>>
      %dma_wait3A_54 = arith.constant 0 : i32
      %dma_wait3A_55 = tpu.memref_slice %arg6[%arg1, %dma_wait3A_54] : memref<16x10112xf32, #tpu.memory_space<vmem_shared>> -> memref<1x10112xf32, #tpu.memory_space<vmem_shared>>
      %dma_wait3A_56 = tpu.memref_squeeze %dma_wait3A_55 : memref<1x10112xf32, #tpu.memory_space<vmem_shared>> -> memref<10112xf32, #tpu.memory_space<vmem_shared>>
      tpu.wait_dma2 semaphore(%run_scoped3A : memref<!tpu.dma_semaphore, #tpu.memory_space<semaphore_mem>>) src(%arg5 : memref<10112xf32, #tpu.memory_space<vmem>>) dst(%dma_wait3A_56 : memref<10112xf32, #tpu.memory_space<vmem_shared>>)
      tpu.yield
    }) : () -> ()
    %barrier3A = arith.constant 0 : index
    tpu.barrier barrier_id(%barrier3A)
    %eq3A = arith.constant 15 : i32
    %eq3A_19 = arith.cmpi eq, %arg1, %eq3A : i32
    %convert_element_type3A = arith.extui %eq3A_19 : i1 to i32
    %cond3A = arith.constant 0 : i32
    %cond3A_20 = arith.cmpi ne, %convert_element_type3A, %cond3A : i32
    scf.if %cond3A_20 {
      "tpu.region"() ({
        %run_scoped3A = tpu.sem_alloc : memref<!tpu.dma_semaphore, #tpu.memory_space<semaphore_mem>>
        %dma_start3A = arith.constant 0 : i32
        %dma_start3A_47 = arith.constant 0 : i32
        %dma_start3A_48 = tpu.memref_slice %arg7[%dma_start3A, %dma_start3A_47] : memref<16x640xf32, #tpu.memory_space<vmem>> -> memref<16x512xf32, #tpu.memory_space<vmem>>
        %dma_start3A_49 = arith.constant 0 : i32
        %dma_start3A_50 = arith.constant 9600 : i32
        %dma_start3A_51 = tpu.memref_slice %arg6[%dma_start3A_49, %dma_start3A_50] : memref<16x10112xf32, #tpu.memory_space<vmem_shared>> -> memref<16x512xf32, #tpu.memory_space<vmem_shared>>
        %dma_start3A_52 = arith.constant 0 : i32
        %dma_start3A_53 = arith.constant 0 : i32
        %dma_start3A_54 = tpu.memref_slice %arg7[%dma_start3A_52, %dma_start3A_53] : memref<16x640xf32, #tpu.memory_space<vmem>> -> memref<16x512xf32, #tpu.memory_space<vmem>>
        %dma_start3A_55 = arith.constant 0 : i32
        %dma_start3A_56 = arith.constant 9600 : i32
        %dma_start3A_57 = tpu.memref_slice %arg6[%dma_start3A_55, %dma_start3A_56] : memref<16x10112xf32, #tpu.memory_space<vmem_shared>> -> memref<16x512xf32, #tpu.memory_space<vmem_shared>>
        tpu.enqueue_dma source(%dma_start3A_57 : memref<16x512xf32, #tpu.memory_space<vmem_shared>>) target(%dma_start3A_54 : memref<16x512xf32, #tpu.memory_space<vmem>>) target_semaphore(%run_scoped3A : memref<!tpu.dma_semaphore, #tpu.memory_space<semaphore_mem>>)
        %dma_wait3A = arith.constant 0 : i32
        %dma_wait3A_58 = arith.constant 0 : i32
        %dma_wait3A_59 = tpu.memref_slice %arg7[%dma_wait3A, %dma_wait3A_58] : memref<16x640xf32, #tpu.memory_space<vmem>> -> memref<16x512xf32, #tpu.memory_space<vmem>>
        %dma_wait3A_60 = arith.constant 0 : i32
        %dma_wait3A_61 = arith.constant 9600 : i32
        %dma_wait3A_62 = tpu.memref_slice %arg6[%dma_wait3A_60, %dma_wait3A_61] : memref<16x10112xf32, #tpu.memory_space<vmem_shared>> -> memref<16x512xf32, #tpu.memory_space<vmem_shared>>
        %dma_wait3A_63 = arith.constant 0 : i32
        %dma_wait3A_64 = arith.constant 0 : i32
        %dma_wait3A_65 = tpu.memref_slice %arg7[%dma_wait3A_63, %dma_wait3A_64] : memref<16x640xf32, #tpu.memory_space<vmem>> -> memref<16x512xf32, #tpu.memory_space<vmem>>
        %dma_wait3A_66 = arith.constant 0 : i32
        %dma_wait3A_67 = arith.constant 9600 : i32
        %dma_wait3A_68 = tpu.memref_slice %arg6[%dma_wait3A_66, %dma_wait3A_67] : memref<16x10112xf32, #tpu.memory_space<vmem_shared>> -> memref<16x512xf32, #tpu.memory_space<vmem_shared>>
        tpu.wait_dma2 semaphore(%run_scoped3A : memref<!tpu.dma_semaphore, #tpu.memory_space<semaphore_mem>>) src(%dma_wait3A_68 : memref<16x512xf32, #tpu.memory_space<vmem_shared>>) dst(%dma_wait3A_65 : memref<16x512xf32, #tpu.memory_space<vmem>>)
        tpu.yield
      }) : () -> ()
    } else {
    }
    %lt3A = arith.constant 15 : i32
    %lt3A_21 = arith.cmpi slt, %arg1, %lt3A : i32
    %convert_element_type3A_22 = arith.extui %lt3A_21 : i1 to i32
    %cond3A_23 = arith.constant 0 : i32
    %cond3A_24 = arith.cmpi ne, %convert_element_type3A_22, %cond3A_23 : i32
    scf.if %cond3A_24 {
      %mul3A_47 = arith.constant 640 : i32
      %mul3A_48 = arith.muli %arg1, %mul3A_47 : i32
      "tpu.region"() ({
        %run_scoped3A = tpu.sem_alloc : memref<!tpu.dma_semaphore, #tpu.memory_space<semaphore_mem>>
        %dma_start3A = arith.constant 0 : i32
        %dma_start3A_49 = tpu.memref_slice %arg6[%dma_start3A, %mul3A_48] : memref<16x10112xf32, #tpu.memory_space<vmem_shared>> -> memref<16x640xf32, #tpu.memory_space<vmem_shared>>
        %dma_start3A_50 = arith.constant 0 : i32
        %dma_start3A_51 = tpu.memref_slice %arg6[%dma_start3A_50, %mul3A_48] : memref<16x10112xf32, #tpu.memory_space<vmem_shared>> -> memref<16x640xf32, #tpu.memory_space<vmem_shared>>
        tpu.enqueue_dma source(%dma_start3A_51 : memref<16x640xf32, #tpu.memory_space<vmem_shared>>) target(%arg7 : memref<16x640xf32, #tpu.memory_space<vmem>>) target_semaphore(%run_scoped3A : memref<!tpu.dma_semaphore, #tpu.memory_space<semaphore_mem>>)
        %dma_wait3A = arith.constant 0 : i32
        %dma_wait3A_52 = tpu.memref_slice %arg6[%dma_wait3A, %mul3A_48] : memref<16x10112xf32, #tpu.memory_space<vmem_shared>> -> memref<16x640xf32, #tpu.memory_space<vmem_shared>>
        %dma_wait3A_53 = arith.constant 0 : i32
        %dma_wait3A_54 = tpu.memref_slice %arg6[%dma_wait3A_53, %mul3A_48] : memref<16x10112xf32, #tpu.memory_space<vmem_shared>> -> memref<16x640xf32, #tpu.memory_space<vmem_shared>>
        tpu.wait_dma2 semaphore(%run_scoped3A : memref<!tpu.dma_semaphore, #tpu.memory_space<semaphore_mem>>) src(%dma_wait3A_54 : memref<16x640xf32, #tpu.memory_space<vmem_shared>>) dst(%arg7 : memref<16x640xf32, #tpu.memory_space<vmem>>)
        tpu.yield
      }) : () -> ()
    } else {
    }
    %lt3A_25 = arith.constant 15 : i32
    %lt3A_26 = arith.cmpi slt, %arg1, %lt3A_25 : i32
    %jit3A = arith.constant 40 : i32
    %jit3A_27 = arith.constant 32 : i32
    %select_n3A = arith.select %lt3A_26, %jit3A, %jit3A_27 : i32
    %while3A = arith.constant 0 : i32
    %while3A_28 = arith.constant 0 : i32
    %while3A_29 = arith.subi %select_n3A, %while3A_28 : i32
    %while3A_30 = arith.addi %while3A_28, %while3A_29 : i32
    %while3A_31 = arith.constant 1 : i32
    %while3A_32 = arith.divsi %while3A_29, %while3A_31 : i32
    %while3A_33 = arith.muli %while3A_32, %while3A_31 : i32
    %while3A_34 = arith.addi %while3A_28, %while3A_33 : i32
    %while3A_35 = arith.constant 1 : i32
    scf.for %while3A_47 = %while3A_28 to %while3A_34 step %while3A_35  : i32 {
      %mul3A_48 = arith.constant 16 : i32
      %mul3A_49 = arith.muli %while3A_47, %mul3A_48 : i32
      %get3A = arith.constant 0 : i32
      %get3A_50 = arith.index_cast %get3A : i32 to index
      %get3A_51 = arith.index_cast %mul3A_49 : i32 to index
      %get3A_52 = tpu.vector_load %arg7[%get3A_50, %get3A_51] {strides = array<i32>} : memref<16x640xf32, #tpu.memory_space<vmem>>, vector<16xf32>,
      %mul3A_53 = arith.constant 16 : i32
      %mul3A_54 = arith.muli %while3A_47, %mul3A_53 : i32
      %get3A_55 = arith.constant 1 : i32
      %get3A_56 = arith.index_cast %get3A_55 : i32 to index
      %get3A_57 = arith.index_cast %mul3A_54 : i32 to index
      %get3A_58 = tpu.vector_load %arg7[%get3A_56, %get3A_57] {strides = array<i32>} : memref<16x640xf32, #tpu.memory_space<vmem>>, vector<16xf32>,
      %add3A_59 = arith.addf %get3A_52, %get3A_58 : vector<16xf32>
      %mul3A_60 = arith.constant 16 : i32
      %mul3A_61 = arith.muli %while3A_47, %mul3A_60 : i32
      %get3A_62 = arith.constant 2 : i32
      %get3A_63 = arith.index_cast %get3A_62 : i32 to index
      %get3A_64 = arith.index_cast %mul3A_61 : i32 to index
      %get3A_65 = tpu.vector_load %arg7[%get3A_63, %get3A_64] {strides = array<i32>} : memref<16x640xf32, #tpu.memory_space<vmem>>, vector<16xf32>,
      %add3A_66 = arith.addf %add3A_59, %get3A_65 : vector<16xf32>
      %mul3A_67 = arith.constant 16 : i32
      %mul3A_68 = arith.muli %while3A_47, %mul3A_67 : i32
      %get3A_69 = arith.constant 3 : i32
      %get3A_70 = arith.index_cast %get3A_69 : i32 to index
      %get3A_71 = arith.index_cast %mul3A_68 : i32 to index
      %get3A_72 = tpu.vector_load %arg7[%get3A_70, %get3A_71] {strides = array<i32>} : memref<16x640xf32, #tpu.memory_space<vmem>>, vector<16xf32>,
      %add3A_73 = arith.addf %add3A_66, %get3A_72 : vector<16xf32>
      %mul3A_74 = arith.constant 16 : i32
      %mul3A_75 = arith.muli %while3A_47, %mul3A_74 : i32
      %get3A_76 = arith.constant 4 : i32
      %get3A_77 = arith.index_cast %get3A_76 : i32 to index
      %get3A_78 = arith.index_cast %mul3A_75 : i32 to index
      %get3A_79 = tpu.vector_load %arg7[%get3A_77, %get3A_78] {strides = array<i32>} : memref<16x640xf32, #tpu.memory_space<vmem>>, vector<16xf32>,
      %add3A_80 = arith.addf %add3A_73, %get3A_79 : vector<16xf32>
      %mul3A_81 = arith.constant 16 : i32
      %mul3A_82 = arith.muli %while3A_47, %mul3A_81 : i32
      %get3A_83 = arith.constant 5 : i32
      %get3A_84 = arith.index_cast %get3A_83 : i32 to index
      %get3A_85 = arith.index_cast %mul3A_82 : i32 to index
      %get3A_86 = tpu.vector_load %arg7[%get3A_84, %get3A_85] {strides = array<i32>} : memref<16x640xf32, #tpu.memory_space<vmem>>, vector<16xf32>,
      %add3A_87 = arith.addf %add3A_80, %get3A_86 : vector<16xf32>
      %mul3A_88 = arith.constant 16 : i32
      %mul3A_89 = arith.muli %while3A_47, %mul3A_88 : i32
      %get3A_90 = arith.constant 6 : i32
      %get3A_91 = arith.index_cast %get3A_90 : i32 to index
      %get3A_92 = arith.index_cast %mul3A_89 : i32 to index
      %get3A_93 = tpu.vector_load %arg7[%get3A_91, %get3A_92] {strides = array<i32>} : memref<16x640xf32, #tpu.memory_space<vmem>>, vector<16xf32>,
      %add3A_94 = arith.addf %add3A_87, %get3A_93 : vector<16xf32>
      %mul3A_95 = arith.constant 16 : i32
      %mul3A_96 = arith.muli %while3A_47, %mul3A_95 : i32
      %get3A_97 = arith.constant 7 : i32
      %get3A_98 = arith.index_cast %get3A_97 : i32 to index
      %get3A_99 = arith.index_cast %mul3A_96 : i32 to index
      %get3A_100 = tpu.vector_load %arg7[%get3A_98, %get3A_99] {strides = array<i32>} : memref<16x640xf32, #tpu.memory_space<vmem>>, vector<16xf32>,
      %add3A_101 = arith.addf %add3A_94, %get3A_100 : vector<16xf32>
      %mul3A_102 = arith.constant 16 : i32
      %mul3A_103 = arith.muli %while3A_47, %mul3A_102 : i32
      %get3A_104 = arith.constant 8 : i32
      %get3A_105 = arith.index_cast %get3A_104 : i32 to index
      %get3A_106 = arith.index_cast %mul3A_103 : i32 to index
      %get3A_107 = tpu.vector_load %arg7[%get3A_105, %get3A_106] {strides = array<i32>} : memref<16x640xf32, #tpu.memory_space<vmem>>, vector<16xf32>,
      %add3A_108 = arith.addf %add3A_101, %get3A_107 : vector<16xf32>
      %mul3A_109 = arith.constant 16 : i32
      %mul3A_110 = arith.muli %while3A_47, %mul3A_109 : i32
      %get3A_111 = arith.constant 9 : i32
      %get3A_112 = arith.index_cast %get3A_111 : i32 to index
      %get3A_113 = arith.index_cast %mul3A_110 : i32 to index
      %get3A_114 = tpu.vector_load %arg7[%get3A_112, %get3A_113] {strides = array<i32>} : memref<16x640xf32, #tpu.memory_space<vmem>>, vector<16xf32>,
      %add3A_115 = arith.addf %add3A_108, %get3A_114 : vector<16xf32>
      %mul3A_116 = arith.constant 16 : i32
      %mul3A_117 = arith.muli %while3A_47, %mul3A_116 : i32
      %get3A_118 = arith.constant 10 : i32
      %get3A_119 = arith.index_cast %get3A_118 : i32 to index
      %get3A_120 = arith.index_cast %mul3A_117 : i32 to index
      %get3A_121 = tpu.vector_load %arg7[%get3A_119, %get3A_120] {strides = array<i32>} : memref<16x640xf32, #tpu.memory_space<vmem>>, vector<16xf32>,
      %add3A_122 = arith.addf %add3A_115, %get3A_121 : vector<16xf32>
      %mul3A_123 = arith.constant 16 : i32
      %mul3A_124 = arith.muli %while3A_47, %mul3A_123 : i32
      %get3A_125 = arith.constant 11 : i32
      %get3A_126 = arith.index_cast %get3A_125 : i32 to index
      %get3A_127 = arith.index_cast %mul3A_124 : i32 to index
      %get3A_128 = tpu.vector_load %arg7[%get3A_126, %get3A_127] {strides = array<i32>} : memref<16x640xf32, #tpu.memory_space<vmem>>, vector<16xf32>,
      %add3A_129 = arith.addf %add3A_122, %get3A_128 : vector<16xf32>
      %mul3A_130 = arith.constant 16 : i32
      %mul3A_131 = arith.muli %while3A_47, %mul3A_130 : i32
      %get3A_132 = arith.constant 12 : i32
      %get3A_133 = arith.index_cast %get3A_132 : i32 to index
      %get3A_134 = arith.index_cast %mul3A_131 : i32 to index
      %get3A_135 = tpu.vector_load %arg7[%get3A_133, %get3A_134] {strides = array<i32>} : memref<16x640xf32, #tpu.memory_space<vmem>>, vector<16xf32>,
      %add3A_136 = arith.addf %add3A_129, %get3A_135 : vector<16xf32>
      %mul3A_137 = arith.constant 16 : i32
      %mul3A_138 = arith.muli %while3A_47, %mul3A_137 : i32
      %get3A_139 = arith.constant 13 : i32
      %get3A_140 = arith.index_cast %get3A_139 : i32 to index
      %get3A_141 = arith.index_cast %mul3A_138 : i32 to index
      %get3A_142 = tpu.vector_load %arg7[%get3A_140, %get3A_141] {strides = array<i32>} : memref<16x640xf32, #tpu.memory_space<vmem>>, vector<16xf32>,
      %add3A_143 = arith.addf %add3A_136, %get3A_142 : vector<16xf32>
      %mul3A_144 = arith.constant 16 : i32
      %mul3A_145 = arith.muli %while3A_47, %mul3A_144 : i32
      %get3A_146 = arith.constant 14 : i32
      %get3A_147 = arith.index_cast %get3A_146 : i32 to index
      %get3A_148 = arith.index_cast %mul3A_145 : i32 to index
      %get3A_149 = tpu.vector_load %arg7[%get3A_147, %get3A_148] {strides = array<i32>} : memref<16x640xf32, #tpu.memory_space<vmem>>, vector<16xf32>,
      %add3A_150 = arith.addf %add3A_143, %get3A_149 : vector<16xf32>
      %mul3A_151 = arith.constant 16 : i32
      %mul3A_152 = arith.muli %while3A_47, %mul3A_151 : i32
      %get3A_153 = arith.constant 15 : i32
      %get3A_154 = arith.index_cast %get3A_153 : i32 to index
      %get3A_155 = arith.index_cast %mul3A_152 : i32 to index
      %get3A_156 = tpu.vector_load %arg7[%get3A_154, %get3A_155] {strides = array<i32>} : memref<16x640xf32, #tpu.memory_space<vmem>>, vector<16xf32>,
      %add3A_157 = arith.addf %add3A_150, %get3A_156 : vector<16xf32>
      %mul3A_158 = arith.constant 16 : i32
      %mul3A_159 = arith.muli %while3A_47, %mul3A_158 : i32
      %swap3A = arith.index_cast %mul3A_159 : i32 to index
      %swap3A_160 = tpu.vector_load %arg8[%swap3A] {strides = array<i32>} : memref<640xf32, #tpu.memory_space<vmem>>, vector<16xf32>,
      tpu.vector_store %arg8[%swap3A], %add3A_157 {strides = array<i32>} : memref<640xf32, #tpu.memory_space<vmem>>, vector<16xf32>,
    }
    %while3A_36 = arith.constant 1 : i32
    scf.for %while3A_47 = %while3A_34 to %while3A_30 step %while3A_36  : i32 {
      %mul3A_48 = arith.constant 16 : i32
      %mul3A_49 = arith.muli %while3A_47, %mul3A_48 : i32
      %get3A = arith.constant 0 : i32
      %get3A_50 = arith.index_cast %get3A : i32 to index
      %get3A_51 = arith.index_cast %mul3A_49 : i32 to index
      %get3A_52 = tpu.vector_load %arg7[%get3A_50, %get3A_51] {strides = array<i32>} : memref<16x640xf32, #tpu.memory_space<vmem>>, vector<16xf32>,
      %mul3A_53 = arith.constant 16 : i32
      %mul3A_54 = arith.muli %while3A_47, %mul3A_53 : i32
      %get3A_55 = arith.constant 1 : i32
      %get3A_56 = arith.index_cast %get3A_55 : i32 to index
      %get3A_57 = arith.index_cast %mul3A_54 : i32 to index
      %get3A_58 = tpu.vector_load %arg7[%get3A_56, %get3A_57] {strides = array<i32>} : memref<16x640xf32, #tpu.memory_space<vmem>>, vector<16xf32>,
      %add3A_59 = arith.addf %get3A_52, %get3A_58 : vector<16xf32>
      %mul3A_60 = arith.constant 16 : i32
      %mul3A_61 = arith.muli %while3A_47, %mul3A_60 : i32
      %get3A_62 = arith.constant 2 : i32
      %get3A_63 = arith.index_cast %get3A_62 : i32 to index
      %get3A_64 = arith.index_cast %mul3A_61 : i32 to index
      %get3A_65 = tpu.vector_load %arg7[%get3A_63, %get3A_64] {strides = array<i32>} : memref<16x640xf32, #tpu.memory_space<vmem>>, vector<16xf32>,
      %add3A_66 = arith.addf %add3A_59, %get3A_65 : vector<16xf32>
      %mul3A_67 = arith.constant 16 : i32
      %mul3A_68 = arith.muli %while3A_47, %mul3A_67 : i32
      %get3A_69 = arith.constant 3 : i32
      %get3A_70 = arith.index_cast %get3A_69 : i32 to index
      %get3A_71 = arith.index_cast %mul3A_68 : i32 to index
      %get3A_72 = tpu.vector_load %arg7[%get3A_70, %get3A_71] {strides = array<i32>} : memref<16x640xf32, #tpu.memory_space<vmem>>, vector<16xf32>,
      %add3A_73 = arith.addf %add3A_66, %get3A_72 : vector<16xf32>
      %mul3A_74 = arith.constant 16 : i32
      %mul3A_75 = arith.muli %while3A_47, %mul3A_74 : i32
      %get3A_76 = arith.constant 4 : i32
      %get3A_77 = arith.index_cast %get3A_76 : i32 to index
      %get3A_78 = arith.index_cast %mul3A_75 : i32 to index
      %get3A_79 = tpu.vector_load %arg7[%get3A_77, %get3A_78] {strides = array<i32>} : memref<16x640xf32, #tpu.memory_space<vmem>>, vector<16xf32>,
      %add3A_80 = arith.addf %add3A_73, %get3A_79 : vector<16xf32>
      %mul3A_81 = arith.constant 16 : i32
      %mul3A_82 = arith.muli %while3A_47, %mul3A_81 : i32
      %get3A_83 = arith.constant 5 : i32
      %get3A_84 = arith.index_cast %get3A_83 : i32 to index
      %get3A_85 = arith.index_cast %mul3A_82 : i32 to index
      %get3A_86 = tpu.vector_load %arg7[%get3A_84, %get3A_85] {strides = array<i32>} : memref<16x640xf32, #tpu.memory_space<vmem>>, vector<16xf32>,
      %add3A_87 = arith.addf %add3A_80, %get3A_86 : vector<16xf32>
      %mul3A_88 = arith.constant 16 : i32
      %mul3A_89 = arith.muli %while3A_47, %mul3A_88 : i32
      %get3A_90 = arith.constant 6 : i32
      %get3A_91 = arith.index_cast %get3A_90 : i32 to index
      %get3A_92 = arith.index_cast %mul3A_89 : i32 to index
      %get3A_93 = tpu.vector_load %arg7[%get3A_91, %get3A_92] {strides = array<i32>} : memref<16x640xf32, #tpu.memory_space<vmem>>, vector<16xf32>,
      %add3A_94 = arith.addf %add3A_87, %get3A_93 : vector<16xf32>
      %mul3A_95 = arith.constant 16 : i32
      %mul3A_96 = arith.muli %while3A_47, %mul3A_95 : i32
      %get3A_97 = arith.constant 7 : i32
      %get3A_98 = arith.index_cast %get3A_97 : i32 to index
      %get3A_99 = arith.index_cast %mul3A_96 : i32 to index
      %get3A_100 = tpu.vector_load %arg7[%get3A_98, %get3A_99] {strides = array<i32>} : memref<16x640xf32, #tpu.memory_space<vmem>>, vector<16xf32>,
      %add3A_101 = arith.addf %add3A_94, %get3A_100 : vector<16xf32>
      %mul3A_102 = arith.constant 16 : i32
      %mul3A_103 = arith.muli %while3A_47, %mul3A_102 : i32
      %get3A_104 = arith.constant 8 : i32
      %get3A_105 = arith.index_cast %get3A_104 : i32 to index
      %get3A_106 = arith.index_cast %mul3A_103 : i32 to index
      %get3A_107 = tpu.vector_load %arg7[%get3A_105, %get3A_106] {strides = array<i32>} : memref<16x640xf32, #tpu.memory_space<vmem>>, vector<16xf32>,
      %add3A_108 = arith.addf %add3A_101, %get3A_107 : vector<16xf32>
      %mul3A_109 = arith.constant 16 : i32
      %mul3A_110 = arith.muli %while3A_47, %mul3A_109 : i32
      %get3A_111 = arith.constant 9 : i32
      %get3A_112 = arith.index_cast %get3A_111 : i32 to index
      %get3A_113 = arith.index_cast %mul3A_110 : i32 to index
      %get3A_114 = tpu.vector_load %arg7[%get3A_112, %get3A_113] {strides = array<i32>} : memref<16x640xf32, #tpu.memory_space<vmem>>, vector<16xf32>,
      %add3A_115 = arith.addf %add3A_108, %get3A_114 : vector<16xf32>
      %mul3A_116 = arith.constant 16 : i32
      %mul3A_117 = arith.muli %while3A_47, %mul3A_116 : i32
      %get3A_118 = arith.constant 10 : i32
      %get3A_119 = arith.index_cast %get3A_118 : i32 to index
      %get3A_120 = arith.index_cast %mul3A_117 : i32 to index
      %get3A_121 = tpu.vector_load %arg7[%get3A_119, %get3A_120] {strides = array<i32>} : memref<16x640xf32, #tpu.memory_space<vmem>>, vector<16xf32>,
      %add3A_122 = arith.addf %add3A_115, %get3A_121 : vector<16xf32>
      %mul3A_123 = arith.constant 16 : i32
      %mul3A_124 = arith.muli %while3A_47, %mul3A_123 : i32
      %get3A_125 = arith.constant 11 : i32
      %get3A_126 = arith.index_cast %get3A_125 : i32 to index
      %get3A_127 = arith.index_cast %mul3A_124 : i32 to index
      %get3A_128 = tpu.vector_load %arg7[%get3A_126, %get3A_127] {strides = array<i32>} : memref<16x640xf32, #tpu.memory_space<vmem>>, vector<16xf32>,
      %add3A_129 = arith.addf %add3A_122, %get3A_128 : vector<16xf32>
      %mul3A_130 = arith.constant 16 : i32
      %mul3A_131 = arith.muli %while3A_47, %mul3A_130 : i32
      %get3A_132 = arith.constant 12 : i32
      %get3A_133 = arith.index_cast %get3A_132 : i32 to index
      %get3A_134 = arith.index_cast %mul3A_131 : i32 to index
      %get3A_135 = tpu.vector_load %arg7[%get3A_133, %get3A_134] {strides = array<i32>} : memref<16x640xf32, #tpu.memory_space<vmem>>, vector<16xf32>,
      %add3A_136 = arith.addf %add3A_129, %get3A_135 : vector<16xf32>
      %mul3A_137 = arith.constant 16 : i32
      %mul3A_138 = arith.muli %while3A_47, %mul3A_137 : i32
      %get3A_139 = arith.constant 13 : i32
      %get3A_140 = arith.index_cast %get3A_139 : i32 to index
      %get3A_141 = arith.index_cast %mul3A_138 : i32 to index
      %get3A_142 = tpu.vector_load %arg7[%get3A_140, %get3A_141] {strides = array<i32>} : memref<16x640xf32, #tpu.memory_space<vmem>>, vector<16xf32>,
      %add3A_143 = arith.addf %add3A_136, %get3A_142 : vector<16xf32>
      %mul3A_144 = arith.constant 16 : i32
      %mul3A_145 = arith.muli %while3A_47, %mul3A_144 : i32
      %get3A_146 = arith.constant 14 : i32
      %get3A_147 = arith.index_cast %get3A_146 : i32 to index
      %get3A_148 = arith.index_cast %mul3A_145 : i32 to index
      %get3A_149 = tpu.vector_load %arg7[%get3A_147, %get3A_148] {strides = array<i32>} : memref<16x640xf32, #tpu.memory_space<vmem>>, vector<16xf32>,
      %add3A_150 = arith.addf %add3A_143, %get3A_149 : vector<16xf32>
      %mul3A_151 = arith.constant 16 : i32
      %mul3A_152 = arith.muli %while3A_47, %mul3A_151 : i32
      %get3A_153 = arith.constant 15 : i32
      %get3A_154 = arith.index_cast %get3A_153 : i32 to index
      %get3A_155 = arith.index_cast %mul3A_152 : i32 to index
      %get3A_156 = tpu.vector_load %arg7[%get3A_154, %get3A_155] {strides = array<i32>} : memref<16x640xf32, #tpu.memory_space<vmem>>, vector<16xf32>,
      %add3A_157 = arith.addf %add3A_150, %get3A_156 : vector<16xf32>
      %mul3A_158 = arith.constant 16 : i32
      %mul3A_159 = arith.muli %while3A_47, %mul3A_158 : i32
      %swap3A = arith.index_cast %mul3A_159 : i32 to index
      %swap3A_160 = tpu.vector_load %arg8[%swap3A] {strides = array<i32>} : memref<640xf32, #tpu.memory_space<vmem>>, vector<16xf32>,
      tpu.vector_store %arg8[%swap3A], %add3A_157 {strides = array<i32>} : memref<640xf32, #tpu.memory_space<vmem>>, vector<16xf32>,
    }
    %lt3A_37 = arith.constant 15 : i32
    %lt3A_38 = arith.cmpi slt, %arg1, %lt3A_37 : i32
    %convert_element_type3A_39 = arith.extui %lt3A_38 : i1 to i32
    %cond3A_40 = arith.constant 0 : i32
    %cond3A_41 = arith.cmpi ne, %convert_element_type3A_39, %cond3A_40 : i32
    scf.if %cond3A_41 {
      %mul3A_47 = arith.constant 640 : i32
      %mul3A_48 = arith.muli %arg1, %mul3A_47 : i32
      "tpu.region"() ({
        %run_scoped3A = tpu.sem_alloc : memref<!tpu.dma_semaphore, #tpu.memory_space<semaphore_mem>>
        %dma_start3A = tpu.memref_slice %arg3[%arg0, %mul3A_48] : memref<2x10112xf32, #tpu.memory_space<hbm>> -> memref<1x640xf32, #tpu.memory_space<hbm>>
        %dma_start3A_49 = tpu.memref_squeeze %dma_start3A : memref<1x640xf32, #tpu.memory_space<hbm>> -> memref<640xf32, #tpu.memory_space<hbm>>
        %dma_start3A_50 = tpu.memref_slice %arg3[%arg0, %mul3A_48] : memref<2x10112xf32, #tpu.memory_space<hbm>> -> memref<1x640xf32, #tpu.memory_space<hbm>>
        %dma_start3A_51 = tpu.memref_squeeze %dma_start3A_50 : memref<1x640xf32, #tpu.memory_space<hbm>> -> memref<640xf32, #tpu.memory_space<hbm>>
        tpu.enqueue_dma source(%arg8 : memref<640xf32, #tpu.memory_space<vmem>>) target(%dma_start3A_51 : memref<640xf32, #tpu.memory_space<hbm>>) target_semaphore(%run_scoped3A : memref<!tpu.dma_semaphore, #tpu.memory_space<semaphore_mem>>)
        %dma_wait3A = tpu.memref_slice %arg3[%arg0, %mul3A_48] : memref<2x10112xf32, #tpu.memory_space<hbm>> -> memref<1x640xf32, #tpu.memory_space<hbm>>
        %dma_wait3A_52 = tpu.memref_squeeze %dma_wait3A : memref<1x640xf32, #tpu.memory_space<hbm>> -> memref<640xf32, #tpu.memory_space<hbm>>
        %dma_wait3A_53 = tpu.memref_slice %arg3[%arg0, %mul3A_48] : memref<2x10112xf32, #tpu.memory_space<hbm>> -> memref<1x640xf32, #tpu.memory_space<hbm>>
        %dma_wait3A_54 = tpu.memref_squeeze %dma_wait3A_53 : memref<1x640xf32, #tpu.memory_space<hbm>> -> memref<640xf32, #tpu.memory_space<hbm>>
        tpu.wait_dma2 semaphore(%run_scoped3A : memref<!tpu.dma_semaphore, #tpu.memory_space<semaphore_mem>>) src(%arg8 : memref<640xf32, #tpu.memory_space<vmem>>) dst(%dma_wait3A_54 : memref<640xf32, #tpu.memory_space<hbm>>)
        tpu.yield
      }) : () -> ()
    } else {
    }
    %eq3A_42 = arith.constant 15 : i32
    %eq3A_43 = arith.cmpi eq, %arg1, %eq3A_42 : i32
    %convert_element_type3A_44 = arith.extui %eq3A_43 : i1 to i32
    %cond3A_45 = arith.constant 0 : i32
    %cond3A_46 = arith.cmpi ne, %convert_element_type3A_44, %cond3A_45 : i32
    scf.if %cond3A_46 {
      "tpu.region"() ({
        %run_scoped3A = tpu.sem_alloc : memref<!tpu.dma_semaphore, #tpu.memory_space<semaphore_mem>>
        %dma_start3A = arith.constant 0 : i32
        %dma_start3A_47 = tpu.memref_slice %arg8[%dma_start3A] : memref<640xf32, #tpu.memory_space<vmem>> -> memref<512xf32, #tpu.memory_space<vmem>>
        %dma_start3A_48 = arith.constant 9600 : i32
        %dma_start3A_49 = tpu.memref_slice %arg3[%arg0, %dma_start3A_48] : memref<2x10112xf32, #tpu.memory_space<hbm>> -> memref<1x512xf32, #tpu.memory_space<hbm>>
        %dma_start3A_50 = tpu.memref_squeeze %dma_start3A_49 : memref<1x512xf32, #tpu.memory_space<hbm>> -> memref<512xf32, #tpu.memory_space<hbm>>
        %dma_start3A_51 = arith.constant 9600 : i32
        %dma_start3A_52 = tpu.memref_slice %arg3[%arg0, %dma_start3A_51] : memref<2x10112xf32, #tpu.memory_space<hbm>> -> memref<1x512xf32, #tpu.memory_space<hbm>>
        %dma_start3A_53 = tpu.memref_squeeze %dma_start3A_52 : memref<1x512xf32, #tpu.memory_space<hbm>> -> memref<512xf32, #tpu.memory_space<hbm>>
        %dma_start3A_54 = arith.constant 0 : i32
        %dma_start3A_55 = tpu.memref_slice %arg8[%dma_start3A_54] : memref<640xf32, #tpu.memory_space<vmem>> -> memref<512xf32, #tpu.memory_space<vmem>>
        tpu.enqueue_dma source(%dma_start3A_55 : memref<512xf32, #tpu.memory_space<vmem>>) target(%dma_start3A_53 : memref<512xf32, #tpu.memory_space<hbm>>) target_semaphore(%run_scoped3A : memref<!tpu.dma_semaphore, #tpu.memory_space<semaphore_mem>>)
        %dma_wait3A = arith.constant 0 : i32
        %dma_wait3A_56 = tpu.memref_slice %arg8[%dma_wait3A] : memref<640xf32, #tpu.memory_space<vmem>> -> memref<512xf32, #tpu.memory_space<vmem>>
        %dma_wait3A_57 = arith.constant 9600 : i32
        %dma_wait3A_58 = tpu.memref_slice %arg3[%arg0, %dma_wait3A_57] : memref<2x10112xf32, #tpu.memory_space<hbm>> -> memref<1x512xf32, #tpu.memory_space<hbm>>
        %dma_wait3A_59 = tpu.memref_squeeze %dma_wait3A_58 : memref<1x512xf32, #tpu.memory_space<hbm>> -> memref<512xf32, #tpu.memory_space<hbm>>
        %dma_wait3A_60 = arith.constant 9600 : i32
        %dma_wait3A_61 = tpu.memref_slice %arg3[%arg0, %dma_wait3A_60] : memref<2x10112xf32, #tpu.memory_space<hbm>> -> memref<1x512xf32, #tpu.memory_space<hbm>>
        %dma_wait3A_62 = tpu.memref_squeeze %dma_wait3A_61 : memref<1x512xf32, #tpu.memory_space<hbm>> -> memref<512xf32, #tpu.memory_space<hbm>>
        %dma_wait3A_63 = arith.constant 0 : i32
        %dma_wait3A_64 = tpu.memref_slice %arg8[%dma_wait3A_63] : memref<640xf32, #tpu.memory_space<vmem>> -> memref<512xf32, #tpu.memory_space<vmem>>
        tpu.wait_dma2 semaphore(%run_scoped3A : memref<!tpu.dma_semaphore, #tpu.memory_space<semaphore_mem>>) src(%dma_wait3A_64 : memref<512xf32, #tpu.memory_space<vmem>>) dst(%dma_wait3A_62 : memref<512xf32, #tpu.memory_space<hbm>>)
        tpu.yield
      }) : () -> ()
    } else {
    }
    return
  }
}

#map = affine_map<(d0, d1) -> (0, 0)>
#map1 = affine_map<(d0, d1) -> (0)>
#map2 = affine_map<(d0, d1) -> (0, 0, 0)>
module attributes {stable_mosaic.version = 14 : i64} {
  func.func @body(%arg0: i32, %arg1: i32, %arg2: memref<10000x128xf32, #tpu.memory_space<hbm>>, %arg3: memref<322560xi32, #tpu.memory_space<hbm>>, %arg4: memref<322560xi32, #tpu.memory_space<hbm>>, %arg5: memref<2x10016x128xf32, #tpu.memory_space<hbm>>, %arg6: memref<1440xi32, #tpu.memory_space<vmem>>, %arg7: memref<120x128xf32, #tpu.memory_space<vmem>>, %arg8: memref<120x128xf32, #tpu.memory_space<vmem>>, %arg9: memref<120x128xf32, #tpu.memory_space<vmem>>, %arg10: memref<10016x128xf32, #tpu.memory_space<vmem_shared>>, %arg11: memref<!tpu.dma_semaphore, #tpu.memory_space<semaphore_mem>>, %arg12: memref<!tpu.dma_semaphore, #tpu.memory_space<semaphore_mem>>, %arg13: memref<!tpu.dma_semaphore, #tpu.memory_space<semaphore_mem>>, %arg14: memref<!tpu.dma_semaphore, #tpu.memory_space<semaphore_mem>>) attributes {dimension_semantics = [#tpu.dimension_semantics<core_parallel>, #tpu.dimension_semantics<subcore_parallel>], iteration_bounds = array<i64: 2, 16>, scalar_prefetch = 0 : i64, scratch_operands = 9 : i64, tpu.core_type = #tpu.core_type<sc_vector_subcore>, window_params = [{transform_indices = #map}, {transform_indices = #map1}, {transform_indices = #map1}, {transform_indices = #map2}]} {
    %mul3A = arith.constant 16 : i32
    %mul3A_0 = arith.muli %arg0, %mul3A : i32
    %add3A = arith.addi %mul3A_0, %arg1 : i32
    %broadcast_in_dim3A = arith.constant 0.000000e+00 : f32
    %broadcast_in_dim3A_1 = vector.broadcast %broadcast_in_dim3A : f32 to vector<16xf32>
    %scan3A = arith.constant 0 : i32
    %scan3A_2 = arith.constant 0 : i32
    %scan3A_3 = arith.constant 120 : i32
    %scan3A_4 = arith.addi %scan3A_2, %scan3A_3 : i32
    %scan3A_5 = arith.constant 1 : i32
    scf.for %scan3A_45 = %scan3A_2 to %scan3A_4 step %scan3A_5  : i32 {
      %swap3A = arith.index_cast %scan3A_45 : i32 to index
      %swap3A_46 = arith.constant 0 : index
      %swap3A_47 = tpu.vector_load %arg7[%swap3A, %swap3A_46] {strides = array<i32>} : memref<120x128xf32, #tpu.memory_space<vmem>>, vector<16xf32>,
      tpu.vector_store %arg7[%swap3A, %swap3A_46], %broadcast_in_dim3A_1 {strides = array<i32>} : memref<120x128xf32, #tpu.memory_space<vmem>>, vector<16xf32>,
      %swap3A_48 = arith.index_cast %scan3A_45 : i32 to index
      %swap3A_49 = arith.constant 16 : index
      %swap3A_50 = tpu.vector_load %arg7[%swap3A_48, %swap3A_49] {strides = array<i32>} : memref<120x128xf32, #tpu.memory_space<vmem>>, vector<16xf32>,
      tpu.vector_store %arg7[%swap3A_48, %swap3A_49], %broadcast_in_dim3A_1 {strides = array<i32>} : memref<120x128xf32, #tpu.memory_space<vmem>>, vector<16xf32>,
      %swap3A_51 = arith.index_cast %scan3A_45 : i32 to index
      %swap3A_52 = arith.constant 32 : index
      %swap3A_53 = tpu.vector_load %arg7[%swap3A_51, %swap3A_52] {strides = array<i32>} : memref<120x128xf32, #tpu.memory_space<vmem>>, vector<16xf32>,
      tpu.vector_store %arg7[%swap3A_51, %swap3A_52], %broadcast_in_dim3A_1 {strides = array<i32>} : memref<120x128xf32, #tpu.memory_space<vmem>>, vector<16xf32>,
      %swap3A_54 = arith.index_cast %scan3A_45 : i32 to index
      %swap3A_55 = arith.constant 48 : index
      %swap3A_56 = tpu.vector_load %arg7[%swap3A_54, %swap3A_55] {strides = array<i32>} : memref<120x128xf32, #tpu.memory_space<vmem>>, vector<16xf32>,
      tpu.vector_store %arg7[%swap3A_54, %swap3A_55], %broadcast_in_dim3A_1 {strides = array<i32>} : memref<120x128xf32, #tpu.memory_space<vmem>>, vector<16xf32>,
      %swap3A_57 = arith.index_cast %scan3A_45 : i32 to index
      %swap3A_58 = arith.constant 64 : index
      %swap3A_59 = tpu.vector_load %arg7[%swap3A_57, %swap3A_58] {strides = array<i32>} : memref<120x128xf32, #tpu.memory_space<vmem>>, vector<16xf32>,
      tpu.vector_store %arg7[%swap3A_57, %swap3A_58], %broadcast_in_dim3A_1 {strides = array<i32>} : memref<120x128xf32, #tpu.memory_space<vmem>>, vector<16xf32>,
      %swap3A_60 = arith.index_cast %scan3A_45 : i32 to index
      %swap3A_61 = arith.constant 80 : index
      %swap3A_62 = tpu.vector_load %arg7[%swap3A_60, %swap3A_61] {strides = array<i32>} : memref<120x128xf32, #tpu.memory_space<vmem>>, vector<16xf32>,
      tpu.vector_store %arg7[%swap3A_60, %swap3A_61], %broadcast_in_dim3A_1 {strides = array<i32>} : memref<120x128xf32, #tpu.memory_space<vmem>>, vector<16xf32>,
      %swap3A_63 = arith.index_cast %scan3A_45 : i32 to index
      %swap3A_64 = arith.constant 96 : index
      %swap3A_65 = tpu.vector_load %arg7[%swap3A_63, %swap3A_64] {strides = array<i32>} : memref<120x128xf32, #tpu.memory_space<vmem>>, vector<16xf32>,
      tpu.vector_store %arg7[%swap3A_63, %swap3A_64], %broadcast_in_dim3A_1 {strides = array<i32>} : memref<120x128xf32, #tpu.memory_space<vmem>>, vector<16xf32>,
      %swap3A_66 = arith.index_cast %scan3A_45 : i32 to index
      %swap3A_67 = arith.constant 112 : index
      %swap3A_68 = tpu.vector_load %arg7[%swap3A_66, %swap3A_67] {strides = array<i32>} : memref<120x128xf32, #tpu.memory_space<vmem>>, vector<16xf32>,
      tpu.vector_store %arg7[%swap3A_66, %swap3A_67], %broadcast_in_dim3A_1 {strides = array<i32>} : memref<120x128xf32, #tpu.memory_space<vmem>>, vector<16xf32>,
    }
    %scan3A_6 = arith.constant 120 : i32
    %mul3A_7 = arith.constant 632 : i32
    %mul3A_8 = arith.muli %arg1, %mul3A_7 : i32
    %lt3A = arith.constant 15 : i32
    %lt3A_9 = arith.cmpi slt, %arg1, %lt3A : i32
    %convert_element_type3A = arith.extui %lt3A_9 : i1 to i32
    %cond3A = arith.constant 0 : i32
    %cond3A_10 = arith.cmpi ne, %convert_element_type3A, %cond3A : i32
    scf.if %cond3A_10 {
      %add3A_45 = arith.constant 0 : i32
      %add3A_46 = arith.addi %mul3A_8, %add3A_45 : i32
      "tpu.region"() ({
        %run_scoped3A = tpu.sem_alloc : memref<!tpu.dma_semaphore, #tpu.memory_space<semaphore_mem>>
        %dma_start3A_57 = arith.constant 0 : i32
        %dma_start3A_58 = tpu.memref_slice %arg10[%add3A_46, %dma_start3A_57] : memref<10016x128xf32, #tpu.memory_space<vmem_shared>> -> memref<120x128xf32, #tpu.memory_space<vmem_shared>>
        %dma_start3A_59 = arith.constant 0 : i32
        %dma_start3A_60 = tpu.memref_slice %arg10[%add3A_46, %dma_start3A_59] : memref<10016x128xf32, #tpu.memory_space<vmem_shared>> -> memref<120x128xf32, #tpu.memory_space<vmem_shared>>
        tpu.enqueue_dma source(%arg7 : memref<120x128xf32, #tpu.memory_space<vmem>>) target(%dma_start3A_60 : memref<120x128xf32, #tpu.memory_space<vmem_shared>>) target_semaphore(%run_scoped3A : memref<!tpu.dma_semaphore, #tpu.memory_space<semaphore_mem>>)
        %dma_wait3A = arith.constant 0 : i32
        %dma_wait3A_61 = tpu.memref_slice %arg10[%add3A_46, %dma_wait3A] : memref<10016x128xf32, #tpu.memory_space<vmem_shared>> -> memref<120x128xf32, #tpu.memory_space<vmem_shared>>
        %dma_wait3A_62 = arith.constant 0 : i32
        %dma_wait3A_63 = tpu.memref_slice %arg10[%add3A_46, %dma_wait3A_62] : memref<10016x128xf32, #tpu.memory_space<vmem_shared>> -> memref<120x128xf32, #tpu.memory_space<vmem_shared>>
        tpu.wait_dma2 semaphore(%run_scoped3A : memref<!tpu.dma_semaphore, #tpu.memory_space<semaphore_mem>>) src(%arg7 : memref<120x128xf32, #tpu.memory_space<vmem>>) dst(%dma_wait3A_63 : memref<120x128xf32, #tpu.memory_space<vmem_shared>>)
        tpu.yield
      }) : () -> ()
      %add3A_47 = arith.constant 120 : i32
      %add3A_48 = arith.addi %mul3A_8, %add3A_47 : i32
      "tpu.region"() ({
        %run_scoped3A = tpu.sem_alloc : memref<!tpu.dma_semaphore, #tpu.memory_space<semaphore_mem>>
        %dma_start3A_57 = arith.constant 0 : i32
        %dma_start3A_58 = tpu.memref_slice %arg10[%add3A_48, %dma_start3A_57] : memref<10016x128xf32, #tpu.memory_space<vmem_shared>> -> memref<120x128xf32, #tpu.memory_space<vmem_shared>>
        %dma_start3A_59 = arith.constant 0 : i32
        %dma_start3A_60 = tpu.memref_slice %arg10[%add3A_48, %dma_start3A_59] : memref<10016x128xf32, #tpu.memory_space<vmem_shared>> -> memref<120x128xf32, #tpu.memory_space<vmem_shared>>
        tpu.enqueue_dma source(%arg7 : memref<120x128xf32, #tpu.memory_space<vmem>>) target(%dma_start3A_60 : memref<120x128xf32, #tpu.memory_space<vmem_shared>>) target_semaphore(%run_scoped3A : memref<!tpu.dma_semaphore, #tpu.memory_space<semaphore_mem>>)
        %dma_wait3A = arith.constant 0 : i32
        %dma_wait3A_61 = tpu.memref_slice %arg10[%add3A_48, %dma_wait3A] : memref<10016x128xf32, #tpu.memory_space<vmem_shared>> -> memref<120x128xf32, #tpu.memory_space<vmem_shared>>
        %dma_wait3A_62 = arith.constant 0 : i32
        %dma_wait3A_63 = tpu.memref_slice %arg10[%add3A_48, %dma_wait3A_62] : memref<10016x128xf32, #tpu.memory_space<vmem_shared>> -> memref<120x128xf32, #tpu.memory_space<vmem_shared>>
        tpu.wait_dma2 semaphore(%run_scoped3A : memref<!tpu.dma_semaphore, #tpu.memory_space<semaphore_mem>>) src(%arg7 : memref<120x128xf32, #tpu.memory_space<vmem>>) dst(%dma_wait3A_63 : memref<120x128xf32, #tpu.memory_space<vmem_shared>>)
        tpu.yield
      }) : () -> ()
      %add3A_49 = arith.constant 240 : i32
      %add3A_50 = arith.addi %mul3A_8, %add3A_49 : i32
      "tpu.region"() ({
        %run_scoped3A = tpu.sem_alloc : memref<!tpu.dma_semaphore, #tpu.memory_space<semaphore_mem>>
        %dma_start3A_57 = arith.constant 0 : i32
        %dma_start3A_58 = tpu.memref_slice %arg10[%add3A_50, %dma_start3A_57] : memref<10016x128xf32, #tpu.memory_space<vmem_shared>> -> memref<120x128xf32, #tpu.memory_space<vmem_shared>>
        %dma_start3A_59 = arith.constant 0 : i32
        %dma_start3A_60 = tpu.memref_slice %arg10[%add3A_50, %dma_start3A_59] : memref<10016x128xf32, #tpu.memory_space<vmem_shared>> -> memref<120x128xf32, #tpu.memory_space<vmem_shared>>
        tpu.enqueue_dma source(%arg7 : memref<120x128xf32, #tpu.memory_space<vmem>>) target(%dma_start3A_60 : memref<120x128xf32, #tpu.memory_space<vmem_shared>>) target_semaphore(%run_scoped3A : memref<!tpu.dma_semaphore, #tpu.memory_space<semaphore_mem>>)
        %dma_wait3A = arith.constant 0 : i32
        %dma_wait3A_61 = tpu.memref_slice %arg10[%add3A_50, %dma_wait3A] : memref<10016x128xf32, #tpu.memory_space<vmem_shared>> -> memref<120x128xf32, #tpu.memory_space<vmem_shared>>
        %dma_wait3A_62 = arith.constant 0 : i32
        %dma_wait3A_63 = tpu.memref_slice %arg10[%add3A_50, %dma_wait3A_62] : memref<10016x128xf32, #tpu.memory_space<vmem_shared>> -> memref<120x128xf32, #tpu.memory_space<vmem_shared>>
        tpu.wait_dma2 semaphore(%run_scoped3A : memref<!tpu.dma_semaphore, #tpu.memory_space<semaphore_mem>>) src(%arg7 : memref<120x128xf32, #tpu.memory_space<vmem>>) dst(%dma_wait3A_63 : memref<120x128xf32, #tpu.memory_space<vmem_shared>>)
        tpu.yield
      }) : () -> ()
      %add3A_51 = arith.constant 360 : i32
      %add3A_52 = arith.addi %mul3A_8, %add3A_51 : i32
      "tpu.region"() ({
        %run_scoped3A = tpu.sem_alloc : memref<!tpu.dma_semaphore, #tpu.memory_space<semaphore_mem>>
        %dma_start3A_57 = arith.constant 0 : i32
        %dma_start3A_58 = tpu.memref_slice %arg10[%add3A_52, %dma_start3A_57] : memref<10016x128xf32, #tpu.memory_space<vmem_shared>> -> memref<120x128xf32, #tpu.memory_space<vmem_shared>>
        %dma_start3A_59 = arith.constant 0 : i32
        %dma_start3A_60 = tpu.memref_slice %arg10[%add3A_52, %dma_start3A_59] : memref<10016x128xf32, #tpu.memory_space<vmem_shared>> -> memref<120x128xf32, #tpu.memory_space<vmem_shared>>
        tpu.enqueue_dma source(%arg7 : memref<120x128xf32, #tpu.memory_space<vmem>>) target(%dma_start3A_60 : memref<120x128xf32, #tpu.memory_space<vmem_shared>>) target_semaphore(%run_scoped3A : memref<!tpu.dma_semaphore, #tpu.memory_space<semaphore_mem>>)
        %dma_wait3A = arith.constant 0 : i32
        %dma_wait3A_61 = tpu.memref_slice %arg10[%add3A_52, %dma_wait3A] : memref<10016x128xf32, #tpu.memory_space<vmem_shared>> -> memref<120x128xf32, #tpu.memory_space<vmem_shared>>
        %dma_wait3A_62 = arith.constant 0 : i32
        %dma_wait3A_63 = tpu.memref_slice %arg10[%add3A_52, %dma_wait3A_62] : memref<10016x128xf32, #tpu.memory_space<vmem_shared>> -> memref<120x128xf32, #tpu.memory_space<vmem_shared>>
        tpu.wait_dma2 semaphore(%run_scoped3A : memref<!tpu.dma_semaphore, #tpu.memory_space<semaphore_mem>>) src(%arg7 : memref<120x128xf32, #tpu.memory_space<vmem>>) dst(%dma_wait3A_63 : memref<120x128xf32, #tpu.memory_space<vmem_shared>>)
        tpu.yield
      }) : () -> ()
      %add3A_53 = arith.constant 480 : i32
      %add3A_54 = arith.addi %mul3A_8, %add3A_53 : i32
      "tpu.region"() ({
        %run_scoped3A = tpu.sem_alloc : memref<!tpu.dma_semaphore, #tpu.memory_space<semaphore_mem>>
        %dma_start3A_57 = arith.constant 0 : i32
        %dma_start3A_58 = tpu.memref_slice %arg10[%add3A_54, %dma_start3A_57] : memref<10016x128xf32, #tpu.memory_space<vmem_shared>> -> memref<120x128xf32, #tpu.memory_space<vmem_shared>>
        %dma_start3A_59 = arith.constant 0 : i32
        %dma_start3A_60 = tpu.memref_slice %arg10[%add3A_54, %dma_start3A_59] : memref<10016x128xf32, #tpu.memory_space<vmem_shared>> -> memref<120x128xf32, #tpu.memory_space<vmem_shared>>
        tpu.enqueue_dma source(%arg7 : memref<120x128xf32, #tpu.memory_space<vmem>>) target(%dma_start3A_60 : memref<120x128xf32, #tpu.memory_space<vmem_shared>>) target_semaphore(%run_scoped3A : memref<!tpu.dma_semaphore, #tpu.memory_space<semaphore_mem>>)
        %dma_wait3A = arith.constant 0 : i32
        %dma_wait3A_61 = tpu.memref_slice %arg10[%add3A_54, %dma_wait3A] : memref<10016x128xf32, #tpu.memory_space<vmem_shared>> -> memref<120x128xf32, #tpu.memory_space<vmem_shared>>
        %dma_wait3A_62 = arith.constant 0 : i32
        %dma_wait3A_63 = tpu.memref_slice %arg10[%add3A_54, %dma_wait3A_62] : memref<10016x128xf32, #tpu.memory_space<vmem_shared>> -> memref<120x128xf32, #tpu.memory_space<vmem_shared>>
        tpu.wait_dma2 semaphore(%run_scoped3A : memref<!tpu.dma_semaphore, #tpu.memory_space<semaphore_mem>>) src(%arg7 : memref<120x128xf32, #tpu.memory_space<vmem>>) dst(%dma_wait3A_63 : memref<120x128xf32, #tpu.memory_space<vmem_shared>>)
        tpu.yield
      }) : () -> ()
      %add3A_55 = arith.constant 600 : i32
      %add3A_56 = arith.addi %mul3A_8, %add3A_55 : i32
      "tpu.region"() ({
        %run_scoped3A = tpu.sem_alloc : memref<!tpu.dma_semaphore, #tpu.memory_space<semaphore_mem>>
        %dma_start3A_57 = arith.constant 0 : i32
        %dma_start3A_58 = arith.constant 0 : i32
        %dma_start3A_59 = tpu.memref_slice %arg7[%dma_start3A_57, %dma_start3A_58] : memref<120x128xf32, #tpu.memory_space<vmem>> -> memref<32x128xf32, #tpu.memory_space<vmem>>
        %dma_start3A_60 = arith.constant 0 : i32
        %dma_start3A_61 = tpu.memref_slice %arg10[%add3A_56, %dma_start3A_60] : memref<10016x128xf32, #tpu.memory_space<vmem_shared>> -> memref<32x128xf32, #tpu.memory_space<vmem_shared>>
        %dma_start3A_62 = arith.constant 0 : i32
        %dma_start3A_63 = tpu.memref_slice %arg10[%add3A_56, %dma_start3A_62] : memref<10016x128xf32, #tpu.memory_space<vmem_shared>> -> memref<32x128xf32, #tpu.memory_space<vmem_shared>>
        %dma_start3A_64 = arith.constant 0 : i32
        %dma_start3A_65 = arith.constant 0 : i32
        %dma_start3A_66 = tpu.memref_slice %arg7[%dma_start3A_64, %dma_start3A_65] : memref<120x128xf32, #tpu.memory_space<vmem>> -> memref<32x128xf32, #tpu.memory_space<vmem>>
        tpu.enqueue_dma source(%dma_start3A_66 : memref<32x128xf32, #tpu.memory_space<vmem>>) target(%dma_start3A_63 : memref<32x128xf32, #tpu.memory_space<vmem_shared>>) target_semaphore(%run_scoped3A : memref<!tpu.dma_semaphore, #tpu.memory_space<semaphore_mem>>)
        %dma_wait3A = arith.constant 0 : i32
        %dma_wait3A_67 = arith.constant 0 : i32
        %dma_wait3A_68 = tpu.memref_slice %arg7[%dma_wait3A, %dma_wait3A_67] : memref<120x128xf32, #tpu.memory_space<vmem>> -> memref<32x128xf32, #tpu.memory_space<vmem>>
        %dma_wait3A_69 = arith.constant 0 : i32
        %dma_wait3A_70 = tpu.memref_slice %arg10[%add3A_56, %dma_wait3A_69] : memref<10016x128xf32, #tpu.memory_space<vmem_shared>> -> memref<32x128xf32, #tpu.memory_space<vmem_shared>>
        %dma_wait3A_71 = arith.constant 0 : i32
        %dma_wait3A_72 = tpu.memref_slice %arg10[%add3A_56, %dma_wait3A_71] : memref<10016x128xf32, #tpu.memory_space<vmem_shared>> -> memref<32x128xf32, #tpu.memory_space<vmem_shared>>
        %dma_wait3A_73 = arith.constant 0 : i32
        %dma_wait3A_74 = arith.constant 0 : i32
        %dma_wait3A_75 = tpu.memref_slice %arg7[%dma_wait3A_73, %dma_wait3A_74] : memref<120x128xf32, #tpu.memory_space<vmem>> -> memref<32x128xf32, #tpu.memory_space<vmem>>
        tpu.wait_dma2 semaphore(%run_scoped3A : memref<!tpu.dma_semaphore, #tpu.memory_space<semaphore_mem>>) src(%dma_wait3A_75 : memref<32x128xf32, #tpu.memory_space<vmem>>) dst(%dma_wait3A_72 : memref<32x128xf32, #tpu.memory_space<vmem_shared>>)
        tpu.yield
      }) : () -> ()
    } else {
    }
    %eq3A = arith.constant 15 : i32
    %eq3A_11 = arith.cmpi eq, %arg1, %eq3A : i32
    %convert_element_type3A_12 = arith.extui %eq3A_11 : i1 to i32
    %cond3A_13 = arith.constant 0 : i32
    %cond3A_14 = arith.cmpi ne, %convert_element_type3A_12, %cond3A_13 : i32
    scf.if %cond3A_14 {
      %add3A_45 = arith.constant 0 : i32
      %add3A_46 = arith.addi %mul3A_8, %add3A_45 : i32
      "tpu.region"() ({
        %run_scoped3A = tpu.sem_alloc : memref<!tpu.dma_semaphore, #tpu.memory_space<semaphore_mem>>
        %dma_start3A_55 = arith.constant 0 : i32
        %dma_start3A_56 = tpu.memref_slice %arg10[%add3A_46, %dma_start3A_55] : memref<10016x128xf32, #tpu.memory_space<vmem_shared>> -> memref<120x128xf32, #tpu.memory_space<vmem_shared>>
        %dma_start3A_57 = arith.constant 0 : i32
        %dma_start3A_58 = tpu.memref_slice %arg10[%add3A_46, %dma_start3A_57] : memref<10016x128xf32, #tpu.memory_space<vmem_shared>> -> memref<120x128xf32, #tpu.memory_space<vmem_shared>>
        tpu.enqueue_dma source(%arg7 : memref<120x128xf32, #tpu.memory_space<vmem>>) target(%dma_start3A_58 : memref<120x128xf32, #tpu.memory_space<vmem_shared>>) target_semaphore(%run_scoped3A : memref<!tpu.dma_semaphore, #tpu.memory_space<semaphore_mem>>)
        %dma_wait3A = arith.constant 0 : i32
        %dma_wait3A_59 = tpu.memref_slice %arg10[%add3A_46, %dma_wait3A] : memref<10016x128xf32, #tpu.memory_space<vmem_shared>> -> memref<120x128xf32, #tpu.memory_space<vmem_shared>>
        %dma_wait3A_60 = arith.constant 0 : i32
        %dma_wait3A_61 = tpu.memref_slice %arg10[%add3A_46, %dma_wait3A_60] : memref<10016x128xf32, #tpu.memory_space<vmem_shared>> -> memref<120x128xf32, #tpu.memory_space<vmem_shared>>
        tpu.wait_dma2 semaphore(%run_scoped3A : memref<!tpu.dma_semaphore, #tpu.memory_space<semaphore_mem>>) src(%arg7 : memref<120x128xf32, #tpu.memory_space<vmem>>) dst(%dma_wait3A_61 : memref<120x128xf32, #tpu.memory_space<vmem_shared>>)
        tpu.yield
      }) : () -> ()
      %add3A_47 = arith.constant 120 : i32
      %add3A_48 = arith.addi %mul3A_8, %add3A_47 : i32
      "tpu.region"() ({
        %run_scoped3A = tpu.sem_alloc : memref<!tpu.dma_semaphore, #tpu.memory_space<semaphore_mem>>
        %dma_start3A_55 = arith.constant 0 : i32
        %dma_start3A_56 = tpu.memref_slice %arg10[%add3A_48, %dma_start3A_55] : memref<10016x128xf32, #tpu.memory_space<vmem_shared>> -> memref<120x128xf32, #tpu.memory_space<vmem_shared>>
        %dma_start3A_57 = arith.constant 0 : i32
        %dma_start3A_58 = tpu.memref_slice %arg10[%add3A_48, %dma_start3A_57] : memref<10016x128xf32, #tpu.memory_space<vmem_shared>> -> memref<120x128xf32, #tpu.memory_space<vmem_shared>>
        tpu.enqueue_dma source(%arg7 : memref<120x128xf32, #tpu.memory_space<vmem>>) target(%dma_start3A_58 : memref<120x128xf32, #tpu.memory_space<vmem_shared>>) target_semaphore(%run_scoped3A : memref<!tpu.dma_semaphore, #tpu.memory_space<semaphore_mem>>)
        %dma_wait3A = arith.constant 0 : i32
        %dma_wait3A_59 = tpu.memref_slice %arg10[%add3A_48, %dma_wait3A] : memref<10016x128xf32, #tpu.memory_space<vmem_shared>> -> memref<120x128xf32, #tpu.memory_space<vmem_shared>>
        %dma_wait3A_60 = arith.constant 0 : i32
        %dma_wait3A_61 = tpu.memref_slice %arg10[%add3A_48, %dma_wait3A_60] : memref<10016x128xf32, #tpu.memory_space<vmem_shared>> -> memref<120x128xf32, #tpu.memory_space<vmem_shared>>
        tpu.wait_dma2 semaphore(%run_scoped3A : memref<!tpu.dma_semaphore, #tpu.memory_space<semaphore_mem>>) src(%arg7 : memref<120x128xf32, #tpu.memory_space<vmem>>) dst(%dma_wait3A_61 : memref<120x128xf32, #tpu.memory_space<vmem_shared>>)
        tpu.yield
      }) : () -> ()
      %add3A_49 = arith.constant 240 : i32
      %add3A_50 = arith.addi %mul3A_8, %add3A_49 : i32
      "tpu.region"() ({
        %run_scoped3A = tpu.sem_alloc : memref<!tpu.dma_semaphore, #tpu.memory_space<semaphore_mem>>
        %dma_start3A_55 = arith.constant 0 : i32
        %dma_start3A_56 = tpu.memref_slice %arg10[%add3A_50, %dma_start3A_55] : memref<10016x128xf32, #tpu.memory_space<vmem_shared>> -> memref<120x128xf32, #tpu.memory_space<vmem_shared>>
        %dma_start3A_57 = arith.constant 0 : i32
        %dma_start3A_58 = tpu.memref_slice %arg10[%add3A_50, %dma_start3A_57] : memref<10016x128xf32, #tpu.memory_space<vmem_shared>> -> memref<120x128xf32, #tpu.memory_space<vmem_shared>>
        tpu.enqueue_dma source(%arg7 : memref<120x128xf32, #tpu.memory_space<vmem>>) target(%dma_start3A_58 : memref<120x128xf32, #tpu.memory_space<vmem_shared>>) target_semaphore(%run_scoped3A : memref<!tpu.dma_semaphore, #tpu.memory_space<semaphore_mem>>)
        %dma_wait3A = arith.constant 0 : i32
        %dma_wait3A_59 = tpu.memref_slice %arg10[%add3A_50, %dma_wait3A] : memref<10016x128xf32, #tpu.memory_space<vmem_shared>> -> memref<120x128xf32, #tpu.memory_space<vmem_shared>>
        %dma_wait3A_60 = arith.constant 0 : i32
        %dma_wait3A_61 = tpu.memref_slice %arg10[%add3A_50, %dma_wait3A_60] : memref<10016x128xf32, #tpu.memory_space<vmem_shared>> -> memref<120x128xf32, #tpu.memory_space<vmem_shared>>
        tpu.wait_dma2 semaphore(%run_scoped3A : memref<!tpu.dma_semaphore, #tpu.memory_space<semaphore_mem>>) src(%arg7 : memref<120x128xf32, #tpu.memory_space<vmem>>) dst(%dma_wait3A_61 : memref<120x128xf32, #tpu.memory_space<vmem_shared>>)
        tpu.yield
      }) : () -> ()
      %add3A_51 = arith.constant 360 : i32
      %add3A_52 = arith.addi %mul3A_8, %add3A_51 : i32
      "tpu.region"() ({
        %run_scoped3A = tpu.sem_alloc : memref<!tpu.dma_semaphore, #tpu.memory_space<semaphore_mem>>
        %dma_start3A_55 = arith.constant 0 : i32
        %dma_start3A_56 = tpu.memref_slice %arg10[%add3A_52, %dma_start3A_55] : memref<10016x128xf32, #tpu.memory_space<vmem_shared>> -> memref<120x128xf32, #tpu.memory_space<vmem_shared>>
        %dma_start3A_57 = arith.constant 0 : i32
        %dma_start3A_58 = tpu.memref_slice %arg10[%add3A_52, %dma_start3A_57] : memref<10016x128xf32, #tpu.memory_space<vmem_shared>> -> memref<120x128xf32, #tpu.memory_space<vmem_shared>>
        tpu.enqueue_dma source(%arg7 : memref<120x128xf32, #tpu.memory_space<vmem>>) target(%dma_start3A_58 : memref<120x128xf32, #tpu.memory_space<vmem_shared>>) target_semaphore(%run_scoped3A : memref<!tpu.dma_semaphore, #tpu.memory_space<semaphore_mem>>)
        %dma_wait3A = arith.constant 0 : i32
        %dma_wait3A_59 = tpu.memref_slice %arg10[%add3A_52, %dma_wait3A] : memref<10016x128xf32, #tpu.memory_space<vmem_shared>> -> memref<120x128xf32, #tpu.memory_space<vmem_shared>>
        %dma_wait3A_60 = arith.constant 0 : i32
        %dma_wait3A_61 = tpu.memref_slice %arg10[%add3A_52, %dma_wait3A_60] : memref<10016x128xf32, #tpu.memory_space<vmem_shared>> -> memref<120x128xf32, #tpu.memory_space<vmem_shared>>
        tpu.wait_dma2 semaphore(%run_scoped3A : memref<!tpu.dma_semaphore, #tpu.memory_space<semaphore_mem>>) src(%arg7 : memref<120x128xf32, #tpu.memory_space<vmem>>) dst(%dma_wait3A_61 : memref<120x128xf32, #tpu.memory_space<vmem_shared>>)
        tpu.yield
      }) : () -> ()
      %add3A_53 = arith.constant 480 : i32
      %add3A_54 = arith.addi %mul3A_8, %add3A_53 : i32
      "tpu.region"() ({
        %run_scoped3A = tpu.sem_alloc : memref<!tpu.dma_semaphore, #tpu.memory_space<semaphore_mem>>
        %dma_start3A_55 = arith.constant 0 : i32
        %dma_start3A_56 = arith.constant 0 : i32
        %dma_start3A_57 = tpu.memref_slice %arg7[%dma_start3A_55, %dma_start3A_56] : memref<120x128xf32, #tpu.memory_space<vmem>> -> memref<56x128xf32, #tpu.memory_space<vmem>>
        %dma_start3A_58 = arith.constant 0 : i32
        %dma_start3A_59 = tpu.memref_slice %arg10[%add3A_54, %dma_start3A_58] : memref<10016x128xf32, #tpu.memory_space<vmem_shared>> -> memref<56x128xf32, #tpu.memory_space<vmem_shared>>
        %dma_start3A_60 = arith.constant 0 : i32
        %dma_start3A_61 = tpu.memref_slice %arg10[%add3A_54, %dma_start3A_60] : memref<10016x128xf32, #tpu.memory_space<vmem_shared>> -> memref<56x128xf32, #tpu.memory_space<vmem_shared>>
        %dma_start3A_62 = arith.constant 0 : i32
        %dma_start3A_63 = arith.constant 0 : i32
        %dma_start3A_64 = tpu.memref_slice %arg7[%dma_start3A_62, %dma_start3A_63] : memref<120x128xf32, #tpu.memory_space<vmem>> -> memref<56x128xf32, #tpu.memory_space<vmem>>
        tpu.enqueue_dma source(%dma_start3A_64 : memref<56x128xf32, #tpu.memory_space<vmem>>) target(%dma_start3A_61 : memref<56x128xf32, #tpu.memory_space<vmem_shared>>) target_semaphore(%run_scoped3A : memref<!tpu.dma_semaphore, #tpu.memory_space<semaphore_mem>>)
        %dma_wait3A = arith.constant 0 : i32
        %dma_wait3A_65 = arith.constant 0 : i32
        %dma_wait3A_66 = tpu.memref_slice %arg7[%dma_wait3A, %dma_wait3A_65] : memref<120x128xf32, #tpu.memory_space<vmem>> -> memref<56x128xf32, #tpu.memory_space<vmem>>
        %dma_wait3A_67 = arith.constant 0 : i32
        %dma_wait3A_68 = tpu.memref_slice %arg10[%add3A_54, %dma_wait3A_67] : memref<10016x128xf32, #tpu.memory_space<vmem_shared>> -> memref<56x128xf32, #tpu.memory_space<vmem_shared>>
        %dma_wait3A_69 = arith.constant 0 : i32
        %dma_wait3A_70 = tpu.memref_slice %arg10[%add3A_54, %dma_wait3A_69] : memref<10016x128xf32, #tpu.memory_space<vmem_shared>> -> memref<56x128xf32, #tpu.memory_space<vmem_shared>>
        %dma_wait3A_71 = arith.constant 0 : i32
        %dma_wait3A_72 = arith.constant 0 : i32
        %dma_wait3A_73 = tpu.memref_slice %arg7[%dma_wait3A_71, %dma_wait3A_72] : memref<120x128xf32, #tpu.memory_space<vmem>> -> memref<56x128xf32, #tpu.memory_space<vmem>>
        tpu.wait_dma2 semaphore(%run_scoped3A : memref<!tpu.dma_semaphore, #tpu.memory_space<semaphore_mem>>) src(%dma_wait3A_73 : memref<56x128xf32, #tpu.memory_space<vmem>>) dst(%dma_wait3A_70 : memref<56x128xf32, #tpu.memory_space<vmem_shared>>)
        tpu.yield
      }) : () -> ()
    } else {
    }
    %barrier3A = arith.constant 0 : index
    tpu.barrier barrier_id(%barrier3A)
    %mul3A_15 = arith.constant 84 : i32
    %mul3A_16 = arith.muli %add3A, %mul3A_15 : i32
    %mul3A_17 = arith.constant 120 : i32
    %mul3A_18 = arith.muli %mul3A_16, %mul3A_17 : i32
    "tpu.region"() ({
      %run_scoped3A = tpu.sem_alloc : memref<!tpu.dma_semaphore, #tpu.memory_space<semaphore_mem>>
      %dma_start3A_45 = arith.constant 0 : i32
      %dma_start3A_46 = tpu.memref_slice %arg6[%dma_start3A_45] : memref<1440xi32, #tpu.memory_space<vmem>> -> memref<360xi32, #tpu.memory_space<vmem>>
      %dma_start3A_47 = tpu.memref_slice %arg3[%mul3A_18] : memref<322560xi32, #tpu.memory_space<hbm>> -> memref<360xi32, #tpu.memory_space<hbm>>
      %dma_start3A_48 = arith.constant 0 : i32
      %dma_start3A_49 = tpu.memref_slice %arg6[%dma_start3A_48] : memref<1440xi32, #tpu.memory_space<vmem>> -> memref<360xi32, #tpu.memory_space<vmem>>
      %dma_start3A_50 = tpu.memref_slice %arg3[%mul3A_18] : memref<322560xi32, #tpu.memory_space<hbm>> -> memref<360xi32, #tpu.memory_space<hbm>>
      tpu.enqueue_dma source(%dma_start3A_50 : memref<360xi32, #tpu.memory_space<hbm>>) target(%dma_start3A_49 : memref<360xi32, #tpu.memory_space<vmem>>) target_semaphore(%run_scoped3A : memref<!tpu.dma_semaphore, #tpu.memory_space<semaphore_mem>>)
      %dma_wait3A = arith.constant 0 : i32
      %dma_wait3A_51 = tpu.memref_slice %arg6[%dma_wait3A] : memref<1440xi32, #tpu.memory_space<vmem>> -> memref<360xi32, #tpu.memory_space<vmem>>
      %dma_wait3A_52 = tpu.memref_slice %arg3[%mul3A_18] : memref<322560xi32, #tpu.memory_space<hbm>> -> memref<360xi32, #tpu.memory_space<hbm>>
      %dma_wait3A_53 = arith.constant 0 : i32
      %dma_wait3A_54 = tpu.memref_slice %arg6[%dma_wait3A_53] : memref<1440xi32, #tpu.memory_space<vmem>> -> memref<360xi32, #tpu.memory_space<vmem>>
      %dma_wait3A_55 = tpu.memref_slice %arg3[%mul3A_18] : memref<322560xi32, #tpu.memory_space<hbm>> -> memref<360xi32, #tpu.memory_space<hbm>>
      tpu.wait_dma2 semaphore(%run_scoped3A : memref<!tpu.dma_semaphore, #tpu.memory_space<semaphore_mem>>) src(%dma_wait3A_55 : memref<360xi32, #tpu.memory_space<hbm>>) dst(%dma_wait3A_54 : memref<360xi32, #tpu.memory_space<vmem>>)
      tpu.yield
    }) : () -> ()
    "tpu.region"() ({
      %run_scoped3A = tpu.sem_alloc : memref<!tpu.dma_semaphore, #tpu.memory_space<semaphore_mem>>
      %dma_start3A_45 = arith.constant 720 : i32
      %dma_start3A_46 = tpu.memref_slice %arg6[%dma_start3A_45] : memref<1440xi32, #tpu.memory_space<vmem>> -> memref<360xi32, #tpu.memory_space<vmem>>
      %dma_start3A_47 = tpu.memref_slice %arg4[%mul3A_18] : memref<322560xi32, #tpu.memory_space<hbm>> -> memref<360xi32, #tpu.memory_space<hbm>>
      %dma_start3A_48 = arith.constant 720 : i32
      %dma_start3A_49 = tpu.memref_slice %arg6[%dma_start3A_48] : memref<1440xi32, #tpu.memory_space<vmem>> -> memref<360xi32, #tpu.memory_space<vmem>>
      %dma_start3A_50 = tpu.memref_slice %arg4[%mul3A_18] : memref<322560xi32, #tpu.memory_space<hbm>> -> memref<360xi32, #tpu.memory_space<hbm>>
      tpu.enqueue_dma source(%dma_start3A_50 : memref<360xi32, #tpu.memory_space<hbm>>) target(%dma_start3A_49 : memref<360xi32, #tpu.memory_space<vmem>>) target_semaphore(%run_scoped3A : memref<!tpu.dma_semaphore, #tpu.memory_space<semaphore_mem>>)
      %dma_wait3A = arith.constant 720 : i32
      %dma_wait3A_51 = tpu.memref_slice %arg6[%dma_wait3A] : memref<1440xi32, #tpu.memory_space<vmem>> -> memref<360xi32, #tpu.memory_space<vmem>>
      %dma_wait3A_52 = tpu.memref_slice %arg4[%mul3A_18] : memref<322560xi32, #tpu.memory_space<hbm>> -> memref<360xi32, #tpu.memory_space<hbm>>
      %dma_wait3A_53 = arith.constant 720 : i32
      %dma_wait3A_54 = tpu.memref_slice %arg6[%dma_wait3A_53] : memref<1440xi32, #tpu.memory_space<vmem>> -> memref<360xi32, #tpu.memory_space<vmem>>
      %dma_wait3A_55 = tpu.memref_slice %arg4[%mul3A_18] : memref<322560xi32, #tpu.memory_space<hbm>> -> memref<360xi32, #tpu.memory_space<hbm>>
      tpu.wait_dma2 semaphore(%run_scoped3A : memref<!tpu.dma_semaphore, #tpu.memory_space<semaphore_mem>>) src(%dma_wait3A_55 : memref<360xi32, #tpu.memory_space<hbm>>) dst(%dma_wait3A_54 : memref<360xi32, #tpu.memory_space<vmem>>)
      tpu.yield
    }) : () -> ()
    %dma_start3A = arith.constant 0 : i32
    %dma_start3A_19 = tpu.memref_slice %arg6[%dma_start3A] : memref<1440xi32, #tpu.memory_space<vmem>> -> memref<120xi32, #tpu.memory_space<vmem>>
    %dma_start3A_20 = arith.constant 0 : i32
    %dma_start3A_21 = arith.constant 0 : i32
    %dma_start3A_22 = tpu.memref_slice %arg2[%dma_start3A_20, %dma_start3A_21] : memref<10000x128xf32, #tpu.memory_space<hbm>> -> memref<10000x128xf32, #tpu.memory_space<hbm>>
    tpu.enqueue_indirect_dma source(%dma_start3A_22 : memref<10000x128xf32, #tpu.memory_space<hbm>>) target(%arg7 : memref<120x128xf32, #tpu.memory_space<vmem>>) offsets(%dma_start3A_19 : memref<120xi32, #tpu.memory_space<vmem>>) semaphore(%arg11 : memref<!tpu.dma_semaphore, #tpu.memory_space<semaphore_mem>>)
    %dma_start3A_23 = arith.constant 120 : i32
    %dma_start3A_24 = tpu.memref_slice %arg6[%dma_start3A_23] : memref<1440xi32, #tpu.memory_space<vmem>> -> memref<120xi32, #tpu.memory_space<vmem>>
    %dma_start3A_25 = arith.constant 0 : i32
    %dma_start3A_26 = arith.constant 0 : i32
    %dma_start3A_27 = tpu.memref_slice %arg2[%dma_start3A_25, %dma_start3A_26] : memref<10000x128xf32, #tpu.memory_space<hbm>> -> memref<10000x128xf32, #tpu.memory_space<hbm>>
    tpu.enqueue_indirect_dma source(%dma_start3A_27 : memref<10000x128xf32, #tpu.memory_space<hbm>>) target(%arg8 : memref<120x128xf32, #tpu.memory_space<vmem>>) offsets(%dma_start3A_24 : memref<120xi32, #tpu.memory_space<vmem>>) semaphore(%arg12 : memref<!tpu.dma_semaphore, #tpu.memory_space<semaphore_mem>>)
    %scan3A_28 = arith.constant 0 : i32
    %scan3A_29 = arith.constant 0 : i32
    %scan3A_30 = arith.constant 28 : i32
    %scan3A_31 = arith.addi %scan3A_29, %scan3A_30 : i32
    %scan3A_32 = arith.constant 1 : i32
    scf.for %scan3A_45 = %scan3A_29 to %scan3A_31 step %scan3A_32  : i32 {
      %rem3A = arith.constant 2 : i32
      %rem3A_46 = arith.remsi %scan3A_45, %rem3A : i32
      %sub3A = arith.constant 1 : i32
      %sub3A_47 = arith.subi %sub3A, %rem3A_46 : i32
      %add3A_48 = arith.constant 1 : i32
      %add3A_49 = arith.addi %scan3A_45, %add3A_48 : i32
      %lt3A_50 = arith.constant 28 : i32
      %lt3A_51 = arith.cmpi slt, %add3A_49, %lt3A_50 : i32
      %convert_element_type3A_52 = arith.extui %lt3A_51 : i1 to i32
      %cond3A_53 = arith.constant 0 : i32
      %cond3A_54 = arith.cmpi ne, %convert_element_type3A_52, %cond3A_53 : i32
      scf.if %cond3A_54 {
        %mul3A_114 = arith.constant 360 : i32
        %mul3A_115 = arith.muli %add3A_49, %mul3A_114 : i32
        %add3A_116 = arith.addi %mul3A_18, %mul3A_115 : i32
        %mul3A_117 = arith.constant 360 : i32
        %mul3A_118 = arith.muli %sub3A_47, %mul3A_117 : i32
        %dma_start3A_119 = tpu.memref_slice %arg6[%mul3A_118] : memref<1440xi32, #tpu.memory_space<vmem>> -> memref<360xi32, #tpu.memory_space<vmem>>
        %dma_start3A_120 = tpu.memref_slice %arg3[%add3A_116] : memref<322560xi32, #tpu.memory_space<hbm>> -> memref<360xi32, #tpu.memory_space<hbm>>
        %dma_start3A_121 = tpu.memref_slice %arg6[%mul3A_118] : memref<1440xi32, #tpu.memory_space<vmem>> -> memref<360xi32, #tpu.memory_space<vmem>>
        %dma_start3A_122 = tpu.memref_slice %arg3[%add3A_116] : memref<322560xi32, #tpu.memory_space<hbm>> -> memref<360xi32, #tpu.memory_space<hbm>>
        tpu.enqueue_dma source(%dma_start3A_122 : memref<360xi32, #tpu.memory_space<hbm>>) target(%dma_start3A_121 : memref<360xi32, #tpu.memory_space<vmem>>) target_semaphore(%arg14 : memref<!tpu.dma_semaphore, #tpu.memory_space<semaphore_mem>>)
        %mul3A_123 = arith.constant 360 : i32
        %mul3A_124 = arith.muli %add3A_49, %mul3A_123 : i32
        %add3A_125 = arith.addi %mul3A_18, %mul3A_124 : i32
        %mul3A_126 = arith.constant 360 : i32
        %mul3A_127 = arith.muli %sub3A_47, %mul3A_126 : i32
        %add3A_128 = arith.constant 720 : i32
        %add3A_129 = arith.addi %add3A_128, %mul3A_127 : i32
        %dma_start3A_130 = tpu.memref_slice %arg6[%add3A_129] : memref<1440xi32, #tpu.memory_space<vmem>> -> memref<360xi32, #tpu.memory_space<vmem>>
        %dma_start3A_131 = tpu.memref_slice %arg4[%add3A_125] : memref<322560xi32, #tpu.memory_space<hbm>> -> memref<360xi32, #tpu.memory_space<hbm>>
        %dma_start3A_132 = tpu.memref_slice %arg6[%add3A_129] : memref<1440xi32, #tpu.memory_space<vmem>> -> memref<360xi32, #tpu.memory_space<vmem>>
        %dma_start3A_133 = tpu.memref_slice %arg4[%add3A_125] : memref<322560xi32, #tpu.memory_space<hbm>> -> memref<360xi32, #tpu.memory_space<hbm>>
        tpu.enqueue_dma source(%dma_start3A_133 : memref<360xi32, #tpu.memory_space<hbm>>) target(%dma_start3A_132 : memref<360xi32, #tpu.memory_space<vmem>>) target_semaphore(%arg14 : memref<!tpu.dma_semaphore, #tpu.memory_space<semaphore_mem>>)
      } else {
      }
      %mul3A_55 = arith.constant 360 : i32
      %mul3A_56 = arith.muli %rem3A_46, %mul3A_55 : i32
      %add3A_57 = arith.constant 0 : i32
      %add3A_58 = arith.addi %mul3A_56, %add3A_57 : i32
      %dma_wait3A = tpu.memref_slice %arg6[%add3A_58] : memref<1440xi32, #tpu.memory_space<vmem>> -> memref<120xi32, #tpu.memory_space<vmem>>
      %dma_wait3A_59 = arith.constant 0 : i32
      %dma_wait3A_60 = arith.constant 0 : i32
      %dma_wait3A_61 = tpu.memref_slice %arg2[%dma_wait3A_59, %dma_wait3A_60] : memref<10000x128xf32, #tpu.memory_space<hbm>> -> memref<10000x128xf32, #tpu.memory_space<hbm>>
      tpu.wait_indirect_dma semaphore(%arg11 : memref<!tpu.dma_semaphore, #tpu.memory_space<semaphore_mem>>) src(%dma_wait3A_61 : memref<10000x128xf32, #tpu.memory_space<hbm>>) dst(%arg7 : memref<120x128xf32, #tpu.memory_space<vmem>>)
      %mul3A_62 = arith.constant 360 : i32
      %mul3A_63 = arith.muli %rem3A_46, %mul3A_62 : i32
      %add3A_64 = arith.constant 240 : i32
      %add3A_65 = arith.addi %mul3A_63, %add3A_64 : i32
      %dma_start3A_66 = tpu.memref_slice %arg6[%add3A_65] : memref<1440xi32, #tpu.memory_space<vmem>> -> memref<120xi32, #tpu.memory_space<vmem>>
      %dma_start3A_67 = arith.constant 0 : i32
      %dma_start3A_68 = arith.constant 0 : i32
      %dma_start3A_69 = tpu.memref_slice %arg2[%dma_start3A_67, %dma_start3A_68] : memref<10000x128xf32, #tpu.memory_space<hbm>> -> memref<10000x128xf32, #tpu.memory_space<hbm>>
      tpu.enqueue_indirect_dma source(%dma_start3A_69 : memref<10000x128xf32, #tpu.memory_space<hbm>>) target(%arg9 : memref<120x128xf32, #tpu.memory_space<vmem>>) offsets(%dma_start3A_66 : memref<120xi32, #tpu.memory_space<vmem>>) semaphore(%arg13 : memref<!tpu.dma_semaphore, #tpu.memory_space<semaphore_mem>>)
      %mul3A_70 = arith.constant 360 : i32
      %mul3A_71 = arith.muli %rem3A_46, %mul3A_70 : i32
      %add3A_72 = arith.constant 720 : i32
      %add3A_73 = arith.addi %add3A_72, %mul3A_71 : i32
      %add3A_74 = arith.constant 0 : i32
      %add3A_75 = arith.addi %add3A_73, %add3A_74 : i32
      "tpu.region"() ({
        %run_scoped3A = tpu.sem_alloc : memref<!tpu.dma_semaphore, #tpu.memory_space<semaphore_mem>>
        %dma_start3A_114 = tpu.memref_slice %arg6[%add3A_75] : memref<1440xi32, #tpu.memory_space<vmem>> -> memref<120xi32, #tpu.memory_space<vmem>>
        %dma_start3A_115 = arith.constant 0 : i32
        %dma_start3A_116 = arith.constant 0 : i32
        %dma_start3A_117 = tpu.memref_slice %arg10[%dma_start3A_115, %dma_start3A_116] : memref<10016x128xf32, #tpu.memory_space<vmem_shared>> -> memref<10016x128xf32, #tpu.memory_space<vmem_shared>>
        tpu.enqueue_indirect_dma source(%arg7 : memref<120x128xf32, #tpu.memory_space<vmem>>) target(%dma_start3A_117 : memref<10016x128xf32, #tpu.memory_space<vmem_shared>>) offsets(%dma_start3A_114 : memref<120xi32, #tpu.memory_space<vmem>>) semaphore(%run_scoped3A : memref<!tpu.dma_semaphore, #tpu.memory_space<semaphore_mem>>) {add = true}
        %dma_wait3A_118 = tpu.memref_slice %arg6[%add3A_75] : memref<1440xi32, #tpu.memory_space<vmem>> -> memref<120xi32, #tpu.memory_space<vmem>>
        %dma_wait3A_119 = arith.constant 0 : i32
        %dma_wait3A_120 = arith.constant 0 : i32
        %dma_wait3A_121 = tpu.memref_slice %arg10[%dma_wait3A_119, %dma_wait3A_120] : memref<10016x128xf32, #tpu.memory_space<vmem_shared>> -> memref<10016x128xf32, #tpu.memory_space<vmem_shared>>
        tpu.wait_indirect_dma semaphore(%run_scoped3A : memref<!tpu.dma_semaphore, #tpu.memory_space<semaphore_mem>>) src(%arg7 : memref<120x128xf32, #tpu.memory_space<vmem>>) dst(%dma_wait3A_121 : memref<10016x128xf32, #tpu.memory_space<vmem_shared>>)
        tpu.yield
      }) : () -> ()
      %mul3A_76 = arith.constant 360 : i32
      %mul3A_77 = arith.muli %rem3A_46, %mul3A_76 : i32
      %add3A_78 = arith.constant 120 : i32
      %add3A_79 = arith.addi %mul3A_77, %add3A_78 : i32
      %dma_wait3A_80 = tpu.memref_slice %arg6[%add3A_79] : memref<1440xi32, #tpu.memory_space<vmem>> -> memref<120xi32, #tpu.memory_space<vmem>>
      %dma_wait3A_81 = arith.constant 0 : i32
      %dma_wait3A_82 = arith.constant 0 : i32
      %dma_wait3A_83 = tpu.memref_slice %arg2[%dma_wait3A_81, %dma_wait3A_82] : memref<10000x128xf32, #tpu.memory_space<hbm>> -> memref<10000x128xf32, #tpu.memory_space<hbm>>
      tpu.wait_indirect_dma semaphore(%arg12 : memref<!tpu.dma_semaphore, #tpu.memory_space<semaphore_mem>>) src(%dma_wait3A_83 : memref<10000x128xf32, #tpu.memory_space<hbm>>) dst(%arg8 : memref<120x128xf32, #tpu.memory_space<vmem>>)
      %lt3A_84 = arith.constant 28 : i32
      %lt3A_85 = arith.cmpi slt, %add3A_49, %lt3A_84 : i32
      %convert_element_type3A_86 = arith.extui %lt3A_85 : i1 to i32
      %cond3A_87 = arith.constant 0 : i32
      %cond3A_88 = arith.cmpi ne, %convert_element_type3A_86, %cond3A_87 : i32
      scf.if %cond3A_88 {
        %mul3A_114 = arith.constant 360 : i32
        %mul3A_115 = arith.muli %add3A_49, %mul3A_114 : i32
        %add3A_116 = arith.addi %mul3A_18, %mul3A_115 : i32
        %mul3A_117 = arith.constant 360 : i32
        %mul3A_118 = arith.muli %sub3A_47, %mul3A_117 : i32
        %dma_wait3A_119 = tpu.memref_slice %arg6[%mul3A_118] : memref<1440xi32, #tpu.memory_space<vmem>> -> memref<360xi32, #tpu.memory_space<vmem>>
        %dma_wait3A_120 = tpu.memref_slice %arg3[%add3A_116] : memref<322560xi32, #tpu.memory_space<hbm>> -> memref<360xi32, #tpu.memory_space<hbm>>
        %dma_wait3A_121 = tpu.memref_slice %arg6[%mul3A_118] : memref<1440xi32, #tpu.memory_space<vmem>> -> memref<360xi32, #tpu.memory_space<vmem>>
        %dma_wait3A_122 = tpu.memref_slice %arg3[%add3A_116] : memref<322560xi32, #tpu.memory_space<hbm>> -> memref<360xi32, #tpu.memory_space<hbm>>
        tpu.wait_dma2 semaphore(%arg14 : memref<!tpu.dma_semaphore, #tpu.memory_space<semaphore_mem>>) src(%dma_wait3A_122 : memref<360xi32, #tpu.memory_space<hbm>>) dst(%dma_wait3A_121 : memref<360xi32, #tpu.memory_space<vmem>>)
        %mul3A_123 = arith.constant 360 : i32
        %mul3A_124 = arith.muli %add3A_49, %mul3A_123 : i32
        %add3A_125 = arith.addi %mul3A_18, %mul3A_124 : i32
        %mul3A_126 = arith.constant 360 : i32
        %mul3A_127 = arith.muli %sub3A_47, %mul3A_126 : i32
        %add3A_128 = arith.constant 720 : i32
        %add3A_129 = arith.addi %add3A_128, %mul3A_127 : i32
        %dma_wait3A_130 = tpu.memref_slice %arg6[%add3A_129] : memref<1440xi32, #tpu.memory_space<vmem>> -> memref<360xi32, #tpu.memory_space<vmem>>
        %dma_wait3A_131 = tpu.memref_slice %arg4[%add3A_125] : memref<322560xi32, #tpu.memory_space<hbm>> -> memref<360xi32, #tpu.memory_space<hbm>>
        %dma_wait3A_132 = tpu.memref_slice %arg6[%add3A_129] : memref<1440xi32, #tpu.memory_space<vmem>> -> memref<360xi32, #tpu.memory_space<vmem>>
        %dma_wait3A_133 = tpu.memref_slice %arg4[%add3A_125] : memref<322560xi32, #tpu.memory_space<hbm>> -> memref<360xi32, #tpu.memory_space<hbm>>
        tpu.wait_dma2 semaphore(%arg14 : memref<!tpu.dma_semaphore, #tpu.memory_space<semaphore_mem>>) src(%dma_wait3A_133 : memref<360xi32, #tpu.memory_space<hbm>>) dst(%dma_wait3A_132 : memref<360xi32, #tpu.memory_space<vmem>>)
        %mul3A_134 = arith.constant 360 : i32
        %mul3A_135 = arith.muli %sub3A_47, %mul3A_134 : i32
        %dma_start3A_136 = tpu.memref_slice %arg6[%mul3A_135] : memref<1440xi32, #tpu.memory_space<vmem>> -> memref<120xi32, #tpu.memory_space<vmem>>
        %dma_start3A_137 = arith.constant 0 : i32
        %dma_start3A_138 = arith.constant 0 : i32
        %dma_start3A_139 = tpu.memref_slice %arg2[%dma_start3A_137, %dma_start3A_138] : memref<10000x128xf32, #tpu.memory_space<hbm>> -> memref<10000x128xf32, #tpu.memory_space<hbm>>
        tpu.enqueue_indirect_dma source(%dma_start3A_139 : memref<10000x128xf32, #tpu.memory_space<hbm>>) target(%arg7 : memref<120x128xf32, #tpu.memory_space<vmem>>) offsets(%dma_start3A_136 : memref<120xi32, #tpu.memory_space<vmem>>) semaphore(%arg11 : memref<!tpu.dma_semaphore, #tpu.memory_space<semaphore_mem>>)
      } else {
      }
      %mul3A_89 = arith.constant 360 : i32
      %mul3A_90 = arith.muli %rem3A_46, %mul3A_89 : i32
      %add3A_91 = arith.constant 720 : i32
      %add3A_92 = arith.addi %add3A_91, %mul3A_90 : i32
      %add3A_93 = arith.constant 120 : i32
      %add3A_94 = arith.addi %add3A_92, %add3A_93 : i32
      "tpu.region"() ({
        %run_scoped3A = tpu.sem_alloc : memref<!tpu.dma_semaphore, #tpu.memory_space<semaphore_mem>>
        %dma_start3A_114 = tpu.memref_slice %arg6[%add3A_94] : memref<1440xi32, #tpu.memory_space<vmem>> -> memref<120xi32, #tpu.memory_space<vmem>>
        %dma_start3A_115 = arith.constant 0 : i32
        %dma_start3A_116 = arith.constant 0 : i32
        %dma_start3A_117 = tpu.memref_slice %arg10[%dma_start3A_115, %dma_start3A_116] : memref<10016x128xf32, #tpu.memory_space<vmem_shared>> -> memref<10016x128xf32, #tpu.memory_space<vmem_shared>>
        tpu.enqueue_indirect_dma source(%arg8 : memref<120x128xf32, #tpu.memory_space<vmem>>) target(%dma_start3A_117 : memref<10016x128xf32, #tpu.memory_space<vmem_shared>>) offsets(%dma_start3A_114 : memref<120xi32, #tpu.memory_space<vmem>>) semaphore(%run_scoped3A : memref<!tpu.dma_semaphore, #tpu.memory_space<semaphore_mem>>) {add = true}
        %dma_wait3A_118 = tpu.memref_slice %arg6[%add3A_94] : memref<1440xi32, #tpu.memory_space<vmem>> -> memref<120xi32, #tpu.memory_space<vmem>>
        %dma_wait3A_119 = arith.constant 0 : i32
        %dma_wait3A_120 = arith.constant 0 : i32
        %dma_wait3A_121 = tpu.memref_slice %arg10[%dma_wait3A_119, %dma_wait3A_120] : memref<10016x128xf32, #tpu.memory_space<vmem_shared>> -> memref<10016x128xf32, #tpu.memory_space<vmem_shared>>
        tpu.wait_indirect_dma semaphore(%run_scoped3A : memref<!tpu.dma_semaphore, #tpu.memory_space<semaphore_mem>>) src(%arg8 : memref<120x128xf32, #tpu.memory_space<vmem>>) dst(%dma_wait3A_121 : memref<10016x128xf32, #tpu.memory_space<vmem_shared>>)
        tpu.yield
      }) : () -> ()
      %mul3A_95 = arith.constant 360 : i32
      %mul3A_96 = arith.muli %rem3A_46, %mul3A_95 : i32
      %add3A_97 = arith.constant 240 : i32
      %add3A_98 = arith.addi %mul3A_96, %add3A_97 : i32
      %dma_wait3A_99 = tpu.memref_slice %arg6[%add3A_98] : memref<1440xi32, #tpu.memory_space<vmem>> -> memref<120xi32, #tpu.memory_space<vmem>>
      %dma_wait3A_100 = arith.constant 0 : i32
      %dma_wait3A_101 = arith.constant 0 : i32
      %dma_wait3A_102 = tpu.memref_slice %arg2[%dma_wait3A_100, %dma_wait3A_101] : memref<10000x128xf32, #tpu.memory_space<hbm>> -> memref<10000x128xf32, #tpu.memory_space<hbm>>
      tpu.wait_indirect_dma semaphore(%arg13 : memref<!tpu.dma_semaphore, #tpu.memory_space<semaphore_mem>>) src(%dma_wait3A_102 : memref<10000x128xf32, #tpu.memory_space<hbm>>) dst(%arg9 : memref<120x128xf32, #tpu.memory_space<vmem>>)
      %lt3A_103 = arith.constant 28 : i32
      %lt3A_104 = arith.cmpi slt, %add3A_49, %lt3A_103 : i32
      %convert_element_type3A_105 = arith.extui %lt3A_104 : i1 to i32
      %cond3A_106 = arith.constant 0 : i32
      %cond3A_107 = arith.cmpi ne, %convert_element_type3A_105, %cond3A_106 : i32
      scf.if %cond3A_107 {
        %mul3A_114 = arith.constant 360 : i32
        %mul3A_115 = arith.muli %sub3A_47, %mul3A_114 : i32
        %add3A_116 = arith.constant 120 : i32
        %add3A_117 = arith.addi %mul3A_115, %add3A_116 : i32
        %dma_start3A_118 = tpu.memref_slice %arg6[%add3A_117] : memref<1440xi32, #tpu.memory_space<vmem>> -> memref<120xi32, #tpu.memory_space<vmem>>
        %dma_start3A_119 = arith.constant 0 : i32
        %dma_start3A_120 = arith.constant 0 : i32
        %dma_start3A_121 = tpu.memref_slice %arg2[%dma_start3A_119, %dma_start3A_120] : memref<10000x128xf32, #tpu.memory_space<hbm>> -> memref<10000x128xf32, #tpu.memory_space<hbm>>
        tpu.enqueue_indirect_dma source(%dma_start3A_121 : memref<10000x128xf32, #tpu.memory_space<hbm>>) target(%arg8 : memref<120x128xf32, #tpu.memory_space<vmem>>) offsets(%dma_start3A_118 : memref<120xi32, #tpu.memory_space<vmem>>) semaphore(%arg12 : memref<!tpu.dma_semaphore, #tpu.memory_space<semaphore_mem>>)
      } else {
      }
      %mul3A_108 = arith.constant 360 : i32
      %mul3A_109 = arith.muli %rem3A_46, %mul3A_108 : i32
      %add3A_110 = arith.constant 720 : i32
      %add3A_111 = arith.addi %add3A_110, %mul3A_109 : i32
      %add3A_112 = arith.constant 240 : i32
      %add3A_113 = arith.addi %add3A_111, %add3A_112 : i32
      "tpu.region"() ({
        %run_scoped3A = tpu.sem_alloc : memref<!tpu.dma_semaphore, #tpu.memory_space<semaphore_mem>>
        %dma_start3A_114 = tpu.memref_slice %arg6[%add3A_113] : memref<1440xi32, #tpu.memory_space<vmem>> -> memref<120xi32, #tpu.memory_space<vmem>>
        %dma_start3A_115 = arith.constant 0 : i32
        %dma_start3A_116 = arith.constant 0 : i32
        %dma_start3A_117 = tpu.memref_slice %arg10[%dma_start3A_115, %dma_start3A_116] : memref<10016x128xf32, #tpu.memory_space<vmem_shared>> -> memref<10016x128xf32, #tpu.memory_space<vmem_shared>>
        tpu.enqueue_indirect_dma source(%arg9 : memref<120x128xf32, #tpu.memory_space<vmem>>) target(%dma_start3A_117 : memref<10016x128xf32, #tpu.memory_space<vmem_shared>>) offsets(%dma_start3A_114 : memref<120xi32, #tpu.memory_space<vmem>>) semaphore(%run_scoped3A : memref<!tpu.dma_semaphore, #tpu.memory_space<semaphore_mem>>) {add = true}
        %dma_wait3A_118 = tpu.memref_slice %arg6[%add3A_113] : memref<1440xi32, #tpu.memory_space<vmem>> -> memref<120xi32, #tpu.memory_space<vmem>>
        %dma_wait3A_119 = arith.constant 0 : i32
        %dma_wait3A_120 = arith.constant 0 : i32
        %dma_wait3A_121 = tpu.memref_slice %arg10[%dma_wait3A_119, %dma_wait3A_120] : memref<10016x128xf32, #tpu.memory_space<vmem_shared>> -> memref<10016x128xf32, #tpu.memory_space<vmem_shared>>
        tpu.wait_indirect_dma semaphore(%run_scoped3A : memref<!tpu.dma_semaphore, #tpu.memory_space<semaphore_mem>>) src(%arg9 : memref<120x128xf32, #tpu.memory_space<vmem>>) dst(%dma_wait3A_121 : memref<10016x128xf32, #tpu.memory_space<vmem_shared>>)
        tpu.yield
      }) : () -> ()
    }
    %scan3A_33 = arith.constant 28 : i32
    %barrier3A_34 = arith.constant 0 : index
    tpu.barrier barrier_id(%barrier3A_34)
    %lt3A_35 = arith.constant 15 : i32
    %lt3A_36 = arith.cmpi slt, %arg1, %lt3A_35 : i32
    %convert_element_type3A_37 = arith.extui %lt3A_36 : i1 to i32
    %cond3A_38 = arith.constant 0 : i32
    %cond3A_39 = arith.cmpi ne, %convert_element_type3A_37, %cond3A_38 : i32
    scf.if %cond3A_39 {
      "tpu.region"() ({
        %run_scoped3A = tpu.sem_alloc : memref<!tpu.dma_semaphore, #tpu.memory_space<semaphore_mem>>
        %dma_start3A_45 = arith.constant 0 : i32
        %dma_start3A_46 = tpu.memref_slice %arg5[%arg0, %mul3A_8, %dma_start3A_45] : memref<2x10016x128xf32, #tpu.memory_space<hbm>> -> memref<1x632x128xf32, #tpu.memory_space<hbm>>
        %dma_start3A_47 = tpu.memref_squeeze %dma_start3A_46 : memref<1x632x128xf32, #tpu.memory_space<hbm>> -> memref<632x128xf32, #tpu.memory_space<hbm>>
        %dma_start3A_48 = arith.constant 0 : i32
        %dma_start3A_49 = tpu.memref_slice %arg10[%mul3A_8, %dma_start3A_48] : memref<10016x128xf32, #tpu.memory_space<vmem_shared>> -> memref<632x128xf32, #tpu.memory_space<vmem_shared>>
        tpu.enqueue_dma source(%dma_start3A_49 : memref<632x128xf32, #tpu.memory_space<vmem_shared>>) target(%dma_start3A_47 : memref<632x128xf32, #tpu.memory_space<hbm>>) target_semaphore(%run_scoped3A : memref<!tpu.dma_semaphore, #tpu.memory_space<semaphore_mem>>)
        %dma_wait3A = arith.constant 0 : i32
        %dma_wait3A_50 = tpu.memref_slice %arg5[%arg0, %mul3A_8, %dma_wait3A] : memref<2x10016x128xf32, #tpu.memory_space<hbm>> -> memref<1x632x128xf32, #tpu.memory_space<hbm>>
        %dma_wait3A_51 = tpu.memref_squeeze %dma_wait3A_50 : memref<1x632x128xf32, #tpu.memory_space<hbm>> -> memref<632x128xf32, #tpu.memory_space<hbm>>
        %dma_wait3A_52 = arith.constant 0 : i32
        %dma_wait3A_53 = tpu.memref_slice %arg10[%mul3A_8, %dma_wait3A_52] : memref<10016x128xf32, #tpu.memory_space<vmem_shared>> -> memref<632x128xf32, #tpu.memory_space<vmem_shared>>
        tpu.wait_dma2 semaphore(%run_scoped3A : memref<!tpu.dma_semaphore, #tpu.memory_space<semaphore_mem>>) src(%dma_wait3A_53 : memref<632x128xf32, #tpu.memory_space<vmem_shared>>) dst(%dma_wait3A_51 : memref<632x128xf32, #tpu.memory_space<hbm>>)
        tpu.yield
      }) : () -> ()
    } else {
    }
    %eq3A_40 = arith.constant 15 : i32
    %eq3A_41 = arith.cmpi eq, %arg1, %eq3A_40 : i32
    %convert_element_type3A_42 = arith.extui %eq3A_41 : i1 to i32
    %cond3A_43 = arith.constant 0 : i32
    %cond3A_44 = arith.cmpi ne, %convert_element_type3A_42, %cond3A_43 : i32
    scf.if %cond3A_44 {
      "tpu.region"() ({
        %run_scoped3A = tpu.sem_alloc : memref<!tpu.dma_semaphore, #tpu.memory_space<semaphore_mem>>
        %dma_start3A_45 = arith.constant 0 : i32
        %dma_start3A_46 = tpu.memref_slice %arg5[%arg0, %mul3A_8, %dma_start3A_45] : memref<2x10016x128xf32, #tpu.memory_space<hbm>> -> memref<1x536x128xf32, #tpu.memory_space<hbm>>
        %dma_start3A_47 = tpu.memref_squeeze %dma_start3A_46 : memref<1x536x128xf32, #tpu.memory_space<hbm>> -> memref<536x128xf32, #tpu.memory_space<hbm>>
        %dma_start3A_48 = arith.constant 0 : i32
        %dma_start3A_49 = tpu.memref_slice %arg10[%mul3A_8, %dma_start3A_48] : memref<10016x128xf32, #tpu.memory_space<vmem_shared>> -> memref<536x128xf32, #tpu.memory_space<vmem_shared>>
        tpu.enqueue_dma source(%dma_start3A_49 : memref<536x128xf32, #tpu.memory_space<vmem_shared>>) target(%dma_start3A_47 : memref<536x128xf32, #tpu.memory_space<hbm>>) target_semaphore(%run_scoped3A : memref<!tpu.dma_semaphore, #tpu.memory_space<semaphore_mem>>)
        %dma_wait3A = arith.constant 0 : i32
        %dma_wait3A_50 = tpu.memref_slice %arg5[%arg0, %mul3A_8, %dma_wait3A] : memref<2x10016x128xf32, #tpu.memory_space<hbm>> -> memref<1x536x128xf32, #tpu.memory_space<hbm>>
        %dma_wait3A_51 = tpu.memref_squeeze %dma_wait3A_50 : memref<1x536x128xf32, #tpu.memory_space<hbm>> -> memref<536x128xf32, #tpu.memory_space<hbm>>
        %dma_wait3A_52 = arith.constant 0 : i32
        %dma_wait3A_53 = tpu.memref_slice %arg10[%mul3A_8, %dma_wait3A_52] : memref<10016x128xf32, #tpu.memory_space<vmem_shared>> -> memref<536x128xf32, #tpu.memory_space<vmem_shared>>
        tpu.wait_dma2 semaphore(%run_scoped3A : memref<!tpu.dma_semaphore, #tpu.memory_space<semaphore_mem>>) src(%dma_wait3A_53 : memref<536x128xf32, #tpu.memory_space<vmem_shared>>) dst(%dma_wait3A_51 : memref<536x128xf32, #tpu.memory_space<hbm>>)
        tpu.yield
      }) : () -> ()
    } else {
    }
    return
  }
}

#map = affine_map<(d0, d1) -> (0, 0)>
#map1 = affine_map<(d0, d1) -> (0)>
#map2 = affine_map<(d0, d1) -> (0, 0, 0)>
module attributes {stable_mosaic.version = 14 : i64} {
  func.func @body(%arg0: i32, %arg1: i32, %arg2: memref<10000x128xf32, #tpu.memory_space<hbm>>, %arg3: memref<322560xi32, #tpu.memory_space<hbm>>, %arg4: memref<322560xi32, #tpu.memory_space<hbm>>, %arg5: memref<2x10016x128xf32, #tpu.memory_space<hbm>>, %arg6: memref<1440xi32, #tpu.memory_space<vmem>>, %arg7: memref<120x128xf32, #tpu.memory_space<vmem>>, %arg8: memref<120x128xf32, #tpu.memory_space<vmem>>, %arg9: memref<120x128xf32, #tpu.memory_space<vmem>>, %arg10: memref<10016x128xf32, #tpu.memory_space<vmem_shared>>, %arg11: memref<!tpu.dma_semaphore, #tpu.memory_space<semaphore_mem>>, %arg12: memref<!tpu.dma_semaphore, #tpu.memory_space<semaphore_mem>>, %arg13: memref<!tpu.dma_semaphore, #tpu.memory_space<semaphore_mem>>, %arg14: memref<!tpu.dma_semaphore, #tpu.memory_space<semaphore_mem>>) attributes {dimension_semantics = [#tpu.dimension_semantics<core_parallel>, #tpu.dimension_semantics<subcore_parallel>], iteration_bounds = array<i64: 2, 16>, scalar_prefetch = 0 : i64, scratch_operands = 9 : i64, tpu.core_type = #tpu.core_type<sc_vector_subcore>, window_params = [{transform_indices = #map}, {transform_indices = #map1}, {transform_indices = #map1}, {transform_indices = #map2}]} {
    %mul3A = arith.constant 16 : i32
    %mul3A_0 = arith.muli %arg0, %mul3A : i32
    %add3A = arith.addi %mul3A_0, %arg1 : i32
    %broadcast_in_dim3A = arith.constant 0.000000e+00 : f32
    %broadcast_in_dim3A_1 = vector.broadcast %broadcast_in_dim3A : f32 to vector<16xf32>
    %scan3A = arith.constant 0 : i32
    %scan3A_2 = arith.constant 0 : i32
    %scan3A_3 = arith.constant 120 : i32
    %scan3A_4 = arith.addi %scan3A_2, %scan3A_3 : i32
    %scan3A_5 = arith.constant 1 : i32
    scf.for %scan3A_45 = %scan3A_2 to %scan3A_4 step %scan3A_5  : i32 {
      %swap3A = arith.index_cast %scan3A_45 : i32 to index
      %swap3A_46 = arith.constant 0 : index
      %swap3A_47 = tpu.vector_load %arg7[%swap3A, %swap3A_46] {strides = array<i32>} : memref<120x128xf32, #tpu.memory_space<vmem>>, vector<16xf32>,
      tpu.vector_store %arg7[%swap3A, %swap3A_46], %broadcast_in_dim3A_1 {strides = array<i32>} : memref<120x128xf32, #tpu.memory_space<vmem>>, vector<16xf32>,
      %swap3A_48 = arith.index_cast %scan3A_45 : i32 to index
      %swap3A_49 = arith.constant 16 : index
      %swap3A_50 = tpu.vector_load %arg7[%swap3A_48, %swap3A_49] {strides = array<i32>} : memref<120x128xf32, #tpu.memory_space<vmem>>, vector<16xf32>,
      tpu.vector_store %arg7[%swap3A_48, %swap3A_49], %broadcast_in_dim3A_1 {strides = array<i32>} : memref<120x128xf32, #tpu.memory_space<vmem>>, vector<16xf32>,
      %swap3A_51 = arith.index_cast %scan3A_45 : i32 to index
      %swap3A_52 = arith.constant 32 : index
      %swap3A_53 = tpu.vector_load %arg7[%swap3A_51, %swap3A_52] {strides = array<i32>} : memref<120x128xf32, #tpu.memory_space<vmem>>, vector<16xf32>,
      tpu.vector_store %arg7[%swap3A_51, %swap3A_52], %broadcast_in_dim3A_1 {strides = array<i32>} : memref<120x128xf32, #tpu.memory_space<vmem>>, vector<16xf32>,
      %swap3A_54 = arith.index_cast %scan3A_45 : i32 to index
      %swap3A_55 = arith.constant 48 : index
      %swap3A_56 = tpu.vector_load %arg7[%swap3A_54, %swap3A_55] {strides = array<i32>} : memref<120x128xf32, #tpu.memory_space<vmem>>, vector<16xf32>,
      tpu.vector_store %arg7[%swap3A_54, %swap3A_55], %broadcast_in_dim3A_1 {strides = array<i32>} : memref<120x128xf32, #tpu.memory_space<vmem>>, vector<16xf32>,
      %swap3A_57 = arith.index_cast %scan3A_45 : i32 to index
      %swap3A_58 = arith.constant 64 : index
      %swap3A_59 = tpu.vector_load %arg7[%swap3A_57, %swap3A_58] {strides = array<i32>} : memref<120x128xf32, #tpu.memory_space<vmem>>, vector<16xf32>,
      tpu.vector_store %arg7[%swap3A_57, %swap3A_58], %broadcast_in_dim3A_1 {strides = array<i32>} : memref<120x128xf32, #tpu.memory_space<vmem>>, vector<16xf32>,
      %swap3A_60 = arith.index_cast %scan3A_45 : i32 to index
      %swap3A_61 = arith.constant 80 : index
      %swap3A_62 = tpu.vector_load %arg7[%swap3A_60, %swap3A_61] {strides = array<i32>} : memref<120x128xf32, #tpu.memory_space<vmem>>, vector<16xf32>,
      tpu.vector_store %arg7[%swap3A_60, %swap3A_61], %broadcast_in_dim3A_1 {strides = array<i32>} : memref<120x128xf32, #tpu.memory_space<vmem>>, vector<16xf32>,
      %swap3A_63 = arith.index_cast %scan3A_45 : i32 to index
      %swap3A_64 = arith.constant 96 : index
      %swap3A_65 = tpu.vector_load %arg7[%swap3A_63, %swap3A_64] {strides = array<i32>} : memref<120x128xf32, #tpu.memory_space<vmem>>, vector<16xf32>,
      tpu.vector_store %arg7[%swap3A_63, %swap3A_64], %broadcast_in_dim3A_1 {strides = array<i32>} : memref<120x128xf32, #tpu.memory_space<vmem>>, vector<16xf32>,
      %swap3A_66 = arith.index_cast %scan3A_45 : i32 to index
      %swap3A_67 = arith.constant 112 : index
      %swap3A_68 = tpu.vector_load %arg7[%swap3A_66, %swap3A_67] {strides = array<i32>} : memref<120x128xf32, #tpu.memory_space<vmem>>, vector<16xf32>,
      tpu.vector_store %arg7[%swap3A_66, %swap3A_67], %broadcast_in_dim3A_1 {strides = array<i32>} : memref<120x128xf32, #tpu.memory_space<vmem>>, vector<16xf32>,
    }
    %scan3A_6 = arith.constant 120 : i32
    %mul3A_7 = arith.constant 632 : i32
    %mul3A_8 = arith.muli %arg1, %mul3A_7 : i32
    %lt3A = arith.constant 15 : i32
    %lt3A_9 = arith.cmpi slt, %arg1, %lt3A : i32
    %convert_element_type3A = arith.extui %lt3A_9 : i1 to i32
    %cond3A = arith.constant 0 : i32
    %cond3A_10 = arith.cmpi ne, %convert_element_type3A, %cond3A : i32
    scf.if %cond3A_10 {
      %add3A_45 = arith.constant 0 : i32
      %add3A_46 = arith.addi %mul3A_8, %add3A_45 : i32
      "tpu.region"() ({
        %run_scoped3A = tpu.sem_alloc : memref<!tpu.dma_semaphore, #tpu.memory_space<semaphore_mem>>
        %dma_start3A_57 = arith.constant 0 : i32
        %dma_start3A_58 = tpu.memref_slice %arg10[%add3A_46, %dma_start3A_57] : memref<10016x128xf32, #tpu.memory_space<vmem_shared>> -> memref<120x128xf32, #tpu.memory_space<vmem_shared>>
        %dma_start3A_59 = arith.constant 0 : i32
        %dma_start3A_60 = tpu.memref_slice %arg10[%add3A_46, %dma_start3A_59] : memref<10016x128xf32, #tpu.memory_space<vmem_shared>> -> memref<120x128xf32, #tpu.memory_space<vmem_shared>>
        tpu.enqueue_dma source(%arg7 : memref<120x128xf32, #tpu.memory_space<vmem>>) target(%dma_start3A_60 : memref<120x128xf32, #tpu.memory_space<vmem_shared>>) target_semaphore(%run_scoped3A : memref<!tpu.dma_semaphore, #tpu.memory_space<semaphore_mem>>)
        %dma_wait3A = arith.constant 0 : i32
        %dma_wait3A_61 = tpu.memref_slice %arg10[%add3A_46, %dma_wait3A] : memref<10016x128xf32, #tpu.memory_space<vmem_shared>> -> memref<120x128xf32, #tpu.memory_space<vmem_shared>>
        %dma_wait3A_62 = arith.constant 0 : i32
        %dma_wait3A_63 = tpu.memref_slice %arg10[%add3A_46, %dma_wait3A_62] : memref<10016x128xf32, #tpu.memory_space<vmem_shared>> -> memref<120x128xf32, #tpu.memory_space<vmem_shared>>
        tpu.wait_dma2 semaphore(%run_scoped3A : memref<!tpu.dma_semaphore, #tpu.memory_space<semaphore_mem>>) src(%arg7 : memref<120x128xf32, #tpu.memory_space<vmem>>) dst(%dma_wait3A_63 : memref<120x128xf32, #tpu.memory_space<vmem_shared>>)
        tpu.yield
      }) : () -> ()
      %add3A_47 = arith.constant 120 : i32
      %add3A_48 = arith.addi %mul3A_8, %add3A_47 : i32
      "tpu.region"() ({
        %run_scoped3A = tpu.sem_alloc : memref<!tpu.dma_semaphore, #tpu.memory_space<semaphore_mem>>
        %dma_start3A_57 = arith.constant 0 : i32
        %dma_start3A_58 = tpu.memref_slice %arg10[%add3A_48, %dma_start3A_57] : memref<10016x128xf32, #tpu.memory_space<vmem_shared>> -> memref<120x128xf32, #tpu.memory_space<vmem_shared>>
        %dma_start3A_59 = arith.constant 0 : i32
        %dma_start3A_60 = tpu.memref_slice %arg10[%add3A_48, %dma_start3A_59] : memref<10016x128xf32, #tpu.memory_space<vmem_shared>> -> memref<120x128xf32, #tpu.memory_space<vmem_shared>>
        tpu.enqueue_dma source(%arg7 : memref<120x128xf32, #tpu.memory_space<vmem>>) target(%dma_start3A_60 : memref<120x128xf32, #tpu.memory_space<vmem_shared>>) target_semaphore(%run_scoped3A : memref<!tpu.dma_semaphore, #tpu.memory_space<semaphore_mem>>)
        %dma_wait3A = arith.constant 0 : i32
        %dma_wait3A_61 = tpu.memref_slice %arg10[%add3A_48, %dma_wait3A] : memref<10016x128xf32, #tpu.memory_space<vmem_shared>> -> memref<120x128xf32, #tpu.memory_space<vmem_shared>>
        %dma_wait3A_62 = arith.constant 0 : i32
        %dma_wait3A_63 = tpu.memref_slice %arg10[%add3A_48, %dma_wait3A_62] : memref<10016x128xf32, #tpu.memory_space<vmem_shared>> -> memref<120x128xf32, #tpu.memory_space<vmem_shared>>
        tpu.wait_dma2 semaphore(%run_scoped3A : memref<!tpu.dma_semaphore, #tpu.memory_space<semaphore_mem>>) src(%arg7 : memref<120x128xf32, #tpu.memory_space<vmem>>) dst(%dma_wait3A_63 : memref<120x128xf32, #tpu.memory_space<vmem_shared>>)
        tpu.yield
      }) : () -> ()
      %add3A_49 = arith.constant 240 : i32
      %add3A_50 = arith.addi %mul3A_8, %add3A_49 : i32
      "tpu.region"() ({
        %run_scoped3A = tpu.sem_alloc : memref<!tpu.dma_semaphore, #tpu.memory_space<semaphore_mem>>
        %dma_start3A_57 = arith.constant 0 : i32
        %dma_start3A_58 = tpu.memref_slice %arg10[%add3A_50, %dma_start3A_57] : memref<10016x128xf32, #tpu.memory_space<vmem_shared>> -> memref<120x128xf32, #tpu.memory_space<vmem_shared>>
        %dma_start3A_59 = arith.constant 0 : i32
        %dma_start3A_60 = tpu.memref_slice %arg10[%add3A_50, %dma_start3A_59] : memref<10016x128xf32, #tpu.memory_space<vmem_shared>> -> memref<120x128xf32, #tpu.memory_space<vmem_shared>>
        tpu.enqueue_dma source(%arg7 : memref<120x128xf32, #tpu.memory_space<vmem>>) target(%dma_start3A_60 : memref<120x128xf32, #tpu.memory_space<vmem_shared>>) target_semaphore(%run_scoped3A : memref<!tpu.dma_semaphore, #tpu.memory_space<semaphore_mem>>)
        %dma_wait3A = arith.constant 0 : i32
        %dma_wait3A_61 = tpu.memref_slice %arg10[%add3A_50, %dma_wait3A] : memref<10016x128xf32, #tpu.memory_space<vmem_shared>> -> memref<120x128xf32, #tpu.memory_space<vmem_shared>>
        %dma_wait3A_62 = arith.constant 0 : i32
        %dma_wait3A_63 = tpu.memref_slice %arg10[%add3A_50, %dma_wait3A_62] : memref<10016x128xf32, #tpu.memory_space<vmem_shared>> -> memref<120x128xf32, #tpu.memory_space<vmem_shared>>
        tpu.wait_dma2 semaphore(%run_scoped3A : memref<!tpu.dma_semaphore, #tpu.memory_space<semaphore_mem>>) src(%arg7 : memref<120x128xf32, #tpu.memory_space<vmem>>) dst(%dma_wait3A_63 : memref<120x128xf32, #tpu.memory_space<vmem_shared>>)
        tpu.yield
      }) : () -> ()
      %add3A_51 = arith.constant 360 : i32
      %add3A_52 = arith.addi %mul3A_8, %add3A_51 : i32
      "tpu.region"() ({
        %run_scoped3A = tpu.sem_alloc : memref<!tpu.dma_semaphore, #tpu.memory_space<semaphore_mem>>
        %dma_start3A_57 = arith.constant 0 : i32
        %dma_start3A_58 = tpu.memref_slice %arg10[%add3A_52, %dma_start3A_57] : memref<10016x128xf32, #tpu.memory_space<vmem_shared>> -> memref<120x128xf32, #tpu.memory_space<vmem_shared>>
        %dma_start3A_59 = arith.constant 0 : i32
        %dma_start3A_60 = tpu.memref_slice %arg10[%add3A_52, %dma_start3A_59] : memref<10016x128xf32, #tpu.memory_space<vmem_shared>> -> memref<120x128xf32, #tpu.memory_space<vmem_shared>>
        tpu.enqueue_dma source(%arg7 : memref<120x128xf32, #tpu.memory_space<vmem>>) target(%dma_start3A_60 : memref<120x128xf32, #tpu.memory_space<vmem_shared>>) target_semaphore(%run_scoped3A : memref<!tpu.dma_semaphore, #tpu.memory_space<semaphore_mem>>)
        %dma_wait3A = arith.constant 0 : i32
        %dma_wait3A_61 = tpu.memref_slice %arg10[%add3A_52, %dma_wait3A] : memref<10016x128xf32, #tpu.memory_space<vmem_shared>> -> memref<120x128xf32, #tpu.memory_space<vmem_shared>>
        %dma_wait3A_62 = arith.constant 0 : i32
        %dma_wait3A_63 = tpu.memref_slice %arg10[%add3A_52, %dma_wait3A_62] : memref<10016x128xf32, #tpu.memory_space<vmem_shared>> -> memref<120x128xf32, #tpu.memory_space<vmem_shared>>
        tpu.wait_dma2 semaphore(%run_scoped3A : memref<!tpu.dma_semaphore, #tpu.memory_space<semaphore_mem>>) src(%arg7 : memref<120x128xf32, #tpu.memory_space<vmem>>) dst(%dma_wait3A_63 : memref<120x128xf32, #tpu.memory_space<vmem_shared>>)
        tpu.yield
      }) : () -> ()
      %add3A_53 = arith.constant 480 : i32
      %add3A_54 = arith.addi %mul3A_8, %add3A_53 : i32
      "tpu.region"() ({
        %run_scoped3A = tpu.sem_alloc : memref<!tpu.dma_semaphore, #tpu.memory_space<semaphore_mem>>
        %dma_start3A_57 = arith.constant 0 : i32
        %dma_start3A_58 = tpu.memref_slice %arg10[%add3A_54, %dma_start3A_57] : memref<10016x128xf32, #tpu.memory_space<vmem_shared>> -> memref<120x128xf32, #tpu.memory_space<vmem_shared>>
        %dma_start3A_59 = arith.constant 0 : i32
        %dma_start3A_60 = tpu.memref_slice %arg10[%add3A_54, %dma_start3A_59] : memref<10016x128xf32, #tpu.memory_space<vmem_shared>> -> memref<120x128xf32, #tpu.memory_space<vmem_shared>>
        tpu.enqueue_dma source(%arg7 : memref<120x128xf32, #tpu.memory_space<vmem>>) target(%dma_start3A_60 : memref<120x128xf32, #tpu.memory_space<vmem_shared>>) target_semaphore(%run_scoped3A : memref<!tpu.dma_semaphore, #tpu.memory_space<semaphore_mem>>)
        %dma_wait3A = arith.constant 0 : i32
        %dma_wait3A_61 = tpu.memref_slice %arg10[%add3A_54, %dma_wait3A] : memref<10016x128xf32, #tpu.memory_space<vmem_shared>> -> memref<120x128xf32, #tpu.memory_space<vmem_shared>>
        %dma_wait3A_62 = arith.constant 0 : i32
        %dma_wait3A_63 = tpu.memref_slice %arg10[%add3A_54, %dma_wait3A_62] : memref<10016x128xf32, #tpu.memory_space<vmem_shared>> -> memref<120x128xf32, #tpu.memory_space<vmem_shared>>
        tpu.wait_dma2 semaphore(%run_scoped3A : memref<!tpu.dma_semaphore, #tpu.memory_space<semaphore_mem>>) src(%arg7 : memref<120x128xf32, #tpu.memory_space<vmem>>) dst(%dma_wait3A_63 : memref<120x128xf32, #tpu.memory_space<vmem_shared>>)
        tpu.yield
      }) : () -> ()
      %add3A_55 = arith.constant 600 : i32
      %add3A_56 = arith.addi %mul3A_8, %add3A_55 : i32
      "tpu.region"() ({
        %run_scoped3A = tpu.sem_alloc : memref<!tpu.dma_semaphore, #tpu.memory_space<semaphore_mem>>
        %dma_start3A_57 = arith.constant 0 : i32
        %dma_start3A_58 = arith.constant 0 : i32
        %dma_start3A_59 = tpu.memref_slice %arg7[%dma_start3A_57, %dma_start3A_58] : memref<120x128xf32, #tpu.memory_space<vmem>> -> memref<32x128xf32, #tpu.memory_space<vmem>>
        %dma_start3A_60 = arith.constant 0 : i32
        %dma_start3A_61 = tpu.memref_slice %arg10[%add3A_56, %dma_start3A_60] : memref<10016x128xf32, #tpu.memory_space<vmem_shared>> -> memref<32x128xf32, #tpu.memory_space<vmem_shared>>
        %dma_start3A_62 = arith.constant 0 : i32
        %dma_start3A_63 = tpu.memref_slice %arg10[%add3A_56, %dma_start3A_62] : memref<10016x128xf32, #tpu.memory_space<vmem_shared>> -> memref<32x128xf32, #tpu.memory_space<vmem_shared>>
        %dma_start3A_64 = arith.constant 0 : i32
        %dma_start3A_65 = arith.constant 0 : i32
        %dma_start3A_66 = tpu.memref_slice %arg7[%dma_start3A_64, %dma_start3A_65] : memref<120x128xf32, #tpu.memory_space<vmem>> -> memref<32x128xf32, #tpu.memory_space<vmem>>
        tpu.enqueue_dma source(%dma_start3A_66 : memref<32x128xf32, #tpu.memory_space<vmem>>) target(%dma_start3A_63 : memref<32x128xf32, #tpu.memory_space<vmem_shared>>) target_semaphore(%run_scoped3A : memref<!tpu.dma_semaphore, #tpu.memory_space<semaphore_mem>>)
        %dma_wait3A = arith.constant 0 : i32
        %dma_wait3A_67 = arith.constant 0 : i32
        %dma_wait3A_68 = tpu.memref_slice %arg7[%dma_wait3A, %dma_wait3A_67] : memref<120x128xf32, #tpu.memory_space<vmem>> -> memref<32x128xf32, #tpu.memory_space<vmem>>
        %dma_wait3A_69 = arith.constant 0 : i32
        %dma_wait3A_70 = tpu.memref_slice %arg10[%add3A_56, %dma_wait3A_69] : memref<10016x128xf32, #tpu.memory_space<vmem_shared>> -> memref<32x128xf32, #tpu.memory_space<vmem_shared>>
        %dma_wait3A_71 = arith.constant 0 : i32
        %dma_wait3A_72 = tpu.memref_slice %arg10[%add3A_56, %dma_wait3A_71] : memref<10016x128xf32, #tpu.memory_space<vmem_shared>> -> memref<32x128xf32, #tpu.memory_space<vmem_shared>>
        %dma_wait3A_73 = arith.constant 0 : i32
        %dma_wait3A_74 = arith.constant 0 : i32
        %dma_wait3A_75 = tpu.memref_slice %arg7[%dma_wait3A_73, %dma_wait3A_74] : memref<120x128xf32, #tpu.memory_space<vmem>> -> memref<32x128xf32, #tpu.memory_space<vmem>>
        tpu.wait_dma2 semaphore(%run_scoped3A : memref<!tpu.dma_semaphore, #tpu.memory_space<semaphore_mem>>) src(%dma_wait3A_75 : memref<32x128xf32, #tpu.memory_space<vmem>>) dst(%dma_wait3A_72 : memref<32x128xf32, #tpu.memory_space<vmem_shared>>)
        tpu.yield
      }) : () -> ()
    } else {
    }
    %eq3A = arith.constant 15 : i32
    %eq3A_11 = arith.cmpi eq, %arg1, %eq3A : i32
    %convert_element_type3A_12 = arith.extui %eq3A_11 : i1 to i32
    %cond3A_13 = arith.constant 0 : i32
    %cond3A_14 = arith.cmpi ne, %convert_element_type3A_12, %cond3A_13 : i32
    scf.if %cond3A_14 {
      %add3A_45 = arith.constant 0 : i32
      %add3A_46 = arith.addi %mul3A_8, %add3A_45 : i32
      "tpu.region"() ({
        %run_scoped3A = tpu.sem_alloc : memref<!tpu.dma_semaphore, #tpu.memory_space<semaphore_mem>>
        %dma_start3A_55 = arith.constant 0 : i32
        %dma_start3A_56 = tpu.memref_slice %arg10[%add3A_46, %dma_start3A_55] : memref<10016x128xf32, #tpu.memory_space<vmem_shared>> -> memref<120x128xf32, #tpu.memory_space<vmem_shared>>
        %dma_start3A_57 = arith.constant 0 : i32
        %dma_start3A_58 = tpu.memref_slice %arg10[%add3A_46, %dma_start3A_57] : memref<10016x128xf32, #tpu.memory_space<vmem_shared>> -> memref<120x128xf32, #tpu.memory_space<vmem_shared>>
        tpu.enqueue_dma source(%arg7 : memref<120x128xf32, #tpu.memory_space<vmem>>) target(%dma_start3A_58 : memref<120x128xf32, #tpu.memory_space<vmem_shared>>) target_semaphore(%run_scoped3A : memref<!tpu.dma_semaphore, #tpu.memory_space<semaphore_mem>>)
        %dma_wait3A = arith.constant 0 : i32
        %dma_wait3A_59 = tpu.memref_slice %arg10[%add3A_46, %dma_wait3A] : memref<10016x128xf32, #tpu.memory_space<vmem_shared>> -> memref<120x128xf32, #tpu.memory_space<vmem_shared>>
        %dma_wait3A_60 = arith.constant 0 : i32
        %dma_wait3A_61 = tpu.memref_slice %arg10[%add3A_46, %dma_wait3A_60] : memref<10016x128xf32, #tpu.memory_space<vmem_shared>> -> memref<120x128xf32, #tpu.memory_space<vmem_shared>>
        tpu.wait_dma2 semaphore(%run_scoped3A : memref<!tpu.dma_semaphore, #tpu.memory_space<semaphore_mem>>) src(%arg7 : memref<120x128xf32, #tpu.memory_space<vmem>>) dst(%dma_wait3A_61 : memref<120x128xf32, #tpu.memory_space<vmem_shared>>)
        tpu.yield
      }) : () -> ()
      %add3A_47 = arith.constant 120 : i32
      %add3A_48 = arith.addi %mul3A_8, %add3A_47 : i32
      "tpu.region"() ({
        %run_scoped3A = tpu.sem_alloc : memref<!tpu.dma_semaphore, #tpu.memory_space<semaphore_mem>>
        %dma_start3A_55 = arith.constant 0 : i32
        %dma_start3A_56 = tpu.memref_slice %arg10[%add3A_48, %dma_start3A_55] : memref<10016x128xf32, #tpu.memory_space<vmem_shared>> -> memref<120x128xf32, #tpu.memory_space<vmem_shared>>
        %dma_start3A_57 = arith.constant 0 : i32
        %dma_start3A_58 = tpu.memref_slice %arg10[%add3A_48, %dma_start3A_57] : memref<10016x128xf32, #tpu.memory_space<vmem_shared>> -> memref<120x128xf32, #tpu.memory_space<vmem_shared>>
        tpu.enqueue_dma source(%arg7 : memref<120x128xf32, #tpu.memory_space<vmem>>) target(%dma_start3A_58 : memref<120x128xf32, #tpu.memory_space<vmem_shared>>) target_semaphore(%run_scoped3A : memref<!tpu.dma_semaphore, #tpu.memory_space<semaphore_mem>>)
        %dma_wait3A = arith.constant 0 : i32
        %dma_wait3A_59 = tpu.memref_slice %arg10[%add3A_48, %dma_wait3A] : memref<10016x128xf32, #tpu.memory_space<vmem_shared>> -> memref<120x128xf32, #tpu.memory_space<vmem_shared>>
        %dma_wait3A_60 = arith.constant 0 : i32
        %dma_wait3A_61 = tpu.memref_slice %arg10[%add3A_48, %dma_wait3A_60] : memref<10016x128xf32, #tpu.memory_space<vmem_shared>> -> memref<120x128xf32, #tpu.memory_space<vmem_shared>>
        tpu.wait_dma2 semaphore(%run_scoped3A : memref<!tpu.dma_semaphore, #tpu.memory_space<semaphore_mem>>) src(%arg7 : memref<120x128xf32, #tpu.memory_space<vmem>>) dst(%dma_wait3A_61 : memref<120x128xf32, #tpu.memory_space<vmem_shared>>)
        tpu.yield
      }) : () -> ()
      %add3A_49 = arith.constant 240 : i32
      %add3A_50 = arith.addi %mul3A_8, %add3A_49 : i32
      "tpu.region"() ({
        %run_scoped3A = tpu.sem_alloc : memref<!tpu.dma_semaphore, #tpu.memory_space<semaphore_mem>>
        %dma_start3A_55 = arith.constant 0 : i32
        %dma_start3A_56 = tpu.memref_slice %arg10[%add3A_50, %dma_start3A_55] : memref<10016x128xf32, #tpu.memory_space<vmem_shared>> -> memref<120x128xf32, #tpu.memory_space<vmem_shared>>
        %dma_start3A_57 = arith.constant 0 : i32
        %dma_start3A_58 = tpu.memref_slice %arg10[%add3A_50, %dma_start3A_57] : memref<10016x128xf32, #tpu.memory_space<vmem_shared>> -> memref<120x128xf32, #tpu.memory_space<vmem_shared>>
        tpu.enqueue_dma source(%arg7 : memref<120x128xf32, #tpu.memory_space<vmem>>) target(%dma_start3A_58 : memref<120x128xf32, #tpu.memory_space<vmem_shared>>) target_semaphore(%run_scoped3A : memref<!tpu.dma_semaphore, #tpu.memory_space<semaphore_mem>>)
        %dma_wait3A = arith.constant 0 : i32
        %dma_wait3A_59 = tpu.memref_slice %arg10[%add3A_50, %dma_wait3A] : memref<10016x128xf32, #tpu.memory_space<vmem_shared>> -> memref<120x128xf32, #tpu.memory_space<vmem_shared>>
        %dma_wait3A_60 = arith.constant 0 : i32
        %dma_wait3A_61 = tpu.memref_slice %arg10[%add3A_50, %dma_wait3A_60] : memref<10016x128xf32, #tpu.memory_space<vmem_shared>> -> memref<120x128xf32, #tpu.memory_space<vmem_shared>>
        tpu.wait_dma2 semaphore(%run_scoped3A : memref<!tpu.dma_semaphore, #tpu.memory_space<semaphore_mem>>) src(%arg7 : memref<120x128xf32, #tpu.memory_space<vmem>>) dst(%dma_wait3A_61 : memref<120x128xf32, #tpu.memory_space<vmem_shared>>)
        tpu.yield
      }) : () -> ()
      %add3A_51 = arith.constant 360 : i32
      %add3A_52 = arith.addi %mul3A_8, %add3A_51 : i32
      "tpu.region"() ({
        %run_scoped3A = tpu.sem_alloc : memref<!tpu.dma_semaphore, #tpu.memory_space<semaphore_mem>>
        %dma_start3A_55 = arith.constant 0 : i32
        %dma_start3A_56 = tpu.memref_slice %arg10[%add3A_52, %dma_start3A_55] : memref<10016x128xf32, #tpu.memory_space<vmem_shared>> -> memref<120x128xf32, #tpu.memory_space<vmem_shared>>
        %dma_start3A_57 = arith.constant 0 : i32
        %dma_start3A_58 = tpu.memref_slice %arg10[%add3A_52, %dma_start3A_57] : memref<10016x128xf32, #tpu.memory_space<vmem_shared>> -> memref<120x128xf32, #tpu.memory_space<vmem_shared>>
        tpu.enqueue_dma source(%arg7 : memref<120x128xf32, #tpu.memory_space<vmem>>) target(%dma_start3A_58 : memref<120x128xf32, #tpu.memory_space<vmem_shared>>) target_semaphore(%run_scoped3A : memref<!tpu.dma_semaphore, #tpu.memory_space<semaphore_mem>>)
        %dma_wait3A = arith.constant 0 : i32
        %dma_wait3A_59 = tpu.memref_slice %arg10[%add3A_52, %dma_wait3A] : memref<10016x128xf32, #tpu.memory_space<vmem_shared>> -> memref<120x128xf32, #tpu.memory_space<vmem_shared>>
        %dma_wait3A_60 = arith.constant 0 : i32
        %dma_wait3A_61 = tpu.memref_slice %arg10[%add3A_52, %dma_wait3A_60] : memref<10016x128xf32, #tpu.memory_space<vmem_shared>> -> memref<120x128xf32, #tpu.memory_space<vmem_shared>>
        tpu.wait_dma2 semaphore(%run_scoped3A : memref<!tpu.dma_semaphore, #tpu.memory_space<semaphore_mem>>) src(%arg7 : memref<120x128xf32, #tpu.memory_space<vmem>>) dst(%dma_wait3A_61 : memref<120x128xf32, #tpu.memory_space<vmem_shared>>)
        tpu.yield
      }) : () -> ()
      %add3A_53 = arith.constant 480 : i32
      %add3A_54 = arith.addi %mul3A_8, %add3A_53 : i32
      "tpu.region"() ({
        %run_scoped3A = tpu.sem_alloc : memref<!tpu.dma_semaphore, #tpu.memory_space<semaphore_mem>>
        %dma_start3A_55 = arith.constant 0 : i32
        %dma_start3A_56 = arith.constant 0 : i32
        %dma_start3A_57 = tpu.memref_slice %arg7[%dma_start3A_55, %dma_start3A_56] : memref<120x128xf32, #tpu.memory_space<vmem>> -> memref<56x128xf32, #tpu.memory_space<vmem>>
        %dma_start3A_58 = arith.constant 0 : i32
        %dma_start3A_59 = tpu.memref_slice %arg10[%add3A_54, %dma_start3A_58] : memref<10016x128xf32, #tpu.memory_space<vmem_shared>> -> memref<56x128xf32, #tpu.memory_space<vmem_shared>>
        %dma_start3A_60 = arith.constant 0 : i32
        %dma_start3A_61 = tpu.memref_slice %arg10[%add3A_54, %dma_start3A_60] : memref<10016x128xf32, #tpu.memory_space<vmem_shared>> -> memref<56x128xf32, #tpu.memory_space<vmem_shared>>
        %dma_start3A_62 = arith.constant 0 : i32
        %dma_start3A_63 = arith.constant 0 : i32
        %dma_start3A_64 = tpu.memref_slice %arg7[%dma_start3A_62, %dma_start3A_63] : memref<120x128xf32, #tpu.memory_space<vmem>> -> memref<56x128xf32, #tpu.memory_space<vmem>>
        tpu.enqueue_dma source(%dma_start3A_64 : memref<56x128xf32, #tpu.memory_space<vmem>>) target(%dma_start3A_61 : memref<56x128xf32, #tpu.memory_space<vmem_shared>>) target_semaphore(%run_scoped3A : memref<!tpu.dma_semaphore, #tpu.memory_space<semaphore_mem>>)
        %dma_wait3A = arith.constant 0 : i32
        %dma_wait3A_65 = arith.constant 0 : i32
        %dma_wait3A_66 = tpu.memref_slice %arg7[%dma_wait3A, %dma_wait3A_65] : memref<120x128xf32, #tpu.memory_space<vmem>> -> memref<56x128xf32, #tpu.memory_space<vmem>>
        %dma_wait3A_67 = arith.constant 0 : i32
        %dma_wait3A_68 = tpu.memref_slice %arg10[%add3A_54, %dma_wait3A_67] : memref<10016x128xf32, #tpu.memory_space<vmem_shared>> -> memref<56x128xf32, #tpu.memory_space<vmem_shared>>
        %dma_wait3A_69 = arith.constant 0 : i32
        %dma_wait3A_70 = tpu.memref_slice %arg10[%add3A_54, %dma_wait3A_69] : memref<10016x128xf32, #tpu.memory_space<vmem_shared>> -> memref<56x128xf32, #tpu.memory_space<vmem_shared>>
        %dma_wait3A_71 = arith.constant 0 : i32
        %dma_wait3A_72 = arith.constant 0 : i32
        %dma_wait3A_73 = tpu.memref_slice %arg7[%dma_wait3A_71, %dma_wait3A_72] : memref<120x128xf32, #tpu.memory_space<vmem>> -> memref<56x128xf32, #tpu.memory_space<vmem>>
        tpu.wait_dma2 semaphore(%run_scoped3A : memref<!tpu.dma_semaphore, #tpu.memory_space<semaphore_mem>>) src(%dma_wait3A_73 : memref<56x128xf32, #tpu.memory_space<vmem>>) dst(%dma_wait3A_70 : memref<56x128xf32, #tpu.memory_space<vmem_shared>>)
        tpu.yield
      }) : () -> ()
    } else {
    }
    %barrier3A = arith.constant 0 : index
    tpu.barrier barrier_id(%barrier3A)
    %mul3A_15 = arith.constant 84 : i32
    %mul3A_16 = arith.muli %add3A, %mul3A_15 : i32
    %mul3A_17 = arith.constant 120 : i32
    %mul3A_18 = arith.muli %mul3A_16, %mul3A_17 : i32
    "tpu.region"() ({
      %run_scoped3A = tpu.sem_alloc : memref<!tpu.dma_semaphore, #tpu.memory_space<semaphore_mem>>
      %dma_start3A_45 = arith.constant 0 : i32
      %dma_start3A_46 = tpu.memref_slice %arg6[%dma_start3A_45] : memref<1440xi32, #tpu.memory_space<vmem>> -> memref<360xi32, #tpu.memory_space<vmem>>
      %dma_start3A_47 = tpu.memref_slice %arg3[%mul3A_18] : memref<322560xi32, #tpu.memory_space<hbm>> -> memref<360xi32, #tpu.memory_space<hbm>>
      %dma_start3A_48 = arith.constant 0 : i32
      %dma_start3A_49 = tpu.memref_slice %arg6[%dma_start3A_48] : memref<1440xi32, #tpu.memory_space<vmem>> -> memref<360xi32, #tpu.memory_space<vmem>>
      %dma_start3A_50 = tpu.memref_slice %arg3[%mul3A_18] : memref<322560xi32, #tpu.memory_space<hbm>> -> memref<360xi32, #tpu.memory_space<hbm>>
      tpu.enqueue_dma source(%dma_start3A_50 : memref<360xi32, #tpu.memory_space<hbm>>) target(%dma_start3A_49 : memref<360xi32, #tpu.memory_space<vmem>>) target_semaphore(%run_scoped3A : memref<!tpu.dma_semaphore, #tpu.memory_space<semaphore_mem>>)
      %dma_wait3A = arith.constant 0 : i32
      %dma_wait3A_51 = tpu.memref_slice %arg6[%dma_wait3A] : memref<1440xi32, #tpu.memory_space<vmem>> -> memref<360xi32, #tpu.memory_space<vmem>>
      %dma_wait3A_52 = tpu.memref_slice %arg3[%mul3A_18] : memref<322560xi32, #tpu.memory_space<hbm>> -> memref<360xi32, #tpu.memory_space<hbm>>
      %dma_wait3A_53 = arith.constant 0 : i32
      %dma_wait3A_54 = tpu.memref_slice %arg6[%dma_wait3A_53] : memref<1440xi32, #tpu.memory_space<vmem>> -> memref<360xi32, #tpu.memory_space<vmem>>
      %dma_wait3A_55 = tpu.memref_slice %arg3[%mul3A_18] : memref<322560xi32, #tpu.memory_space<hbm>> -> memref<360xi32, #tpu.memory_space<hbm>>
      tpu.wait_dma2 semaphore(%run_scoped3A : memref<!tpu.dma_semaphore, #tpu.memory_space<semaphore_mem>>) src(%dma_wait3A_55 : memref<360xi32, #tpu.memory_space<hbm>>) dst(%dma_wait3A_54 : memref<360xi32, #tpu.memory_space<vmem>>)
      tpu.yield
    }) : () -> ()
    "tpu.region"() ({
      %run_scoped3A = tpu.sem_alloc : memref<!tpu.dma_semaphore, #tpu.memory_space<semaphore_mem>>
      %dma_start3A_45 = arith.constant 720 : i32
      %dma_start3A_46 = tpu.memref_slice %arg6[%dma_start3A_45] : memref<1440xi32, #tpu.memory_space<vmem>> -> memref<360xi32, #tpu.memory_space<vmem>>
      %dma_start3A_47 = tpu.memref_slice %arg4[%mul3A_18] : memref<322560xi32, #tpu.memory_space<hbm>> -> memref<360xi32, #tpu.memory_space<hbm>>
      %dma_start3A_48 = arith.constant 720 : i32
      %dma_start3A_49 = tpu.memref_slice %arg6[%dma_start3A_48] : memref<1440xi32, #tpu.memory_space<vmem>> -> memref<360xi32, #tpu.memory_space<vmem>>
      %dma_start3A_50 = tpu.memref_slice %arg4[%mul3A_18] : memref<322560xi32, #tpu.memory_space<hbm>> -> memref<360xi32, #tpu.memory_space<hbm>>
      tpu.enqueue_dma source(%dma_start3A_50 : memref<360xi32, #tpu.memory_space<hbm>>) target(%dma_start3A_49 : memref<360xi32, #tpu.memory_space<vmem>>) target_semaphore(%run_scoped3A : memref<!tpu.dma_semaphore, #tpu.memory_space<semaphore_mem>>)
      %dma_wait3A = arith.constant 720 : i32
      %dma_wait3A_51 = tpu.memref_slice %arg6[%dma_wait3A] : memref<1440xi32, #tpu.memory_space<vmem>> -> memref<360xi32, #tpu.memory_space<vmem>>
      %dma_wait3A_52 = tpu.memref_slice %arg4[%mul3A_18] : memref<322560xi32, #tpu.memory_space<hbm>> -> memref<360xi32, #tpu.memory_space<hbm>>
      %dma_wait3A_53 = arith.constant 720 : i32
      %dma_wait3A_54 = tpu.memref_slice %arg6[%dma_wait3A_53] : memref<1440xi32, #tpu.memory_space<vmem>> -> memref<360xi32, #tpu.memory_space<vmem>>
      %dma_wait3A_55 = tpu.memref_slice %arg4[%mul3A_18] : memref<322560xi32, #tpu.memory_space<hbm>> -> memref<360xi32, #tpu.memory_space<hbm>>
      tpu.wait_dma2 semaphore(%run_scoped3A : memref<!tpu.dma_semaphore, #tpu.memory_space<semaphore_mem>>) src(%dma_wait3A_55 : memref<360xi32, #tpu.memory_space<hbm>>) dst(%dma_wait3A_54 : memref<360xi32, #tpu.memory_space<vmem>>)
      tpu.yield
    }) : () -> ()
    %dma_start3A = arith.constant 0 : i32
    %dma_start3A_19 = tpu.memref_slice %arg6[%dma_start3A] : memref<1440xi32, #tpu.memory_space<vmem>> -> memref<120xi32, #tpu.memory_space<vmem>>
    %dma_start3A_20 = arith.constant 0 : i32
    %dma_start3A_21 = arith.constant 0 : i32
    %dma_start3A_22 = tpu.memref_slice %arg2[%dma_start3A_20, %dma_start3A_21] : memref<10000x128xf32, #tpu.memory_space<hbm>> -> memref<10000x128xf32, #tpu.memory_space<hbm>>
    tpu.enqueue_indirect_dma source(%dma_start3A_22 : memref<10000x128xf32, #tpu.memory_space<hbm>>) target(%arg7 : memref<120x128xf32, #tpu.memory_space<vmem>>) offsets(%dma_start3A_19 : memref<120xi32, #tpu.memory_space<vmem>>) semaphore(%arg11 : memref<!tpu.dma_semaphore, #tpu.memory_space<semaphore_mem>>)
    %dma_start3A_23 = arith.constant 120 : i32
    %dma_start3A_24 = tpu.memref_slice %arg6[%dma_start3A_23] : memref<1440xi32, #tpu.memory_space<vmem>> -> memref<120xi32, #tpu.memory_space<vmem>>
    %dma_start3A_25 = arith.constant 0 : i32
    %dma_start3A_26 = arith.constant 0 : i32
    %dma_start3A_27 = tpu.memref_slice %arg2[%dma_start3A_25, %dma_start3A_26] : memref<10000x128xf32, #tpu.memory_space<hbm>> -> memref<10000x128xf32, #tpu.memory_space<hbm>>
    tpu.enqueue_indirect_dma source(%dma_start3A_27 : memref<10000x128xf32, #tpu.memory_space<hbm>>) target(%arg8 : memref<120x128xf32, #tpu.memory_space<vmem>>) offsets(%dma_start3A_24 : memref<120xi32, #tpu.memory_space<vmem>>) semaphore(%arg12 : memref<!tpu.dma_semaphore, #tpu.memory_space<semaphore_mem>>)
    %scan3A_28 = arith.constant 0 : i32
    %scan3A_29 = arith.constant 0 : i32
    %scan3A_30 = arith.constant 28 : i32
    %scan3A_31 = arith.addi %scan3A_29, %scan3A_30 : i32
    %scan3A_32 = arith.constant 1 : i32
    scf.for %scan3A_45 = %scan3A_29 to %scan3A_31 step %scan3A_32  : i32 {
      %rem3A = arith.constant 2 : i32
      %rem3A_46 = arith.remsi %scan3A_45, %rem3A : i32
      %sub3A = arith.constant 1 : i32
      %sub3A_47 = arith.subi %sub3A, %rem3A_46 : i32
      %add3A_48 = arith.constant 1 : i32
      %add3A_49 = arith.addi %scan3A_45, %add3A_48 : i32
      %lt3A_50 = arith.constant 28 : i32
      %lt3A_51 = arith.cmpi slt, %add3A_49, %lt3A_50 : i32
      %convert_element_type3A_52 = arith.extui %lt3A_51 : i1 to i32
      %cond3A_53 = arith.constant 0 : i32
      %cond3A_54 = arith.cmpi ne, %convert_element_type3A_52, %cond3A_53 : i32
      scf.if %cond3A_54 {
        %mul3A_114 = arith.constant 360 : i32
        %mul3A_115 = arith.muli %add3A_49, %mul3A_114 : i32
        %add3A_116 = arith.addi %mul3A_18, %mul3A_115 : i32
        %mul3A_117 = arith.constant 360 : i32
        %mul3A_118 = arith.muli %sub3A_47, %mul3A_117 : i32
        %dma_start3A_119 = tpu.memref_slice %arg6[%mul3A_118] : memref<1440xi32, #tpu.memory_space<vmem>> -> memref<360xi32, #tpu.memory_space<vmem>>
        %dma_start3A_120 = tpu.memref_slice %arg3[%add3A_116] : memref<322560xi32, #tpu.memory_space<hbm>> -> memref<360xi32, #tpu.memory_space<hbm>>
        %dma_start3A_121 = tpu.memref_slice %arg6[%mul3A_118] : memref<1440xi32, #tpu.memory_space<vmem>> -> memref<360xi32, #tpu.memory_space<vmem>>
        %dma_start3A_122 = tpu.memref_slice %arg3[%add3A_116] : memref<322560xi32, #tpu.memory_space<hbm>> -> memref<360xi32, #tpu.memory_space<hbm>>
        tpu.enqueue_dma source(%dma_start3A_122 : memref<360xi32, #tpu.memory_space<hbm>>) target(%dma_start3A_121 : memref<360xi32, #tpu.memory_space<vmem>>) target_semaphore(%arg14 : memref<!tpu.dma_semaphore, #tpu.memory_space<semaphore_mem>>)
        %mul3A_123 = arith.constant 360 : i32
        %mul3A_124 = arith.muli %add3A_49, %mul3A_123 : i32
        %add3A_125 = arith.addi %mul3A_18, %mul3A_124 : i32
        %mul3A_126 = arith.constant 360 : i32
        %mul3A_127 = arith.muli %sub3A_47, %mul3A_126 : i32
        %add3A_128 = arith.constant 720 : i32
        %add3A_129 = arith.addi %add3A_128, %mul3A_127 : i32
        %dma_start3A_130 = tpu.memref_slice %arg6[%add3A_129] : memref<1440xi32, #tpu.memory_space<vmem>> -> memref<360xi32, #tpu.memory_space<vmem>>
        %dma_start3A_131 = tpu.memref_slice %arg4[%add3A_125] : memref<322560xi32, #tpu.memory_space<hbm>> -> memref<360xi32, #tpu.memory_space<hbm>>
        %dma_start3A_132 = tpu.memref_slice %arg6[%add3A_129] : memref<1440xi32, #tpu.memory_space<vmem>> -> memref<360xi32, #tpu.memory_space<vmem>>
        %dma_start3A_133 = tpu.memref_slice %arg4[%add3A_125] : memref<322560xi32, #tpu.memory_space<hbm>> -> memref<360xi32, #tpu.memory_space<hbm>>
        tpu.enqueue_dma source(%dma_start3A_133 : memref<360xi32, #tpu.memory_space<hbm>>) target(%dma_start3A_132 : memref<360xi32, #tpu.memory_space<vmem>>) target_semaphore(%arg14 : memref<!tpu.dma_semaphore, #tpu.memory_space<semaphore_mem>>)
      } else {
      }
      %mul3A_55 = arith.constant 360 : i32
      %mul3A_56 = arith.muli %rem3A_46, %mul3A_55 : i32
      %add3A_57 = arith.constant 0 : i32
      %add3A_58 = arith.addi %mul3A_56, %add3A_57 : i32
      %dma_wait3A = tpu.memref_slice %arg6[%add3A_58] : memref<1440xi32, #tpu.memory_space<vmem>> -> memref<120xi32, #tpu.memory_space<vmem>>
      %dma_wait3A_59 = arith.constant 0 : i32
      %dma_wait3A_60 = arith.constant 0 : i32
      %dma_wait3A_61 = tpu.memref_slice %arg2[%dma_wait3A_59, %dma_wait3A_60] : memref<10000x128xf32, #tpu.memory_space<hbm>> -> memref<10000x128xf32, #tpu.memory_space<hbm>>
      tpu.wait_indirect_dma semaphore(%arg11 : memref<!tpu.dma_semaphore, #tpu.memory_space<semaphore_mem>>) src(%dma_wait3A_61 : memref<10000x128xf32, #tpu.memory_space<hbm>>) dst(%arg7 : memref<120x128xf32, #tpu.memory_space<vmem>>)
      %mul3A_62 = arith.constant 360 : i32
      %mul3A_63 = arith.muli %rem3A_46, %mul3A_62 : i32
      %add3A_64 = arith.constant 240 : i32
      %add3A_65 = arith.addi %mul3A_63, %add3A_64 : i32
      %dma_start3A_66 = tpu.memref_slice %arg6[%add3A_65] : memref<1440xi32, #tpu.memory_space<vmem>> -> memref<120xi32, #tpu.memory_space<vmem>>
      %dma_start3A_67 = arith.constant 0 : i32
      %dma_start3A_68 = arith.constant 0 : i32
      %dma_start3A_69 = tpu.memref_slice %arg2[%dma_start3A_67, %dma_start3A_68] : memref<10000x128xf32, #tpu.memory_space<hbm>> -> memref<10000x128xf32, #tpu.memory_space<hbm>>
      tpu.enqueue_indirect_dma source(%dma_start3A_69 : memref<10000x128xf32, #tpu.memory_space<hbm>>) target(%arg9 : memref<120x128xf32, #tpu.memory_space<vmem>>) offsets(%dma_start3A_66 : memref<120xi32, #tpu.memory_space<vmem>>) semaphore(%arg13 : memref<!tpu.dma_semaphore, #tpu.memory_space<semaphore_mem>>)
      %mul3A_70 = arith.constant 360 : i32
      %mul3A_71 = arith.muli %rem3A_46, %mul3A_70 : i32
      %add3A_72 = arith.constant 720 : i32
      %add3A_73 = arith.addi %add3A_72, %mul3A_71 : i32
      %add3A_74 = arith.constant 0 : i32
      %add3A_75 = arith.addi %add3A_73, %add3A_74 : i32
      "tpu.region"() ({
        %run_scoped3A = tpu.sem_alloc : memref<!tpu.dma_semaphore, #tpu.memory_space<semaphore_mem>>
        %dma_start3A_114 = tpu.memref_slice %arg6[%add3A_75] : memref<1440xi32, #tpu.memory_space<vmem>> -> memref<120xi32, #tpu.memory_space<vmem>>
        %dma_start3A_115 = arith.constant 0 : i32
        %dma_start3A_116 = arith.constant 0 : i32
        %dma_start3A_117 = tpu.memref_slice %arg10[%dma_start3A_115, %dma_start3A_116] : memref<10016x128xf32, #tpu.memory_space<vmem_shared>> -> memref<10016x128xf32, #tpu.memory_space<vmem_shared>>
        tpu.enqueue_indirect_dma source(%arg7 : memref<120x128xf32, #tpu.memory_space<vmem>>) target(%dma_start3A_117 : memref<10016x128xf32, #tpu.memory_space<vmem_shared>>) offsets(%dma_start3A_114 : memref<120xi32, #tpu.memory_space<vmem>>) semaphore(%run_scoped3A : memref<!tpu.dma_semaphore, #tpu.memory_space<semaphore_mem>>) {add = true}
        %dma_wait3A_118 = tpu.memref_slice %arg6[%add3A_75] : memref<1440xi32, #tpu.memory_space<vmem>> -> memref<120xi32, #tpu.memory_space<vmem>>
        %dma_wait3A_119 = arith.constant 0 : i32
        %dma_wait3A_120 = arith.constant 0 : i32
        %dma_wait3A_121 = tpu.memref_slice %arg10[%dma_wait3A_119, %dma_wait3A_120] : memref<10016x128xf32, #tpu.memory_space<vmem_shared>> -> memref<10016x128xf32, #tpu.memory_space<vmem_shared>>
        tpu.wait_indirect_dma semaphore(%run_scoped3A : memref<!tpu.dma_semaphore, #tpu.memory_space<semaphore_mem>>) src(%arg7 : memref<120x128xf32, #tpu.memory_space<vmem>>) dst(%dma_wait3A_121 : memref<10016x128xf32, #tpu.memory_space<vmem_shared>>)
        tpu.yield
      }) : () -> ()
      %mul3A_76 = arith.constant 360 : i32
      %mul3A_77 = arith.muli %rem3A_46, %mul3A_76 : i32
      %add3A_78 = arith.constant 120 : i32
      %add3A_79 = arith.addi %mul3A_77, %add3A_78 : i32
      %dma_wait3A_80 = tpu.memref_slice %arg6[%add3A_79] : memref<1440xi32, #tpu.memory_space<vmem>> -> memref<120xi32, #tpu.memory_space<vmem>>
      %dma_wait3A_81 = arith.constant 0 : i32
      %dma_wait3A_82 = arith.constant 0 : i32
      %dma_wait3A_83 = tpu.memref_slice %arg2[%dma_wait3A_81, %dma_wait3A_82] : memref<10000x128xf32, #tpu.memory_space<hbm>> -> memref<10000x128xf32, #tpu.memory_space<hbm>>
      tpu.wait_indirect_dma semaphore(%arg12 : memref<!tpu.dma_semaphore, #tpu.memory_space<semaphore_mem>>) src(%dma_wait3A_83 : memref<10000x128xf32, #tpu.memory_space<hbm>>) dst(%arg8 : memref<120x128xf32, #tpu.memory_space<vmem>>)
      %lt3A_84 = arith.constant 28 : i32
      %lt3A_85 = arith.cmpi slt, %add3A_49, %lt3A_84 : i32
      %convert_element_type3A_86 = arith.extui %lt3A_85 : i1 to i32
      %cond3A_87 = arith.constant 0 : i32
      %cond3A_88 = arith.cmpi ne, %convert_element_type3A_86, %cond3A_87 : i32
      scf.if %cond3A_88 {
        %mul3A_114 = arith.constant 360 : i32
        %mul3A_115 = arith.muli %add3A_49, %mul3A_114 : i32
        %add3A_116 = arith.addi %mul3A_18, %mul3A_115 : i32
        %mul3A_117 = arith.constant 360 : i32
        %mul3A_118 = arith.muli %sub3A_47, %mul3A_117 : i32
        %dma_wait3A_119 = tpu.memref_slice %arg6[%mul3A_118] : memref<1440xi32, #tpu.memory_space<vmem>> -> memref<360xi32, #tpu.memory_space<vmem>>
        %dma_wait3A_120 = tpu.memref_slice %arg3[%add3A_116] : memref<322560xi32, #tpu.memory_space<hbm>> -> memref<360xi32, #tpu.memory_space<hbm>>
        %dma_wait3A_121 = tpu.memref_slice %arg6[%mul3A_118] : memref<1440xi32, #tpu.memory_space<vmem>> -> memref<360xi32, #tpu.memory_space<vmem>>
        %dma_wait3A_122 = tpu.memref_slice %arg3[%add3A_116] : memref<322560xi32, #tpu.memory_space<hbm>> -> memref<360xi32, #tpu.memory_space<hbm>>
        tpu.wait_dma2 semaphore(%arg14 : memref<!tpu.dma_semaphore, #tpu.memory_space<semaphore_mem>>) src(%dma_wait3A_122 : memref<360xi32, #tpu.memory_space<hbm>>) dst(%dma_wait3A_121 : memref<360xi32, #tpu.memory_space<vmem>>)
        %mul3A_123 = arith.constant 360 : i32
        %mul3A_124 = arith.muli %add3A_49, %mul3A_123 : i32
        %add3A_125 = arith.addi %mul3A_18, %mul3A_124 : i32
        %mul3A_126 = arith.constant 360 : i32
        %mul3A_127 = arith.muli %sub3A_47, %mul3A_126 : i32
        %add3A_128 = arith.constant 720 : i32
        %add3A_129 = arith.addi %add3A_128, %mul3A_127 : i32
        %dma_wait3A_130 = tpu.memref_slice %arg6[%add3A_129] : memref<1440xi32, #tpu.memory_space<vmem>> -> memref<360xi32, #tpu.memory_space<vmem>>
        %dma_wait3A_131 = tpu.memref_slice %arg4[%add3A_125] : memref<322560xi32, #tpu.memory_space<hbm>> -> memref<360xi32, #tpu.memory_space<hbm>>
        %dma_wait3A_132 = tpu.memref_slice %arg6[%add3A_129] : memref<1440xi32, #tpu.memory_space<vmem>> -> memref<360xi32, #tpu.memory_space<vmem>>
        %dma_wait3A_133 = tpu.memref_slice %arg4[%add3A_125] : memref<322560xi32, #tpu.memory_space<hbm>> -> memref<360xi32, #tpu.memory_space<hbm>>
        tpu.wait_dma2 semaphore(%arg14 : memref<!tpu.dma_semaphore, #tpu.memory_space<semaphore_mem>>) src(%dma_wait3A_133 : memref<360xi32, #tpu.memory_space<hbm>>) dst(%dma_wait3A_132 : memref<360xi32, #tpu.memory_space<vmem>>)
        %mul3A_134 = arith.constant 360 : i32
        %mul3A_135 = arith.muli %sub3A_47, %mul3A_134 : i32
        %dma_start3A_136 = tpu.memref_slice %arg6[%mul3A_135] : memref<1440xi32, #tpu.memory_space<vmem>> -> memref<120xi32, #tpu.memory_space<vmem>>
        %dma_start3A_137 = arith.constant 0 : i32
        %dma_start3A_138 = arith.constant 0 : i32
        %dma_start3A_139 = tpu.memref_slice %arg2[%dma_start3A_137, %dma_start3A_138] : memref<10000x128xf32, #tpu.memory_space<hbm>> -> memref<10000x128xf32, #tpu.memory_space<hbm>>
        tpu.enqueue_indirect_dma source(%dma_start3A_139 : memref<10000x128xf32, #tpu.memory_space<hbm>>) target(%arg7 : memref<120x128xf32, #tpu.memory_space<vmem>>) offsets(%dma_start3A_136 : memref<120xi32, #tpu.memory_space<vmem>>) semaphore(%arg11 : memref<!tpu.dma_semaphore, #tpu.memory_space<semaphore_mem>>)
      } else {
      }
      %mul3A_89 = arith.constant 360 : i32
      %mul3A_90 = arith.muli %rem3A_46, %mul3A_89 : i32
      %add3A_91 = arith.constant 720 : i32
      %add3A_92 = arith.addi %add3A_91, %mul3A_90 : i32
      %add3A_93 = arith.constant 120 : i32
      %add3A_94 = arith.addi %add3A_92, %add3A_93 : i32
      "tpu.region"() ({
        %run_scoped3A = tpu.sem_alloc : memref<!tpu.dma_semaphore, #tpu.memory_space<semaphore_mem>>
        %dma_start3A_114 = tpu.memref_slice %arg6[%add3A_94] : memref<1440xi32, #tpu.memory_space<vmem>> -> memref<120xi32, #tpu.memory_space<vmem>>
        %dma_start3A_115 = arith.constant 0 : i32
        %dma_start3A_116 = arith.constant 0 : i32
        %dma_start3A_117 = tpu.memref_slice %arg10[%dma_start3A_115, %dma_start3A_116] : memref<10016x128xf32, #tpu.memory_space<vmem_shared>> -> memref<10016x128xf32, #tpu.memory_space<vmem_shared>>
        tpu.enqueue_indirect_dma source(%arg8 : memref<120x128xf32, #tpu.memory_space<vmem>>) target(%dma_start3A_117 : memref<10016x128xf32, #tpu.memory_space<vmem_shared>>) offsets(%dma_start3A_114 : memref<120xi32, #tpu.memory_space<vmem>>) semaphore(%run_scoped3A : memref<!tpu.dma_semaphore, #tpu.memory_space<semaphore_mem>>) {add = true}
        %dma_wait3A_118 = tpu.memref_slice %arg6[%add3A_94] : memref<1440xi32, #tpu.memory_space<vmem>> -> memref<120xi32, #tpu.memory_space<vmem>>
        %dma_wait3A_119 = arith.constant 0 : i32
        %dma_wait3A_120 = arith.constant 0 : i32
        %dma_wait3A_121 = tpu.memref_slice %arg10[%dma_wait3A_119, %dma_wait3A_120] : memref<10016x128xf32, #tpu.memory_space<vmem_shared>> -> memref<10016x128xf32, #tpu.memory_space<vmem_shared>>
        tpu.wait_indirect_dma semaphore(%run_scoped3A : memref<!tpu.dma_semaphore, #tpu.memory_space<semaphore_mem>>) src(%arg8 : memref<120x128xf32, #tpu.memory_space<vmem>>) dst(%dma_wait3A_121 : memref<10016x128xf32, #tpu.memory_space<vmem_shared>>)
        tpu.yield
      }) : () -> ()
      %mul3A_95 = arith.constant 360 : i32
      %mul3A_96 = arith.muli %rem3A_46, %mul3A_95 : i32
      %add3A_97 = arith.constant 240 : i32
      %add3A_98 = arith.addi %mul3A_96, %add3A_97 : i32
      %dma_wait3A_99 = tpu.memref_slice %arg6[%add3A_98] : memref<1440xi32, #tpu.memory_space<vmem>> -> memref<120xi32, #tpu.memory_space<vmem>>
      %dma_wait3A_100 = arith.constant 0 : i32
      %dma_wait3A_101 = arith.constant 0 : i32
      %dma_wait3A_102 = tpu.memref_slice %arg2[%dma_wait3A_100, %dma_wait3A_101] : memref<10000x128xf32, #tpu.memory_space<hbm>> -> memref<10000x128xf32, #tpu.memory_space<hbm>>
      tpu.wait_indirect_dma semaphore(%arg13 : memref<!tpu.dma_semaphore, #tpu.memory_space<semaphore_mem>>) src(%dma_wait3A_102 : memref<10000x128xf32, #tpu.memory_space<hbm>>) dst(%arg9 : memref<120x128xf32, #tpu.memory_space<vmem>>)
      %lt3A_103 = arith.constant 28 : i32
      %lt3A_104 = arith.cmpi slt, %add3A_49, %lt3A_103 : i32
      %convert_element_type3A_105 = arith.extui %lt3A_104 : i1 to i32
      %cond3A_106 = arith.constant 0 : i32
      %cond3A_107 = arith.cmpi ne, %convert_element_type3A_105, %cond3A_106 : i32
      scf.if %cond3A_107 {
        %mul3A_114 = arith.constant 360 : i32
        %mul3A_115 = arith.muli %sub3A_47, %mul3A_114 : i32
        %add3A_116 = arith.constant 120 : i32
        %add3A_117 = arith.addi %mul3A_115, %add3A_116 : i32
        %dma_start3A_118 = tpu.memref_slice %arg6[%add3A_117] : memref<1440xi32, #tpu.memory_space<vmem>> -> memref<120xi32, #tpu.memory_space<vmem>>
        %dma_start3A_119 = arith.constant 0 : i32
        %dma_start3A_120 = arith.constant 0 : i32
        %dma_start3A_121 = tpu.memref_slice %arg2[%dma_start3A_119, %dma_start3A_120] : memref<10000x128xf32, #tpu.memory_space<hbm>> -> memref<10000x128xf32, #tpu.memory_space<hbm>>
        tpu.enqueue_indirect_dma source(%dma_start3A_121 : memref<10000x128xf32, #tpu.memory_space<hbm>>) target(%arg8 : memref<120x128xf32, #tpu.memory_space<vmem>>) offsets(%dma_start3A_118 : memref<120xi32, #tpu.memory_space<vmem>>) semaphore(%arg12 : memref<!tpu.dma_semaphore, #tpu.memory_space<semaphore_mem>>)
      } else {
      }
      %mul3A_108 = arith.constant 360 : i32
      %mul3A_109 = arith.muli %rem3A_46, %mul3A_108 : i32
      %add3A_110 = arith.constant 720 : i32
      %add3A_111 = arith.addi %add3A_110, %mul3A_109 : i32
      %add3A_112 = arith.constant 240 : i32
      %add3A_113 = arith.addi %add3A_111, %add3A_112 : i32
      "tpu.region"() ({
        %run_scoped3A = tpu.sem_alloc : memref<!tpu.dma_semaphore, #tpu.memory_space<semaphore_mem>>
        %dma_start3A_114 = tpu.memref_slice %arg6[%add3A_113] : memref<1440xi32, #tpu.memory_space<vmem>> -> memref<120xi32, #tpu.memory_space<vmem>>
        %dma_start3A_115 = arith.constant 0 : i32
        %dma_start3A_116 = arith.constant 0 : i32
        %dma_start3A_117 = tpu.memref_slice %arg10[%dma_start3A_115, %dma_start3A_116] : memref<10016x128xf32, #tpu.memory_space<vmem_shared>> -> memref<10016x128xf32, #tpu.memory_space<vmem_shared>>
        tpu.enqueue_indirect_dma source(%arg9 : memref<120x128xf32, #tpu.memory_space<vmem>>) target(%dma_start3A_117 : memref<10016x128xf32, #tpu.memory_space<vmem_shared>>) offsets(%dma_start3A_114 : memref<120xi32, #tpu.memory_space<vmem>>) semaphore(%run_scoped3A : memref<!tpu.dma_semaphore, #tpu.memory_space<semaphore_mem>>) {add = true}
        %dma_wait3A_118 = tpu.memref_slice %arg6[%add3A_113] : memref<1440xi32, #tpu.memory_space<vmem>> -> memref<120xi32, #tpu.memory_space<vmem>>
        %dma_wait3A_119 = arith.constant 0 : i32
        %dma_wait3A_120 = arith.constant 0 : i32
        %dma_wait3A_121 = tpu.memref_slice %arg10[%dma_wait3A_119, %dma_wait3A_120] : memref<10016x128xf32, #tpu.memory_space<vmem_shared>> -> memref<10016x128xf32, #tpu.memory_space<vmem_shared>>
        tpu.wait_indirect_dma semaphore(%run_scoped3A : memref<!tpu.dma_semaphore, #tpu.memory_space<semaphore_mem>>) src(%arg9 : memref<120x128xf32, #tpu.memory_space<vmem>>) dst(%dma_wait3A_121 : memref<10016x128xf32, #tpu.memory_space<vmem_shared>>)
        tpu.yield
      }) : () -> ()
    }
    %scan3A_33 = arith.constant 28 : i32
    %barrier3A_34 = arith.constant 0 : index
    tpu.barrier barrier_id(%barrier3A_34)
    %lt3A_35 = arith.constant 15 : i32
    %lt3A_36 = arith.cmpi slt, %arg1, %lt3A_35 : i32
    %convert_element_type3A_37 = arith.extui %lt3A_36 : i1 to i32
    %cond3A_38 = arith.constant 0 : i32
    %cond3A_39 = arith.cmpi ne, %convert_element_type3A_37, %cond3A_38 : i32
    scf.if %cond3A_39 {
      "tpu.region"() ({
        %run_scoped3A = tpu.sem_alloc : memref<!tpu.dma_semaphore, #tpu.memory_space<semaphore_mem>>
        %dma_start3A_45 = arith.constant 0 : i32
        %dma_start3A_46 = tpu.memref_slice %arg5[%arg0, %mul3A_8, %dma_start3A_45] : memref<2x10016x128xf32, #tpu.memory_space<hbm>> -> memref<1x632x128xf32, #tpu.memory_space<hbm>>
        %dma_start3A_47 = tpu.memref_squeeze %dma_start3A_46 : memref<1x632x128xf32, #tpu.memory_space<hbm>> -> memref<632x128xf32, #tpu.memory_space<hbm>>
        %dma_start3A_48 = arith.constant 0 : i32
        %dma_start3A_49 = tpu.memref_slice %arg10[%mul3A_8, %dma_start3A_48] : memref<10016x128xf32, #tpu.memory_space<vmem_shared>> -> memref<632x128xf32, #tpu.memory_space<vmem_shared>>
        tpu.enqueue_dma source(%dma_start3A_49 : memref<632x128xf32, #tpu.memory_space<vmem_shared>>) target(%dma_start3A_47 : memref<632x128xf32, #tpu.memory_space<hbm>>) target_semaphore(%run_scoped3A : memref<!tpu.dma_semaphore, #tpu.memory_space<semaphore_mem>>)
        %dma_wait3A = arith.constant 0 : i32
        %dma_wait3A_50 = tpu.memref_slice %arg5[%arg0, %mul3A_8, %dma_wait3A] : memref<2x10016x128xf32, #tpu.memory_space<hbm>> -> memref<1x632x128xf32, #tpu.memory_space<hbm>>
        %dma_wait3A_51 = tpu.memref_squeeze %dma_wait3A_50 : memref<1x632x128xf32, #tpu.memory_space<hbm>> -> memref<632x128xf32, #tpu.memory_space<hbm>>
        %dma_wait3A_52 = arith.constant 0 : i32
        %dma_wait3A_53 = tpu.memref_slice %arg10[%mul3A_8, %dma_wait3A_52] : memref<10016x128xf32, #tpu.memory_space<vmem_shared>> -> memref<632x128xf32, #tpu.memory_space<vmem_shared>>
        tpu.wait_dma2 semaphore(%run_scoped3A : memref<!tpu.dma_semaphore, #tpu.memory_space<semaphore_mem>>) src(%dma_wait3A_53 : memref<632x128xf32, #tpu.memory_space<vmem_shared>>) dst(%dma_wait3A_51 : memref<632x128xf32, #tpu.memory_space<hbm>>)
        tpu.yield
      }) : () -> ()
    } else {
    }
    %eq3A_40 = arith.constant 15 : i32
    %eq3A_41 = arith.cmpi eq, %arg1, %eq3A_40 : i32
    %convert_element_type3A_42 = arith.extui %eq3A_41 : i1 to i32
    %cond3A_43 = arith.constant 0 : i32
    %cond3A_44 = arith.cmpi ne, %convert_element_type3A_42, %cond3A_43 : i32
    scf.if %cond3A_44 {
      "tpu.region"() ({
        %run_scoped3A = tpu.sem_alloc : memref<!tpu.dma_semaphore, #tpu.memory_space<semaphore_mem>>
        %dma_start3A_45 = arith.constant 0 : i32
        %dma_start3A_46 = tpu.memref_slice %arg5[%arg0, %mul3A_8, %dma_start3A_45] : memref<2x10016x128xf32, #tpu.memory_space<hbm>> -> memref<1x536x128xf32, #tpu.memory_space<hbm>>
        %dma_start3A_47 = tpu.memref_squeeze %dma_start3A_46 : memref<1x536x128xf32, #tpu.memory_space<hbm>> -> memref<536x128xf32, #tpu.memory_space<hbm>>
        %dma_start3A_48 = arith.constant 0 : i32
        %dma_start3A_49 = tpu.memref_slice %arg10[%mul3A_8, %dma_start3A_48] : memref<10016x128xf32, #tpu.memory_space<vmem_shared>> -> memref<536x128xf32, #tpu.memory_space<vmem_shared>>
        tpu.enqueue_dma source(%dma_start3A_49 : memref<536x128xf32, #tpu.memory_space<vmem_shared>>) target(%dma_start3A_47 : memref<536x128xf32, #tpu.memory_space<hbm>>) target_semaphore(%run_scoped3A : memref<!tpu.dma_semaphore, #tpu.memory_space<semaphore_mem>>)
        %dma_wait3A = arith.constant 0 : i32
        %dma_wait3A_50 = tpu.memref_slice %arg5[%arg0, %mul3A_8, %dma_wait3A] : memref<2x10016x128xf32, #tpu.memory_space<hbm>> -> memref<1x536x128xf32, #tpu.memory_space<hbm>>
        %dma_wait3A_51 = tpu.memref_squeeze %dma_wait3A_50 : memref<1x536x128xf32, #tpu.memory_space<hbm>> -> memref<536x128xf32, #tpu.memory_space<hbm>>
        %dma_wait3A_52 = arith.constant 0 : i32
        %dma_wait3A_53 = tpu.memref_slice %arg10[%mul3A_8, %dma_wait3A_52] : memref<10016x128xf32, #tpu.memory_space<vmem_shared>> -> memref<536x128xf32, #tpu.memory_space<vmem_shared>>
        tpu.wait_dma2 semaphore(%run_scoped3A : memref<!tpu.dma_semaphore, #tpu.memory_space<semaphore_mem>>) src(%dma_wait3A_53 : memref<536x128xf32, #tpu.memory_space<vmem_shared>>) dst(%dma_wait3A_51 : memref<536x128xf32, #tpu.memory_space<hbm>>)
        tpu.yield
      }) : () -> ()
    } else {
    }
    return
  }
}

#map = affine_map<(d0, d1) -> (0, 0)>
#map1 = affine_map<(d0, d1) -> (0)>
#map2 = affine_map<(d0, d1) -> (0, 0, 0)>
module attributes {stable_mosaic.version = 14 : i64} {
  func.func @body(%arg0: i32, %arg1: i32, %arg2: memref<10000x128xf32, #tpu.memory_space<hbm>>, %arg3: memref<322560xi32, #tpu.memory_space<hbm>>, %arg4: memref<322560xi32, #tpu.memory_space<hbm>>, %arg5: memref<2x10016x128xf32, #tpu.memory_space<hbm>>, %arg6: memref<1440xi32, #tpu.memory_space<vmem>>, %arg7: memref<120x128xf32, #tpu.memory_space<vmem>>, %arg8: memref<120x128xf32, #tpu.memory_space<vmem>>, %arg9: memref<120x128xf32, #tpu.memory_space<vmem>>, %arg10: memref<10016x128xf32, #tpu.memory_space<vmem_shared>>, %arg11: memref<!tpu.dma_semaphore, #tpu.memory_space<semaphore_mem>>, %arg12: memref<!tpu.dma_semaphore, #tpu.memory_space<semaphore_mem>>, %arg13: memref<!tpu.dma_semaphore, #tpu.memory_space<semaphore_mem>>, %arg14: memref<!tpu.dma_semaphore, #tpu.memory_space<semaphore_mem>>) attributes {dimension_semantics = [#tpu.dimension_semantics<core_parallel>, #tpu.dimension_semantics<subcore_parallel>], iteration_bounds = array<i64: 2, 16>, scalar_prefetch = 0 : i64, scratch_operands = 9 : i64, tpu.core_type = #tpu.core_type<sc_vector_subcore>, window_params = [{transform_indices = #map}, {transform_indices = #map1}, {transform_indices = #map1}, {transform_indices = #map2}]} {
    %mul3A = arith.constant 16 : i32
    %mul3A_0 = arith.muli %arg0, %mul3A : i32
    %add3A = arith.addi %mul3A_0, %arg1 : i32
    %broadcast_in_dim3A = arith.constant 0.000000e+00 : f32
    %broadcast_in_dim3A_1 = vector.broadcast %broadcast_in_dim3A : f32 to vector<16xf32>
    %scan3A = arith.constant 0 : i32
    %scan3A_2 = arith.constant 0 : i32
    %scan3A_3 = arith.constant 120 : i32
    %scan3A_4 = arith.addi %scan3A_2, %scan3A_3 : i32
    %scan3A_5 = arith.constant 1 : i32
    scf.for %scan3A_45 = %scan3A_2 to %scan3A_4 step %scan3A_5  : i32 {
      %swap3A = arith.index_cast %scan3A_45 : i32 to index
      %swap3A_46 = arith.constant 0 : index
      %swap3A_47 = tpu.vector_load %arg7[%swap3A, %swap3A_46] {strides = array<i32>} : memref<120x128xf32, #tpu.memory_space<vmem>>, vector<16xf32>,
      tpu.vector_store %arg7[%swap3A, %swap3A_46], %broadcast_in_dim3A_1 {strides = array<i32>} : memref<120x128xf32, #tpu.memory_space<vmem>>, vector<16xf32>,
      %swap3A_48 = arith.index_cast %scan3A_45 : i32 to index
      %swap3A_49 = arith.constant 16 : index
      %swap3A_50 = tpu.vector_load %arg7[%swap3A_48, %swap3A_49] {strides = array<i32>} : memref<120x128xf32, #tpu.memory_space<vmem>>, vector<16xf32>,
      tpu.vector_store %arg7[%swap3A_48, %swap3A_49], %broadcast_in_dim3A_1 {strides = array<i32>} : memref<120x128xf32, #tpu.memory_space<vmem>>, vector<16xf32>,
      %swap3A_51 = arith.index_cast %scan3A_45 : i32 to index
      %swap3A_52 = arith.constant 32 : index
      %swap3A_53 = tpu.vector_load %arg7[%swap3A_51, %swap3A_52] {strides = array<i32>} : memref<120x128xf32, #tpu.memory_space<vmem>>, vector<16xf32>,
      tpu.vector_store %arg7[%swap3A_51, %swap3A_52], %broadcast_in_dim3A_1 {strides = array<i32>} : memref<120x128xf32, #tpu.memory_space<vmem>>, vector<16xf32>,
      %swap3A_54 = arith.index_cast %scan3A_45 : i32 to index
      %swap3A_55 = arith.constant 48 : index
      %swap3A_56 = tpu.vector_load %arg7[%swap3A_54, %swap3A_55] {strides = array<i32>} : memref<120x128xf32, #tpu.memory_space<vmem>>, vector<16xf32>,
      tpu.vector_store %arg7[%swap3A_54, %swap3A_55], %broadcast_in_dim3A_1 {strides = array<i32>} : memref<120x128xf32, #tpu.memory_space<vmem>>, vector<16xf32>,
      %swap3A_57 = arith.index_cast %scan3A_45 : i32 to index
      %swap3A_58 = arith.constant 64 : index
      %swap3A_59 = tpu.vector_load %arg7[%swap3A_57, %swap3A_58] {strides = array<i32>} : memref<120x128xf32, #tpu.memory_space<vmem>>, vector<16xf32>,
      tpu.vector_store %arg7[%swap3A_57, %swap3A_58], %broadcast_in_dim3A_1 {strides = array<i32>} : memref<120x128xf32, #tpu.memory_space<vmem>>, vector<16xf32>,
      %swap3A_60 = arith.index_cast %scan3A_45 : i32 to index
      %swap3A_61 = arith.constant 80 : index
      %swap3A_62 = tpu.vector_load %arg7[%swap3A_60, %swap3A_61] {strides = array<i32>} : memref<120x128xf32, #tpu.memory_space<vmem>>, vector<16xf32>,
      tpu.vector_store %arg7[%swap3A_60, %swap3A_61], %broadcast_in_dim3A_1 {strides = array<i32>} : memref<120x128xf32, #tpu.memory_space<vmem>>, vector<16xf32>,
      %swap3A_63 = arith.index_cast %scan3A_45 : i32 to index
      %swap3A_64 = arith.constant 96 : index
      %swap3A_65 = tpu.vector_load %arg7[%swap3A_63, %swap3A_64] {strides = array<i32>} : memref<120x128xf32, #tpu.memory_space<vmem>>, vector<16xf32>,
      tpu.vector_store %arg7[%swap3A_63, %swap3A_64], %broadcast_in_dim3A_1 {strides = array<i32>} : memref<120x128xf32, #tpu.memory_space<vmem>>, vector<16xf32>,
      %swap3A_66 = arith.index_cast %scan3A_45 : i32 to index
      %swap3A_67 = arith.constant 112 : index
      %swap3A_68 = tpu.vector_load %arg7[%swap3A_66, %swap3A_67] {strides = array<i32>} : memref<120x128xf32, #tpu.memory_space<vmem>>, vector<16xf32>,
      tpu.vector_store %arg7[%swap3A_66, %swap3A_67], %broadcast_in_dim3A_1 {strides = array<i32>} : memref<120x128xf32, #tpu.memory_space<vmem>>, vector<16xf32>,
    }
    %scan3A_6 = arith.constant 120 : i32
    %mul3A_7 = arith.constant 632 : i32
    %mul3A_8 = arith.muli %arg1, %mul3A_7 : i32
    %lt3A = arith.constant 15 : i32
    %lt3A_9 = arith.cmpi slt, %arg1, %lt3A : i32
    %convert_element_type3A = arith.extui %lt3A_9 : i1 to i32
    %cond3A = arith.constant 0 : i32
    %cond3A_10 = arith.cmpi ne, %convert_element_type3A, %cond3A : i32
    scf.if %cond3A_10 {
      %add3A_45 = arith.constant 0 : i32
      %add3A_46 = arith.addi %mul3A_8, %add3A_45 : i32
      "tpu.region"() ({
        %run_scoped3A = tpu.sem_alloc : memref<!tpu.dma_semaphore, #tpu.memory_space<semaphore_mem>>
        %dma_start3A_57 = arith.constant 0 : i32
        %dma_start3A_58 = tpu.memref_slice %arg10[%add3A_46, %dma_start3A_57] : memref<10016x128xf32, #tpu.memory_space<vmem_shared>> -> memref<120x128xf32, #tpu.memory_space<vmem_shared>>
        %dma_start3A_59 = arith.constant 0 : i32
        %dma_start3A_60 = tpu.memref_slice %arg10[%add3A_46, %dma_start3A_59] : memref<10016x128xf32, #tpu.memory_space<vmem_shared>> -> memref<120x128xf32, #tpu.memory_space<vmem_shared>>
        tpu.enqueue_dma source(%arg7 : memref<120x128xf32, #tpu.memory_space<vmem>>) target(%dma_start3A_60 : memref<120x128xf32, #tpu.memory_space<vmem_shared>>) target_semaphore(%run_scoped3A : memref<!tpu.dma_semaphore, #tpu.memory_space<semaphore_mem>>)
        %dma_wait3A = arith.constant 0 : i32
        %dma_wait3A_61 = tpu.memref_slice %arg10[%add3A_46, %dma_wait3A] : memref<10016x128xf32, #tpu.memory_space<vmem_shared>> -> memref<120x128xf32, #tpu.memory_space<vmem_shared>>
        %dma_wait3A_62 = arith.constant 0 : i32
        %dma_wait3A_63 = tpu.memref_slice %arg10[%add3A_46, %dma_wait3A_62] : memref<10016x128xf32, #tpu.memory_space<vmem_shared>> -> memref<120x128xf32, #tpu.memory_space<vmem_shared>>
        tpu.wait_dma2 semaphore(%run_scoped3A : memref<!tpu.dma_semaphore, #tpu.memory_space<semaphore_mem>>) src(%arg7 : memref<120x128xf32, #tpu.memory_space<vmem>>) dst(%dma_wait3A_63 : memref<120x128xf32, #tpu.memory_space<vmem_shared>>)
        tpu.yield
      }) : () -> ()
      %add3A_47 = arith.constant 120 : i32
      %add3A_48 = arith.addi %mul3A_8, %add3A_47 : i32
      "tpu.region"() ({
        %run_scoped3A = tpu.sem_alloc : memref<!tpu.dma_semaphore, #tpu.memory_space<semaphore_mem>>
        %dma_start3A_57 = arith.constant 0 : i32
        %dma_start3A_58 = tpu.memref_slice %arg10[%add3A_48, %dma_start3A_57] : memref<10016x128xf32, #tpu.memory_space<vmem_shared>> -> memref<120x128xf32, #tpu.memory_space<vmem_shared>>
        %dma_start3A_59 = arith.constant 0 : i32
        %dma_start3A_60 = tpu.memref_slice %arg10[%add3A_48, %dma_start3A_59] : memref<10016x128xf32, #tpu.memory_space<vmem_shared>> -> memref<120x128xf32, #tpu.memory_space<vmem_shared>>
        tpu.enqueue_dma source(%arg7 : memref<120x128xf32, #tpu.memory_space<vmem>>) target(%dma_start3A_60 : memref<120x128xf32, #tpu.memory_space<vmem_shared>>) target_semaphore(%run_scoped3A : memref<!tpu.dma_semaphore, #tpu.memory_space<semaphore_mem>>)
        %dma_wait3A = arith.constant 0 : i32
        %dma_wait3A_61 = tpu.memref_slice %arg10[%add3A_48, %dma_wait3A] : memref<10016x128xf32, #tpu.memory_space<vmem_shared>> -> memref<120x128xf32, #tpu.memory_space<vmem_shared>>
        %dma_wait3A_62 = arith.constant 0 : i32
        %dma_wait3A_63 = tpu.memref_slice %arg10[%add3A_48, %dma_wait3A_62] : memref<10016x128xf32, #tpu.memory_space<vmem_shared>> -> memref<120x128xf32, #tpu.memory_space<vmem_shared>>
        tpu.wait_dma2 semaphore(%run_scoped3A : memref<!tpu.dma_semaphore, #tpu.memory_space<semaphore_mem>>) src(%arg7 : memref<120x128xf32, #tpu.memory_space<vmem>>) dst(%dma_wait3A_63 : memref<120x128xf32, #tpu.memory_space<vmem_shared>>)
        tpu.yield
      }) : () -> ()
      %add3A_49 = arith.constant 240 : i32
      %add3A_50 = arith.addi %mul3A_8, %add3A_49 : i32
      "tpu.region"() ({
        %run_scoped3A = tpu.sem_alloc : memref<!tpu.dma_semaphore, #tpu.memory_space<semaphore_mem>>
        %dma_start3A_57 = arith.constant 0 : i32
        %dma_start3A_58 = tpu.memref_slice %arg10[%add3A_50, %dma_start3A_57] : memref<10016x128xf32, #tpu.memory_space<vmem_shared>> -> memref<120x128xf32, #tpu.memory_space<vmem_shared>>
        %dma_start3A_59 = arith.constant 0 : i32
        %dma_start3A_60 = tpu.memref_slice %arg10[%add3A_50, %dma_start3A_59] : memref<10016x128xf32, #tpu.memory_space<vmem_shared>> -> memref<120x128xf32, #tpu.memory_space<vmem_shared>>
        tpu.enqueue_dma source(%arg7 : memref<120x128xf32, #tpu.memory_space<vmem>>) target(%dma_start3A_60 : memref<120x128xf32, #tpu.memory_space<vmem_shared>>) target_semaphore(%run_scoped3A : memref<!tpu.dma_semaphore, #tpu.memory_space<semaphore_mem>>)
        %dma_wait3A = arith.constant 0 : i32
        %dma_wait3A_61 = tpu.memref_slice %arg10[%add3A_50, %dma_wait3A] : memref<10016x128xf32, #tpu.memory_space<vmem_shared>> -> memref<120x128xf32, #tpu.memory_space<vmem_shared>>
        %dma_wait3A_62 = arith.constant 0 : i32
        %dma_wait3A_63 = tpu.memref_slice %arg10[%add3A_50, %dma_wait3A_62] : memref<10016x128xf32, #tpu.memory_space<vmem_shared>> -> memref<120x128xf32, #tpu.memory_space<vmem_shared>>
        tpu.wait_dma2 semaphore(%run_scoped3A : memref<!tpu.dma_semaphore, #tpu.memory_space<semaphore_mem>>) src(%arg7 : memref<120x128xf32, #tpu.memory_space<vmem>>) dst(%dma_wait3A_63 : memref<120x128xf32, #tpu.memory_space<vmem_shared>>)
        tpu.yield
      }) : () -> ()
      %add3A_51 = arith.constant 360 : i32
      %add3A_52 = arith.addi %mul3A_8, %add3A_51 : i32
      "tpu.region"() ({
        %run_scoped3A = tpu.sem_alloc : memref<!tpu.dma_semaphore, #tpu.memory_space<semaphore_mem>>
        %dma_start3A_57 = arith.constant 0 : i32
        %dma_start3A_58 = tpu.memref_slice %arg10[%add3A_52, %dma_start3A_57] : memref<10016x128xf32, #tpu.memory_space<vmem_shared>> -> memref<120x128xf32, #tpu.memory_space<vmem_shared>>
        %dma_start3A_59 = arith.constant 0 : i32
        %dma_start3A_60 = tpu.memref_slice %arg10[%add3A_52, %dma_start3A_59] : memref<10016x128xf32, #tpu.memory_space<vmem_shared>> -> memref<120x128xf32, #tpu.memory_space<vmem_shared>>
        tpu.enqueue_dma source(%arg7 : memref<120x128xf32, #tpu.memory_space<vmem>>) target(%dma_start3A_60 : memref<120x128xf32, #tpu.memory_space<vmem_shared>>) target_semaphore(%run_scoped3A : memref<!tpu.dma_semaphore, #tpu.memory_space<semaphore_mem>>)
        %dma_wait3A = arith.constant 0 : i32
        %dma_wait3A_61 = tpu.memref_slice %arg10[%add3A_52, %dma_wait3A] : memref<10016x128xf32, #tpu.memory_space<vmem_shared>> -> memref<120x128xf32, #tpu.memory_space<vmem_shared>>
        %dma_wait3A_62 = arith.constant 0 : i32
        %dma_wait3A_63 = tpu.memref_slice %arg10[%add3A_52, %dma_wait3A_62] : memref<10016x128xf32, #tpu.memory_space<vmem_shared>> -> memref<120x128xf32, #tpu.memory_space<vmem_shared>>
        tpu.wait_dma2 semaphore(%run_scoped3A : memref<!tpu.dma_semaphore, #tpu.memory_space<semaphore_mem>>) src(%arg7 : memref<120x128xf32, #tpu.memory_space<vmem>>) dst(%dma_wait3A_63 : memref<120x128xf32, #tpu.memory_space<vmem_shared>>)
        tpu.yield
      }) : () -> ()
      %add3A_53 = arith.constant 480 : i32
      %add3A_54 = arith.addi %mul3A_8, %add3A_53 : i32
      "tpu.region"() ({
        %run_scoped3A = tpu.sem_alloc : memref<!tpu.dma_semaphore, #tpu.memory_space<semaphore_mem>>
        %dma_start3A_57 = arith.constant 0 : i32
        %dma_start3A_58 = tpu.memref_slice %arg10[%add3A_54, %dma_start3A_57] : memref<10016x128xf32, #tpu.memory_space<vmem_shared>> -> memref<120x128xf32, #tpu.memory_space<vmem_shared>>
        %dma_start3A_59 = arith.constant 0 : i32
        %dma_start3A_60 = tpu.memref_slice %arg10[%add3A_54, %dma_start3A_59] : memref<10016x128xf32, #tpu.memory_space<vmem_shared>> -> memref<120x128xf32, #tpu.memory_space<vmem_shared>>
        tpu.enqueue_dma source(%arg7 : memref<120x128xf32, #tpu.memory_space<vmem>>) target(%dma_start3A_60 : memref<120x128xf32, #tpu.memory_space<vmem_shared>>) target_semaphore(%run_scoped3A : memref<!tpu.dma_semaphore, #tpu.memory_space<semaphore_mem>>)
        %dma_wait3A = arith.constant 0 : i32
        %dma_wait3A_61 = tpu.memref_slice %arg10[%add3A_54, %dma_wait3A] : memref<10016x128xf32, #tpu.memory_space<vmem_shared>> -> memref<120x128xf32, #tpu.memory_space<vmem_shared>>
        %dma_wait3A_62 = arith.constant 0 : i32
        %dma_wait3A_63 = tpu.memref_slice %arg10[%add3A_54, %dma_wait3A_62] : memref<10016x128xf32, #tpu.memory_space<vmem_shared>> -> memref<120x128xf32, #tpu.memory_space<vmem_shared>>
        tpu.wait_dma2 semaphore(%run_scoped3A : memref<!tpu.dma_semaphore, #tpu.memory_space<semaphore_mem>>) src(%arg7 : memref<120x128xf32, #tpu.memory_space<vmem>>) dst(%dma_wait3A_63 : memref<120x128xf32, #tpu.memory_space<vmem_shared>>)
        tpu.yield
      }) : () -> ()
      %add3A_55 = arith.constant 600 : i32
      %add3A_56 = arith.addi %mul3A_8, %add3A_55 : i32
      "tpu.region"() ({
        %run_scoped3A = tpu.sem_alloc : memref<!tpu.dma_semaphore, #tpu.memory_space<semaphore_mem>>
        %dma_start3A_57 = arith.constant 0 : i32
        %dma_start3A_58 = arith.constant 0 : i32
        %dma_start3A_59 = tpu.memref_slice %arg7[%dma_start3A_57, %dma_start3A_58] : memref<120x128xf32, #tpu.memory_space<vmem>> -> memref<32x128xf32, #tpu.memory_space<vmem>>
        %dma_start3A_60 = arith.constant 0 : i32
        %dma_start3A_61 = tpu.memref_slice %arg10[%add3A_56, %dma_start3A_60] : memref<10016x128xf32, #tpu.memory_space<vmem_shared>> -> memref<32x128xf32, #tpu.memory_space<vmem_shared>>
        %dma_start3A_62 = arith.constant 0 : i32
        %dma_start3A_63 = tpu.memref_slice %arg10[%add3A_56, %dma_start3A_62] : memref<10016x128xf32, #tpu.memory_space<vmem_shared>> -> memref<32x128xf32, #tpu.memory_space<vmem_shared>>
        %dma_start3A_64 = arith.constant 0 : i32
        %dma_start3A_65 = arith.constant 0 : i32
        %dma_start3A_66 = tpu.memref_slice %arg7[%dma_start3A_64, %dma_start3A_65] : memref<120x128xf32, #tpu.memory_space<vmem>> -> memref<32x128xf32, #tpu.memory_space<vmem>>
        tpu.enqueue_dma source(%dma_start3A_66 : memref<32x128xf32, #tpu.memory_space<vmem>>) target(%dma_start3A_63 : memref<32x128xf32, #tpu.memory_space<vmem_shared>>) target_semaphore(%run_scoped3A : memref<!tpu.dma_semaphore, #tpu.memory_space<semaphore_mem>>)
        %dma_wait3A = arith.constant 0 : i32
        %dma_wait3A_67 = arith.constant 0 : i32
        %dma_wait3A_68 = tpu.memref_slice %arg7[%dma_wait3A, %dma_wait3A_67] : memref<120x128xf32, #tpu.memory_space<vmem>> -> memref<32x128xf32, #tpu.memory_space<vmem>>
        %dma_wait3A_69 = arith.constant 0 : i32
        %dma_wait3A_70 = tpu.memref_slice %arg10[%add3A_56, %dma_wait3A_69] : memref<10016x128xf32, #tpu.memory_space<vmem_shared>> -> memref<32x128xf32, #tpu.memory_space<vmem_shared>>
        %dma_wait3A_71 = arith.constant 0 : i32
        %dma_wait3A_72 = tpu.memref_slice %arg10[%add3A_56, %dma_wait3A_71] : memref<10016x128xf32, #tpu.memory_space<vmem_shared>> -> memref<32x128xf32, #tpu.memory_space<vmem_shared>>
        %dma_wait3A_73 = arith.constant 0 : i32
        %dma_wait3A_74 = arith.constant 0 : i32
        %dma_wait3A_75 = tpu.memref_slice %arg7[%dma_wait3A_73, %dma_wait3A_74] : memref<120x128xf32, #tpu.memory_space<vmem>> -> memref<32x128xf32, #tpu.memory_space<vmem>>
        tpu.wait_dma2 semaphore(%run_scoped3A : memref<!tpu.dma_semaphore, #tpu.memory_space<semaphore_mem>>) src(%dma_wait3A_75 : memref<32x128xf32, #tpu.memory_space<vmem>>) dst(%dma_wait3A_72 : memref<32x128xf32, #tpu.memory_space<vmem_shared>>)
        tpu.yield
      }) : () -> ()
    } else {
    }
    %eq3A = arith.constant 15 : i32
    %eq3A_11 = arith.cmpi eq, %arg1, %eq3A : i32
    %convert_element_type3A_12 = arith.extui %eq3A_11 : i1 to i32
    %cond3A_13 = arith.constant 0 : i32
    %cond3A_14 = arith.cmpi ne, %convert_element_type3A_12, %cond3A_13 : i32
    scf.if %cond3A_14 {
      %add3A_45 = arith.constant 0 : i32
      %add3A_46 = arith.addi %mul3A_8, %add3A_45 : i32
      "tpu.region"() ({
        %run_scoped3A = tpu.sem_alloc : memref<!tpu.dma_semaphore, #tpu.memory_space<semaphore_mem>>
        %dma_start3A_55 = arith.constant 0 : i32
        %dma_start3A_56 = tpu.memref_slice %arg10[%add3A_46, %dma_start3A_55] : memref<10016x128xf32, #tpu.memory_space<vmem_shared>> -> memref<120x128xf32, #tpu.memory_space<vmem_shared>>
        %dma_start3A_57 = arith.constant 0 : i32
        %dma_start3A_58 = tpu.memref_slice %arg10[%add3A_46, %dma_start3A_57] : memref<10016x128xf32, #tpu.memory_space<vmem_shared>> -> memref<120x128xf32, #tpu.memory_space<vmem_shared>>
        tpu.enqueue_dma source(%arg7 : memref<120x128xf32, #tpu.memory_space<vmem>>) target(%dma_start3A_58 : memref<120x128xf32, #tpu.memory_space<vmem_shared>>) target_semaphore(%run_scoped3A : memref<!tpu.dma_semaphore, #tpu.memory_space<semaphore_mem>>)
        %dma_wait3A = arith.constant 0 : i32
        %dma_wait3A_59 = tpu.memref_slice %arg10[%add3A_46, %dma_wait3A] : memref<10016x128xf32, #tpu.memory_space<vmem_shared>> -> memref<120x128xf32, #tpu.memory_space<vmem_shared>>
        %dma_wait3A_60 = arith.constant 0 : i32
        %dma_wait3A_61 = tpu.memref_slice %arg10[%add3A_46, %dma_wait3A_60] : memref<10016x128xf32, #tpu.memory_space<vmem_shared>> -> memref<120x128xf32, #tpu.memory_space<vmem_shared>>
        tpu.wait_dma2 semaphore(%run_scoped3A : memref<!tpu.dma_semaphore, #tpu.memory_space<semaphore_mem>>) src(%arg7 : memref<120x128xf32, #tpu.memory_space<vmem>>) dst(%dma_wait3A_61 : memref<120x128xf32, #tpu.memory_space<vmem_shared>>)
        tpu.yield
      }) : () -> ()
      %add3A_47 = arith.constant 120 : i32
      %add3A_48 = arith.addi %mul3A_8, %add3A_47 : i32
      "tpu.region"() ({
        %run_scoped3A = tpu.sem_alloc : memref<!tpu.dma_semaphore, #tpu.memory_space<semaphore_mem>>
        %dma_start3A_55 = arith.constant 0 : i32
        %dma_start3A_56 = tpu.memref_slice %arg10[%add3A_48, %dma_start3A_55] : memref<10016x128xf32, #tpu.memory_space<vmem_shared>> -> memref<120x128xf32, #tpu.memory_space<vmem_shared>>
        %dma_start3A_57 = arith.constant 0 : i32
        %dma_start3A_58 = tpu.memref_slice %arg10[%add3A_48, %dma_start3A_57] : memref<10016x128xf32, #tpu.memory_space<vmem_shared>> -> memref<120x128xf32, #tpu.memory_space<vmem_shared>>
        tpu.enqueue_dma source(%arg7 : memref<120x128xf32, #tpu.memory_space<vmem>>) target(%dma_start3A_58 : memref<120x128xf32, #tpu.memory_space<vmem_shared>>) target_semaphore(%run_scoped3A : memref<!tpu.dma_semaphore, #tpu.memory_space<semaphore_mem>>)
        %dma_wait3A = arith.constant 0 : i32
        %dma_wait3A_59 = tpu.memref_slice %arg10[%add3A_48, %dma_wait3A] : memref<10016x128xf32, #tpu.memory_space<vmem_shared>> -> memref<120x128xf32, #tpu.memory_space<vmem_shared>>
        %dma_wait3A_60 = arith.constant 0 : i32
        %dma_wait3A_61 = tpu.memref_slice %arg10[%add3A_48, %dma_wait3A_60] : memref<10016x128xf32, #tpu.memory_space<vmem_shared>> -> memref<120x128xf32, #tpu.memory_space<vmem_shared>>
        tpu.wait_dma2 semaphore(%run_scoped3A : memref<!tpu.dma_semaphore, #tpu.memory_space<semaphore_mem>>) src(%arg7 : memref<120x128xf32, #tpu.memory_space<vmem>>) dst(%dma_wait3A_61 : memref<120x128xf32, #tpu.memory_space<vmem_shared>>)
        tpu.yield
      }) : () -> ()
      %add3A_49 = arith.constant 240 : i32
      %add3A_50 = arith.addi %mul3A_8, %add3A_49 : i32
      "tpu.region"() ({
        %run_scoped3A = tpu.sem_alloc : memref<!tpu.dma_semaphore, #tpu.memory_space<semaphore_mem>>
        %dma_start3A_55 = arith.constant 0 : i32
        %dma_start3A_56 = tpu.memref_slice %arg10[%add3A_50, %dma_start3A_55] : memref<10016x128xf32, #tpu.memory_space<vmem_shared>> -> memref<120x128xf32, #tpu.memory_space<vmem_shared>>
        %dma_start3A_57 = arith.constant 0 : i32
        %dma_start3A_58 = tpu.memref_slice %arg10[%add3A_50, %dma_start3A_57] : memref<10016x128xf32, #tpu.memory_space<vmem_shared>> -> memref<120x128xf32, #tpu.memory_space<vmem_shared>>
        tpu.enqueue_dma source(%arg7 : memref<120x128xf32, #tpu.memory_space<vmem>>) target(%dma_start3A_58 : memref<120x128xf32, #tpu.memory_space<vmem_shared>>) target_semaphore(%run_scoped3A : memref<!tpu.dma_semaphore, #tpu.memory_space<semaphore_mem>>)
        %dma_wait3A = arith.constant 0 : i32
        %dma_wait3A_59 = tpu.memref_slice %arg10[%add3A_50, %dma_wait3A] : memref<10016x128xf32, #tpu.memory_space<vmem_shared>> -> memref<120x128xf32, #tpu.memory_space<vmem_shared>>
        %dma_wait3A_60 = arith.constant 0 : i32
        %dma_wait3A_61 = tpu.memref_slice %arg10[%add3A_50, %dma_wait3A_60] : memref<10016x128xf32, #tpu.memory_space<vmem_shared>> -> memref<120x128xf32, #tpu.memory_space<vmem_shared>>
        tpu.wait_dma2 semaphore(%run_scoped3A : memref<!tpu.dma_semaphore, #tpu.memory_space<semaphore_mem>>) src(%arg7 : memref<120x128xf32, #tpu.memory_space<vmem>>) dst(%dma_wait3A_61 : memref<120x128xf32, #tpu.memory_space<vmem_shared>>)
        tpu.yield
      }) : () -> ()
      %add3A_51 = arith.constant 360 : i32
      %add3A_52 = arith.addi %mul3A_8, %add3A_51 : i32
      "tpu.region"() ({
        %run_scoped3A = tpu.sem_alloc : memref<!tpu.dma_semaphore, #tpu.memory_space<semaphore_mem>>
        %dma_start3A_55 = arith.constant 0 : i32
        %dma_start3A_56 = tpu.memref_slice %arg10[%add3A_52, %dma_start3A_55] : memref<10016x128xf32, #tpu.memory_space<vmem_shared>> -> memref<120x128xf32, #tpu.memory_space<vmem_shared>>
        %dma_start3A_57 = arith.constant 0 : i32
        %dma_start3A_58 = tpu.memref_slice %arg10[%add3A_52, %dma_start3A_57] : memref<10016x128xf32, #tpu.memory_space<vmem_shared>> -> memref<120x128xf32, #tpu.memory_space<vmem_shared>>
        tpu.enqueue_dma source(%arg7 : memref<120x128xf32, #tpu.memory_space<vmem>>) target(%dma_start3A_58 : memref<120x128xf32, #tpu.memory_space<vmem_shared>>) target_semaphore(%run_scoped3A : memref<!tpu.dma_semaphore, #tpu.memory_space<semaphore_mem>>)
        %dma_wait3A = arith.constant 0 : i32
        %dma_wait3A_59 = tpu.memref_slice %arg10[%add3A_52, %dma_wait3A] : memref<10016x128xf32, #tpu.memory_space<vmem_shared>> -> memref<120x128xf32, #tpu.memory_space<vmem_shared>>
        %dma_wait3A_60 = arith.constant 0 : i32
        %dma_wait3A_61 = tpu.memref_slice %arg10[%add3A_52, %dma_wait3A_60] : memref<10016x128xf32, #tpu.memory_space<vmem_shared>> -> memref<120x128xf32, #tpu.memory_space<vmem_shared>>
        tpu.wait_dma2 semaphore(%run_scoped3A : memref<!tpu.dma_semaphore, #tpu.memory_space<semaphore_mem>>) src(%arg7 : memref<120x128xf32, #tpu.memory_space<vmem>>) dst(%dma_wait3A_61 : memref<120x128xf32, #tpu.memory_space<vmem_shared>>)
        tpu.yield
      }) : () -> ()
      %add3A_53 = arith.constant 480 : i32
      %add3A_54 = arith.addi %mul3A_8, %add3A_53 : i32
      "tpu.region"() ({
        %run_scoped3A = tpu.sem_alloc : memref<!tpu.dma_semaphore, #tpu.memory_space<semaphore_mem>>
        %dma_start3A_55 = arith.constant 0 : i32
        %dma_start3A_56 = arith.constant 0 : i32
        %dma_start3A_57 = tpu.memref_slice %arg7[%dma_start3A_55, %dma_start3A_56] : memref<120x128xf32, #tpu.memory_space<vmem>> -> memref<56x128xf32, #tpu.memory_space<vmem>>
        %dma_start3A_58 = arith.constant 0 : i32
        %dma_start3A_59 = tpu.memref_slice %arg10[%add3A_54, %dma_start3A_58] : memref<10016x128xf32, #tpu.memory_space<vmem_shared>> -> memref<56x128xf32, #tpu.memory_space<vmem_shared>>
        %dma_start3A_60 = arith.constant 0 : i32
        %dma_start3A_61 = tpu.memref_slice %arg10[%add3A_54, %dma_start3A_60] : memref<10016x128xf32, #tpu.memory_space<vmem_shared>> -> memref<56x128xf32, #tpu.memory_space<vmem_shared>>
        %dma_start3A_62 = arith.constant 0 : i32
        %dma_start3A_63 = arith.constant 0 : i32
        %dma_start3A_64 = tpu.memref_slice %arg7[%dma_start3A_62, %dma_start3A_63] : memref<120x128xf32, #tpu.memory_space<vmem>> -> memref<56x128xf32, #tpu.memory_space<vmem>>
        tpu.enqueue_dma source(%dma_start3A_64 : memref<56x128xf32, #tpu.memory_space<vmem>>) target(%dma_start3A_61 : memref<56x128xf32, #tpu.memory_space<vmem_shared>>) target_semaphore(%run_scoped3A : memref<!tpu.dma_semaphore, #tpu.memory_space<semaphore_mem>>)
        %dma_wait3A = arith.constant 0 : i32
        %dma_wait3A_65 = arith.constant 0 : i32
        %dma_wait3A_66 = tpu.memref_slice %arg7[%dma_wait3A, %dma_wait3A_65] : memref<120x128xf32, #tpu.memory_space<vmem>> -> memref<56x128xf32, #tpu.memory_space<vmem>>
        %dma_wait3A_67 = arith.constant 0 : i32
        %dma_wait3A_68 = tpu.memref_slice %arg10[%add3A_54, %dma_wait3A_67] : memref<10016x128xf32, #tpu.memory_space<vmem_shared>> -> memref<56x128xf32, #tpu.memory_space<vmem_shared>>
        %dma_wait3A_69 = arith.constant 0 : i32
        %dma_wait3A_70 = tpu.memref_slice %arg10[%add3A_54, %dma_wait3A_69] : memref<10016x128xf32, #tpu.memory_space<vmem_shared>> -> memref<56x128xf32, #tpu.memory_space<vmem_shared>>
        %dma_wait3A_71 = arith.constant 0 : i32
        %dma_wait3A_72 = arith.constant 0 : i32
        %dma_wait3A_73 = tpu.memref_slice %arg7[%dma_wait3A_71, %dma_wait3A_72] : memref<120x128xf32, #tpu.memory_space<vmem>> -> memref<56x128xf32, #tpu.memory_space<vmem>>
        tpu.wait_dma2 semaphore(%run_scoped3A : memref<!tpu.dma_semaphore, #tpu.memory_space<semaphore_mem>>) src(%dma_wait3A_73 : memref<56x128xf32, #tpu.memory_space<vmem>>) dst(%dma_wait3A_70 : memref<56x128xf32, #tpu.memory_space<vmem_shared>>)
        tpu.yield
      }) : () -> ()
    } else {
    }
    %barrier3A = arith.constant 0 : index
    tpu.barrier barrier_id(%barrier3A)
    %mul3A_15 = arith.constant 84 : i32
    %mul3A_16 = arith.muli %add3A, %mul3A_15 : i32
    %mul3A_17 = arith.constant 120 : i32
    %mul3A_18 = arith.muli %mul3A_16, %mul3A_17 : i32
    "tpu.region"() ({
      %run_scoped3A = tpu.sem_alloc : memref<!tpu.dma_semaphore, #tpu.memory_space<semaphore_mem>>
      %dma_start3A_45 = arith.constant 0 : i32
      %dma_start3A_46 = tpu.memref_slice %arg6[%dma_start3A_45] : memref<1440xi32, #tpu.memory_space<vmem>> -> memref<360xi32, #tpu.memory_space<vmem>>
      %dma_start3A_47 = tpu.memref_slice %arg3[%mul3A_18] : memref<322560xi32, #tpu.memory_space<hbm>> -> memref<360xi32, #tpu.memory_space<hbm>>
      %dma_start3A_48 = arith.constant 0 : i32
      %dma_start3A_49 = tpu.memref_slice %arg6[%dma_start3A_48] : memref<1440xi32, #tpu.memory_space<vmem>> -> memref<360xi32, #tpu.memory_space<vmem>>
      %dma_start3A_50 = tpu.memref_slice %arg3[%mul3A_18] : memref<322560xi32, #tpu.memory_space<hbm>> -> memref<360xi32, #tpu.memory_space<hbm>>
      tpu.enqueue_dma source(%dma_start3A_50 : memref<360xi32, #tpu.memory_space<hbm>>) target(%dma_start3A_49 : memref<360xi32, #tpu.memory_space<vmem>>) target_semaphore(%run_scoped3A : memref<!tpu.dma_semaphore, #tpu.memory_space<semaphore_mem>>)
      %dma_wait3A = arith.constant 0 : i32
      %dma_wait3A_51 = tpu.memref_slice %arg6[%dma_wait3A] : memref<1440xi32, #tpu.memory_space<vmem>> -> memref<360xi32, #tpu.memory_space<vmem>>
      %dma_wait3A_52 = tpu.memref_slice %arg3[%mul3A_18] : memref<322560xi32, #tpu.memory_space<hbm>> -> memref<360xi32, #tpu.memory_space<hbm>>
      %dma_wait3A_53 = arith.constant 0 : i32
      %dma_wait3A_54 = tpu.memref_slice %arg6[%dma_wait3A_53] : memref<1440xi32, #tpu.memory_space<vmem>> -> memref<360xi32, #tpu.memory_space<vmem>>
      %dma_wait3A_55 = tpu.memref_slice %arg3[%mul3A_18] : memref<322560xi32, #tpu.memory_space<hbm>> -> memref<360xi32, #tpu.memory_space<hbm>>
      tpu.wait_dma2 semaphore(%run_scoped3A : memref<!tpu.dma_semaphore, #tpu.memory_space<semaphore_mem>>) src(%dma_wait3A_55 : memref<360xi32, #tpu.memory_space<hbm>>) dst(%dma_wait3A_54 : memref<360xi32, #tpu.memory_space<vmem>>)
      tpu.yield
    }) : () -> ()
    "tpu.region"() ({
      %run_scoped3A = tpu.sem_alloc : memref<!tpu.dma_semaphore, #tpu.memory_space<semaphore_mem>>
      %dma_start3A_45 = arith.constant 720 : i32
      %dma_start3A_46 = tpu.memref_slice %arg6[%dma_start3A_45] : memref<1440xi32, #tpu.memory_space<vmem>> -> memref<360xi32, #tpu.memory_space<vmem>>
      %dma_start3A_47 = tpu.memref_slice %arg4[%mul3A_18] : memref<322560xi32, #tpu.memory_space<hbm>> -> memref<360xi32, #tpu.memory_space<hbm>>
      %dma_start3A_48 = arith.constant 720 : i32
      %dma_start3A_49 = tpu.memref_slice %arg6[%dma_start3A_48] : memref<1440xi32, #tpu.memory_space<vmem>> -> memref<360xi32, #tpu.memory_space<vmem>>
      %dma_start3A_50 = tpu.memref_slice %arg4[%mul3A_18] : memref<322560xi32, #tpu.memory_space<hbm>> -> memref<360xi32, #tpu.memory_space<hbm>>
      tpu.enqueue_dma source(%dma_start3A_50 : memref<360xi32, #tpu.memory_space<hbm>>) target(%dma_start3A_49 : memref<360xi32, #tpu.memory_space<vmem>>) target_semaphore(%run_scoped3A : memref<!tpu.dma_semaphore, #tpu.memory_space<semaphore_mem>>)
      %dma_wait3A = arith.constant 720 : i32
      %dma_wait3A_51 = tpu.memref_slice %arg6[%dma_wait3A] : memref<1440xi32, #tpu.memory_space<vmem>> -> memref<360xi32, #tpu.memory_space<vmem>>
      %dma_wait3A_52 = tpu.memref_slice %arg4[%mul3A_18] : memref<322560xi32, #tpu.memory_space<hbm>> -> memref<360xi32, #tpu.memory_space<hbm>>
      %dma_wait3A_53 = arith.constant 720 : i32
      %dma_wait3A_54 = tpu.memref_slice %arg6[%dma_wait3A_53] : memref<1440xi32, #tpu.memory_space<vmem>> -> memref<360xi32, #tpu.memory_space<vmem>>
      %dma_wait3A_55 = tpu.memref_slice %arg4[%mul3A_18] : memref<322560xi32, #tpu.memory_space<hbm>> -> memref<360xi32, #tpu.memory_space<hbm>>
      tpu.wait_dma2 semaphore(%run_scoped3A : memref<!tpu.dma_semaphore, #tpu.memory_space<semaphore_mem>>) src(%dma_wait3A_55 : memref<360xi32, #tpu.memory_space<hbm>>) dst(%dma_wait3A_54 : memref<360xi32, #tpu.memory_space<vmem>>)
      tpu.yield
    }) : () -> ()
    %dma_start3A = arith.constant 0 : i32
    %dma_start3A_19 = tpu.memref_slice %arg6[%dma_start3A] : memref<1440xi32, #tpu.memory_space<vmem>> -> memref<120xi32, #tpu.memory_space<vmem>>
    %dma_start3A_20 = arith.constant 0 : i32
    %dma_start3A_21 = arith.constant 0 : i32
    %dma_start3A_22 = tpu.memref_slice %arg2[%dma_start3A_20, %dma_start3A_21] : memref<10000x128xf32, #tpu.memory_space<hbm>> -> memref<10000x128xf32, #tpu.memory_space<hbm>>
    tpu.enqueue_indirect_dma source(%dma_start3A_22 : memref<10000x128xf32, #tpu.memory_space<hbm>>) target(%arg7 : memref<120x128xf32, #tpu.memory_space<vmem>>) offsets(%dma_start3A_19 : memref<120xi32, #tpu.memory_space<vmem>>) semaphore(%arg11 : memref<!tpu.dma_semaphore, #tpu.memory_space<semaphore_mem>>)
    %dma_start3A_23 = arith.constant 120 : i32
    %dma_start3A_24 = tpu.memref_slice %arg6[%dma_start3A_23] : memref<1440xi32, #tpu.memory_space<vmem>> -> memref<120xi32, #tpu.memory_space<vmem>>
    %dma_start3A_25 = arith.constant 0 : i32
    %dma_start3A_26 = arith.constant 0 : i32
    %dma_start3A_27 = tpu.memref_slice %arg2[%dma_start3A_25, %dma_start3A_26] : memref<10000x128xf32, #tpu.memory_space<hbm>> -> memref<10000x128xf32, #tpu.memory_space<hbm>>
    tpu.enqueue_indirect_dma source(%dma_start3A_27 : memref<10000x128xf32, #tpu.memory_space<hbm>>) target(%arg8 : memref<120x128xf32, #tpu.memory_space<vmem>>) offsets(%dma_start3A_24 : memref<120xi32, #tpu.memory_space<vmem>>) semaphore(%arg12 : memref<!tpu.dma_semaphore, #tpu.memory_space<semaphore_mem>>)
    %scan3A_28 = arith.constant 0 : i32
    %scan3A_29 = arith.constant 0 : i32
    %scan3A_30 = arith.constant 28 : i32
    %scan3A_31 = arith.addi %scan3A_29, %scan3A_30 : i32
    %scan3A_32 = arith.constant 1 : i32
    scf.for %scan3A_45 = %scan3A_29 to %scan3A_31 step %scan3A_32  : i32 {
      %rem3A = arith.constant 2 : i32
      %rem3A_46 = arith.remsi %scan3A_45, %rem3A : i32
      %sub3A = arith.constant 1 : i32
      %sub3A_47 = arith.subi %sub3A, %rem3A_46 : i32
      %add3A_48 = arith.constant 1 : i32
      %add3A_49 = arith.addi %scan3A_45, %add3A_48 : i32
      %lt3A_50 = arith.constant 28 : i32
      %lt3A_51 = arith.cmpi slt, %add3A_49, %lt3A_50 : i32
      %convert_element_type3A_52 = arith.extui %lt3A_51 : i1 to i32
      %cond3A_53 = arith.constant 0 : i32
      %cond3A_54 = arith.cmpi ne, %convert_element_type3A_52, %cond3A_53 : i32
      scf.if %cond3A_54 {
        %mul3A_114 = arith.constant 360 : i32
        %mul3A_115 = arith.muli %add3A_49, %mul3A_114 : i32
        %add3A_116 = arith.addi %mul3A_18, %mul3A_115 : i32
        %mul3A_117 = arith.constant 360 : i32
        %mul3A_118 = arith.muli %sub3A_47, %mul3A_117 : i32
        %dma_start3A_119 = tpu.memref_slice %arg6[%mul3A_118] : memref<1440xi32, #tpu.memory_space<vmem>> -> memref<360xi32, #tpu.memory_space<vmem>>
        %dma_start3A_120 = tpu.memref_slice %arg3[%add3A_116] : memref<322560xi32, #tpu.memory_space<hbm>> -> memref<360xi32, #tpu.memory_space<hbm>>
        %dma_start3A_121 = tpu.memref_slice %arg6[%mul3A_118] : memref<1440xi32, #tpu.memory_space<vmem>> -> memref<360xi32, #tpu.memory_space<vmem>>
        %dma_start3A_122 = tpu.memref_slice %arg3[%add3A_116] : memref<322560xi32, #tpu.memory_space<hbm>> -> memref<360xi32, #tpu.memory_space<hbm>>
        tpu.enqueue_dma source(%dma_start3A_122 : memref<360xi32, #tpu.memory_space<hbm>>) target(%dma_start3A_121 : memref<360xi32, #tpu.memory_space<vmem>>) target_semaphore(%arg14 : memref<!tpu.dma_semaphore, #tpu.memory_space<semaphore_mem>>)
        %mul3A_123 = arith.constant 360 : i32
        %mul3A_124 = arith.muli %add3A_49, %mul3A_123 : i32
        %add3A_125 = arith.addi %mul3A_18, %mul3A_124 : i32
        %mul3A_126 = arith.constant 360 : i32
        %mul3A_127 = arith.muli %sub3A_47, %mul3A_126 : i32
        %add3A_128 = arith.constant 720 : i32
        %add3A_129 = arith.addi %add3A_128, %mul3A_127 : i32
        %dma_start3A_130 = tpu.memref_slice %arg6[%add3A_129] : memref<1440xi32, #tpu.memory_space<vmem>> -> memref<360xi32, #tpu.memory_space<vmem>>
        %dma_start3A_131 = tpu.memref_slice %arg4[%add3A_125] : memref<322560xi32, #tpu.memory_space<hbm>> -> memref<360xi32, #tpu.memory_space<hbm>>
        %dma_start3A_132 = tpu.memref_slice %arg6[%add3A_129] : memref<1440xi32, #tpu.memory_space<vmem>> -> memref<360xi32, #tpu.memory_space<vmem>>
        %dma_start3A_133 = tpu.memref_slice %arg4[%add3A_125] : memref<322560xi32, #tpu.memory_space<hbm>> -> memref<360xi32, #tpu.memory_space<hbm>>
        tpu.enqueue_dma source(%dma_start3A_133 : memref<360xi32, #tpu.memory_space<hbm>>) target(%dma_start3A_132 : memref<360xi32, #tpu.memory_space<vmem>>) target_semaphore(%arg14 : memref<!tpu.dma_semaphore, #tpu.memory_space<semaphore_mem>>)
      } else {
      }
      %mul3A_55 = arith.constant 360 : i32
      %mul3A_56 = arith.muli %rem3A_46, %mul3A_55 : i32
      %add3A_57 = arith.constant 0 : i32
      %add3A_58 = arith.addi %mul3A_56, %add3A_57 : i32
      %dma_wait3A = tpu.memref_slice %arg6[%add3A_58] : memref<1440xi32, #tpu.memory_space<vmem>> -> memref<120xi32, #tpu.memory_space<vmem>>
      %dma_wait3A_59 = arith.constant 0 : i32
      %dma_wait3A_60 = arith.constant 0 : i32
      %dma_wait3A_61 = tpu.memref_slice %arg2[%dma_wait3A_59, %dma_wait3A_60] : memref<10000x128xf32, #tpu.memory_space<hbm>> -> memref<10000x128xf32, #tpu.memory_space<hbm>>
      tpu.wait_indirect_dma semaphore(%arg11 : memref<!tpu.dma_semaphore, #tpu.memory_space<semaphore_mem>>) src(%dma_wait3A_61 : memref<10000x128xf32, #tpu.memory_space<hbm>>) dst(%arg7 : memref<120x128xf32, #tpu.memory_space<vmem>>)
      %mul3A_62 = arith.constant 360 : i32
      %mul3A_63 = arith.muli %rem3A_46, %mul3A_62 : i32
      %add3A_64 = arith.constant 240 : i32
      %add3A_65 = arith.addi %mul3A_63, %add3A_64 : i32
      %dma_start3A_66 = tpu.memref_slice %arg6[%add3A_65] : memref<1440xi32, #tpu.memory_space<vmem>> -> memref<120xi32, #tpu.memory_space<vmem>>
      %dma_start3A_67 = arith.constant 0 : i32
      %dma_start3A_68 = arith.constant 0 : i32
      %dma_start3A_69 = tpu.memref_slice %arg2[%dma_start3A_67, %dma_start3A_68] : memref<10000x128xf32, #tpu.memory_space<hbm>> -> memref<10000x128xf32, #tpu.memory_space<hbm>>
      tpu.enqueue_indirect_dma source(%dma_start3A_69 : memref<10000x128xf32, #tpu.memory_space<hbm>>) target(%arg9 : memref<120x128xf32, #tpu.memory_space<vmem>>) offsets(%dma_start3A_66 : memref<120xi32, #tpu.memory_space<vmem>>) semaphore(%arg13 : memref<!tpu.dma_semaphore, #tpu.memory_space<semaphore_mem>>)
      %mul3A_70 = arith.constant 360 : i32
      %mul3A_71 = arith.muli %rem3A_46, %mul3A_70 : i32
      %add3A_72 = arith.constant 720 : i32
      %add3A_73 = arith.addi %add3A_72, %mul3A_71 : i32
      %add3A_74 = arith.constant 0 : i32
      %add3A_75 = arith.addi %add3A_73, %add3A_74 : i32
      "tpu.region"() ({
        %run_scoped3A = tpu.sem_alloc : memref<!tpu.dma_semaphore, #tpu.memory_space<semaphore_mem>>
        %dma_start3A_114 = tpu.memref_slice %arg6[%add3A_75] : memref<1440xi32, #tpu.memory_space<vmem>> -> memref<120xi32, #tpu.memory_space<vmem>>
        %dma_start3A_115 = arith.constant 0 : i32
        %dma_start3A_116 = arith.constant 0 : i32
        %dma_start3A_117 = tpu.memref_slice %arg10[%dma_start3A_115, %dma_start3A_116] : memref<10016x128xf32, #tpu.memory_space<vmem_shared>> -> memref<10016x128xf32, #tpu.memory_space<vmem_shared>>
        tpu.enqueue_indirect_dma source(%arg7 : memref<120x128xf32, #tpu.memory_space<vmem>>) target(%dma_start3A_117 : memref<10016x128xf32, #tpu.memory_space<vmem_shared>>) offsets(%dma_start3A_114 : memref<120xi32, #tpu.memory_space<vmem>>) semaphore(%run_scoped3A : memref<!tpu.dma_semaphore, #tpu.memory_space<semaphore_mem>>) {add = true}
        %dma_wait3A_118 = tpu.memref_slice %arg6[%add3A_75] : memref<1440xi32, #tpu.memory_space<vmem>> -> memref<120xi32, #tpu.memory_space<vmem>>
        %dma_wait3A_119 = arith.constant 0 : i32
        %dma_wait3A_120 = arith.constant 0 : i32
        %dma_wait3A_121 = tpu.memref_slice %arg10[%dma_wait3A_119, %dma_wait3A_120] : memref<10016x128xf32, #tpu.memory_space<vmem_shared>> -> memref<10016x128xf32, #tpu.memory_space<vmem_shared>>
        tpu.wait_indirect_dma semaphore(%run_scoped3A : memref<!tpu.dma_semaphore, #tpu.memory_space<semaphore_mem>>) src(%arg7 : memref<120x128xf32, #tpu.memory_space<vmem>>) dst(%dma_wait3A_121 : memref<10016x128xf32, #tpu.memory_space<vmem_shared>>)
        tpu.yield
      }) : () -> ()
      %mul3A_76 = arith.constant 360 : i32
      %mul3A_77 = arith.muli %rem3A_46, %mul3A_76 : i32
      %add3A_78 = arith.constant 120 : i32
      %add3A_79 = arith.addi %mul3A_77, %add3A_78 : i32
      %dma_wait3A_80 = tpu.memref_slice %arg6[%add3A_79] : memref<1440xi32, #tpu.memory_space<vmem>> -> memref<120xi32, #tpu.memory_space<vmem>>
      %dma_wait3A_81 = arith.constant 0 : i32
      %dma_wait3A_82 = arith.constant 0 : i32
      %dma_wait3A_83 = tpu.memref_slice %arg2[%dma_wait3A_81, %dma_wait3A_82] : memref<10000x128xf32, #tpu.memory_space<hbm>> -> memref<10000x128xf32, #tpu.memory_space<hbm>>
      tpu.wait_indirect_dma semaphore(%arg12 : memref<!tpu.dma_semaphore, #tpu.memory_space<semaphore_mem>>) src(%dma_wait3A_83 : memref<10000x128xf32, #tpu.memory_space<hbm>>) dst(%arg8 : memref<120x128xf32, #tpu.memory_space<vmem>>)
      %lt3A_84 = arith.constant 28 : i32
      %lt3A_85 = arith.cmpi slt, %add3A_49, %lt3A_84 : i32
      %convert_element_type3A_86 = arith.extui %lt3A_85 : i1 to i32
      %cond3A_87 = arith.constant 0 : i32
      %cond3A_88 = arith.cmpi ne, %convert_element_type3A_86, %cond3A_87 : i32
      scf.if %cond3A_88 {
        %mul3A_114 = arith.constant 360 : i32
        %mul3A_115 = arith.muli %add3A_49, %mul3A_114 : i32
        %add3A_116 = arith.addi %mul3A_18, %mul3A_115 : i32
        %mul3A_117 = arith.constant 360 : i32
        %mul3A_118 = arith.muli %sub3A_47, %mul3A_117 : i32
        %dma_wait3A_119 = tpu.memref_slice %arg6[%mul3A_118] : memref<1440xi32, #tpu.memory_space<vmem>> -> memref<360xi32, #tpu.memory_space<vmem>>
        %dma_wait3A_120 = tpu.memref_slice %arg3[%add3A_116] : memref<322560xi32, #tpu.memory_space<hbm>> -> memref<360xi32, #tpu.memory_space<hbm>>
        %dma_wait3A_121 = tpu.memref_slice %arg6[%mul3A_118] : memref<1440xi32, #tpu.memory_space<vmem>> -> memref<360xi32, #tpu.memory_space<vmem>>
        %dma_wait3A_122 = tpu.memref_slice %arg3[%add3A_116] : memref<322560xi32, #tpu.memory_space<hbm>> -> memref<360xi32, #tpu.memory_space<hbm>>
        tpu.wait_dma2 semaphore(%arg14 : memref<!tpu.dma_semaphore, #tpu.memory_space<semaphore_mem>>) src(%dma_wait3A_122 : memref<360xi32, #tpu.memory_space<hbm>>) dst(%dma_wait3A_121 : memref<360xi32, #tpu.memory_space<vmem>>)
        %mul3A_123 = arith.constant 360 : i32
        %mul3A_124 = arith.muli %add3A_49, %mul3A_123 : i32
        %add3A_125 = arith.addi %mul3A_18, %mul3A_124 : i32
        %mul3A_126 = arith.constant 360 : i32
        %mul3A_127 = arith.muli %sub3A_47, %mul3A_126 : i32
        %add3A_128 = arith.constant 720 : i32
        %add3A_129 = arith.addi %add3A_128, %mul3A_127 : i32
        %dma_wait3A_130 = tpu.memref_slice %arg6[%add3A_129] : memref<1440xi32, #tpu.memory_space<vmem>> -> memref<360xi32, #tpu.memory_space<vmem>>
        %dma_wait3A_131 = tpu.memref_slice %arg4[%add3A_125] : memref<322560xi32, #tpu.memory_space<hbm>> -> memref<360xi32, #tpu.memory_space<hbm>>
        %dma_wait3A_132 = tpu.memref_slice %arg6[%add3A_129] : memref<1440xi32, #tpu.memory_space<vmem>> -> memref<360xi32, #tpu.memory_space<vmem>>
        %dma_wait3A_133 = tpu.memref_slice %arg4[%add3A_125] : memref<322560xi32, #tpu.memory_space<hbm>> -> memref<360xi32, #tpu.memory_space<hbm>>
        tpu.wait_dma2 semaphore(%arg14 : memref<!tpu.dma_semaphore, #tpu.memory_space<semaphore_mem>>) src(%dma_wait3A_133 : memref<360xi32, #tpu.memory_space<hbm>>) dst(%dma_wait3A_132 : memref<360xi32, #tpu.memory_space<vmem>>)
        %mul3A_134 = arith.constant 360 : i32
        %mul3A_135 = arith.muli %sub3A_47, %mul3A_134 : i32
        %dma_start3A_136 = tpu.memref_slice %arg6[%mul3A_135] : memref<1440xi32, #tpu.memory_space<vmem>> -> memref<120xi32, #tpu.memory_space<vmem>>
        %dma_start3A_137 = arith.constant 0 : i32
        %dma_start3A_138 = arith.constant 0 : i32
        %dma_start3A_139 = tpu.memref_slice %arg2[%dma_start3A_137, %dma_start3A_138] : memref<10000x128xf32, #tpu.memory_space<hbm>> -> memref<10000x128xf32, #tpu.memory_space<hbm>>
        tpu.enqueue_indirect_dma source(%dma_start3A_139 : memref<10000x128xf32, #tpu.memory_space<hbm>>) target(%arg7 : memref<120x128xf32, #tpu.memory_space<vmem>>) offsets(%dma_start3A_136 : memref<120xi32, #tpu.memory_space<vmem>>) semaphore(%arg11 : memref<!tpu.dma_semaphore, #tpu.memory_space<semaphore_mem>>)
      } else {
      }
      %mul3A_89 = arith.constant 360 : i32
      %mul3A_90 = arith.muli %rem3A_46, %mul3A_89 : i32
      %add3A_91 = arith.constant 720 : i32
      %add3A_92 = arith.addi %add3A_91, %mul3A_90 : i32
      %add3A_93 = arith.constant 120 : i32
      %add3A_94 = arith.addi %add3A_92, %add3A_93 : i32
      "tpu.region"() ({
        %run_scoped3A = tpu.sem_alloc : memref<!tpu.dma_semaphore, #tpu.memory_space<semaphore_mem>>
        %dma_start3A_114 = tpu.memref_slice %arg6[%add3A_94] : memref<1440xi32, #tpu.memory_space<vmem>> -> memref<120xi32, #tpu.memory_space<vmem>>
        %dma_start3A_115 = arith.constant 0 : i32
        %dma_start3A_116 = arith.constant 0 : i32
        %dma_start3A_117 = tpu.memref_slice %arg10[%dma_start3A_115, %dma_start3A_116] : memref<10016x128xf32, #tpu.memory_space<vmem_shared>> -> memref<10016x128xf32, #tpu.memory_space<vmem_shared>>
        tpu.enqueue_indirect_dma source(%arg8 : memref<120x128xf32, #tpu.memory_space<vmem>>) target(%dma_start3A_117 : memref<10016x128xf32, #tpu.memory_space<vmem_shared>>) offsets(%dma_start3A_114 : memref<120xi32, #tpu.memory_space<vmem>>) semaphore(%run_scoped3A : memref<!tpu.dma_semaphore, #tpu.memory_space<semaphore_mem>>) {add = true}
        %dma_wait3A_118 = tpu.memref_slice %arg6[%add3A_94] : memref<1440xi32, #tpu.memory_space<vmem>> -> memref<120xi32, #tpu.memory_space<vmem>>
        %dma_wait3A_119 = arith.constant 0 : i32
        %dma_wait3A_120 = arith.constant 0 : i32
        %dma_wait3A_121 = tpu.memref_slice %arg10[%dma_wait3A_119, %dma_wait3A_120] : memref<10016x128xf32, #tpu.memory_space<vmem_shared>> -> memref<10016x128xf32, #tpu.memory_space<vmem_shared>>
        tpu.wait_indirect_dma semaphore(%run_scoped3A : memref<!tpu.dma_semaphore, #tpu.memory_space<semaphore_mem>>) src(%arg8 : memref<120x128xf32, #tpu.memory_space<vmem>>) dst(%dma_wait3A_121 : memref<10016x128xf32, #tpu.memory_space<vmem_shared>>)
        tpu.yield
      }) : () -> ()
      %mul3A_95 = arith.constant 360 : i32
      %mul3A_96 = arith.muli %rem3A_46, %mul3A_95 : i32
      %add3A_97 = arith.constant 240 : i32
      %add3A_98 = arith.addi %mul3A_96, %add3A_97 : i32
      %dma_wait3A_99 = tpu.memref_slice %arg6[%add3A_98] : memref<1440xi32, #tpu.memory_space<vmem>> -> memref<120xi32, #tpu.memory_space<vmem>>
      %dma_wait3A_100 = arith.constant 0 : i32
      %dma_wait3A_101 = arith.constant 0 : i32
      %dma_wait3A_102 = tpu.memref_slice %arg2[%dma_wait3A_100, %dma_wait3A_101] : memref<10000x128xf32, #tpu.memory_space<hbm>> -> memref<10000x128xf32, #tpu.memory_space<hbm>>
      tpu.wait_indirect_dma semaphore(%arg13 : memref<!tpu.dma_semaphore, #tpu.memory_space<semaphore_mem>>) src(%dma_wait3A_102 : memref<10000x128xf32, #tpu.memory_space<hbm>>) dst(%arg9 : memref<120x128xf32, #tpu.memory_space<vmem>>)
      %lt3A_103 = arith.constant 28 : i32
      %lt3A_104 = arith.cmpi slt, %add3A_49, %lt3A_103 : i32
      %convert_element_type3A_105 = arith.extui %lt3A_104 : i1 to i32
      %cond3A_106 = arith.constant 0 : i32
      %cond3A_107 = arith.cmpi ne, %convert_element_type3A_105, %cond3A_106 : i32
      scf.if %cond3A_107 {
        %mul3A_114 = arith.constant 360 : i32
        %mul3A_115 = arith.muli %sub3A_47, %mul3A_114 : i32
        %add3A_116 = arith.constant 120 : i32
        %add3A_117 = arith.addi %mul3A_115, %add3A_116 : i32
        %dma_start3A_118 = tpu.memref_slice %arg6[%add3A_117] : memref<1440xi32, #tpu.memory_space<vmem>> -> memref<120xi32, #tpu.memory_space<vmem>>
        %dma_start3A_119 = arith.constant 0 : i32
        %dma_start3A_120 = arith.constant 0 : i32
        %dma_start3A_121 = tpu.memref_slice %arg2[%dma_start3A_119, %dma_start3A_120] : memref<10000x128xf32, #tpu.memory_space<hbm>> -> memref<10000x128xf32, #tpu.memory_space<hbm>>
        tpu.enqueue_indirect_dma source(%dma_start3A_121 : memref<10000x128xf32, #tpu.memory_space<hbm>>) target(%arg8 : memref<120x128xf32, #tpu.memory_space<vmem>>) offsets(%dma_start3A_118 : memref<120xi32, #tpu.memory_space<vmem>>) semaphore(%arg12 : memref<!tpu.dma_semaphore, #tpu.memory_space<semaphore_mem>>)
      } else {
      }
      %mul3A_108 = arith.constant 360 : i32
      %mul3A_109 = arith.muli %rem3A_46, %mul3A_108 : i32
      %add3A_110 = arith.constant 720 : i32
      %add3A_111 = arith.addi %add3A_110, %mul3A_109 : i32
      %add3A_112 = arith.constant 240 : i32
      %add3A_113 = arith.addi %add3A_111, %add3A_112 : i32
      "tpu.region"() ({
        %run_scoped3A = tpu.sem_alloc : memref<!tpu.dma_semaphore, #tpu.memory_space<semaphore_mem>>
        %dma_start3A_114 = tpu.memref_slice %arg6[%add3A_113] : memref<1440xi32, #tpu.memory_space<vmem>> -> memref<120xi32, #tpu.memory_space<vmem>>
        %dma_start3A_115 = arith.constant 0 : i32
        %dma_start3A_116 = arith.constant 0 : i32
        %dma_start3A_117 = tpu.memref_slice %arg10[%dma_start3A_115, %dma_start3A_116] : memref<10016x128xf32, #tpu.memory_space<vmem_shared>> -> memref<10016x128xf32, #tpu.memory_space<vmem_shared>>
        tpu.enqueue_indirect_dma source(%arg9 : memref<120x128xf32, #tpu.memory_space<vmem>>) target(%dma_start3A_117 : memref<10016x128xf32, #tpu.memory_space<vmem_shared>>) offsets(%dma_start3A_114 : memref<120xi32, #tpu.memory_space<vmem>>) semaphore(%run_scoped3A : memref<!tpu.dma_semaphore, #tpu.memory_space<semaphore_mem>>) {add = true}
        %dma_wait3A_118 = tpu.memref_slice %arg6[%add3A_113] : memref<1440xi32, #tpu.memory_space<vmem>> -> memref<120xi32, #tpu.memory_space<vmem>>
        %dma_wait3A_119 = arith.constant 0 : i32
        %dma_wait3A_120 = arith.constant 0 : i32
        %dma_wait3A_121 = tpu.memref_slice %arg10[%dma_wait3A_119, %dma_wait3A_120] : memref<10016x128xf32, #tpu.memory_space<vmem_shared>> -> memref<10016x128xf32, #tpu.memory_space<vmem_shared>>
        tpu.wait_indirect_dma semaphore(%run_scoped3A : memref<!tpu.dma_semaphore, #tpu.memory_space<semaphore_mem>>) src(%arg9 : memref<120x128xf32, #tpu.memory_space<vmem>>) dst(%dma_wait3A_121 : memref<10016x128xf32, #tpu.memory_space<vmem_shared>>)
        tpu.yield
      }) : () -> ()
    }
    %scan3A_33 = arith.constant 28 : i32
    %barrier3A_34 = arith.constant 0 : index
    tpu.barrier barrier_id(%barrier3A_34)
    %lt3A_35 = arith.constant 15 : i32
    %lt3A_36 = arith.cmpi slt, %arg1, %lt3A_35 : i32
    %convert_element_type3A_37 = arith.extui %lt3A_36 : i1 to i32
    %cond3A_38 = arith.constant 0 : i32
    %cond3A_39 = arith.cmpi ne, %convert_element_type3A_37, %cond3A_38 : i32
    scf.if %cond3A_39 {
      "tpu.region"() ({
        %run_scoped3A = tpu.sem_alloc : memref<!tpu.dma_semaphore, #tpu.memory_space<semaphore_mem>>
        %dma_start3A_45 = arith.constant 0 : i32
        %dma_start3A_46 = tpu.memref_slice %arg5[%arg0, %mul3A_8, %dma_start3A_45] : memref<2x10016x128xf32, #tpu.memory_space<hbm>> -> memref<1x632x128xf32, #tpu.memory_space<hbm>>
        %dma_start3A_47 = tpu.memref_squeeze %dma_start3A_46 : memref<1x632x128xf32, #tpu.memory_space<hbm>> -> memref<632x128xf32, #tpu.memory_space<hbm>>
        %dma_start3A_48 = arith.constant 0 : i32
        %dma_start3A_49 = tpu.memref_slice %arg10[%mul3A_8, %dma_start3A_48] : memref<10016x128xf32, #tpu.memory_space<vmem_shared>> -> memref<632x128xf32, #tpu.memory_space<vmem_shared>>
        tpu.enqueue_dma source(%dma_start3A_49 : memref<632x128xf32, #tpu.memory_space<vmem_shared>>) target(%dma_start3A_47 : memref<632x128xf32, #tpu.memory_space<hbm>>) target_semaphore(%run_scoped3A : memref<!tpu.dma_semaphore, #tpu.memory_space<semaphore_mem>>)
        %dma_wait3A = arith.constant 0 : i32
        %dma_wait3A_50 = tpu.memref_slice %arg5[%arg0, %mul3A_8, %dma_wait3A] : memref<2x10016x128xf32, #tpu.memory_space<hbm>> -> memref<1x632x128xf32, #tpu.memory_space<hbm>>
        %dma_wait3A_51 = tpu.memref_squeeze %dma_wait3A_50 : memref<1x632x128xf32, #tpu.memory_space<hbm>> -> memref<632x128xf32, #tpu.memory_space<hbm>>
        %dma_wait3A_52 = arith.constant 0 : i32
        %dma_wait3A_53 = tpu.memref_slice %arg10[%mul3A_8, %dma_wait3A_52] : memref<10016x128xf32, #tpu.memory_space<vmem_shared>> -> memref<632x128xf32, #tpu.memory_space<vmem_shared>>
        tpu.wait_dma2 semaphore(%run_scoped3A : memref<!tpu.dma_semaphore, #tpu.memory_space<semaphore_mem>>) src(%dma_wait3A_53 : memref<632x128xf32, #tpu.memory_space<vmem_shared>>) dst(%dma_wait3A_51 : memref<632x128xf32, #tpu.memory_space<hbm>>)
        tpu.yield
      }) : () -> ()
    } else {
    }
    %eq3A_40 = arith.constant 15 : i32
    %eq3A_41 = arith.cmpi eq, %arg1, %eq3A_40 : i32
    %convert_element_type3A_42 = arith.extui %eq3A_41 : i1 to i32
    %cond3A_43 = arith.constant 0 : i32
    %cond3A_44 = arith.cmpi ne, %convert_element_type3A_42, %cond3A_43 : i32
    scf.if %cond3A_44 {
      "tpu.region"() ({
        %run_scoped3A = tpu.sem_alloc : memref<!tpu.dma_semaphore, #tpu.memory_space<semaphore_mem>>
        %dma_start3A_45 = arith.constant 0 : i32
        %dma_start3A_46 = tpu.memref_slice %arg5[%arg0, %mul3A_8, %dma_start3A_45] : memref<2x10016x128xf32, #tpu.memory_space<hbm>> -> memref<1x536x128xf32, #tpu.memory_space<hbm>>
        %dma_start3A_47 = tpu.memref_squeeze %dma_start3A_46 : memref<1x536x128xf32, #tpu.memory_space<hbm>> -> memref<536x128xf32, #tpu.memory_space<hbm>>
        %dma_start3A_48 = arith.constant 0 : i32
        %dma_start3A_49 = tpu.memref_slice %arg10[%mul3A_8, %dma_start3A_48] : memref<10016x128xf32, #tpu.memory_space<vmem_shared>> -> memref<536x128xf32, #tpu.memory_space<vmem_shared>>
        tpu.enqueue_dma source(%dma_start3A_49 : memref<536x128xf32, #tpu.memory_space<vmem_shared>>) target(%dma_start3A_47 : memref<536x128xf32, #tpu.memory_space<hbm>>) target_semaphore(%run_scoped3A : memref<!tpu.dma_semaphore, #tpu.memory_space<semaphore_mem>>)
        %dma_wait3A = arith.constant 0 : i32
        %dma_wait3A_50 = tpu.memref_slice %arg5[%arg0, %mul3A_8, %dma_wait3A] : memref<2x10016x128xf32, #tpu.memory_space<hbm>> -> memref<1x536x128xf32, #tpu.memory_space<hbm>>
        %dma_wait3A_51 = tpu.memref_squeeze %dma_wait3A_50 : memref<1x536x128xf32, #tpu.memory_space<hbm>> -> memref<536x128xf32, #tpu.memory_space<hbm>>
        %dma_wait3A_52 = arith.constant 0 : i32
        %dma_wait3A_53 = tpu.memref_slice %arg10[%mul3A_8, %dma_wait3A_52] : memref<10016x128xf32, #tpu.memory_space<vmem_shared>> -> memref<536x128xf32, #tpu.memory_space<vmem_shared>>
        tpu.wait_dma2 semaphore(%run_scoped3A : memref<!tpu.dma_semaphore, #tpu.memory_space<semaphore_mem>>) src(%dma_wait3A_53 : memref<536x128xf32, #tpu.memory_space<vmem_shared>>) dst(%dma_wait3A_51 : memref<536x128xf32, #tpu.memory_space<hbm>>)
        tpu.yield
      }) : () -> ()
    } else {
    }
    return
  }
}

module attributes {stable_mosaic.version = 14 : i64} {
  func.func @_b1_body(%arg0: i32, %arg1: memref<5000x1xf32, #tpu.memory_space<vmem>>, %arg2: memref<5000x128xf32, #tpu.memory_space<vmem>>, %arg3: memref<128x128xf32, #tpu.memory_space<vmem>>, %arg4: memref<5000x128xf32, #tpu.memory_space<vmem>>, %arg5: memref<5000x1xf32, #tpu.memory_space<vmem>>) attributes {dimension_semantics = [#tpu.dimension_semantics<arbitrary>], iteration_bounds = array<i64: 2>, scalar_prefetch = 0 : i64, scratch_operands = 0 : i64, tpu.core_type = #tpu.core_type<tc>, window_params = [{transform_indices = @transform_0, window_bounds = array<i64: 5000, 1>}, {transform_indices = @transform_1, window_bounds = array<i64: 5000, 128>}, {pipeline_mode = #tpu.pipeline_mode<synchronous>, transform_indices = @transform_2, window_bounds = array<i64: 128, 128>}, {transform_indices = @transform_3, window_bounds = array<i64: 5000, 128>}, {transform_indices = @transform_4, window_bounds = array<i64: 5000, 1>}]} {
    %get3A = arith.constant 0 : index
    %get3A_0 = arith.constant 0 : index
    %get3A_1 = vector.load %arg1[%get3A, %get3A_0] : memref<5000x1xf32, #tpu.memory_space<vmem>>, vector<5000x1xf32>
    %add3A = arith.constant 1.000000e+00 : f32
    %add3A_2 = vector.broadcast %add3A : f32 to vector<5000x1xf32>
    %add3A_3 = arith.addf %add3A_2, %get3A_1 : vector<5000x1xf32>
    %rsqrt3A = math.rsqrt %add3A_3 : vector<5000x1xf32>
    %swap3A = arith.constant 0 : index
    %swap3A_4 = arith.constant 0 : index
    %swap3A_5 = vector.load %arg5[%swap3A, %swap3A_4] : memref<5000x1xf32, #tpu.memory_space<vmem>>, vector<5000x1xf32>
    tpu.vector_store %arg5[%swap3A, %swap3A_4], %rsqrt3A {strides = array<i32>} : memref<5000x1xf32, #tpu.memory_space<vmem>>, vector<5000x1xf32>,
    %get3A_6 = arith.constant 0 : index
    %get3A_7 = arith.constant 0 : index
    %get3A_8 = vector.load %arg2[%get3A_6, %get3A_7] : memref<5000x128xf32, #tpu.memory_space<vmem>>, vector<5000x128xf32>
    %get3A_9 = arith.constant 0 : index
    %get3A_10 = arith.constant 0 : index
    %get3A_11 = vector.load %arg3[%get3A_9, %get3A_10] : memref<128x128xf32, #tpu.memory_space<vmem>>, vector<128x128xf32>
    %dot_general3A = arith.constant dense<0.000000e+00> : vector<5000x128xf32>
    %dot_general3A_12 = tpu.matmul %get3A_8, %get3A_11, %dot_general3A {dimension_numbers = #tpu.dot_dimension_numbers<[1], [0], [0], [1], [0, 0, 1, 1], [], []>, transpose_lhs_hint = false} : vector<5000x128xf32>, vector<128x128xf32>, vector<5000x128xf32> -> vector<5000x128xf32>
    %mul3A = vector.broadcast %rsqrt3A : vector<5000x1xf32> to vector<5000x128xf32>
    %mul3A_13 = arith.mulf %dot_general3A_12, %mul3A : vector<5000x128xf32>
    %swap3A_14 = arith.constant 0 : index
    %swap3A_15 = arith.constant 0 : index
    %swap3A_16 = vector.load %arg4[%swap3A_14, %swap3A_15] : memref<5000x128xf32, #tpu.memory_space<vmem>>, vector<5000x128xf32>
    tpu.vector_store %arg4[%swap3A_14, %swap3A_15], %mul3A_13 {strides = array<i32>} : memref<5000x128xf32, #tpu.memory_space<vmem>>, vector<5000x128xf32>,
    return
  }
  func.func @transform_0(%arg0: i32) -> (i32, i32) {
    %c0_i32 = arith.constant 0 : i32
    %c0_i32_0 = arith.constant 0 : i32
    return %arg0, %c0_i32 : i32, i32
  }
  func.func @transform_1(%arg0: i32) -> (i32, i32) {
    %c0_i32 = arith.constant 0 : i32
    %c0_i32_0 = arith.constant 0 : i32
    return %arg0, %c0_i32 : i32, i32
  }
  func.func @transform_2(%arg0: i32) -> (i32, i32) {
    %c0_i32 = arith.constant 0 : i32
    %c0_i32_0 = arith.constant 0 : i32
    %c0_i32_1 = arith.constant 0 : i32
    return %c0_i32, %c0_i32_0 : i32, i32
  }
  func.func @transform_3(%arg0: i32) -> (i32, i32) {
    %c0_i32 = arith.constant 0 : i32
    %c0_i32_0 = arith.constant 0 : i32
    return %arg0, %c0_i32 : i32, i32
  }
  func.func @transform_4(%arg0: i32) -> (i32, i32) {
    %c0_i32 = arith.constant 0 : i32
    %c0_i32_0 = arith.constant 0 : i32
    return %arg0, %c0_i32 : i32, i32
  }
}

module attributes {stable_mosaic.version = 14 : i64} {
  func.func @_b2_body(%arg0: i32, %arg1: memref<5000x1xf32, #tpu.memory_space<vmem>>, %arg2: memref<2x5000x128xf32, #tpu.memory_space<vmem>>, %arg3: memref<5000x128xf32, #tpu.memory_space<vmem>>, %arg4: memref<128xf32, #tpu.memory_space<vmem>>, %arg5: memref<128xf32, #tpu.memory_space<vmem>>, %arg6: memref<128x128xf32, #tpu.memory_space<vmem>>, %arg7: memref<5000x128xf32, #tpu.memory_space<vmem>>, %arg8: memref<5000x128xf32, #tpu.memory_space<vmem>>) attributes {dimension_semantics = [#tpu.dimension_semantics<arbitrary>], iteration_bounds = array<i64: 2>, scalar_prefetch = 0 : i64, scratch_operands = 0 : i64, tpu.core_type = #tpu.core_type<tc>, window_params = [{transform_indices = @transform_0, window_bounds = array<i64: 5000, 1>}, {transform_indices = @transform_1, window_bounds = array<i64: 2, 5000, 128>}, {transform_indices = @transform_2, window_bounds = array<i64: 5000, 128>}, {pipeline_mode = #tpu.pipeline_mode<synchronous>, transform_indices = @transform_3, window_bounds = array<i64: 128>}, {pipeline_mode = #tpu.pipeline_mode<synchronous>, transform_indices = @transform_4, window_bounds = array<i64: 128>}, {pipeline_mode = #tpu.pipeline_mode<synchronous>, transform_indices = @transform_5, window_bounds = array<i64: 128, 128>}, {transform_indices = @transform_6, window_bounds = array<i64: 5000, 128>}, {transform_indices = @transform_7, window_bounds = array<i64: 5000, 128>}]} {
    %get3A = arith.constant 0 : index
    %get3A_0 = arith.constant 0 : index
    %get3A_1 = vector.load %arg1[%get3A, %get3A_0] : memref<5000x1xf32, #tpu.memory_space<vmem>>, vector<5000x1xf32>
    %get3A_2 = arith.constant 0 : index
    %get3A_3 = arith.constant 0 : index
    %get3A_4 = arith.constant 0 : index
    %get3A_5 = vector.load %arg2[%get3A_2, %get3A_3, %get3A_4] : memref<2x5000x128xf32, #tpu.memory_space<vmem>>, vector<1x5000x128xf32>
    %get3A_6 = vector.shape_cast %get3A_5 : vector<1x5000x128xf32> to vector<5000x128xf32>
    %get3A_7 = arith.constant 1 : index
    %get3A_8 = arith.constant 0 : index
    %get3A_9 = arith.constant 0 : index
    %get3A_10 = vector.load %arg2[%get3A_7, %get3A_8, %get3A_9] : memref<2x5000x128xf32, #tpu.memory_space<vmem>>, vector<1x5000x128xf32>
    %get3A_11 = vector.shape_cast %get3A_10 : vector<1x5000x128xf32> to vector<5000x128xf32>
    %add3A = arith.addf %get3A_6, %get3A_11 : vector<5000x128xf32>
    %get3A_12 = arith.constant 0 : index
    %get3A_13 = arith.constant 0 : index
    %get3A_14 = vector.load %arg3[%get3A_12, %get3A_13] : memref<5000x128xf32, #tpu.memory_space<vmem>>, vector<5000x128xf32>
    %add3A_15 = arith.addf %add3A, %get3A_14 : vector<5000x128xf32>
    %mul3A = vector.broadcast %get3A_1 : vector<5000x1xf32> to vector<5000x128xf32>
    %mul3A_16 = arith.mulf %mul3A, %add3A_15 : vector<5000x128xf32>
    %get3A_17 = arith.constant 0 : index
    %get3A_18 = vector.load %arg4[%get3A_17] : memref<128xf32, #tpu.memory_space<vmem>>, vector<128xf32>
    %broadcast_in_dim3A = vector.shape_cast %get3A_18 : vector<128xf32> to vector<1x128xf32>
    %mul3A_19 = vector.broadcast %broadcast_in_dim3A : vector<1x128xf32> to vector<5000x128xf32>
    %mul3A_20 = arith.mulf %mul3A_16, %mul3A_19 : vector<5000x128xf32>
    %get3A_21 = arith.constant 0 : index
    %get3A_22 = vector.load %arg5[%get3A_21] : memref<128xf32, #tpu.memory_space<vmem>>, vector<128xf32>
    %broadcast_in_dim3A_23 = vector.shape_cast %get3A_22 : vector<128xf32> to vector<1x128xf32>
    %add3A_24 = vector.broadcast %broadcast_in_dim3A_23 : vector<1x128xf32> to vector<5000x128xf32>
    %add3A_25 = arith.addf %mul3A_20, %add3A_24 : vector<5000x128xf32>
    %max3A = arith.constant 0.000000e+00 : f32
    %max3A_26 = vector.broadcast %max3A : f32 to vector<5000x128xf32>
    %max3A_27 = arith.maximumf %add3A_25, %max3A_26 : vector<5000x128xf32>
    %swap3A = arith.constant 0 : index
    %swap3A_28 = arith.constant 0 : index
    %swap3A_29 = vector.load %arg7[%swap3A, %swap3A_28] : memref<5000x128xf32, #tpu.memory_space<vmem>>, vector<5000x128xf32>
    tpu.vector_store %arg7[%swap3A, %swap3A_28], %max3A_27 {strides = array<i32>} : memref<5000x128xf32, #tpu.memory_space<vmem>>, vector<5000x128xf32>,
    %get3A_30 = arith.constant 0 : index
    %get3A_31 = arith.constant 0 : index
    %get3A_32 = vector.load %arg6[%get3A_30, %get3A_31] : memref<128x128xf32, #tpu.memory_space<vmem>>, vector<128x128xf32>
    %dot_general3A = arith.constant dense<0.000000e+00> : vector<5000x128xf32>
    %dot_general3A_33 = tpu.matmul %max3A_27, %get3A_32, %dot_general3A {dimension_numbers = #tpu.dot_dimension_numbers<[1], [0], [0], [1], [0, 0, 1, 1], [], []>, transpose_lhs_hint = false} : vector<5000x128xf32>, vector<128x128xf32>, vector<5000x128xf32> -> vector<5000x128xf32>
    %mul3A_34 = vector.broadcast %get3A_1 : vector<5000x1xf32> to vector<5000x128xf32>
    %mul3A_35 = arith.mulf %mul3A_34, %dot_general3A_33 : vector<5000x128xf32>
    %swap3A_36 = arith.constant 0 : index
    %swap3A_37 = arith.constant 0 : index
    %swap3A_38 = vector.load %arg8[%swap3A_36, %swap3A_37] : memref<5000x128xf32, #tpu.memory_space<vmem>>, vector<5000x128xf32>
    tpu.vector_store %arg8[%swap3A_36, %swap3A_37], %mul3A_35 {strides = array<i32>} : memref<5000x128xf32, #tpu.memory_space<vmem>>, vector<5000x128xf32>,
    return
  }
  func.func @transform_0(%arg0: i32) -> (i32, i32) {
    %c0_i32 = arith.constant 0 : i32
    %c0_i32_0 = arith.constant 0 : i32
    return %arg0, %c0_i32 : i32, i32
  }
  func.func @transform_1(%arg0: i32) -> (i32, i32, i32) {
    %c0_i32 = arith.constant 0 : i32
    %c0_i32_0 = arith.constant 0 : i32
    %c0_i32_1 = arith.constant 0 : i32
    return %c0_i32, %arg0, %c0_i32_0 : i32, i32, i32
  }
  func.func @transform_2(%arg0: i32) -> (i32, i32) {
    %c0_i32 = arith.constant 0 : i32
    %c0_i32_0 = arith.constant 0 : i32
    return %arg0, %c0_i32 : i32, i32
  }
  func.func @transform_3(%arg0: i32) -> i32 {
    %c0_i32 = arith.constant 0 : i32
    %c0_i32_0 = arith.constant 0 : i32
    return %c0_i32 : i32
  }
  func.func @transform_4(%arg0: i32) -> i32 {
    %c0_i32 = arith.constant 0 : i32
    %c0_i32_0 = arith.constant 0 : i32
    return %c0_i32 : i32
  }
  func.func @transform_5(%arg0: i32) -> (i32, i32) {
    %c0_i32 = arith.constant 0 : i32
    %c0_i32_0 = arith.constant 0 : i32
    %c0_i32_1 = arith.constant 0 : i32
    return %c0_i32, %c0_i32_0 : i32, i32
  }
  func.func @transform_6(%arg0: i32) -> (i32, i32) {
    %c0_i32 = arith.constant 0 : i32
    %c0_i32_0 = arith.constant 0 : i32
    return %arg0, %c0_i32 : i32, i32
  }
  func.func @transform_7(%arg0: i32) -> (i32, i32) {
    %c0_i32 = arith.constant 0 : i32
    %c0_i32_0 = arith.constant 0 : i32
    return %arg0, %c0_i32 : i32, i32
  }
}

module attributes {stable_mosaic.version = 14 : i64} {
  func.func @_b3_body(%arg0: i32, %arg1: memref<5000x1xf32, #tpu.memory_space<vmem>>, %arg2: memref<2x5000x128xf32, #tpu.memory_space<vmem>>, %arg3: memref<5000x128xf32, #tpu.memory_space<vmem>>, %arg4: memref<5000x128xf32, #tpu.memory_space<vmem>>, %arg5: memref<128xf32, #tpu.memory_space<vmem>>, %arg6: memref<128xf32, #tpu.memory_space<vmem>>, %arg7: memref<128xf32, #tpu.memory_space<vmem>>, %arg8: memref<128xf32, #tpu.memory_space<vmem>>, %arg9: memref<128x128xf32, #tpu.memory_space<vmem>>, %arg10: memref<128xf32, #tpu.memory_space<vmem>>, %arg11: memref<128x128xf32, #tpu.memory_space<vmem>>, %arg12: memref<5000x128xf32, #tpu.memory_space<vmem>>) attributes {dimension_semantics = [#tpu.dimension_semantics<arbitrary>], iteration_bounds = array<i64: 2>, scalar_prefetch = 0 : i64, scratch_operands = 0 : i64, tpu.core_type = #tpu.core_type<tc>, window_params = [{transform_indices = @transform_0, window_bounds = array<i64: 5000, 1>}, {transform_indices = @transform_1, window_bounds = array<i64: 2, 5000, 128>}, {transform_indices = @transform_2, window_bounds = array<i64: 5000, 128>}, {transform_indices = @transform_3, window_bounds = array<i64: 5000, 128>}, {pipeline_mode = #tpu.pipeline_mode<synchronous>, transform_indices = @transform_4, window_bounds = array<i64: 128>}, {pipeline_mode = #tpu.pipeline_mode<synchronous>, transform_indices = @transform_5, window_bounds = array<i64: 128>}, {pipeline_mode = #tpu.pipeline_mode<synchronous>, transform_indices = @transform_6, window_bounds = array<i64: 128>}, {pipeline_mode = #tpu.pipeline_mode<synchronous>, transform_indices = @transform_7, window_bounds = array<i64: 128>}, {pipeline_mode = #tpu.pipeline_mode<synchronous>, transform_indices = @transform_8, window_bounds = array<i64: 128, 128>}, {pipeline_mode = #tpu.pipeline_mode<synchronous>, transform_indices = @transform_9, window_bounds = array<i64: 128>}, {pipeline_mode = #tpu.pipeline_mode<synchronous>, transform_indices = @transform_10, window_bounds = array<i64: 128, 128>}, {transform_indices = @transform_11, window_bounds = array<i64: 5000, 128>}]} {
    %get3A = arith.constant 0 : index
    %get3A_0 = arith.constant 0 : index
    %get3A_1 = vector.load %arg1[%get3A, %get3A_0] : memref<5000x1xf32, #tpu.memory_space<vmem>>, vector<5000x1xf32>
    %get3A_2 = arith.constant 0 : index
    %get3A_3 = arith.constant 0 : index
    %get3A_4 = arith.constant 0 : index
    %get3A_5 = vector.load %arg2[%get3A_2, %get3A_3, %get3A_4] : memref<2x5000x128xf32, #tpu.memory_space<vmem>>, vector<1x5000x128xf32>
    %get3A_6 = vector.shape_cast %get3A_5 : vector<1x5000x128xf32> to vector<5000x128xf32>
    %get3A_7 = arith.constant 1 : index
    %get3A_8 = arith.constant 0 : index
    %get3A_9 = arith.constant 0 : index
    %get3A_10 = vector.load %arg2[%get3A_7, %get3A_8, %get3A_9] : memref<2x5000x128xf32, #tpu.memory_space<vmem>>, vector<1x5000x128xf32>
    %get3A_11 = vector.shape_cast %get3A_10 : vector<1x5000x128xf32> to vector<5000x128xf32>
    %add3A = arith.addf %get3A_6, %get3A_11 : vector<5000x128xf32>
    %get3A_12 = arith.constant 0 : index
    %get3A_13 = arith.constant 0 : index
    %get3A_14 = vector.load %arg3[%get3A_12, %get3A_13] : memref<5000x128xf32, #tpu.memory_space<vmem>>, vector<5000x128xf32>
    %add3A_15 = arith.addf %add3A, %get3A_14 : vector<5000x128xf32>
    %mul3A = vector.broadcast %get3A_1 : vector<5000x1xf32> to vector<5000x128xf32>
    %mul3A_16 = arith.mulf %mul3A, %add3A_15 : vector<5000x128xf32>
    %get3A_17 = arith.constant 0 : index
    %get3A_18 = vector.load %arg5[%get3A_17] : memref<128xf32, #tpu.memory_space<vmem>>, vector<128xf32>
    %broadcast_in_dim3A = vector.shape_cast %get3A_18 : vector<128xf32> to vector<1x128xf32>
    %mul3A_19 = vector.broadcast %broadcast_in_dim3A : vector<1x128xf32> to vector<5000x128xf32>
    %mul3A_20 = arith.mulf %mul3A_16, %mul3A_19 : vector<5000x128xf32>
    %get3A_21 = arith.constant 0 : index
    %get3A_22 = vector.load %arg6[%get3A_21] : memref<128xf32, #tpu.memory_space<vmem>>, vector<128xf32>
    %broadcast_in_dim3A_23 = vector.shape_cast %get3A_22 : vector<128xf32> to vector<1x128xf32>
    %add3A_24 = vector.broadcast %broadcast_in_dim3A_23 : vector<1x128xf32> to vector<5000x128xf32>
    %add3A_25 = arith.addf %mul3A_20, %add3A_24 : vector<5000x128xf32>
    %max3A = arith.constant 0.000000e+00 : f32
    %max3A_26 = vector.broadcast %max3A : f32 to vector<5000x128xf32>
    %max3A_27 = arith.maximumf %add3A_25, %max3A_26 : vector<5000x128xf32>
    %get3A_28 = arith.constant 0 : index
    %get3A_29 = arith.constant 0 : index
    %get3A_30 = vector.load %arg4[%get3A_28, %get3A_29] : memref<5000x128xf32, #tpu.memory_space<vmem>>, vector<5000x128xf32>
    %sub3A = arith.subf %max3A_27, %get3A_30 : vector<5000x128xf32>
    %mul3A_31 = arith.constant 5.000000e-01 : f32
    %mul3A_32 = vector.broadcast %mul3A_31 : f32 to vector<5000x128xf32>
    %mul3A_33 = arith.mulf %sub3A, %mul3A_32 : vector<5000x128xf32>
    %reduce_sum3A = arith.constant dense<0.000000e+00> : vector<5000xf32>
    %reduce_sum3A_34 = vector.multi_reduction <add>, %mul3A_33, %reduce_sum3A [1] : vector<5000x128xf32> to vector<5000xf32>
    %broadcast_in_dim3A_35 = vector.shape_cast %reduce_sum3A_34 : vector<5000xf32> to vector<5000x1xf32>
    %div3A = arith.constant 1.280000e+02 : f32
    %div3A_36 = vector.broadcast %div3A : f32 to vector<5000x1xf32>
    %div3A_37 = arith.divf %broadcast_in_dim3A_35, %div3A_36 : vector<5000x1xf32>
    %sub3A_38 = vector.broadcast %div3A_37 : vector<5000x1xf32> to vector<5000x128xf32>
    %sub3A_39 = arith.subf %mul3A_33, %sub3A_38 : vector<5000x128xf32>
    %mul3A_40 = arith.mulf %sub3A_39, %sub3A_39 : vector<5000x128xf32>
    %reduce_sum3A_41 = arith.constant dense<0.000000e+00> : vector<5000xf32>
    %reduce_sum3A_42 = vector.multi_reduction <add>, %mul3A_40, %reduce_sum3A_41 [1] : vector<5000x128xf32> to vector<5000xf32>
    %broadcast_in_dim3A_43 = vector.shape_cast %reduce_sum3A_42 : vector<5000xf32> to vector<5000x1xf32>
    %div3A_44 = arith.constant 1.280000e+02 : f32
    %div3A_45 = vector.broadcast %div3A_44 : f32 to vector<5000x1xf32>
    %div3A_46 = arith.divf %broadcast_in_dim3A_43, %div3A_45 : vector<5000x1xf32>
    %sqrt3A = math.sqrt %div3A_46 : vector<5000x1xf32>
    %div3A_47 = vector.broadcast %sqrt3A : vector<5000x1xf32> to vector<5000x128xf32>
    %div3A_48 = arith.divf %sub3A_39, %div3A_47 : vector<5000x128xf32>
    %get3A_49 = arith.constant 0 : index
    %get3A_50 = vector.load %arg7[%get3A_49] : memref<128xf32, #tpu.memory_space<vmem>>, vector<128xf32>
    %broadcast_in_dim3A_51 = vector.shape_cast %get3A_50 : vector<128xf32> to vector<1x128xf32>
    %mul3A_52 = vector.broadcast %broadcast_in_dim3A_51 : vector<1x128xf32> to vector<5000x128xf32>
    %mul3A_53 = arith.mulf %div3A_48, %mul3A_52 : vector<5000x128xf32>
    %get3A_54 = arith.constant 0 : index
    %get3A_55 = vector.load %arg8[%get3A_54] : memref<128xf32, #tpu.memory_space<vmem>>, vector<128xf32>
    %broadcast_in_dim3A_56 = vector.shape_cast %get3A_55 : vector<128xf32> to vector<1x128xf32>
    %add3A_57 = vector.broadcast %broadcast_in_dim3A_56 : vector<1x128xf32> to vector<5000x128xf32>
    %add3A_58 = arith.addf %mul3A_53, %add3A_57 : vector<5000x128xf32>
    %get3A_59 = arith.constant 0 : index
    %get3A_60 = arith.constant 0 : index
    %get3A_61 = vector.load %arg9[%get3A_59, %get3A_60] : memref<128x128xf32, #tpu.memory_space<vmem>>, vector<128x128xf32>
    %dot_general3A = arith.constant dense<0.000000e+00> : vector<5000x128xf32>
    %dot_general3A_62 = tpu.matmul %add3A_58, %get3A_61, %dot_general3A {dimension_numbers = #tpu.dot_dimension_numbers<[1], [0], [0], [1], [0, 0, 1, 1], [], []>, transpose_lhs_hint = false} : vector<5000x128xf32>, vector<128x128xf32>, vector<5000x128xf32> -> vector<5000x128xf32>
    %add3A_63 = arith.addf %max3A_27, %dot_general3A_62 : vector<5000x128xf32>
    %get3A_64 = arith.constant 0 : index
    %get3A_65 = vector.load %arg10[%get3A_64] : memref<128xf32, #tpu.memory_space<vmem>>, vector<128xf32>
    %broadcast_in_dim3A_66 = vector.shape_cast %get3A_65 : vector<128xf32> to vector<1x128xf32>
    %add3A_67 = vector.broadcast %broadcast_in_dim3A_66 : vector<1x128xf32> to vector<5000x128xf32>
    %add3A_68 = arith.addf %add3A_63, %add3A_67 : vector<5000x128xf32>
    %get3A_69 = arith.constant 0 : index
    %get3A_70 = arith.constant 0 : index
    %get3A_71 = vector.load %arg11[%get3A_69, %get3A_70] : memref<128x128xf32, #tpu.memory_space<vmem>>, vector<128x128xf32>
    %dot_general3A_72 = arith.constant dense<0.000000e+00> : vector<5000x128xf32>
    %dot_general3A_73 = tpu.matmul %add3A_68, %get3A_71, %dot_general3A_72 {dimension_numbers = #tpu.dot_dimension_numbers<[1], [0], [0], [1], [0, 0, 1, 1], [], []>, transpose_lhs_hint = false} : vector<5000x128xf32>, vector<128x128xf32>, vector<5000x128xf32> -> vector<5000x128xf32>
    %mul3A_74 = vector.broadcast %get3A_1 : vector<5000x1xf32> to vector<5000x128xf32>
    %mul3A_75 = arith.mulf %mul3A_74, %dot_general3A_73 : vector<5000x128xf32>
    %swap3A = arith.constant 0 : index
    %swap3A_76 = arith.constant 0 : index
    %swap3A_77 = vector.load %arg12[%swap3A, %swap3A_76] : memref<5000x128xf32, #tpu.memory_space<vmem>>, vector<5000x128xf32>
    tpu.vector_store %arg12[%swap3A, %swap3A_76], %mul3A_75 {strides = array<i32>} : memref<5000x128xf32, #tpu.memory_space<vmem>>, vector<5000x128xf32>,
    return
  }
  func.func @transform_0(%arg0: i32) -> (i32, i32) {
    %c0_i32 = arith.constant 0 : i32
    %c0_i32_0 = arith.constant 0 : i32
    return %arg0, %c0_i32 : i32, i32
  }
  func.func @transform_1(%arg0: i32) -> (i32, i32, i32) {
    %c0_i32 = arith.constant 0 : i32
    %c0_i32_0 = arith.constant 0 : i32
    %c0_i32_1 = arith.constant 0 : i32
    return %c0_i32, %arg0, %c0_i32_0 : i32, i32, i32
  }
  func.func @transform_2(%arg0: i32) -> (i32, i32) {
    %c0_i32 = arith.constant 0 : i32
    %c0_i32_0 = arith.constant 0 : i32
    return %arg0, %c0_i32 : i32, i32
  }
  func.func @transform_3(%arg0: i32) -> (i32, i32) {
    %c0_i32 = arith.constant 0 : i32
    %c0_i32_0 = arith.constant 0 : i32
    return %arg0, %c0_i32 : i32, i32
  }
  func.func @transform_4(%arg0: i32) -> i32 {
    %c0_i32 = arith.constant 0 : i32
    %c0_i32_0 = arith.constant 0 : i32
    return %c0_i32 : i32
  }
  func.func @transform_5(%arg0: i32) -> i32 {
    %c0_i32 = arith.constant 0 : i32
    %c0_i32_0 = arith.constant 0 : i32
    return %c0_i32 : i32
  }
  func.func @transform_6(%arg0: i32) -> i32 {
    %c0_i32 = arith.constant 0 : i32
    %c0_i32_0 = arith.constant 0 : i32
    return %c0_i32 : i32
  }
  func.func @transform_7(%arg0: i32) -> i32 {
    %c0_i32 = arith.constant 0 : i32
    %c0_i32_0 = arith.constant 0 : i32
    return %c0_i32 : i32
  }
  func.func @transform_8(%arg0: i32) -> (i32, i32) {
    %c0_i32 = arith.constant 0 : i32
    %c0_i32_0 = arith.constant 0 : i32
    %c0_i32_1 = arith.constant 0 : i32
    return %c0_i32, %c0_i32_0 : i32, i32
  }
  func.func @transform_9(%arg0: i32) -> i32 {
    %c0_i32 = arith.constant 0 : i32
    %c0_i32_0 = arith.constant 0 : i32
    return %c0_i32 : i32
  }
  func.func @transform_10(%arg0: i32) -> (i32, i32) {
    %c0_i32 = arith.constant 0 : i32
    %c0_i32_0 = arith.constant 0 : i32
    %c0_i32_1 = arith.constant 0 : i32
    return %c0_i32, %c0_i32_0 : i32, i32
  }
  func.func @transform_11(%arg0: i32) -> (i32, i32) {
    %c0_i32 = arith.constant 0 : i32
    %c0_i32_0 = arith.constant 0 : i32
    return %arg0, %c0_i32 : i32, i32
  }
}

module attributes {stable_mosaic.version = 14 : i64} {
  func.func @_b4_body(%arg0: i32, %arg1: memref<5000x1xf32, #tpu.memory_space<vmem>>, %arg2: memref<2x5000x128xf32, #tpu.memory_space<vmem>>, %arg3: memref<5000x128xf32, #tpu.memory_space<vmem>>, %arg4: memref<64xf32, #tpu.memory_space<vmem>>, %arg5: memref<5000x64xf32, #tpu.memory_space<vmem>>) attributes {dimension_semantics = [#tpu.dimension_semantics<arbitrary>], iteration_bounds = array<i64: 2>, scalar_prefetch = 0 : i64, scratch_operands = 0 : i64, tpu.core_type = #tpu.core_type<tc>, window_params = [{transform_indices = @transform_0, window_bounds = array<i64: 5000, 1>}, {transform_indices = @transform_1, window_bounds = array<i64: 2, 5000, 128>}, {transform_indices = @transform_2, window_bounds = array<i64: 5000, 128>}, {pipeline_mode = #tpu.pipeline_mode<synchronous>, transform_indices = @transform_3, window_bounds = array<i64: 64>}, {transform_indices = @transform_4, window_bounds = array<i64: 5000, 64>}]} {
    %get3A = arith.constant 0 : index
    %get3A_0 = arith.constant 0 : index
    %get3A_1 = vector.load %arg1[%get3A, %get3A_0] : memref<5000x1xf32, #tpu.memory_space<vmem>>, vector<5000x1xf32>
    %get3A_2 = arith.constant 0 : index
    %get3A_3 = arith.constant 0 : index
    %get3A_4 = arith.constant 0 : index
    %get3A_5 = vector.load %arg2[%get3A_2, %get3A_3, %get3A_4] : memref<2x5000x128xf32, #tpu.memory_space<vmem>>, vector<1x5000x128xf32>
    %get3A_6 = vector.shape_cast %get3A_5 : vector<1x5000x128xf32> to vector<5000x128xf32>
    %slice3A = vector.extract_strided_slice %get3A_6 {offsets = [0, 0], sizes = [5000, 64], strides = [1, 1]} : vector<5000x128xf32> to vector<5000x64xf32>
    %get3A_7 = arith.constant 1 : index
    %get3A_8 = arith.constant 0 : index
    %get3A_9 = arith.constant 0 : index
    %get3A_10 = vector.load %arg2[%get3A_7, %get3A_8, %get3A_9] : memref<2x5000x128xf32, #tpu.memory_space<vmem>>, vector<1x5000x128xf32>
    %get3A_11 = vector.shape_cast %get3A_10 : vector<1x5000x128xf32> to vector<5000x128xf32>
    %slice3A_12 = vector.extract_strided_slice %get3A_11 {offsets = [0, 0], sizes = [5000, 64], strides = [1, 1]} : vector<5000x128xf32> to vector<5000x64xf32>
    %add3A = arith.addf %slice3A, %slice3A_12 : vector<5000x64xf32>
    %get3A_13 = arith.constant 0 : index
    %get3A_14 = arith.constant 0 : index
    %get3A_15 = vector.load %arg3[%get3A_13, %get3A_14] : memref<5000x128xf32, #tpu.memory_space<vmem>>, vector<5000x128xf32>
    %slice3A_16 = vector.extract_strided_slice %get3A_15 {offsets = [0, 0], sizes = [5000, 64], strides = [1, 1]} : vector<5000x128xf32> to vector<5000x64xf32>
    %add3A_17 = arith.addf %add3A, %slice3A_16 : vector<5000x64xf32>
    %mul3A = vector.broadcast %get3A_1 : vector<5000x1xf32> to vector<5000x64xf32>
    %mul3A_18 = arith.mulf %mul3A, %add3A_17 : vector<5000x64xf32>
    %get3A_19 = arith.constant 0 : index
    %get3A_20 = vector.load %arg4[%get3A_19] : memref<64xf32, #tpu.memory_space<vmem>>, vector<64xf32>
    %broadcast_in_dim3A = vector.shape_cast %get3A_20 : vector<64xf32> to vector<1x64xf32>
    %add3A_21 = vector.broadcast %broadcast_in_dim3A : vector<1x64xf32> to vector<5000x64xf32>
    %add3A_22 = arith.addf %mul3A_18, %add3A_21 : vector<5000x64xf32>
    %swap3A = arith.constant 0 : index
    %swap3A_23 = arith.constant 0 : index
    %swap3A_24 = vector.load %arg5[%swap3A, %swap3A_23] : memref<5000x64xf32, #tpu.memory_space<vmem>>, vector<5000x64xf32>
    tpu.vector_store %arg5[%swap3A, %swap3A_23], %add3A_22 {strides = array<i32>} : memref<5000x64xf32, #tpu.memory_space<vmem>>, vector<5000x64xf32>,
    return
  }
  func.func @transform_0(%arg0: i32) -> (i32, i32) {
    %c0_i32 = arith.constant 0 : i32
    %c0_i32_0 = arith.constant 0 : i32
    return %arg0, %c0_i32 : i32, i32
  }
  func.func @transform_1(%arg0: i32) -> (i32, i32, i32) {
    %c0_i32 = arith.constant 0 : i32
    %c0_i32_0 = arith.constant 0 : i32
    %c0_i32_1 = arith.constant 0 : i32
    return %c0_i32, %arg0, %c0_i32_0 : i32, i32, i32
  }
  func.func @transform_2(%arg0: i32) -> (i32, i32) {
    %c0_i32 = arith.constant 0 : i32
    %c0_i32_0 = arith.constant 0 : i32
    return %arg0, %c0_i32 : i32, i32
  }
  func.func @transform_3(%arg0: i32) -> i32 {
    %c0_i32 = arith.constant 0 : i32
    %c0_i32_0 = arith.constant 0 : i32
    return %c0_i32 : i32
  }
  func.func @transform_4(%arg0: i32) -> (i32, i32) {
    %c0_i32 = arith.constant 0 : i32
    %c0_i32_0 = arith.constant 0 : i32
    return %arg0, %c0_i32 : i32, i32
  }
}

</mosaic_0001>

<sc_bundles>
// kernel: kernel.10.cloned.1.call-start
scs
__scs_entry_jumppad:
0x0: {  	(pc) =	sbr.rel $0x88, $3  }
0x1: {  	(tag) =	ssettag $0x0;
	lr =	simm.s32 $0x1  }
0x2: {  	[smem:$0x3F91] =	sst lr;
	_ =	strace $0xD0000000  }
0x3: {  	_ = 	snop  }
0x4: {  	_ = 	snop  }
0x5: {  	_ = 	snop  }
0x6: {  	_ = 	snop  }
0x7: {  	_ = 	snop  }
__scs_overlays_trampoline_lowered:
0x8: {  	[smem:$0x3FA0] =	sst s0  }
0x9: {  	[smem:$0x3FA1] =	sst s1  }
0xa: {  	[smem:$0x3FA2] =	sst s2  }
0xb: {  	[smem:$0x3FA3] =	sst s3  }
0xc: {  	[smem:$0x3FA4] =	sst s4  }
0xd: {  	[smem:$0x3FA5] =	sst s5  }
0xe: {  	[smem:$0x3FA6] =	sst s6  }
0xf: {  	[smem:$0x3FA7] =	sst s7  }
0x10: {  	[smem:$0x3FA8] =	sst s8  }
0x11: {  	[smem:$0x3FA9] =	sst s9;
	s0 =	simm.s32 @!p0 $0x0  }
0x12: {  	s1 =	sld [smem:$0x3F8F];
	s0 =	simm.s32 @p0 $0x1  }
0x13: {  	[smem:$0x3FAA] =	sst s0;
	s0 =	simm.s32 @!p1 $0x0  }
0x14: {  	s2 =	sld [smem:$0x3F8E];
	s0 =	simm.s32 @p1 $0x1  }
0x15: {  	[smem:$0x3FAB] =	sst s0;
	s0 =	simm.s32 @!p2 $0x0  }
0x16: {  	s3 =	sld [smem:$0x3FDB];
	s0 =	simm.s32 @p2 $0x1  }
0x17: {  	s4 =	simm.s32 $0x1BF5;
	[smem:$0x3FAD] =	sst s0  }
0x18: {  	s0 =	sld [smem:$0x3F90];
	_ =	swait.ge [sflag:s4], $0x0  }
0x19: {  	s7 =	sld [smem:$0x3F91]  }
0x1a: {  	s8 =	sadd.s32 $0xFFFFE003, lr  }
0x1b: {  	s9 =	sadd.s32 $0xFFFFFEF7, lr;
	s5 =	simm.s32 $0xFFFFFFFF;
	p2 =	slt.u32 s8, $0xFFFFF086  }
0x1c: {  	p1 =	slt.u32 s9, $0xF7A;
	s5 =	simm.s32 @!p2 $0x0  }
0x1d: {  	s5 =	simm.s32 @p1 $0x1;
	p0 =	seq.s32 s7, s2  }
0x1e: {  	s7 =	smul.u32 @!p0 $0xF7A, s2;
	p2 =	seq.s32 @!p0 s5, $0x0  }
0x1f: {  	s9 =	smul.u32 $0xF7A, s1;
	s8 =	simm.s32 @!p0 $0x1BF5;
	p2 =	por !p2, p0  }
0x20: {  	[sflag:s8] =	ssyncset.s32 @!p0 $0xFFFFF086;
	s6 =	sadd.s32 @!p0 s3, s7;
	s7 =	simm.s32 @!p0 $0x108  }
0x21: {  	s3 =	sadd.s32 s3, s9;
	s6 =	sadd.s32 @!p0 $0x88, s6;
	s7 =	simm.s32 @p2 $0x1082  }
0x22: {  	[simem:s7], [sflag:s8] =	dma.local @!p0 [hbm:s6], $0xF7A  }
0x23: {  	s9 =	sor.u32 $0xD0000000, s2;
	s6 =	simm.s32 $0x108;
	_ =	swait.ge @!p0 [sflag:s8], $0x0  }
0x24: {  	s3 =	sadd.s32 $0x88, s3;
	s6 =	simm.s32 @!p1 $0x1082;
	[sflag:s4] =	ssyncset.s32 $0xFFFFF086  }
0x25: {  	[simem:s6], [sflag:s4] =	dma.local [hbm:s3], $0xF7A  }
0x26: {  	[smem:$0x3F91] =	sst s1;
	(tag) =	ssettag s2;
	_ =	strace s9  }
0x27: {  	s1 =	sld [smem:$0x3FA1]  }
0x28: {  	s2 =	sld [smem:$0x3FA2]  }
0x29: {  	s4 =	sld [smem:$0x3FA4]  }
0x2a: {  	p0 =	seq.s32 s5, $0x0;
	s5 =	sld [smem:$0x3FA5]  }
0x2b: {  	s6 =	sld [smem:$0x3FA6]  }
0x2c: {  	s7 =	sld [smem:$0x3FA7]  }
0x2d: {  	s3 =	simm.s32 $0x108;
	s8 =	sld [smem:$0x3FA8]  }
0x2e: {  	s3 =	simm.s32 @!p0 $0x1082;
	s9 =	sld [smem:$0x3FA9]  }
0x2f: {  	lr =	sadd.s32 s0, s3;
	s0 =	sld [smem:$0x3FA0]  }
0x30: {  	s3 =	sld [smem:$0x3FA3]  }
0x31: {  	[smem:$0x3FAC] =	sst s10  }
0x32: {  	s10 =	sld [smem:$0x3FAA];
	_ =	sdelay $0x3  }
0x33: {  	p0 =	seq.s32 s10, $0x1;
	s10 =	sld [smem:$0x3FAC];
	_ =	sdelay $0x3  }
0x34: {  	[smem:$0x3FAC] =	sst s10  }
0x35: {  	s10 =	sld [smem:$0x3FAB];
	_ =	sdelay $0x3  }
0x36: {  	p1 =	seq.s32 s10, $0x1;
	s10 =	sld [smem:$0x3FAC];
	_ =	sdelay $0x3  }
0x37: {  	[smem:$0x3FAC] =	sst s10  }
0x38: {  	s10 =	sld [smem:$0x3FAD]  }
0x39: {  	_ = 	snop;
	(pc) =	sbr.ind lr, $3  }
0x3a: {  	_ = 	snop  }
0x3b: {  	_ = 	snop  }
0x3c: {  	p2 =	seq.s32 s10, $0x1;
	s10 =	sld [smem:$0x3FAC]  }
0x3d: {  	_ =	shalt  }
0x3e: {  	_ =	shalt  }
0x3f: {  	_ =	shalt  }
0x40: {  	_ =	shalt  }
0x41: {  	_ =	shalt  }
0x42: {  	_ =	shalt  }
0x43: {  	_ =	shalt  }
0x44: {  	_ =	shalt  }
0x45: {  	_ =	shalt  }
0x46: {  	_ =	shalt  }
0x47: {  	_ =	shalt  }
0x48: {  	_ =	shalt  }
0x49: {  	_ =	shalt  }
0x4a: {  	_ =	shalt  }
0x4b: {  	_ =	shalt  }
0x4c: {  	_ =	shalt  }
0x4d: {  	_ =	shalt  }
0x4e: {  	_ =	shalt  }
0x4f: {  	_ =	shalt  }
0x50: {  	_ =	shalt  }
0x51: {  	_ =	shalt  }
0x52: {  	_ =	shalt  }
0x53: {  	_ =	shalt  }
0x54: {  	_ =	shalt  }
0x55: {  	_ =	shalt  }
0x56: {  	_ =	shalt  }
0x57: {  	_ =	shalt  }
0x58: {  	_ =	shalt  }
0x59: {  	_ =	shalt  }
0x5a: {  	_ =	shalt  }
0x5b: {  	_ =	shalt  }
0x5c: {  	_ =	shalt  }
0x5d: {  	_ =	shalt  }
0x5e: {  	_ =	shalt  }
0x5f: {  	_ =	shalt  }
0x60: {  	_ =	shalt  }
0x61: {  	_ =	shalt  }
0x62: {  	_ =	shalt  }
0x63: {  	_ =	shalt  }
0x64: {  	_ =	shalt  }
0x65: {  	_ =	shalt  }
0x66: {  	_ =	shalt  }
0x67: {  	_ =	shalt  }
0x68: {  	_ =	shalt  }
0x69: {  	_ =	shalt  }
0x6a: {  	_ =	shalt  }
0x6b: {  	_ =	shalt  }
0x6c: {  	_ =	shalt  }
0x6d: {  	_ =	shalt  }
0x6e: {  	_ =	shalt  }
0x6f: {  	_ =	shalt  }
0x70: {  	_ =	shalt  }
0x71: {  	_ =	shalt  }
0x72: {  	_ =	shalt  }
0x73: {  	_ =	shalt  }
0x74: {  	_ =	shalt  }
0x75: {  	_ =	shalt  }
0x76: {  	_ =	shalt  }
0x77: {  	_ =	shalt  }
0x78: {  	_ =	shalt  }
0x79: {  	_ =	shalt  }
0x7a: {  	_ =	shalt  }
0x7b: {  	_ =	shalt  }
0x7c: {  	_ =	shalt  }
0x7d: {  	_ =	shalt  }
0x7e: {  	_ =	shalt  }
0x7f: {  	_ =	shalt  }
0x80: {  	_ =	shalt  }
0x81: {  	_ =	shalt  }
0x82: {  	_ =	shalt  }
0x83: {  	_ =	shalt  }
0x84: {  	_ =	shalt  }
0x85: {  	_ =	shalt  }
0x86: {  	_ =	shalt  }
0x87: {  	_ =	shalt  }
.Lfunc_end0:
.L_simem_size_0:
called_computation_lowered:
.L_overlay_start_0:
0x88: {  	s2 =	sld [smem:$0x3FD9]  }
0x89: {  	s3 =	sld [smem:$0x3FFE];
	_ =	sdelay $0x1  }
0x8a: {  	s1 =	srdreg.scid  }
0x8b: {  	s0 =	sand.u32 $0x1, s1  }
0x8c: {  	s17 =	sshll.u32 s0, $0xA;
	s2 =	sadd.s32 s3, s2  }
0x8d: {  	s2 =	sadd.s32 s2, s17  }
0x8e: {  	[smem:$0x3FB8] =	sst s2  }
0x8f: {  	_ = 	snop  }
0x90: {  	s2 =	sld [smem:$0x3FD0];
	(tm) =	ssettm $0x1  }
0x91: {  	s18 =	sld [smem:$0x3FFB];
	_ =	sdelay $0x3  }
0x92: {  	_ =	strace s18  }
0x93: {  	s3 =	sld [smem:$0x3FFC];
	_ =	sdelay $0x3  }
0x94: {  	_ =	strace s3  }
0x95: {  	s3 =	sld [smem:$0x3FFD];
	_ =	sdelay $0x3  }
0x96: {  	_ =	strace s3  }
0x97: {  	_ =	strace $0x8FFFFFFF  }
0x98: {  	s19 =	sld [smem:$0x3FDB];
	_ =	sdelay $0x1  }
0x99: {  	s4 =	simm.s32 $_scs_section_size  }
0x9a: {  	s5 =	simm.s32 $_size__tile_overlayer_lowered;
	s6 =	simm.s32 $_tile_overlayer_lowered  }
0x9b: {  	s22 =	simm.s32 $0x1BFF;
	s21 =	sshll.u32 s6, $0x1;
	s3 =	sadd.s32 s4, s19  }
0x9c: {  	s7 =	simm.s32 $0x0;
	s20 =	sshll.u32 s5, $0x1;
	s5 =	sadd.s32 s21, s3  }
0x9d: {  	[timem:s7], [sflag:s22] =	dma.local [hbm:s5], s20  }
0x9e: {  	_ =	swait.ge [sflag:s22], s20  }
0x9f: {  	s4 =	ssub.s32 $0x0, s20;
	[sflag:s22] =	ssyncset.done $0x0  }
0xa0: {  	[sflag:s22] =	ssyncadd.s32 s4;
	_ =	sdelay $0x1  }
0xa1: {  	s23 =	simm.s32 $0x1B8B  }
0xa2: {  	_ =	swait.ge [sflag:s23], $0x1  }
0xa3: {  	[sflag:s23] =	ssyncset.done $0x0  }
0xa4: {  	s25 =	simm.s32 $0x1B8E;
	s24 =	sld [smem:$0x3FFE];
	[sflag:s23] =	ssyncadd.s32 $0xFFFFFFFF  }
0xa5: {  	s26 =	simm.s32 $execute0_lowered;
	[smem:$0x3FD2] =	sst s25  }
0xa6: {  	s5 =	sshll.u32 s26, $0x1;
	_ =	strace $0x80000046;
	[dreg:$0x1] =	wrdreg $0xFFFFFFFF  }
0xa7: {  	s28 =	simm.s32 $_size_execute0_lowered;
	s3 =	sadd.s32 s3, s5;
	[dreg:$0x0] =	wrdreg $0x0  }
0xa8: {  	s5 =	sshll.u32 s28, $0x1;
	[dreg:$0x2] =	wrdreg s3  }
0xa9: {  	[dreg:$0x3] =	wrdreg s5  }
0xaa: {  	[dreg:$0x4] =	wrdreg $0xC0  }
0xab: {  	_ =	task [dreg:s7], $0x5FFFF  }
0xac: {  	[dreg:$0x1] =	wrdreg $0xFFFFFFFF  }
0xad: {  	[dreg:$0x0] =	wrdreg $0x60  }
0xae: {  	[dreg:$0x2] =	wrdreg s2  }
0xaf: {  	[dreg:$0x3] =	wrdreg s24  }
0xb0: {  	[dreg:$0x4] =	wrdreg $0x4F000  }
0xb1: {  	[dreg:$0x5] =	wrdreg $0x9  }
0xb2: {  	_ =	task.clear_ibuf [dreg:s7], $0x6FFFF;
	_ =	strace $0x90000046  }
0xb3: {  	s29 =	simm.s32 $0x9;
	_ =	strace $0x80000048  }
0xb4: {  	_ =	swait.ge [sflag:s29], $0x1  }
0xb5: {  	[sflag:s29] =	ssyncadd.s32 $0xFFFFFFFF  }
0xb6: {  	_ =	strace $0x90000048  }
0xb7: {  	_ =	sfence  }
0xb8: {  	s30 =	sld [smem:$0x0];
	_ =	sdelay $0x2  }
0xb9: {  	s31 =	sshll.u32 s1, $0xD;
	s1 =	sshrl.u32 s1, $0x2  }
0xba: {  	s3 =	sand.u32 $0x4000, s31;
	s1 =	sadd.s32 s1, s30  }
0xbb: {  	s0 =	sor.u32 s3, s0;
	s1 =	sshll.u32 s1, $0x11  }
0xbc: {  	s0 =	sor.u32 s1, s0  }
0xbd: {  	s0 =	sadd.s32 $0x8F2B, s0  }
0xbe: {  	[sflag:s0] =	ssyncadd.remote.s32 $0x1  }
0xbf: {  	_ =	sfence.sel $0xFFFF  }
0xc0: {  	[dreg:$0x0] =	wrdreg $0xFFFFFFFF;
	(pc) =	sbr.abs _section_cstart, $3  }
0xc1: {  	[dreg:$0x1] =	wrdreg $0xFFFFFFFF  }
0xc2: {  	_ =	task.clear_ibuf [dreg:s7], $0x2FFFF;
	_ =	strace $0x9FFFFFFF  }
0xc3: {  	(tm) =	ssettm $0x7FFFFFFF  }
tec
execute0_lowered:
.L_overlay_start_1:
0x0: {  	(tag) =	ssettag $0x1  }
0x1: {  	s3 =	rddreg [dreg:$0x0]  }
0x2: {  	s4 =	rddreg [dreg:$0x1]  }
0x3: {  	s10 =	rddreg [dreg:$0x2]  }
0x4: {  	s1 =	srdreg.scid;
	s0 =	rddreg [dreg:$0x3];
	s2 =	simm.s32 $0x0  }
0x5: {  	s13 =	simm.s32 $0x80;
	s14 =	simm.s32 $0x400;
	s15 =	simm.s32 $0x0  }
0x6: {  	s5 =	sand.u32 $0x1, s1;
	[smem:$0x7FF] =	sst s2;
	s1 =	stileid.u32  }
0x7: {  	s11 =	sadd.s32 $0x5800, s4;
	s6 =	sshll.u32 s5, $0x4;
	_ =	strace $0x80000047  }
0x8: {  	s8 =	ssub.s32 $0x2, s5;
	s9 =	sshrl.u32 s1, $0x3;
	s24 =	smul.u32 $0x5000, s1  }
0x9: {  	s25 =	sshll.u32 s1, $0x7;
	s28 =	smul.u32 $0x500, s1;
	s5 =	sshll.u32 s5, $0x7  }
0xa: {  	p0 =	sne.s32 s1, $0xF;
	p1 =	seq.s32 s1, $0xF;
	s7 =	sor.u32 s1, s6  }
0xb: {  	s23 =	sshrl.u32 s8, $0x1;
	s9 =	smul.u32 $0x4F000, s9;
	s4 =	sand.u32 $0x380, s25  }
0xc: {  	s31 =	sadd.s32 s6, s11;
	s6 =	sadd.s32 $0x12C00, s10;
	s7 =	smul.u32 $0x4F0, s7  }
0xd: {  	s12 =	ssub.s32 s8, s23;
	s29 =	sor.u32 s5, s28;
	s26 =	sshrl.u32 s9, $0x2  }
0xe: {  	s30 =	sshrl.u32 s29, $0x3;
	s9 =	smax.u32 s12, $0x1;
	s12 =	simm.s32 $0x2780  }
0xf: {  	s3 =	sadd.s32 s3, s7;
	s8 =	sadd.s32 s26, s10;
	s7 =	sshrl.u32 s24, $0x2  }
0x10: {  	s4 =	sadd.s32 s4, s8;
	s5 =	sadd.s32 s7, s10;
	s7 =	sadd.s32 s11, s30  }
0x11: {  	v0 =	vimm.f32 $0.0e+00;
	v1 =	vimm.f32 $1.000000000e+00;
	s8 =	sadd.s32 $0x960, s31;
	s10 =	sadd.s32 $0x26800, s10;
	s11 =	simm.s32 $0x1  }
.LBB2_1:
0x12: {  	[tilespmem:s2], [sflag:$0x1] =	stream.linear.gather [hbm4b:s3+s2], $0x2780, $0x38;
	[tilespmem:$0xA100] =	vst v63  }
0x13: {  	_ =	swait.ge [sflag:s11], $0x2780  }
0x14: {  	[sflag:s11] =	ssyncset.done $0x0  }
0x15: {  	s16 =	simm.s32 $0x0;
	[sflag:s11] =	ssyncadd.s32 $0xFFFFD880  }
.LBB2_2:
0x16: {  	p2 =	sne.s32 s16, $0x9DC0  }
.Ltmp0:
0x17: {  	_ = 	snop;
	(pc) =	sbr.rel @p2 .LBB2_2-.Ltmp0, $3  }
0x18: {  	_ =	sdelay $0x1  }
0x19: {  	s17 =	sshra.s32 s16, $0x2  }
0x1a: {  	s16 =	sadd.s32 $0x40, s16;
	[tilespmem:s17+$0x2780] =	vst v0  }
0x1b: {  	s16 =	simm.s32 $0x0  }
.LBB2_4:
0x1c: {  	s17 =	sshra.s32 s16, $0x2  }
0x1d: {  	v2 =	vld [tilespmem:s17+$0x0];
	_ =	sdelay $0x7  }
0x1e: {  	[tilespmem:v2+s12+$0x0] =	vst.idx.add.f32.msk $0xffff, v1  }
0x1f: {  	v2 =	vld [tilespmem:s17+$0x10];
	_ =	sdelay $0x7  }
0x20: {  	[tilespmem:v2+s12+$0x0] =	vst.idx.add.f32.msk $0xffff, v1  }
0x21: {  	v2 =	vld [tilespmem:s17+$0x20];
	_ =	sdelay $0x7  }
0x22: {  	[tilespmem:v2+s12+$0x0] =	vst.idx.add.f32.msk $0xffff, v1  }
0x23: {  	v2 =	vld [tilespmem:s17+$0x30];
	_ =	sdelay $0x7  }
0x24: {  	[tilespmem:v2+s12+$0x0] =	vst.idx.add.f32.msk $0xffff, v1  }
0x25: {  	v2 =	vld [tilespmem:s17+$0x40];
	_ =	sdelay $0x7  }
0x26: {  	[tilespmem:v2+s12+$0x0] =	vst.idx.add.f32.msk $0xffff, v1  }
0x27: {  	v2 =	vld [tilespmem:s17+$0x50];
	_ =	sdelay $0x7  }
0x28: {  	[tilespmem:v2+s12+$0x0] =	vst.idx.add.f32.msk $0xffff, v1  }
0x29: {  	v2 =	vld [tilespmem:s17+$0x60];
	_ =	sdelay $0x7  }
0x2a: {  	[tilespmem:v2+s12+$0x0] =	vst.idx.add.f32.msk $0xffff, v1  }
0x2b: {  	v2 =	vld [tilespmem:s17+$0x70];
	_ =	sdelay $0x2  }
0x2c: {  	p2 =	sne.s32 s16, $0x9C00  }
.Ltmp1:
0x2d: {  	_ = 	snop;
	(pc) =	sbr.rel @p2 .LBB2_4-.Ltmp1, $2  }
0x2e: {  	_ =	sdelay $0x2  }
0x2f: {  	s16 =	sadd.s32 $0x200, s16;
	[tilespmem:v2+s12+$0x0] =	vst.idx.add.f32.msk $0xffff, v1  }
0x30: {  	[spmem:s4] =	stream.strided.scatter [tilespmem:s12], [sflag:$0x1], $0x2780, s14, s13, $0x38;
	[tilespmem:$0xA100] =	vst v63  }
0x31: {  	_ =	swait.ge [sflag:s11], $0x2780  }
0x32: {  	[sflag:s11] =	ssyncset.done $0x0  }
0x33: {  	s16 =	simm.s32 @p0 $0x1400;
	[sflag:s11] =	ssyncadd.s32 $0xFFFFD880  }
0x34: {  	s17 =	simm.s32 @p0 $0x13C00;
	s18 =	simm.s32 @p0 $0x7680;
	[bflag:$0x0] =	sbarrier.arrive $0xFFFF  }
0x35: {  	[tilespmem:s18], [sflag:$0x1] =	stream.strided.gather @p0 [spmem:s5], $0x2800, s17, s16, $0x38;
	[tilespmem:$0xA100] =	vst v63  }
0x36: {  	s16 =	simm.s32 @p0 $0x1  }
0x37: {  	_ =	swait.ge @p0 [sflag:s16], $0x2800  }
0x38: {  	[sflag:s16] =	ssyncset.done @p0 $0x0  }
0x39: {  	[sflag:s16] =	ssyncadd.s32 @p0 $0xFFFFD800;
	s16 =	simm.s32 @!p0 $0x7680  }
0x3a: {  	[tilespmem:s16], [sflag:$0x1] =	stream.linear.gather @!p0 [spmem:s6], $0x1000, $0x38;
	[tilespmem:$0xA100] =	vst v63  }
0x3b: {  	s16 =	simm.s32 @!p0 $0x8A80  }
0x3c: {  	[tilespmem:s16], [sflag:$0x1] =	stream.linear.gather @!p0 [spmem:s10], $0x1000, $0x38;
	[tilespmem:$0xA100] =	vst v63  }
0x3d: {  	s16 =	simm.s32 @!p0 $0x1  }
0x3e: {  	s29 =	simm.s32 $0x0;
	_ =	swait.ge @!p0 [sflag:s16], $0x2000  }
0x3f: {  	s30 =	sand.u32 $0x70, s29;
	s17 =	sand.u32 $0xFFFFFC00, s29;
	[sflag:s16] =	ssyncset.done @!p0 $0x0  }
0x40: {  	s31 =	sor.u32 s30, s17;
	[sflag:s16] =	ssyncadd.s32 @!p0 $0xFFFFE000  }
0x41: {  	v2 =	vld [tilespmem:s31+$0x7700]  }
0x42: {  	v3 =	vld [tilespmem:s31+$0x7680];
	_ =	sdelay $0x1  }
0x43: {  	v4 =	vld [tilespmem:s31+$0x7780];
	_ =	sdelay $0x1  }
0x44: {  	v5 =	vld [tilespmem:s31+$0x7800]  }
0x45: {  	v2 =	vadd.f32 v2, v3  }
0x46: {  	v3 =	vld [tilespmem:s31+$0x7880]  }
0x47: {  	v2 =	vadd.f32 v4, v2  }
0x48: {  	v56 =	vld [tilespmem:s31+$0x7900]  }
0x49: {  	v2 =	vadd.f32 v5, v2  }
0x4a: {  	v57 =	vld [tilespmem:s31+$0x7980]  }
0x4b: {  	v2 =	vadd.f32 v3, v2  }
0x4c: {  	v3 =	vld [tilespmem:s31+$0x7A00]  }
0x4d: {  	v2 =	vadd.f32 v56, v2  }
0x4e: {  	v58 =	vld [tilespmem:s31+$0x8A80]  }
0x4f: {  	v2 =	vadd.f32 v57, v2  }
0x50: {  	v59 =	vld [tilespmem:s31+$0x8B00]  }
0x51: {  	v2 =	vadd.f32 v3, v2  }
0x52: {  	v3 =	vld [tilespmem:s31+$0x8B80]  }
0x53: {  	v2 =	vadd.f32 v58, v2  }
0x54: {  	v60 =	vld [tilespmem:s31+$0x8C00]  }
0x55: {  	v2 =	vadd.f32 v59, v2  }
0x56: {  	v61 =	vld [tilespmem:s31+$0x8C80]  }
0x57: {  	v2 =	vadd.f32 v3, v2  }
0x58: {  	v3 =	vld [tilespmem:s31+$0x8D00]  }
0x59: {  	s16 =	simm.s32 @!p0 $0x20;
	v2 =	vadd.f32 v60, v2  }
0x5a: {  	v62 =	vld [tilespmem:s31+$0x8D80];
	s16 =	simm.s32 @p0 $0x28  }
0x5b: {  	s17 =	sshll.u32 s16, $0x4;
	v2 =	vadd.f32 v61, v2  }
0x5c: {  	v63 =	vld [tilespmem:s31+$0x8E00];
	p3 =	sne.s32 s17, $0x10  }
.Ltmp2:
0x5d: {  	v2 =	vadd.f32 v3, v2;
	(pc) =	sbr.rel @!p3 .LBB2_6-.Ltmp2, $4  }
0x5e: {  	_ = 	snop  }
0x5f: {  	v2 =	vadd.f32 v62, v2  }
0x60: {  	s19 =	simm.s32 $0x80  }
0x61: {  	p2 =	por $0x0, $0x0;
	s18 =	simm.s32 $0x10;
	s16 =	simm.s32 $0x9E80;
	v2 =	vadd.f32 v63, v2  }
0x62: {  	s18 =	sand.u32 $0x70, s18;
	s19 =	sand.u32 $0xFFFFFC00, s19  }
0x63: {  	s18 =	sor.u32 s18, s19;
	[tilespmem:s16+$0x0] =	vst v2  }
0x64: {  	v2 =	vld [tilespmem:s18+$0x7700]  }
0x65: {  	v3 =	vld [tilespmem:s18+$0x7680];
	_ =	sdelay $0x1  }
0x66: {  	v4 =	vld [tilespmem:s18+$0x7780];
	_ =	sdelay $0x1  }
0x67: {  	v5 =	vld [tilespmem:s18+$0x7800]  }
0x68: {  	v2 =	vadd.f32 v2, v3  }
0x69: {  	v3 =	vld [tilespmem:s18+$0x7880]  }
0x6a: {  	v2 =	vadd.f32 v4, v2  }
0x6b: {  	v56 =	vld [tilespmem:s18+$0x7900]  }
0x6c: {  	v2 =	vadd.f32 v5, v2  }
0x6d: {  	v57 =	vld [tilespmem:s18+$0x7980]  }
0x6e: {  	v2 =	vadd.f32 v3, v2  }
0x6f: {  	v3 =	vld [tilespmem:s18+$0x7A00]  }
0x70: {  	v2 =	vadd.f32 v56, v2  }
0x71: {  	v58 =	vld [tilespmem:s18+$0x8A80]  }
0x72: {  	v2 =	vadd.f32 v57, v2  }
0x73: {  	v59 =	vld [tilespmem:s18+$0x8B00]  }
0x74: {  	v2 =	vadd.f32 v3, v2  }
0x75: {  	v3 =	vld [tilespmem:s18+$0x8B80]  }
0x76: {  	v2 =	vadd.f32 v58, v2  }
0x77: {  	v60 =	vld [tilespmem:s18+$0x8C00]  }
0x78: {  	v2 =	vadd.f32 v59, v2  }
0x79: {  	v61 =	vld [tilespmem:s18+$0x8C80]  }
0x7a: {  	v2 =	vadd.f32 v3, v2  }
0x7b: {  	v3 =	vld [tilespmem:s18+$0x8D00]  }
0x7c: {  	v2 =	vadd.f32 v60, v2  }
0x7d: {  	v62 =	vld [tilespmem:s18+$0x8D80]  }
0x7e: {  	v2 =	vadd.f32 v61, v2  }
0x7f: {  	p3 =	sne.s32 s17, $0x20;
	v63 =	vld [tilespmem:s18+$0x8E00]  }
.Ltmp3:
0x80: {  	v2 =	vadd.f32 v3, v2;
	(pc) =	sbr.rel @!p3 .LBB2_8-.Ltmp3, $4  }
0x81: {  	_ = 	snop  }
0x82: {  	v2 =	vadd.f32 v62, v2  }
0x83: {  	s20 =	simm.s32 $0x100  }
0x84: {  	p2 =	por $0x1, $0x1;
	s19 =	simm.s32 $0x20;
	s18 =	simm.s32 $0x9E80;
	v2 =	vadd.f32 v63, v2  }
.LBB2_9:
0x85: {  	s21 =	sand.u32 $0x70, s19;
	s22 =	sand.u32 $0xFFFFFC00, s20;
	s18 =	sadd.s32 $0x10, s18  }
0x86: {  	s19 =	sadd.s32 $0x10, s19;
	s21 =	sor.u32 s21, s22;
	[tilespmem:s18+$0x0] =	vst v2  }
0x87: {  	p3 =	sne.s32 s17, s19;
	v2 =	vld [tilespmem:s21+$0x7700]  }
0x88: {  	v3 =	vld [tilespmem:s21+$0x7680];
	_ =	sdelay $0x1  }
0x89: {  	v4 =	vld [tilespmem:s21+$0x7780];
	_ =	sdelay $0x1  }
0x8a: {  	v5 =	vld [tilespmem:s21+$0x7800]  }
0x8b: {  	v2 =	vadd.f32 v2, v3  }
0x8c: {  	v3 =	vld [tilespmem:s21+$0x7880]  }
0x8d: {  	v2 =	vadd.f32 v4, v2  }
0x8e: {  	v4 =	vld [tilespmem:s21+$0x7900]  }
0x8f: {  	v2 =	vadd.f32 v5, v2  }
0x90: {  	v5 =	vld [tilespmem:s21+$0x7980]  }
0x91: {  	v2 =	vadd.f32 v3, v2  }
0x92: {  	v3 =	vld [tilespmem:s21+$0x7A00]  }
0x93: {  	v2 =	vadd.f32 v4, v2  }
0x94: {  	v4 =	vld [tilespmem:s21+$0x8A80]  }
0x95: {  	v2 =	vadd.f32 v5, v2  }
0x96: {  	v5 =	vld [tilespmem:s21+$0x8B00]  }
0x97: {  	v2 =	vadd.f32 v3, v2  }
0x98: {  	v3 =	vld [tilespmem:s21+$0x8B80]  }
0x99: {  	v2 =	vadd.f32 v4, v2  }
0x9a: {  	v4 =	vld [tilespmem:s21+$0x8C00]  }
0x9b: {  	v2 =	vadd.f32 v5, v2  }
0x9c: {  	v5 =	vld [tilespmem:s21+$0x8C80]  }
0x9d: {  	v2 =	vadd.f32 v3, v2  }
0x9e: {  	v3 =	vld [tilespmem:s21+$0x8D00]  }
0x9f: {  	v2 =	vadd.f32 v4, v2  }
0xa0: {  	v4 =	vld [tilespmem:s21+$0x8D80]  }
0xa1: {  	v2 =	vadd.f32 v5, v2  }
0xa2: {  	v5 =	vld [tilespmem:s21+$0x8E00]  }
.Ltmp4:
0xa3: {  	v2 =	vadd.f32 v3, v2;
	(pc) =	sbr.rel @p3 .LBB2_9-.Ltmp4, $3  }
0xa4: {  	_ = 	snop  }
0xa5: {  	v2 =	vadd.f32 v4, v2;
	_ =	sdelay $0x1  }
0xa6: {  	s20 =	sadd.s32 $0x80, s20;
	v2 =	vadd.f32 v5, v2  }
.LBB2_10:
0xa7: {  	s17 =	sadd.s32 @p2 $0x10, s18  }
0xa8: {  	s16 =	smov.u32 @p2 s17  }
0xa9: {  	s18 =	simm.s32 @p1 $0x9E80;
	s17 =	simm.s32 @p1 $0x100;
	[tilespmem:s16+$0x0] =	vst v2;
	s16 =	simm.s32 @p1 $0x80  }
0xaa: {  	[hbm4b:s8+s16] =	stream.strided.scatter @p1 [tilespmem:s18], [sflag:$0x1], $0x200, s17, s16, $0x38;
	[tilespmem:$0xA100] =	vst v63  }
0xab: {  	s16 =	simm.s32 @p1 $0x1  }
0xac: {  	s15 =	sadd.s32 $0x1, s15;
	_ =	swait.ge @p1 [sflag:s16], $0x200  }
0xad: {  	p2 =	sne.s32 s15, s9;
	s17 =	simm.s32 @!p1 $0x100;
	[sflag:s16] =	ssyncset.done @p1 $0x0  }
0xae: {  	s18 =	simm.s32 @!p1 $0x9E80;
	[sflag:s16] =	ssyncadd.s32 @p1 $0xFFFFFE00;
	s16 =	simm.s32 @!p1 $0x80  }
0xaf: {  	[hbm4b:s7+s16] =	stream.strided.scatter @!p1 [tilespmem:s18], [sflag:$0x1], $0x280, s17, s16, $0x38;
	[tilespmem:$0xA100] =	vst v63  }
.Ltmp5:
0xb0: {  	_ = 	snop;
	(pc) =	sbr.rel @p2 .LBB2_1-.Ltmp5, $4  }
.Ltmp6:
0xb1: {  	s16 =	simm.s32 @!p1 $0x1;
	(pc) =	sbr.rel @!p2 .LBB2_11-.Ltmp6, $4  }
0xb2: {  	_ =	swait.ge @!p1 [sflag:s16], $0x280  }
0xb3: {  	[sflag:s16] =	ssyncset.done @!p1 $0x0  }
0xb4: {  	[sflag:s16] =	ssyncadd.s32 @!p1 $0xFFFFFD80  }
0xb5: {  	_ = 	snop  }
.LBB2_6:
.Ltmp7:
0xb6: {  	(pc) =	sbr.rel .LBB2_10-.Ltmp7, $2  }
0xb7: {  	_ =	sdelay $0x2  }
0xb8: {  	s18 =	simm.s32 $0x9E80  }
.LBB2_8:
.Ltmp8:
0xb9: {  	(pc) =	sbr.rel .LBB2_10-.Ltmp8, $2  }
0xba: {  	_ =	sdelay $0x2  }
0xbb: {  	s18 =	simm.s32 $0x9E80  }
.LBB2_11:
0xbc: {  	_ =	sfence.sel $0x180000  }
0xbd: {  	[bflag:$0x0] =	sbarrier.arrive $0xFFFF  }
0xbe: {  	p0 =	sne.s32 s1, $0x0;
	_ =	strace $0x90000047  }
0xbf: {  	s0 =	sadd.s32 @!p0 $0x100000, s0;
	[bflag:$0x2] =	sbarrier.arrive $0xFFFF  }
0xc0: {  	[sflag:s0] =	ssyncadd.tile.s32 @!p0 $0x1;
	_ =	shalt  }
.Lfunc_end2:
_tile_overlayer_lowered:
.L_overlay_start_2:
0xc1: {  	(tag) =	ssettag $0x2  }
0xc2: {  	s0 =	rddreg [dreg:$0x0];
	s2 =	stileid.u32  }
0xc3: {  	s1 =	rddreg [dreg:$0x1];
	p0 =	sne.s32 s2, $0x0  }
0xc4: {  	s3 =	rddreg [dreg:$0x2];
	[bflag:$0x3] =	sbarrier.arrive $0xFFFF;
	s2 =	simm.s32 @!p0 $0x1C01  }
0xc5: {  	[timem:s3], [sflag:s2] =	dma.local @!p0 [hbm:s0], s1  }
0xc6: {  	s0 =	simm.s32 @!p0 $0x1  }
0xc7: {  	_ =	swait.ge @!p0 [sflag:s0], s1  }
0xc8: {  	s1 =	ssub.s32 @!p0 $0x0, s1;
	[sflag:s0] =	ssyncset.done @!p0 $0x0  }
0xc9: {  	[sflag:s0] =	ssyncadd.s32 @!p0 s1  }
0xca: {  	[bflag:$0x3] =	sbarrier.arrive $0xFFFF  }
0xcb: {  	_ =	shalt  }

// kernel: kernel.13.cloned.1.call-start
scs
__scs_entry_jumppad:
0x0: {  	(pc) =	sbr.rel $0x88, $3  }
0x1: {  	(tag) =	ssettag $0x0;
	lr =	simm.s32 $0x1  }
0x2: {  	[smem:$0x3F91] =	sst lr;
	_ =	strace $0xD0000000  }
0x3: {  	_ = 	snop  }
0x4: {  	_ = 	snop  }
0x5: {  	_ = 	snop  }
0x6: {  	_ = 	snop  }
0x7: {  	_ = 	snop  }
__scs_overlays_trampoline_lowered:
0x8: {  	[smem:$0x3FA0] =	sst s0  }
0x9: {  	[smem:$0x3FA1] =	sst s1  }
0xa: {  	[smem:$0x3FA2] =	sst s2  }
0xb: {  	[smem:$0x3FA3] =	sst s3  }
0xc: {  	[smem:$0x3FA4] =	sst s4  }
0xd: {  	[smem:$0x3FA5] =	sst s5  }
0xe: {  	[smem:$0x3FA6] =	sst s6  }
0xf: {  	[smem:$0x3FA7] =	sst s7  }
0x10: {  	[smem:$0x3FA8] =	sst s8  }
0x11: {  	[smem:$0x3FA9] =	sst s9;
	s0 =	simm.s32 @!p0 $0x0  }
0x12: {  	s1 =	sld [smem:$0x3F8F];
	s0 =	simm.s32 @p0 $0x1  }
0x13: {  	[smem:$0x3FAA] =	sst s0;
	s0 =	simm.s32 @!p1 $0x0  }
0x14: {  	s2 =	sld [smem:$0x3F8E];
	s0 =	simm.s32 @p1 $0x1  }
0x15: {  	[smem:$0x3FAB] =	sst s0;
	s0 =	simm.s32 @!p2 $0x0  }
0x16: {  	s3 =	sld [smem:$0x3FDB];
	s0 =	simm.s32 @p2 $0x1  }
0x17: {  	s4 =	simm.s32 $0x1BF5;
	[smem:$0x3FAD] =	sst s0  }
0x18: {  	s0 =	sld [smem:$0x3F90];
	_ =	swait.ge [sflag:s4], $0x0  }
0x19: {  	s7 =	sld [smem:$0x3F91]  }
0x1a: {  	s8 =	sadd.s32 $0xFFFFE003, lr  }
0x1b: {  	s9 =	sadd.s32 $0xFFFFFEF7, lr;
	s5 =	simm.s32 $0xFFFFFFFF;
	p2 =	slt.u32 s8, $0xFFFFF086  }
0x1c: {  	p1 =	slt.u32 s9, $0xF7A;
	s5 =	simm.s32 @!p2 $0x0  }
0x1d: {  	s5 =	simm.s32 @p1 $0x1;
	p0 =	seq.s32 s7, s2  }
0x1e: {  	s7 =	smul.u32 @!p0 $0xF7A, s2;
	p2 =	seq.s32 @!p0 s5, $0x0  }
0x1f: {  	s9 =	smul.u32 $0xF7A, s1;
	s8 =	simm.s32 @!p0 $0x1BF5;
	p2 =	por !p2, p0  }
0x20: {  	[sflag:s8] =	ssyncset.s32 @!p0 $0xFFFFF086;
	s6 =	sadd.s32 @!p0 s3, s7;
	s7 =	simm.s32 @!p0 $0x108  }
0x21: {  	s3 =	sadd.s32 s3, s9;
	s6 =	sadd.s32 @!p0 $0x88, s6;
	s7 =	simm.s32 @p2 $0x1082  }
0x22: {  	[simem:s7], [sflag:s8] =	dma.local @!p0 [hbm:s6], $0xF7A  }
0x23: {  	s9 =	sor.u32 $0xD0000000, s2;
	s6 =	simm.s32 $0x108;
	_ =	swait.ge @!p0 [sflag:s8], $0x0  }
0x24: {  	s3 =	sadd.s32 $0x88, s3;
	s6 =	simm.s32 @!p1 $0x1082;
	[sflag:s4] =	ssyncset.s32 $0xFFFFF086  }
0x25: {  	[simem:s6], [sflag:s4] =	dma.local [hbm:s3], $0xF7A  }
0x26: {  	[smem:$0x3F91] =	sst s1;
	(tag) =	ssettag s2;
	_ =	strace s9  }
0x27: {  	s1 =	sld [smem:$0x3FA1]  }
0x28: {  	s2 =	sld [smem:$0x3FA2]  }
0x29: {  	s4 =	sld [smem:$0x3FA4]  }
0x2a: {  	p0 =	seq.s32 s5, $0x0;
	s5 =	sld [smem:$0x3FA5]  }
0x2b: {  	s6 =	sld [smem:$0x3FA6]  }
0x2c: {  	s7 =	sld [smem:$0x3FA7]  }
0x2d: {  	s3 =	simm.s32 $0x108;
	s8 =	sld [smem:$0x3FA8]  }
0x2e: {  	s3 =	simm.s32 @!p0 $0x1082;
	s9 =	sld [smem:$0x3FA9]  }
0x2f: {  	lr =	sadd.s32 s0, s3;
	s0 =	sld [smem:$0x3FA0]  }
0x30: {  	s3 =	sld [smem:$0x3FA3]  }
0x31: {  	[smem:$0x3FAC] =	sst s10  }
0x32: {  	s10 =	sld [smem:$0x3FAA];
	_ =	sdelay $0x3  }
0x33: {  	p0 =	seq.s32 s10, $0x1;
	s10 =	sld [smem:$0x3FAC];
	_ =	sdelay $0x3  }
0x34: {  	[smem:$0x3FAC] =	sst s10  }
0x35: {  	s10 =	sld [smem:$0x3FAB];
	_ =	sdelay $0x3  }
0x36: {  	p1 =	seq.s32 s10, $0x1;
	s10 =	sld [smem:$0x3FAC];
	_ =	sdelay $0x3  }
0x37: {  	[smem:$0x3FAC] =	sst s10  }
0x38: {  	s10 =	sld [smem:$0x3FAD]  }
0x39: {  	_ = 	snop;
	(pc) =	sbr.ind lr, $3  }
0x3a: {  	_ = 	snop  }
0x3b: {  	_ = 	snop  }
0x3c: {  	p2 =	seq.s32 s10, $0x1;
	s10 =	sld [smem:$0x3FAC]  }
0x3d: {  	_ =	shalt  }
0x3e: {  	_ =	shalt  }
0x3f: {  	_ =	shalt  }
0x40: {  	_ =	shalt  }
0x41: {  	_ =	shalt  }
0x42: {  	_ =	shalt  }
0x43: {  	_ =	shalt  }
0x44: {  	_ =	shalt  }
0x45: {  	_ =	shalt  }
0x46: {  	_ =	shalt  }
0x47: {  	_ =	shalt  }
0x48: {  	_ =	shalt  }
0x49: {  	_ =	shalt  }
0x4a: {  	_ =	shalt  }
0x4b: {  	_ =	shalt  }
0x4c: {  	_ =	shalt  }
0x4d: {  	_ =	shalt  }
0x4e: {  	_ =	shalt  }
0x4f: {  	_ =	shalt  }
0x50: {  	_ =	shalt  }
0x51: {  	_ =	shalt  }
0x52: {  	_ =	shalt  }
0x53: {  	_ =	shalt  }
0x54: {  	_ =	shalt  }
0x55: {  	_ =	shalt  }
0x56: {  	_ =	shalt  }
0x57: {  	_ =	shalt  }
0x58: {  	_ =	shalt  }
0x59: {  	_ =	shalt  }
0x5a: {  	_ =	shalt  }
0x5b: {  	_ =	shalt  }
0x5c: {  	_ =	shalt  }
0x5d: {  	_ =	shalt  }
0x5e: {  	_ =	shalt  }
0x5f: {  	_ =	shalt  }
0x60: {  	_ =	shalt  }
0x61: {  	_ =	shalt  }
0x62: {  	_ =	shalt  }
0x63: {  	_ =	shalt  }
0x64: {  	_ =	shalt  }
0x65: {  	_ =	shalt  }
0x66: {  	_ =	shalt  }
0x67: {  	_ =	shalt  }
0x68: {  	_ =	shalt  }
0x69: {  	_ =	shalt  }
0x6a: {  	_ =	shalt  }
0x6b: {  	_ =	shalt  }
0x6c: {  	_ =	shalt  }
0x6d: {  	_ =	shalt  }
0x6e: {  	_ =	shalt  }
0x6f: {  	_ =	shalt  }
0x70: {  	_ =	shalt  }
0x71: {  	_ =	shalt  }
0x72: {  	_ =	shalt  }
0x73: {  	_ =	shalt  }
0x74: {  	_ =	shalt  }
0x75: {  	_ =	shalt  }
0x76: {  	_ =	shalt  }
0x77: {  	_ =	shalt  }
0x78: {  	_ =	shalt  }
0x79: {  	_ =	shalt  }
0x7a: {  	_ =	shalt  }
0x7b: {  	_ =	shalt  }
0x7c: {  	_ =	shalt  }
0x7d: {  	_ =	shalt  }
0x7e: {  	_ =	shalt  }
0x7f: {  	_ =	shalt  }
0x80: {  	_ =	shalt  }
0x81: {  	_ =	shalt  }
0x82: {  	_ =	shalt  }
0x83: {  	_ =	shalt  }
0x84: {  	_ =	shalt  }
0x85: {  	_ =	shalt  }
0x86: {  	_ =	shalt  }
0x87: {  	_ =	shalt  }
.Lfunc_end0:
.L_simem_size_0:
called_computation.1_lowered:
.L_overlay_start_0:
0x88: {  	s2 =	sld [smem:$0x3FD9]  }
0x89: {  	s3 =	sld [smem:$0x3FFE];
	_ =	sdelay $0x1  }
0x8a: {  	s1 =	srdreg.scid  }
0x8b: {  	s0 =	sand.u32 $0x1, s1  }
0x8c: {  	s16 =	sshll.u32 s0, $0xA;
	s2 =	sadd.s32 s3, s2  }
0x8d: {  	s2 =	sadd.s32 s2, s16  }
0x8e: {  	[smem:$0x3FB8] =	sst s2  }
0x8f: {  	_ = 	snop  }
0x90: {  	(tm) =	ssettm $0x1  }
0x91: {  	s17 =	sld [smem:$0x3FFB];
	_ =	sdelay $0x3  }
0x92: {  	_ =	strace s17  }
0x93: {  	s2 =	sld [smem:$0x3FFC];
	_ =	sdelay $0x3  }
0x94: {  	_ =	strace s2  }
0x95: {  	s2 =	sld [smem:$0x3FFD];
	_ =	sdelay $0x3  }
0x96: {  	_ =	strace s2  }
0x97: {  	_ =	strace $0x8FFFFFFF  }
0x98: {  	s18 =	sld [smem:$0x3FDB];
	_ =	sdelay $0x1  }
0x99: {  	s19 =	simm.s32 $_scs_section_size  }
0x9a: {  	s4 =	simm.s32 $_size__tile_overlayer_lowered;
	s5 =	simm.s32 $_tile_overlayer_lowered  }
0x9b: {  	s22 =	simm.s32 $0x1BFF;
	s21 =	sshll.u32 s5, $0x1;
	s2 =	sadd.s32 s19, s18  }
0x9c: {  	s6 =	simm.s32 $0x0;
	s20 =	sshll.u32 s4, $0x1;
	s4 =	sadd.s32 s21, s2  }
0x9d: {  	[timem:s6], [sflag:s22] =	dma.local [hbm:s4], s20  }
0x9e: {  	_ =	swait.ge [sflag:s22], s20  }
0x9f: {  	s3 =	ssub.s32 $0x0, s20;
	[sflag:s22] =	ssyncset.done $0x0  }
0xa0: {  	[sflag:s22] =	ssyncadd.s32 s3;
	_ =	sdelay $0x1  }
0xa1: {  	s23 =	simm.s32 $0x1B8B  }
0xa2: {  	_ =	swait.ge [sflag:s23], $0x1  }
0xa3: {  	[sflag:s23] =	ssyncset.done $0x0  }
0xa4: {  	s25 =	simm.s32 $0x1B8E;
	s24 =	sld [smem:$0x3FFE];
	[sflag:s23] =	ssyncadd.s32 $0xFFFFFFFF  }
0xa5: {  	s26 =	simm.s32 $execute0_lowered;
	[smem:$0x3FD2] =	sst s25  }
0xa6: {  	s4 =	sshll.u32 s26, $0x1;
	_ =	strace $0x80000049;
	[dreg:$0x1] =	wrdreg $0xFFFFFFFF  }
0xa7: {  	s28 =	simm.s32 $_size_execute0_lowered;
	s2 =	sadd.s32 s2, s4;
	[dreg:$0x0] =	wrdreg $0x0  }
0xa8: {  	s4 =	sshll.u32 s28, $0x1;
	[dreg:$0x2] =	wrdreg s2  }
0xa9: {  	[dreg:$0x3] =	wrdreg s4  }
0xaa: {  	[dreg:$0x4] =	wrdreg $0xC0  }
0xab: {  	_ =	task [dreg:s6], $0x5FFFF  }
0xac: {  	[dreg:$0x1] =	wrdreg $0xFFFFFFFF  }
0xad: {  	[dreg:$0x0] =	wrdreg $0x60  }
0xae: {  	[dreg:$0x2] =	wrdreg s24  }
0xaf: {  	[dreg:$0x3] =	wrdreg $0xBA000  }
0xb0: {  	[dreg:$0x4] =	wrdreg $0x9  }
0xb1: {  	_ =	task.clear_ibuf [dreg:s6], $0x5FFFF;
	_ =	strace $0x90000049  }
0xb2: {  	s29 =	simm.s32 $0x9;
	_ =	strace $0x8000004B  }
0xb3: {  	_ =	swait.ge [sflag:s29], $0x1  }
0xb4: {  	[sflag:s29] =	ssyncadd.s32 $0xFFFFFFFF  }
0xb5: {  	_ =	strace $0x9000004B  }
0xb6: {  	_ =	sfence  }
0xb7: {  	s30 =	sld [smem:$0x0];
	_ =	sdelay $0x2  }
0xb8: {  	s31 =	sshll.u32 s1, $0xD;
	s1 =	sshrl.u32 s1, $0x2  }
0xb9: {  	s3 =	sand.u32 $0x4000, s31;
	s1 =	sadd.s32 s1, s30  }
0xba: {  	s0 =	sor.u32 s3, s0;
	s1 =	sshll.u32 s1, $0x11  }
0xbb: {  	s0 =	sor.u32 s1, s0  }
0xbc: {  	s0 =	sadd.s32 $0x8F2B, s0  }
0xbd: {  	[sflag:s0] =	ssyncadd.remote.s32 $0x1  }
0xbe: {  	_ =	sfence.sel $0xFFFF  }
0xbf: {  	[dreg:$0x0] =	wrdreg $0xFFFFFFFF;
	(pc) =	sbr.abs _section_cstart, $3  }
0xc0: {  	[dreg:$0x1] =	wrdreg $0xFFFFFFFF  }
0xc1: {  	_ =	task.clear_ibuf [dreg:s6], $0x2FFFF;
	_ =	strace $0x9FFFFFFF  }
0xc2: {  	(tm) =	ssettm $0x7FFFFFFF  }
0xc3: {  	_ =	shalt  }
tec
execute0_lowered:
.L_overlay_start_1:
0x0: {  	(tag) =	ssettag $0x1  }
0x1: {  	s0 =	rddreg [dreg:$0x0]  }
0x2: {  	s1 =	rddreg [dreg:$0x1];
	s3 =	simm.s32 $0x0  }
0x3: {  	s14 =	stileid.u32;
	s2 =	srdreg.scid;
	s28 =	simm.s32 $0x600  }
0x4: {  	s29 =	simm.s32 $0x4200;
	s30 =	simm.s32 $0x1;
	s31 =	simm.s32 $0x7E00  }
0x5: {  	[smem:$0x7FF] =	sst s3;
	s4 =	sadd.s32 $0x19E00, s0;
	s7 =	smul.u32 $0x4F000, s14  }
0x6: {  	s5 =	sadd.s32 $0x10000, s0;
	s6 =	sadd.s32 $0x6200, s0;
	s0 =	sadd.s32 $0x41000, s0  }
0x7: {  	s2 =	sand.u32 $0x1, s2;
	s13 =	sadd.s32 $0x128400, s1;
	s22 =	sadd.s32 $0x12FC00, s1  }
0x8: {  	s21 =	sadd.s32 $0x12C000, s1;
	s11 =	sadd.s32 $0x133800, s1;
	s24 =	smul.u32 $0x13C00, s14  }
0x9: {  	s12 =	smul.u32 $0x2760, s14;
	_ =	strace $0x8000004A;
	[dreg:$0x8] =	wrdreg s21  }
0xa: {  	p0 =	seq.s32 s14, $0xF;
	s8 =	ssub.s32 $0x2, s2;
	[dreg:$0x9] =	wrdreg s22  }
0xb: {  	s10 =	sshll.u32 s2, $0x4;
	s23 =	smul.u32 $0x139000, s2;
	[dreg:$0xa] =	wrdreg s11  }
0xc: {  	s2 =	smul.u32 $0x27600, s2;
	s7 =	sshrl.u32 s7, $0x2;
	s9 =	sshrl.u32 s8, $0x1  }
0xd: {  	s15 =	sor.u32 s14, s10;
	s7 =	sadd.s32 s7, s1;
	s8 =	ssub.s32 s8, s9  }
0xe: {  	s9 =	smul.u32 $0x2760, s15;
	s11 =	sadd.s32 s24, s23;
	s10 =	sshrl.u32 s23, $0x3  }
0xf: {  	s26 =	sadd.s32 s12, s2;
	s24 =	simm.s32 $0x5;
	s2 =	simm.s32 $0x3  }
0x10: {  	s16 =	sadd.s32 $0x3C00, s7;
	s17 =	sadd.s32 $0x7800, s7;
	s18 =	sadd.s32 $0xB400, s7  }
0x11: {  	s19 =	sadd.s32 $0xF000, s7;
	s20 =	sadd.s32 $0x12C00, s7;
	[dreg:$0x3] =	wrdreg s16  }
0x12: {  	s25 =	sshrl.u32 s11, $0x3;
	s10 =	sadd.s32 s0, s10;
	[dreg:$0x4] =	wrdreg s17  }
0x13: {  	s22 =	smax.u32 s8, $0x1;
	s23 =	sadd.s32 $0x168, s26;
	[dreg:$0x5] =	wrdreg s18  }
0x14: {  	s26 =	simm.s32 $0x78;
	s8 =	simm.s32 $0x0;
	[dreg:$0x6] =	wrdreg s19  }
0x15: {  	[dreg:$0x7] =	wrdreg s20;
	s9 =	sshrl.u32 s9, $0x3;
	s17 =	sadd.s32 $0x137400, s1  }
0x16: {  	s20 =	sadd.s32 s0, s25;
	s21 =	sadd.s32 $0x25080, s10;
	s0 =	simm.s32 $0x2  }
0x17: {  	v0 =	vimm.f32 $0.0e+00;
	s25 =	simm.s32 $0x4;
	s18 =	sadd.s32 s5, s9;
	s19 =	sadd.s32 s6, s9  }
.LBB2_1:
0x18: {  	s9 =	simm.s32 $0x0;
	s10 =	simm.s32 $0x200  }
.LBB2_2:
0x19: {  	p1 =	sne.s32 s10, $0xEE00;
	[tilespmem:s9+$0x670] =	vst v0  }
0x1a: {  	[tilespmem:s9+$0x600] =	vst v0  }
0x1b: {  	[tilespmem:s9+$0x610] =	vst v0  }
.Ltmp0:
0x1c: {  	[tilespmem:s9+$0x620] =	vst v0;
	(pc) =	sbr.rel @p1 .LBB2_2-.Ltmp0, $4  }
0x1d: {  	[tilespmem:s9+$0x630] =	vst v0  }
0x1e: {  	[tilespmem:s9+$0x640] =	vst v0  }
0x1f: {  	[tilespmem:s9+$0x650] =	vst v0  }
0x20: {  	[tilespmem:s9+$0x660] =	vst v0;
	s9 =	sshra.s32 s10, $0x2;
	s10 =	sadd.s32 $0x200, s10  }
0x21: {  	[tilespmem:s9+$0x670] =	vst v0  }
0x22: {  	[tilespmem:s9+$0x600] =	vst v0  }
0x23: {  	[tilespmem:s9+$0x610] =	vst v0  }
0x24: {  	[tilespmem:s9+$0x620] =	vst v0  }
0x25: {  	[tilespmem:s9+$0x630] =	vst v0  }
0x26: {  	[tilespmem:s9+$0x640] =	vst v0  }
0x27: {  	[tilespmem:s9+$0x650] =	vst v0  }
0x28: {  	[tilespmem:s9+$0x660] =	vst v0;
	s9 =	simm.s32 @p0 $0x600;
	s10 =	simm.s32 @p0 $0x5  }
0x29: {  	[spmem:s13] =	stream.linear.scatter @p0 [tilespmem:s9], [sflag:$0x5], $0x3C00, $0x38;
	[tilespmem:$0x1F300] =	vst v63  }
0x2a: {  	_ =	swait.ge @p0 [sflag:s10], $0x3C00  }
0x2b: {  	[sflag:s10] =	ssyncset.done @p0 $0x0  }
0x2c: {  	s11 =	rddreg [dreg:$0x8];
	[sflag:s10] =	ssyncadd.s32 @p0 $0xFFFFC400  }
0x2d: {  	[spmem:s11] =	stream.linear.scatter @p0 [tilespmem:s9], [sflag:$0x5], $0x3C00, $0x38;
	[tilespmem:$0x1F300] =	vst v63  }
0x2e: {  	_ =	swait.ge @p0 [sflag:s10], $0x3C00  }
0x2f: {  	[sflag:s10] =	ssyncset.done @p0 $0x0  }
0x30: {  	s11 =	rddreg [dreg:$0x9];
	[sflag:s10] =	ssyncadd.s32 @p0 $0xFFFFC400  }
0x31: {  	[spmem:s11] =	stream.linear.scatter @p0 [tilespmem:s9], [sflag:$0x5], $0x3C00, $0x38;
	[tilespmem:$0x1F300] =	vst v63  }
0x32: {  	_ =	swait.ge @p0 [sflag:s10], $0x3C00  }
0x33: {  	[sflag:s10] =	ssyncset.done @p0 $0x0  }
0x34: {  	s11 =	rddreg [dreg:$0xa];
	[sflag:s10] =	ssyncadd.s32 @p0 $0xFFFFC400  }
0x35: {  	[spmem:s11] =	stream.linear.scatter @p0 [tilespmem:s9], [sflag:$0x5], $0x3C00, $0x38;
	[tilespmem:$0x1F300] =	vst v63  }
0x36: {  	_ =	swait.ge @p0 [sflag:s10], $0x3C00  }
0x37: {  	[sflag:s10] =	ssyncset.done @p0 $0x0  }
0x38: {  	[sflag:s10] =	ssyncadd.s32 @p0 $0xFFFFC400  }
0x39: {  	[spmem:s17] =	stream.linear.scatter @p0 [tilespmem:s9], [sflag:$0x5], $0x1C00, $0x38;
	[tilespmem:$0x1F300] =	vst v63  }
0x3a: {  	_ =	swait.ge @p0 [sflag:s10], $0x1C00  }
0x3b: {  	[sflag:s10] =	ssyncset.done @p0 $0x0  }
0x3c: {  	s9 =	simm.s32 @!p0 $0x600;
	[sflag:s10] =	ssyncadd.s32 @p0 $0xFFFFE400;
	s10 =	simm.s32 @!p0 $0x5  }
0x3d: {  	[spmem:s7] =	stream.linear.scatter @!p0 [tilespmem:s9], [sflag:$0x5], $0x3C00, $0x38;
	[tilespmem:$0x1F300] =	vst v63  }
0x3e: {  	_ =	swait.ge @!p0 [sflag:s10], $0x3C00  }
0x3f: {  	[sflag:s10] =	ssyncset.done @!p0 $0x0  }
0x40: {  	s11 =	rddreg [dreg:$0x3];
	[sflag:s10] =	ssyncadd.s32 @!p0 $0xFFFFC400  }
0x41: {  	[spmem:s11] =	stream.linear.scatter @!p0 [tilespmem:s9], [sflag:$0x5], $0x3C00, $0x38;
	[tilespmem:$0x1F300] =	vst v63  }
0x42: {  	_ =	swait.ge @!p0 [sflag:s10], $0x3C00  }
0x43: {  	[sflag:s10] =	ssyncset.done @!p0 $0x0  }
0x44: {  	s11 =	rddreg [dreg:$0x4];
	[sflag:s10] =	ssyncadd.s32 @!p0 $0xFFFFC400  }
0x45: {  	[spmem:s11] =	stream.linear.scatter @!p0 [tilespmem:s9], [sflag:$0x5], $0x3C00, $0x38;
	[tilespmem:$0x1F300] =	vst v63  }
0x46: {  	_ =	swait.ge @!p0 [sflag:s10], $0x3C00  }
0x47: {  	[sflag:s10] =	ssyncset.done @!p0 $0x0  }
0x48: {  	s11 =	rddreg [dreg:$0x5];
	[sflag:s10] =	ssyncadd.s32 @!p0 $0xFFFFC400  }
0x49: {  	[spmem:s11] =	stream.linear.scatter @!p0 [tilespmem:s9], [sflag:$0x5], $0x3C00, $0x38;
	[tilespmem:$0x1F300] =	vst v63  }
0x4a: {  	_ =	swait.ge @!p0 [sflag:s10], $0x3C00  }
0x4b: {  	[sflag:s10] =	ssyncset.done @!p0 $0x0  }
0x4c: {  	s11 =	rddreg [dreg:$0x6];
	[sflag:s10] =	ssyncadd.s32 @!p0 $0xFFFFC400  }
0x4d: {  	[spmem:s11] =	stream.linear.scatter @!p0 [tilespmem:s9], [sflag:$0x5], $0x3C00, $0x38;
	[tilespmem:$0x1F300] =	vst v63  }
0x4e: {  	_ =	swait.ge @!p0 [sflag:s10], $0x3C00  }
0x4f: {  	[sflag:s10] =	ssyncset.done @!p0 $0x0  }
0x50: {  	s11 =	rddreg [dreg:$0x7];
	[sflag:s10] =	ssyncadd.s32 @!p0 $0xFFFFC400  }
0x51: {  	[spmem:s11] =	stream.linear.scatter @!p0 [tilespmem:s9], [sflag:$0x5], $0x1000, $0x38;
	[tilespmem:$0x1F300] =	vst v63  }
0x52: {  	_ =	swait.ge @!p0 [sflag:s10], $0x1000  }
0x53: {  	[sflag:s10] =	ssyncset.done @!p0 $0x0  }
0x54: {  	[sflag:s10] =	ssyncadd.s32 @!p0 $0xFFFFF000  }
0x55: {  	s16 =	simm.s32 $0x0;
	[bflag:$0x0] =	sbarrier.arrive $0xFFFF  }
0x56: {  	[tilespmem:s16], [sflag:$0x5] =	stream.linear.gather [hbm4b:s18+s16], $0x168, $0x38;
	[tilespmem:$0x1F300] =	vst v63  }
0x57: {  	_ =	swait.ge [sflag:s24], $0x168  }
0x58: {  	[sflag:s24] =	ssyncset.done $0x0  }
0x59: {  	s11 =	simm.s32 $0x2D0;
	[sflag:s24] =	ssyncadd.s32 $0xFFFFFE98  }
0x5a: {  	[tilespmem:s11], [sflag:$0x5] =	stream.linear.gather [hbm4b:s19+s16], $0x168, $0x38;
	[tilespmem:$0x1F300] =	vst v63  }
0x5b: {  	_ =	swait.ge [sflag:s24], $0x168  }
0x5c: {  	s9 =	sand.u32 $0x1, s16;
	[sflag:s24] =	ssyncset.done $0x0  }
0x5d: {  	s12 =	sxor.u32 $0x1, s9;
	[sflag:s24] =	ssyncadd.s32 $0xFFFFFE98  }
0x5e: {  	[tilespmem:s28], [sflag:$0x1] =	stream.indirect.gather [hbm4b:s4+s26], $0x80, s16, s26, $0xb8;
	[tilespmem:$0x1F300] =	vst v63  }
0x5f: {  	s14 =	sshrl.u32 s23, $0x3;
	s10 =	smul.u32 $0x5A0, s12  }
0x60: {  	[tilespmem:s29], [sflag:$0x2] =	stream.indirect.gather [hbm4b:s4+s26], $0x80, s26, s26, $0xb8;
	[tilespmem:$0x1F300] =	vst v63  }
0x61: {  	s12 =	sadd.s32 s5, s14;
	s10 =	sshrl.u32 s10, $0x2  }
0x62: {  	[tilespmem:s10], [sflag:$0x4] =	stream.linear.gather [hbm4b:s12+s3], $0x168, $0x38;
	[tilespmem:$0x1F300] =	vst v63  }
0x63: {  	s9 =	smul.u32 $0x5A0, s9;
	s15 =	sadd.s32 $0x2D0, s10;
	s11 =	sadd.s32 s6, s14  }
0x64: {  	[tilespmem:s15], [sflag:$0x4] =	stream.linear.gather [hbm4b:s11+s3], $0x168, $0x38;
	[tilespmem:$0x1F300] =	vst v63  }
0x65: {  	_ =	swait.ge [sflag:s30], $0x3C00  }
0x66: {  	s9 =	sshrl.u32 s9, $0x2;
	[sflag:s30] =	ssyncset.done $0x0  }
0x67: {  	s16 =	sadd.s32 $0xF0, s9;
	[sflag:s30] =	ssyncadd.s32 $0xFFFFC400  }
0x68: {  	[tilespmem:s31], [sflag:$0x3] =	stream.indirect.gather [hbm4b:s4+s26], $0x80, s16, s26, $0xb8;
	[tilespmem:$0x1F300] =	vst v63  }
0x69: {  	s12 =	sadd.s32 $0x2D0, s9  }
0x6a: {  	[spmem:s1] =	stream.indirect.scatter.add.f32 [tilespmem:s28], [sflag:$0x5], $0x80, s12, s26, $0xb8;
	[tilespmem:$0x1F300] =	vst v63  }
0x6b: {  	_ =	swait.ge [sflag:s24], $0x3C00  }
0x6c: {  	[sflag:s24] =	ssyncset.done $0x0  }
0x6d: {  	[sflag:s24] =	ssyncadd.s32 $0xFFFFC400  }
0x6e: {  	_ =	swait.ge [sflag:s0], $0x3C00  }
0x6f: {  	[sflag:s0] =	ssyncset.done $0x0  }
0x70: {  	[sflag:s0] =	ssyncadd.s32 $0xFFFFC400  }
0x71: {  	_ =	swait.ge [sflag:s25], $0x168  }
0x72: {  	[sflag:s25] =	ssyncset.done $0x0  }
0x73: {  	[sflag:s25] =	ssyncadd.s32 $0xFFFFFE98  }
0x74: {  	_ =	swait.ge [sflag:s25], $0x168  }
0x75: {  	[sflag:s25] =	ssyncset.done $0x0  }
0x76: {  	[sflag:s25] =	ssyncadd.s32 $0xFFFFFE98  }
0x77: {  	[tilespmem:s28], [sflag:$0x1] =	stream.indirect.gather [hbm4b:s4+s26], $0x80, s10, s26, $0xb8;
	[tilespmem:$0x1F300] =	vst v63  }
0x78: {  	s14 =	sadd.s32 $0x348, s9  }
0x79: {  	[spmem:s1] =	stream.indirect.scatter.add.f32 [tilespmem:s29], [sflag:$0x5], $0x80, s14, s26, $0xb8;
	[tilespmem:$0x1F300] =	vst v63  }
0x7a: {  	_ =	swait.ge [sflag:s24], $0x3C00  }
0x7b: {  	[sflag:s24] =	ssyncset.done $0x0  }
0x7c: {  	[sflag:s24] =	ssyncadd.s32 $0xFFFFC400  }
0x7d: {  	s15 =	simm.s32 $0x1;
	_ =	swait.ge [sflag:s2], $0x3C00  }
0x7e: {  	s11 =	sand.u32 $0x1, s15;
	[sflag:s2] =	ssyncset.done $0x0  }
0x7f: {  	s16 =	sxor.u32 $0x1, s11;
	s10 =	sadd.s32 $0x78, s10;
	[sflag:s2] =	ssyncadd.s32 $0xFFFFC400  }
0x80: {  	[tilespmem:s29], [sflag:$0x2] =	stream.indirect.gather [hbm4b:s4+s26], $0x80, s10, s26, $0xb8;
	[tilespmem:$0x1F300] =	vst v63  }
0x81: {  	s9 =	sadd.s32 $0x3C0, s9;
	s12 =	smul.u32 $0x5A0, s16  }
0x82: {  	[spmem:s1] =	stream.indirect.scatter.add.f32 [tilespmem:s31], [sflag:$0x5], $0x80, s9, s26, $0xb8;
	[tilespmem:$0x1F300] =	vst v63  }
0x83: {  	s14 =	smul.u32 $0x5A0, s11;
	_ =	swait.ge [sflag:s24], $0x3C00  }
0x84: {  	s10 =	simm.s32 $0x2;
	s9 =	sadd.s32 $0x168, s23;
	[sflag:s24] =	ssyncset.done $0x0  }
.LBB2_4:
0x85: {  	s16 =	sshrl.u32 s9, $0x3  }
0x86: {  	[sflag:s24] =	ssyncadd.s32 $0xFFFFC400;
	s11 =	smov.u32 s10;
	s15 =	sadd.s32 $0x1, s10  }
0x87: {  	p1 =	sne.s32 s10, $0x1A;
	s12 =	sshrl.u32 s12, $0x2;
	s10 =	sadd.s32 s5, s16  }
0x88: {  	[tilespmem:s12], [sflag:$0x4] =	stream.linear.gather [hbm4b:s10+s3], $0x168, $0x38;
	[tilespmem:$0x1F300] =	vst v63  }
0x89: {  	s16 =	sadd.s32 s6, s16;
	s10 =	sadd.s32 $0x2D0, s12  }
0x8a: {  	[tilespmem:s10], [sflag:$0x4] =	stream.linear.gather [hbm4b:s16+s3], $0x168, $0x38;
	[tilespmem:$0x1F300] =	vst v63  }
0x8b: {  	_ =	swait.ge [sflag:s30], $0x3C00  }
0x8c: {  	s10 =	sshrl.u32 s14, $0x2;
	[sflag:s30] =	ssyncset.done $0x0  }
0x8d: {  	s14 =	sadd.s32 $0xF0, s10;
	[sflag:s30] =	ssyncadd.s32 $0xFFFFC400  }
0x8e: {  	[tilespmem:s31], [sflag:$0x3] =	stream.indirect.gather [hbm4b:s4+s26], $0x80, s14, s26, $0xb8;
	[tilespmem:$0x1F300] =	vst v63  }
0x8f: {  	s14 =	sadd.s32 $0x2D0, s10  }
0x90: {  	[spmem:s1] =	stream.indirect.scatter.add.f32 [tilespmem:s28], [sflag:$0x5], $0x80, s14, s26, $0xb8;
	[tilespmem:$0x1F300] =	vst v63  }
0x91: {  	_ =	swait.ge [sflag:s24], $0x3C00  }
0x92: {  	[sflag:s24] =	ssyncset.done $0x0  }
0x93: {  	[sflag:s24] =	ssyncadd.s32 $0xFFFFC400  }
0x94: {  	_ =	swait.ge [sflag:s0], $0x3C00  }
0x95: {  	[sflag:s0] =	ssyncset.done $0x0  }
0x96: {  	[sflag:s0] =	ssyncadd.s32 $0xFFFFC400  }
0x97: {  	_ =	swait.ge [sflag:s25], $0x168  }
0x98: {  	[sflag:s25] =	ssyncset.done $0x0  }
0x99: {  	[sflag:s25] =	ssyncadd.s32 $0xFFFFFE98  }
0x9a: {  	_ =	swait.ge [sflag:s25], $0x168  }
0x9b: {  	[sflag:s25] =	ssyncset.done $0x0  }
0x9c: {  	[sflag:s25] =	ssyncadd.s32 $0xFFFFFE98  }
0x9d: {  	[tilespmem:s28], [sflag:$0x1] =	stream.indirect.gather [hbm4b:s4+s26], $0x80, s12, s26, $0xb8;
	[tilespmem:$0x1F300] =	vst v63  }
0x9e: {  	s14 =	sadd.s32 $0x348, s10  }
0x9f: {  	[spmem:s1] =	stream.indirect.scatter.add.f32 [tilespmem:s29], [sflag:$0x5], $0x80, s14, s26, $0xb8;
	[tilespmem:$0x1F300] =	vst v63  }
0xa0: {  	_ =	swait.ge [sflag:s24], $0x3C00  }
0xa1: {  	[sflag:s24] =	ssyncset.done $0x0  }
0xa2: {  	[sflag:s24] =	ssyncadd.s32 $0xFFFFC400  }
0xa3: {  	_ =	swait.ge [sflag:s2], $0x3C00  }
0xa4: {  	[sflag:s2] =	ssyncset.done $0x0  }
0xa5: {  	s12 =	sadd.s32 $0x78, s12;
	[sflag:s2] =	ssyncadd.s32 $0xFFFFC400  }
0xa6: {  	[tilespmem:s29], [sflag:$0x2] =	stream.indirect.gather [hbm4b:s4+s26], $0x80, s12, s26, $0xb8;
	[tilespmem:$0x1F300] =	vst v63  }
.Ltmp1:
0xa7: {  	_ = 	snop;
	(pc) =	sbr.rel @p1 .LBB2_4-.Ltmp1, $4  }
0xa8: {  	s9 =	sadd.s32 $0x168, s9;
	s11 =	sand.u32 $0x1, s11;
	s10 =	sadd.s32 $0x3C0, s10  }
0xa9: {  	[spmem:s1] =	stream.indirect.scatter.add.f32 [tilespmem:s31], [sflag:$0x5], $0x80, s10, s26, $0xb8;
	[tilespmem:$0x1F300] =	vst v63  }
0xaa: {  	s14 =	smul.u32 $0x5A0, s11;
	s10 =	sxor.u32 $0x1, s11;
	_ =	swait.ge [sflag:s24], $0x3C00  }
0xab: {  	s12 =	smul.u32 $0x5A0, s10;
	s10 =	smov.u32 s15;
	[sflag:s24] =	ssyncset.done $0x0  }
0xac: {  	s9 =	sshrl.u32 s9, $0x3  }
0xad: {  	[sflag:s24] =	ssyncadd.s32 $0xFFFFC400;
	s10 =	sshrl.u32 s12, $0x2;
	s11 =	sadd.s32 s5, s9  }
0xae: {  	[tilespmem:s10], [sflag:$0x4] =	stream.linear.gather [hbm4b:s11+s3], $0x168, $0x38;
	[tilespmem:$0x1F300] =	vst v63  }
0xaf: {  	s9 =	sadd.s32 s6, s9;
	s16 =	sadd.s32 $0x2D0, s10  }
0xb0: {  	[tilespmem:s16], [sflag:$0x4] =	stream.linear.gather [hbm4b:s9+s3], $0x168, $0x38;
	[tilespmem:$0x1F300] =	vst v63  }
0xb1: {  	_ =	swait.ge [sflag:s30], $0x3C00  }
0xb2: {  	s12 =	sshrl.u32 s14, $0x2;
	[sflag:s30] =	ssyncset.done $0x0  }
0xb3: {  	s14 =	sadd.s32 $0xF0, s12;
	[sflag:s30] =	ssyncadd.s32 $0xFFFFC400  }
0xb4: {  	[tilespmem:s31], [sflag:$0x3] =	stream.indirect.gather [hbm4b:s4+s26], $0x80, s14, s26, $0xb8;
	[tilespmem:$0x1F300] =	vst v63  }
0xb5: {  	s15 =	sadd.s32 $0x2D0, s12  }
0xb6: {  	[spmem:s1] =	stream.indirect.scatter.add.f32 [tilespmem:s28], [sflag:$0x5], $0x80, s15, s26, $0xb8;
	[tilespmem:$0x1F300] =	vst v63  }
0xb7: {  	_ =	swait.ge [sflag:s24], $0x3C00  }
0xb8: {  	[sflag:s24] =	ssyncset.done $0x0  }
0xb9: {  	[sflag:s24] =	ssyncadd.s32 $0xFFFFC400  }
0xba: {  	_ =	swait.ge [sflag:s0], $0x3C00  }
0xbb: {  	[sflag:s0] =	ssyncset.done $0x0  }
0xbc: {  	[sflag:s0] =	ssyncadd.s32 $0xFFFFC400  }
0xbd: {  	_ =	swait.ge [sflag:s25], $0x168  }
0xbe: {  	[sflag:s25] =	ssyncset.done $0x0  }
0xbf: {  	[sflag:s25] =	ssyncadd.s32 $0xFFFFFE98  }
0xc0: {  	_ =	swait.ge [sflag:s25], $0x168  }
0xc1: {  	[sflag:s25] =	ssyncset.done $0x0  }
0xc2: {  	[sflag:s25] =	ssyncadd.s32 $0xFFFFFE98  }
0xc3: {  	[tilespmem:s28], [sflag:$0x1] =	stream.indirect.gather [hbm4b:s4+s26], $0x80, s10, s26, $0xb8;
	[tilespmem:$0x1F300] =	vst v63  }
0xc4: {  	s16 =	sadd.s32 $0x348, s12  }
0xc5: {  	[spmem:s1] =	stream.indirect.scatter.add.f32 [tilespmem:s29], [sflag:$0x5], $0x80, s16, s26, $0xb8;
	[tilespmem:$0x1F300] =	vst v63  }
0xc6: {  	_ =	swait.ge [sflag:s24], $0x3C00  }
0xc7: {  	[sflag:s24] =	ssyncset.done $0x0  }
0xc8: {  	[sflag:s24] =	ssyncadd.s32 $0xFFFFC400  }
0xc9: {  	_ =	swait.ge [sflag:s2], $0x3C00  }
0xca: {  	[sflag:s2] =	ssyncset.done $0x0  }
0xcb: {  	s10 =	sadd.s32 $0x78, s10;
	[sflag:s2] =	ssyncadd.s32 $0xFFFFC400  }
0xcc: {  	[tilespmem:s29], [sflag:$0x2] =	stream.indirect.gather [hbm4b:s4+s26], $0x80, s10, s26, $0xb8;
	[tilespmem:$0x1F300] =	vst v63  }
0xcd: {  	s9 =	sadd.s32 $0x3C0, s12  }
0xce: {  	[spmem:s1] =	stream.indirect.scatter.add.f32 [tilespmem:s31], [sflag:$0x5], $0x80, s9, s26, $0xb8;
	[tilespmem:$0x1F300] =	vst v63  }
0xcf: {  	_ =	swait.ge [sflag:s24], $0x3C00  }
0xd0: {  	[sflag:s24] =	ssyncset.done $0x0  }
0xd1: {  	[sflag:s24] =	ssyncadd.s32 $0xFFFFC400  }
0xd2: {  	_ =	swait.ge [sflag:s30], $0x3C00  }
0xd3: {  	[sflag:s30] =	ssyncset.done $0x0  }
0xd4: {  	s12 =	simm.s32 $0x258;
	[sflag:s30] =	ssyncadd.s32 $0xFFFFC400  }
0xd5: {  	[tilespmem:s31], [sflag:$0x3] =	stream.indirect.gather [hbm4b:s4+s26], $0x80, s12, s26, $0xb8;
	[tilespmem:$0x1F300] =	vst v63  }
0xd6: {  	s14 =	simm.s32 $0x438  }
0xd7: {  	[spmem:s1] =	stream.indirect.scatter.add.f32 [tilespmem:s28], [sflag:$0x5], $0x80, s14, s26, $0xb8;
	[tilespmem:$0x1F300] =	vst v63  }
0xd8: {  	_ =	swait.ge [sflag:s24], $0x3C00  }
0xd9: {  	[sflag:s24] =	ssyncset.done $0x0  }
0xda: {  	[sflag:s24] =	ssyncadd.s32 $0xFFFFC400  }
0xdb: {  	_ =	swait.ge [sflag:s0], $0x3C00  }
0xdc: {  	[sflag:s0] =	ssyncset.done $0x0  }
0xdd: {  	s15 =	simm.s32 $0x4B0;
	[sflag:s0] =	ssyncadd.s32 $0xFFFFC400  }
0xde: {  	[spmem:s1] =	stream.indirect.scatter.add.f32 [tilespmem:s29], [sflag:$0x5], $0x80, s15, s26, $0xb8;
	[tilespmem:$0x1F300] =	vst v63  }
0xdf: {  	_ =	swait.ge [sflag:s24], $0x3C00  }
0xe0: {  	[sflag:s24] =	ssyncset.done $0x0  }
0xe1: {  	[sflag:s24] =	ssyncadd.s32 $0xFFFFC400  }
0xe2: {  	_ =	swait.ge [sflag:s2], $0x3C00  }
0xe3: {  	[sflag:s2] =	ssyncset.done $0x0  }
0xe4: {  	s16 =	simm.s32 $0x528;
	[sflag:s2] =	ssyncadd.s32 $0xFFFFC400  }
0xe5: {  	[spmem:s1] =	stream.indirect.scatter.add.f32 [tilespmem:s31], [sflag:$0x5], $0x80, s16, s26, $0xb8;
	[tilespmem:$0x1F300] =	vst v63  }
0xe6: {  	_ =	swait.ge [sflag:s24], $0x3C00  }
0xe7: {  	[sflag:s24] =	ssyncset.done $0x0  }
0xe8: {  	[sflag:s24] =	ssyncadd.s32 $0xFFFFC400  }
0xe9: {  	s10 =	simm.s32 @p0 $0x1FC5;
	s9 =	sshrl.u32 @p0 s13, $0x3;
	[bflag:$0x0] =	sbarrier.arrive $0xFFFF  }
0xea: {  	[hbm:s21], [sflag:s10] =	dma.local @p0 [spmem:s9], $0x2180  }
0xeb: {  	s9 =	simm.s32 @p0 $0x5  }
0xec: {  	s8 =	sadd.s32 $0x1, s8;
	s10 =	stileid.u32;
	_ =	swait.ge @p0 [sflag:s9], $0x2180  }
0xed: {  	p1 =	sne.s32 s8, s22;
	s10 =	sshll.u32 @!p0 s10, $0x6;
	[sflag:s9] =	ssyncset.done @p0 $0x0  }
0xee: {  	[sflag:s9] =	ssyncadd.s32 @p0 $0xFFFFDE80;
	s9 =	sor.u32 @!p0 $0x1C05, s10;
	s10 =	sshrl.u32 @!p0 s7, $0x3  }
0xef: {  	[hbm:s20], [sflag:s9] =	dma.local @!p0 [spmem:s10], $0x2780  }
.Ltmp2:
0xf0: {  	_ = 	snop;
	(pc) =	sbr.rel @p1 .LBB2_1-.Ltmp2, $4  }
0xf1: {  	s9 =	simm.s32 @!p0 $0x5  }
0xf2: {  	_ =	swait.ge @!p0 [sflag:s9], $0x2780  }
0xf3: {  	[sflag:s9] =	ssyncset.done @!p0 $0x0  }
0xf4: {  	[sflag:s9] =	ssyncadd.s32 @!p0 $0xFFFFD880  }
0xf5: {  	_ =	sfence.sel $0x180000  }
0xf6: {  	[bflag:$0x0] =	sbarrier.arrive $0xFFFF  }
0xf7: {  	_ =	strace $0x9000004A  }
0xf8: {  	s0 =	stileid.u32;
	[bflag:$0x2] =	sbarrier.arrive $0xFFFF  }
0xf9: {  	p0 =	sne.s32 s0, $0x0;
	s0 =	rddreg [dreg:$0x2]  }
0xfa: {  	s0 =	sadd.s32 @!p0 $0x100000, s0  }
0xfb: {  	[sflag:s0] =	ssyncadd.tile.s32 @!p0 $0x1;
	_ =	shalt  }
.Lfunc_end2:
_tile_overlayer_lowered:
.L_overlay_start_2:
0xfc: {  	(tag) =	ssettag $0x2  }
0xfd: {  	s0 =	rddreg [dreg:$0x0];
	s2 =	stileid.u32  }
0xfe: {  	s1 =	rddreg [dreg:$0x1];
	p0 =	sne.s32 s2, $0x0  }
0xff: {  	s3 =	rddreg [dreg:$0x2];
	[bflag:$0x3] =	sbarrier.arrive $0xFFFF;
	s2 =	simm.s32 @!p0 $0x1C05  }
0x100: {  	[timem:s3], [sflag:s2] =	dma.local @!p0 [hbm:s0], s1  }
0x101: {  	s0 =	simm.s32 @!p0 $0x5  }
0x102: {  	_ =	swait.ge @!p0 [sflag:s0], s1  }
0x103: {  	s1 =	ssub.s32 @!p0 $0x0, s1;
	[sflag:s0] =	ssyncset.done @!p0 $0x0  }
0x104: {  	[sflag:s0] =	ssyncadd.s32 @!p0 s1  }
0x105: {  	[bflag:$0x3] =	sbarrier.arrive $0xFFFF  }
0x106: {  	_ =	shalt  }

// kernel: kernel.16.cloned.1.call-start
scs
__scs_entry_jumppad:
0x0: {  	(pc) =	sbr.rel $0x88, $3  }
0x1: {  	(tag) =	ssettag $0x0;
	lr =	simm.s32 $0x1  }
0x2: {  	[smem:$0x3F91] =	sst lr;
	_ =	strace $0xD0000000  }
0x3: {  	_ = 	snop  }
0x4: {  	_ = 	snop  }
0x5: {  	_ = 	snop  }
0x6: {  	_ = 	snop  }
0x7: {  	_ = 	snop  }
__scs_overlays_trampoline_lowered:
0x8: {  	[smem:$0x3FA0] =	sst s0  }
0x9: {  	[smem:$0x3FA1] =	sst s1  }
0xa: {  	[smem:$0x3FA2] =	sst s2  }
0xb: {  	[smem:$0x3FA3] =	sst s3  }
0xc: {  	[smem:$0x3FA4] =	sst s4  }
0xd: {  	[smem:$0x3FA5] =	sst s5  }
0xe: {  	[smem:$0x3FA6] =	sst s6  }
0xf: {  	[smem:$0x3FA7] =	sst s7  }
0x10: {  	[smem:$0x3FA8] =	sst s8  }
0x11: {  	[smem:$0x3FA9] =	sst s9;
	s0 =	simm.s32 @!p0 $0x0  }
0x12: {  	s1 =	sld [smem:$0x3F8F];
	s0 =	simm.s32 @p0 $0x1  }
0x13: {  	[smem:$0x3FAA] =	sst s0;
	s0 =	simm.s32 @!p1 $0x0  }
0x14: {  	s2 =	sld [smem:$0x3F8E];
	s0 =	simm.s32 @p1 $0x1  }
0x15: {  	[smem:$0x3FAB] =	sst s0;
	s0 =	simm.s32 @!p2 $0x0  }
0x16: {  	s3 =	sld [smem:$0x3FDB];
	s0 =	simm.s32 @p2 $0x1  }
0x17: {  	s4 =	simm.s32 $0x1BF5;
	[smem:$0x3FAD] =	sst s0  }
0x18: {  	s0 =	sld [smem:$0x3F90];
	_ =	swait.ge [sflag:s4], $0x0  }
0x19: {  	s7 =	sld [smem:$0x3F91]  }
0x1a: {  	s8 =	sadd.s32 $0xFFFFE003, lr  }
0x1b: {  	s9 =	sadd.s32 $0xFFFFFEF7, lr;
	s5 =	simm.s32 $0xFFFFFFFF;
	p2 =	slt.u32 s8, $0xFFFFF086  }
0x1c: {  	p1 =	slt.u32 s9, $0xF7A;
	s5 =	simm.s32 @!p2 $0x0  }
0x1d: {  	s5 =	simm.s32 @p1 $0x1;
	p0 =	seq.s32 s7, s2  }
0x1e: {  	s7 =	smul.u32 @!p0 $0xF7A, s2;
	p2 =	seq.s32 @!p0 s5, $0x0  }
0x1f: {  	s9 =	smul.u32 $0xF7A, s1;
	s8 =	simm.s32 @!p0 $0x1BF5;
	p2 =	por !p2, p0  }
0x20: {  	[sflag:s8] =	ssyncset.s32 @!p0 $0xFFFFF086;
	s6 =	sadd.s32 @!p0 s3, s7;
	s7 =	simm.s32 @!p0 $0x108  }
0x21: {  	s3 =	sadd.s32 s3, s9;
	s6 =	sadd.s32 @!p0 $0x88, s6;
	s7 =	simm.s32 @p2 $0x1082  }
0x22: {  	[simem:s7], [sflag:s8] =	dma.local @!p0 [hbm:s6], $0xF7A  }
0x23: {  	s9 =	sor.u32 $0xD0000000, s2;
	s6 =	simm.s32 $0x108;
	_ =	swait.ge @!p0 [sflag:s8], $0x0  }
0x24: {  	s3 =	sadd.s32 $0x88, s3;
	s6 =	simm.s32 @!p1 $0x1082;
	[sflag:s4] =	ssyncset.s32 $0xFFFFF086  }
0x25: {  	[simem:s6], [sflag:s4] =	dma.local [hbm:s3], $0xF7A  }
0x26: {  	[smem:$0x3F91] =	sst s1;
	(tag) =	ssettag s2;
	_ =	strace s9  }
0x27: {  	s1 =	sld [smem:$0x3FA1]  }
0x28: {  	s2 =	sld [smem:$0x3FA2]  }
0x29: {  	s4 =	sld [smem:$0x3FA4]  }
0x2a: {  	p0 =	seq.s32 s5, $0x0;
	s5 =	sld [smem:$0x3FA5]  }
0x2b: {  	s6 =	sld [smem:$0x3FA6]  }
0x2c: {  	s7 =	sld [smem:$0x3FA7]  }
0x2d: {  	s3 =	simm.s32 $0x108;
	s8 =	sld [smem:$0x3FA8]  }
0x2e: {  	s3 =	simm.s32 @!p0 $0x1082;
	s9 =	sld [smem:$0x3FA9]  }
0x2f: {  	lr =	sadd.s32 s0, s3;
	s0 =	sld [smem:$0x3FA0]  }
0x30: {  	s3 =	sld [smem:$0x3FA3]  }
0x31: {  	[smem:$0x3FAC] =	sst s10  }
0x32: {  	s10 =	sld [smem:$0x3FAA];
	_ =	sdelay $0x3  }
0x33: {  	p0 =	seq.s32 s10, $0x1;
	s10 =	sld [smem:$0x3FAC];
	_ =	sdelay $0x3  }
0x34: {  	[smem:$0x3FAC] =	sst s10  }
0x35: {  	s10 =	sld [smem:$0x3FAB];
	_ =	sdelay $0x3  }
0x36: {  	p1 =	seq.s32 s10, $0x1;
	s10 =	sld [smem:$0x3FAC];
	_ =	sdelay $0x3  }
0x37: {  	[smem:$0x3FAC] =	sst s10  }
0x38: {  	s10 =	sld [smem:$0x3FAD]  }
0x39: {  	_ = 	snop;
	(pc) =	sbr.ind lr, $3  }
0x3a: {  	_ = 	snop  }
0x3b: {  	_ = 	snop  }
0x3c: {  	p2 =	seq.s32 s10, $0x1;
	s10 =	sld [smem:$0x3FAC]  }
0x3d: {  	_ =	shalt  }
0x3e: {  	_ =	shalt  }
0x3f: {  	_ =	shalt  }
0x40: {  	_ =	shalt  }
0x41: {  	_ =	shalt  }
0x42: {  	_ =	shalt  }
0x43: {  	_ =	shalt  }
0x44: {  	_ =	shalt  }
0x45: {  	_ =	shalt  }
0x46: {  	_ =	shalt  }
0x47: {  	_ =	shalt  }
0x48: {  	_ =	shalt  }
0x49: {  	_ =	shalt  }
0x4a: {  	_ =	shalt  }
0x4b: {  	_ =	shalt  }
0x4c: {  	_ =	shalt  }
0x4d: {  	_ =	shalt  }
0x4e: {  	_ =	shalt  }
0x4f: {  	_ =	shalt  }
0x50: {  	_ =	shalt  }
0x51: {  	_ =	shalt  }
0x52: {  	_ =	shalt  }
0x53: {  	_ =	shalt  }
0x54: {  	_ =	shalt  }
0x55: {  	_ =	shalt  }
0x56: {  	_ =	shalt  }
0x57: {  	_ =	shalt  }
0x58: {  	_ =	shalt  }
0x59: {  	_ =	shalt  }
0x5a: {  	_ =	shalt  }
0x5b: {  	_ =	shalt  }
0x5c: {  	_ =	shalt  }
0x5d: {  	_ =	shalt  }
0x5e: {  	_ =	shalt  }
0x5f: {  	_ =	shalt  }
0x60: {  	_ =	shalt  }
0x61: {  	_ =	shalt  }
0x62: {  	_ =	shalt  }
0x63: {  	_ =	shalt  }
0x64: {  	_ =	shalt  }
0x65: {  	_ =	shalt  }
0x66: {  	_ =	shalt  }
0x67: {  	_ =	shalt  }
0x68: {  	_ =	shalt  }
0x69: {  	_ =	shalt  }
0x6a: {  	_ =	shalt  }
0x6b: {  	_ =	shalt  }
0x6c: {  	_ =	shalt  }
0x6d: {  	_ =	shalt  }
0x6e: {  	_ =	shalt  }
0x6f: {  	_ =	shalt  }
0x70: {  	_ =	shalt  }
0x71: {  	_ =	shalt  }
0x72: {  	_ =	shalt  }
0x73: {  	_ =	shalt  }
0x74: {  	_ =	shalt  }
0x75: {  	_ =	shalt  }
0x76: {  	_ =	shalt  }
0x77: {  	_ =	shalt  }
0x78: {  	_ =	shalt  }
0x79: {  	_ =	shalt  }
0x7a: {  	_ =	shalt  }
0x7b: {  	_ =	shalt  }
0x7c: {  	_ =	shalt  }
0x7d: {  	_ =	shalt  }
0x7e: {  	_ =	shalt  }
0x7f: {  	_ =	shalt  }
0x80: {  	_ =	shalt  }
0x81: {  	_ =	shalt  }
0x82: {  	_ =	shalt  }
0x83: {  	_ =	shalt  }
0x84: {  	_ =	shalt  }
0x85: {  	_ =	shalt  }
0x86: {  	_ =	shalt  }
0x87: {  	_ =	shalt  }
.Lfunc_end0:
.L_simem_size_0:
called_computation.2_lowered:
.L_overlay_start_0:
0x88: {  	s2 =	sld [smem:$0x3FD9]  }
0x89: {  	s3 =	sld [smem:$0x3FFE];
	_ =	sdelay $0x1  }
0x8a: {  	s1 =	srdreg.scid  }
0x8b: {  	s0 =	sand.u32 $0x1, s1  }
0x8c: {  	s16 =	sshll.u32 s0, $0xA;
	s2 =	sadd.s32 s3, s2  }
0x8d: {  	s2 =	sadd.s32 s2, s16  }
0x8e: {  	[smem:$0x3FB8] =	sst s2  }
0x8f: {  	_ = 	snop  }
0x90: {  	(tm) =	ssettm $0x1  }
0x91: {  	s17 =	sld [smem:$0x3FFB];
	_ =	sdelay $0x3  }
0x92: {  	_ =	strace s17  }
0x93: {  	s2 =	sld [smem:$0x3FFC];
	_ =	sdelay $0x3  }
0x94: {  	_ =	strace s2  }
0x95: {  	s2 =	sld [smem:$0x3FFD];
	_ =	sdelay $0x3  }
0x96: {  	_ =	strace s2  }
0x97: {  	_ =	strace $0x8FFFFFFF  }
0x98: {  	s18 =	sld [smem:$0x3FDB];
	_ =	sdelay $0x1  }
0x99: {  	s19 =	simm.s32 $_scs_section_size  }
0x9a: {  	s4 =	simm.s32 $_size__tile_overlayer_lowered;
	s5 =	simm.s32 $_tile_overlayer_lowered  }
0x9b: {  	s22 =	simm.s32 $0x1BFF;
	s21 =	sshll.u32 s5, $0x1;
	s2 =	sadd.s32 s19, s18  }
0x9c: {  	s6 =	simm.s32 $0x0;
	s20 =	sshll.u32 s4, $0x1;
	s4 =	sadd.s32 s21, s2  }
0x9d: {  	[timem:s6], [sflag:s22] =	dma.local [hbm:s4], s20  }
0x9e: {  	_ =	swait.ge [sflag:s22], s20  }
0x9f: {  	s3 =	ssub.s32 $0x0, s20;
	[sflag:s22] =	ssyncset.done $0x0  }
0xa0: {  	[sflag:s22] =	ssyncadd.s32 s3;
	_ =	sdelay $0x1  }
0xa1: {  	s23 =	simm.s32 $0x1B8B  }
0xa2: {  	_ =	swait.ge [sflag:s23], $0x1  }
0xa3: {  	[sflag:s23] =	ssyncset.done $0x0  }
0xa4: {  	s25 =	simm.s32 $0x1B8E;
	s24 =	sld [smem:$0x3FFE];
	[sflag:s23] =	ssyncadd.s32 $0xFFFFFFFF  }
0xa5: {  	s26 =	simm.s32 $execute0_lowered;
	[smem:$0x3FD2] =	sst s25  }
0xa6: {  	s4 =	sshll.u32 s26, $0x1;
	_ =	strace $0x8000004C;
	[dreg:$0x1] =	wrdreg $0xFFFFFFFF  }
0xa7: {  	s28 =	simm.s32 $_size_execute0_lowered;
	s2 =	sadd.s32 s2, s4;
	[dreg:$0x0] =	wrdreg $0x0  }
0xa8: {  	s4 =	sshll.u32 s28, $0x1;
	[dreg:$0x2] =	wrdreg s2  }
0xa9: {  	[dreg:$0x3] =	wrdreg s4  }
0xaa: {  	[dreg:$0x4] =	wrdreg $0xC0  }
0xab: {  	_ =	task [dreg:s6], $0x5FFFF  }
0xac: {  	[dreg:$0x1] =	wrdreg $0xFFFFFFFF  }
0xad: {  	[dreg:$0x0] =	wrdreg $0x60  }
0xae: {  	[dreg:$0x2] =	wrdreg s24  }
0xaf: {  	[dreg:$0x3] =	wrdreg $0xBA000  }
0xb0: {  	[dreg:$0x4] =	wrdreg $0x9  }
0xb1: {  	_ =	task.clear_ibuf [dreg:s6], $0x5FFFF;
	_ =	strace $0x9000004C  }
0xb2: {  	s29 =	simm.s32 $0x9;
	_ =	strace $0x8000004E  }
0xb3: {  	_ =	swait.ge [sflag:s29], $0x1  }
0xb4: {  	[sflag:s29] =	ssyncadd.s32 $0xFFFFFFFF  }
0xb5: {  	_ =	strace $0x9000004E  }
0xb6: {  	_ =	sfence  }
0xb7: {  	s30 =	sld [smem:$0x0];
	_ =	sdelay $0x2  }
0xb8: {  	s31 =	sshll.u32 s1, $0xD;
	s1 =	sshrl.u32 s1, $0x2  }
0xb9: {  	s3 =	sand.u32 $0x4000, s31;
	s1 =	sadd.s32 s1, s30  }
0xba: {  	s0 =	sor.u32 s3, s0;
	s1 =	sshll.u32 s1, $0x11  }
0xbb: {  	s0 =	sor.u32 s1, s0  }
0xbc: {  	s0 =	sadd.s32 $0x8F2B, s0  }
0xbd: {  	[sflag:s0] =	ssyncadd.remote.s32 $0x1  }
0xbe: {  	_ =	sfence.sel $0xFFFF  }
0xbf: {  	[dreg:$0x0] =	wrdreg $0xFFFFFFFF;
	(pc) =	sbr.abs _section_cstart, $3  }
0xc0: {  	[dreg:$0x1] =	wrdreg $0xFFFFFFFF  }
0xc1: {  	_ =	task.clear_ibuf [dreg:s6], $0x2FFFF;
	_ =	strace $0x9FFFFFFF  }
0xc2: {  	(tm) =	ssettm $0x7FFFFFFF  }
0xc3: {  	_ =	shalt  }
tec
execute0_lowered:
.L_overlay_start_1:
0x0: {  	(tag) =	ssettag $0x1  }
0x1: {  	s0 =	rddreg [dreg:$0x0]  }
0x2: {  	s1 =	rddreg [dreg:$0x1];
	s3 =	simm.s32 $0x0  }
0x3: {  	s14 =	stileid.u32;
	s2 =	srdreg.scid;
	s28 =	simm.s32 $0x600  }
0x4: {  	s29 =	simm.s32 $0x4200;
	s30 =	simm.s32 $0x1;
	s31 =	simm.s32 $0x7E00  }
0x5: {  	[smem:$0x7FF] =	sst s3;
	s4 =	sadd.s32 $0x19E00, s0;
	s7 =	smul.u32 $0x4F000, s14  }
0x6: {  	s5 =	sadd.s32 $0x10000, s0;
	s6 =	sadd.s32 $0x6200, s0;
	s0 =	sadd.s32 $0x41000, s0  }
0x7: {  	s2 =	sand.u32 $0x1, s2;
	s13 =	sadd.s32 $0x128400, s1;
	s22 =	sadd.s32 $0x12FC00, s1  }
0x8: {  	s21 =	sadd.s32 $0x12C000, s1;
	s11 =	sadd.s32 $0x133800, s1;
	s24 =	smul.u32 $0x13C00, s14  }
0x9: {  	s12 =	smul.u32 $0x2760, s14;
	_ =	strace $0x8000004D;
	[dreg:$0x8] =	wrdreg s21  }
0xa: {  	p0 =	seq.s32 s14, $0xF;
	s8 =	ssub.s32 $0x2, s2;
	[dreg:$0x9] =	wrdreg s22  }
0xb: {  	s10 =	sshll.u32 s2, $0x4;
	s23 =	smul.u32 $0x139000, s2;
	[dreg:$0xa] =	wrdreg s11  }
0xc: {  	s2 =	smul.u32 $0x27600, s2;
	s7 =	sshrl.u32 s7, $0x2;
	s9 =	sshrl.u32 s8, $0x1  }
0xd: {  	s15 =	sor.u32 s14, s10;
	s7 =	sadd.s32 s7, s1;
	s8 =	ssub.s32 s8, s9  }
0xe: {  	s9 =	smul.u32 $0x2760, s15;
	s11 =	sadd.s32 s24, s23;
	s10 =	sshrl.u32 s23, $0x3  }
0xf: {  	s26 =	sadd.s32 s12, s2;
	s24 =	simm.s32 $0x5;
	s2 =	simm.s32 $0x3  }
0x10: {  	s16 =	sadd.s32 $0x3C00, s7;
	s17 =	sadd.s32 $0x7800, s7;
	s18 =	sadd.s32 $0xB400, s7  }
0x11: {  	s19 =	sadd.s32 $0xF000, s7;
	s20 =	sadd.s32 $0x12C00, s7;
	[dreg:$0x3] =	wrdreg s16  }
0x12: {  	s25 =	sshrl.u32 s11, $0x3;
	s10 =	sadd.s32 s0, s10;
	[dreg:$0x4] =	wrdreg s17  }
0x13: {  	s22 =	smax.u32 s8, $0x1;
	s23 =	sadd.s32 $0x168, s26;
	[dreg:$0x5] =	wrdreg s18  }
0x14: {  	s26 =	simm.s32 $0x78;
	s8 =	simm.s32 $0x0;
	[dreg:$0x6] =	wrdreg s19  }
0x15: {  	[dreg:$0x7] =	wrdreg s20;
	s9 =	sshrl.u32 s9, $0x3;
	s17 =	sadd.s32 $0x137400, s1  }
0x16: {  	s20 =	sadd.s32 s0, s25;
	s21 =	sadd.s32 $0x25080, s10;
	s0 =	simm.s32 $0x2  }
0x17: {  	v0 =	vimm.f32 $0.0e+00;
	s25 =	simm.s32 $0x4;
	s18 =	sadd.s32 s5, s9;
	s19 =	sadd.s32 s6, s9  }
.LBB2_1:
0x18: {  	s9 =	simm.s32 $0x0;
	s10 =	simm.s32 $0x200  }
.LBB2_2:
0x19: {  	p1 =	sne.s32 s10, $0xEE00;
	[tilespmem:s9+$0x670] =	vst v0  }
0x1a: {  	[tilespmem:s9+$0x600] =	vst v0  }
0x1b: {  	[tilespmem:s9+$0x610] =	vst v0  }
.Ltmp0:
0x1c: {  	[tilespmem:s9+$0x620] =	vst v0;
	(pc) =	sbr.rel @p1 .LBB2_2-.Ltmp0, $4  }
0x1d: {  	[tilespmem:s9+$0x630] =	vst v0  }
0x1e: {  	[tilespmem:s9+$0x640] =	vst v0  }
0x1f: {  	[tilespmem:s9+$0x650] =	vst v0  }
0x20: {  	[tilespmem:s9+$0x660] =	vst v0;
	s9 =	sshra.s32 s10, $0x2;
	s10 =	sadd.s32 $0x200, s10  }
0x21: {  	[tilespmem:s9+$0x670] =	vst v0  }
0x22: {  	[tilespmem:s9+$0x600] =	vst v0  }
0x23: {  	[tilespmem:s9+$0x610] =	vst v0  }
0x24: {  	[tilespmem:s9+$0x620] =	vst v0  }
0x25: {  	[tilespmem:s9+$0x630] =	vst v0  }
0x26: {  	[tilespmem:s9+$0x640] =	vst v0  }
0x27: {  	[tilespmem:s9+$0x650] =	vst v0  }
0x28: {  	[tilespmem:s9+$0x660] =	vst v0;
	s9 =	simm.s32 @p0 $0x600;
	s10 =	simm.s32 @p0 $0x5  }
0x29: {  	[spmem:s13] =	stream.linear.scatter @p0 [tilespmem:s9], [sflag:$0x5], $0x3C00, $0x38;
	[tilespmem:$0x1F300] =	vst v63  }
0x2a: {  	_ =	swait.ge @p0 [sflag:s10], $0x3C00  }
0x2b: {  	[sflag:s10] =	ssyncset.done @p0 $0x0  }
0x2c: {  	s11 =	rddreg [dreg:$0x8];
	[sflag:s10] =	ssyncadd.s32 @p0 $0xFFFFC400  }
0x2d: {  	[spmem:s11] =	stream.linear.scatter @p0 [tilespmem:s9], [sflag:$0x5], $0x3C00, $0x38;
	[tilespmem:$0x1F300] =	vst v63  }
0x2e: {  	_ =	swait.ge @p0 [sflag:s10], $0x3C00  }
0x2f: {  	[sflag:s10] =	ssyncset.done @p0 $0x0  }
0x30: {  	s11 =	rddreg [dreg:$0x9];
	[sflag:s10] =	ssyncadd.s32 @p0 $0xFFFFC400  }
0x31: {  	[spmem:s11] =	stream.linear.scatter @p0 [tilespmem:s9], [sflag:$0x5], $0x3C00, $0x38;
	[tilespmem:$0x1F300] =	vst v63  }
0x32: {  	_ =	swait.ge @p0 [sflag:s10], $0x3C00  }
0x33: {  	[sflag:s10] =	ssyncset.done @p0 $0x0  }
0x34: {  	s11 =	rddreg [dreg:$0xa];
	[sflag:s10] =	ssyncadd.s32 @p0 $0xFFFFC400  }
0x35: {  	[spmem:s11] =	stream.linear.scatter @p0 [tilespmem:s9], [sflag:$0x5], $0x3C00, $0x38;
	[tilespmem:$0x1F300] =	vst v63  }
0x36: {  	_ =	swait.ge @p0 [sflag:s10], $0x3C00  }
0x37: {  	[sflag:s10] =	ssyncset.done @p0 $0x0  }
0x38: {  	[sflag:s10] =	ssyncadd.s32 @p0 $0xFFFFC400  }
0x39: {  	[spmem:s17] =	stream.linear.scatter @p0 [tilespmem:s9], [sflag:$0x5], $0x1C00, $0x38;
	[tilespmem:$0x1F300] =	vst v63  }
0x3a: {  	_ =	swait.ge @p0 [sflag:s10], $0x1C00  }
0x3b: {  	[sflag:s10] =	ssyncset.done @p0 $0x0  }
0x3c: {  	s9 =	simm.s32 @!p0 $0x600;
	[sflag:s10] =	ssyncadd.s32 @p0 $0xFFFFE400;
	s10 =	simm.s32 @!p0 $0x5  }
0x3d: {  	[spmem:s7] =	stream.linear.scatter @!p0 [tilespmem:s9], [sflag:$0x5], $0x3C00, $0x38;
	[tilespmem:$0x1F300] =	vst v63  }
0x3e: {  	_ =	swait.ge @!p0 [sflag:s10], $0x3C00  }
0x3f: {  	[sflag:s10] =	ssyncset.done @!p0 $0x0  }
0x40: {  	s11 =	rddreg [dreg:$0x3];
	[sflag:s10] =	ssyncadd.s32 @!p0 $0xFFFFC400  }
0x41: {  	[spmem:s11] =	stream.linear.scatter @!p0 [tilespmem:s9], [sflag:$0x5], $0x3C00, $0x38;
	[tilespmem:$0x1F300] =	vst v63  }
0x42: {  	_ =	swait.ge @!p0 [sflag:s10], $0x3C00  }
0x43: {  	[sflag:s10] =	ssyncset.done @!p0 $0x0  }
0x44: {  	s11 =	rddreg [dreg:$0x4];
	[sflag:s10] =	ssyncadd.s32 @!p0 $0xFFFFC400  }
0x45: {  	[spmem:s11] =	stream.linear.scatter @!p0 [tilespmem:s9], [sflag:$0x5], $0x3C00, $0x38;
	[tilespmem:$0x1F300] =	vst v63  }
0x46: {  	_ =	swait.ge @!p0 [sflag:s10], $0x3C00  }
0x47: {  	[sflag:s10] =	ssyncset.done @!p0 $0x0  }
0x48: {  	s11 =	rddreg [dreg:$0x5];
	[sflag:s10] =	ssyncadd.s32 @!p0 $0xFFFFC400  }
0x49: {  	[spmem:s11] =	stream.linear.scatter @!p0 [tilespmem:s9], [sflag:$0x5], $0x3C00, $0x38;
	[tilespmem:$0x1F300] =	vst v63  }
0x4a: {  	_ =	swait.ge @!p0 [sflag:s10], $0x3C00  }
0x4b: {  	[sflag:s10] =	ssyncset.done @!p0 $0x0  }
0x4c: {  	s11 =	rddreg [dreg:$0x6];
	[sflag:s10] =	ssyncadd.s32 @!p0 $0xFFFFC400  }
0x4d: {  	[spmem:s11] =	stream.linear.scatter @!p0 [tilespmem:s9], [sflag:$0x5], $0x3C00, $0x38;
	[tilespmem:$0x1F300] =	vst v63  }
0x4e: {  	_ =	swait.ge @!p0 [sflag:s10], $0x3C00  }
0x4f: {  	[sflag:s10] =	ssyncset.done @!p0 $0x0  }
0x50: {  	s11 =	rddreg [dreg:$0x7];
	[sflag:s10] =	ssyncadd.s32 @!p0 $0xFFFFC400  }
0x51: {  	[spmem:s11] =	stream.linear.scatter @!p0 [tilespmem:s9], [sflag:$0x5], $0x1000, $0x38;
	[tilespmem:$0x1F300] =	vst v63  }
0x52: {  	_ =	swait.ge @!p0 [sflag:s10], $0x1000  }
0x53: {  	[sflag:s10] =	ssyncset.done @!p0 $0x0  }
0x54: {  	[sflag:s10] =	ssyncadd.s32 @!p0 $0xFFFFF000  }
0x55: {  	s16 =	simm.s32 $0x0;
	[bflag:$0x0] =	sbarrier.arrive $0xFFFF  }
0x56: {  	[tilespmem:s16], [sflag:$0x5] =	stream.linear.gather [hbm4b:s18+s16], $0x168, $0x38;
	[tilespmem:$0x1F300] =	vst v63  }
0x57: {  	_ =	swait.ge [sflag:s24], $0x168  }
0x58: {  	[sflag:s24] =	ssyncset.done $0x0  }
0x59: {  	s11 =	simm.s32 $0x2D0;
	[sflag:s24] =	ssyncadd.s32 $0xFFFFFE98  }
0x5a: {  	[tilespmem:s11], [sflag:$0x5] =	stream.linear.gather [hbm4b:s19+s16], $0x168, $0x38;
	[tilespmem:$0x1F300] =	vst v63  }
0x5b: {  	_ =	swait.ge [sflag:s24], $0x168  }
0x5c: {  	s9 =	sand.u32 $0x1, s16;
	[sflag:s24] =	ssyncset.done $0x0  }
0x5d: {  	s12 =	sxor.u32 $0x1, s9;
	[sflag:s24] =	ssyncadd.s32 $0xFFFFFE98  }
0x5e: {  	[tilespmem:s28], [sflag:$0x1] =	stream.indirect.gather [hbm4b:s4+s26], $0x80, s16, s26, $0xb8;
	[tilespmem:$0x1F300] =	vst v63  }
0x5f: {  	s14 =	sshrl.u32 s23, $0x3;
	s10 =	smul.u32 $0x5A0, s12  }
0x60: {  	[tilespmem:s29], [sflag:$0x2] =	stream.indirect.gather [hbm4b:s4+s26], $0x80, s26, s26, $0xb8;
	[tilespmem:$0x1F300] =	vst v63  }
0x61: {  	s12 =	sadd.s32 s5, s14;
	s10 =	sshrl.u32 s10, $0x2  }
0x62: {  	[tilespmem:s10], [sflag:$0x4] =	stream.linear.gather [hbm4b:s12+s3], $0x168, $0x38;
	[tilespmem:$0x1F300] =	vst v63  }
0x63: {  	s9 =	smul.u32 $0x5A0, s9;
	s15 =	sadd.s32 $0x2D0, s10;
	s11 =	sadd.s32 s6, s14  }
0x64: {  	[tilespmem:s15], [sflag:$0x4] =	stream.linear.gather [hbm4b:s11+s3], $0x168, $0x38;
	[tilespmem:$0x1F300] =	vst v63  }
0x65: {  	_ =	swait.ge [sflag:s30], $0x3C00  }
0x66: {  	s9 =	sshrl.u32 s9, $0x2;
	[sflag:s30] =	ssyncset.done $0x0  }
0x67: {  	s16 =	sadd.s32 $0xF0, s9;
	[sflag:s30] =	ssyncadd.s32 $0xFFFFC400  }
0x68: {  	[tilespmem:s31], [sflag:$0x3] =	stream.indirect.gather [hbm4b:s4+s26], $0x80, s16, s26, $0xb8;
	[tilespmem:$0x1F300] =	vst v63  }
0x69: {  	s12 =	sadd.s32 $0x2D0, s9  }
0x6a: {  	[spmem:s1] =	stream.indirect.scatter.add.f32 [tilespmem:s28], [sflag:$0x5], $0x80, s12, s26, $0xb8;
	[tilespmem:$0x1F300] =	vst v63  }
0x6b: {  	_ =	swait.ge [sflag:s24], $0x3C00  }
0x6c: {  	[sflag:s24] =	ssyncset.done $0x0  }
0x6d: {  	[sflag:s24] =	ssyncadd.s32 $0xFFFFC400  }
0x6e: {  	_ =	swait.ge [sflag:s0], $0x3C00  }
0x6f: {  	[sflag:s0] =	ssyncset.done $0x0  }
0x70: {  	[sflag:s0] =	ssyncadd.s32 $0xFFFFC400  }
0x71: {  	_ =	swait.ge [sflag:s25], $0x168  }
0x72: {  	[sflag:s25] =	ssyncset.done $0x0  }
0x73: {  	[sflag:s25] =	ssyncadd.s32 $0xFFFFFE98  }
0x74: {  	_ =	swait.ge [sflag:s25], $0x168  }
0x75: {  	[sflag:s25] =	ssyncset.done $0x0  }
0x76: {  	[sflag:s25] =	ssyncadd.s32 $0xFFFFFE98  }
0x77: {  	[tilespmem:s28], [sflag:$0x1] =	stream.indirect.gather [hbm4b:s4+s26], $0x80, s10, s26, $0xb8;
	[tilespmem:$0x1F300] =	vst v63  }
0x78: {  	s14 =	sadd.s32 $0x348, s9  }
0x79: {  	[spmem:s1] =	stream.indirect.scatter.add.f32 [tilespmem:s29], [sflag:$0x5], $0x80, s14, s26, $0xb8;
	[tilespmem:$0x1F300] =	vst v63  }
0x7a: {  	_ =	swait.ge [sflag:s24], $0x3C00  }
0x7b: {  	[sflag:s24] =	ssyncset.done $0x0  }
0x7c: {  	[sflag:s24] =	ssyncadd.s32 $0xFFFFC400  }
0x7d: {  	s15 =	simm.s32 $0x1;
	_ =	swait.ge [sflag:s2], $0x3C00  }
0x7e: {  	s11 =	sand.u32 $0x1, s15;
	[sflag:s2] =	ssyncset.done $0x0  }
0x7f: {  	s16 =	sxor.u32 $0x1, s11;
	s10 =	sadd.s32 $0x78, s10;
	[sflag:s2] =	ssyncadd.s32 $0xFFFFC400  }
0x80: {  	[tilespmem:s29], [sflag:$0x2] =	stream.indirect.gather [hbm4b:s4+s26], $0x80, s10, s26, $0xb8;
	[tilespmem:$0x1F300] =	vst v63  }
0x81: {  	s9 =	sadd.s32 $0x3C0, s9;
	s12 =	smul.u32 $0x5A0, s16  }
0x82: {  	[spmem:s1] =	stream.indirect.scatter.add.f32 [tilespmem:s31], [sflag:$0x5], $0x80, s9, s26, $0xb8;
	[tilespmem:$0x1F300] =	vst v63  }
0x83: {  	s14 =	smul.u32 $0x5A0, s11;
	_ =	swait.ge [sflag:s24], $0x3C00  }
0x84: {  	s10 =	simm.s32 $0x2;
	s9 =	sadd.s32 $0x168, s23;
	[sflag:s24] =	ssyncset.done $0x0  }
.LBB2_4:
0x85: {  	s16 =	sshrl.u32 s9, $0x3  }
0x86: {  	[sflag:s24] =	ssyncadd.s32 $0xFFFFC400;
	s11 =	smov.u32 s10;
	s15 =	sadd.s32 $0x1, s10  }
0x87: {  	p1 =	sne.s32 s10, $0x1A;
	s12 =	sshrl.u32 s12, $0x2;
	s10 =	sadd.s32 s5, s16  }
0x88: {  	[tilespmem:s12], [sflag:$0x4] =	stream.linear.gather [hbm4b:s10+s3], $0x168, $0x38;
	[tilespmem:$0x1F300] =	vst v63  }
0x89: {  	s16 =	sadd.s32 s6, s16;
	s10 =	sadd.s32 $0x2D0, s12  }
0x8a: {  	[tilespmem:s10], [sflag:$0x4] =	stream.linear.gather [hbm4b:s16+s3], $0x168, $0x38;
	[tilespmem:$0x1F300] =	vst v63  }
0x8b: {  	_ =	swait.ge [sflag:s30], $0x3C00  }
0x8c: {  	s10 =	sshrl.u32 s14, $0x2;
	[sflag:s30] =	ssyncset.done $0x0  }
0x8d: {  	s14 =	sadd.s32 $0xF0, s10;
	[sflag:s30] =	ssyncadd.s32 $0xFFFFC400  }
0x8e: {  	[tilespmem:s31], [sflag:$0x3] =	stream.indirect.gather [hbm4b:s4+s26], $0x80, s14, s26, $0xb8;
	[tilespmem:$0x1F300] =	vst v63  }
0x8f: {  	s14 =	sadd.s32 $0x2D0, s10  }
0x90: {  	[spmem:s1] =	stream.indirect.scatter.add.f32 [tilespmem:s28], [sflag:$0x5], $0x80, s14, s26, $0xb8;
	[tilespmem:$0x1F300] =	vst v63  }
0x91: {  	_ =	swait.ge [sflag:s24], $0x3C00  }
0x92: {  	[sflag:s24] =	ssyncset.done $0x0  }
0x93: {  	[sflag:s24] =	ssyncadd.s32 $0xFFFFC400  }
0x94: {  	_ =	swait.ge [sflag:s0], $0x3C00  }
0x95: {  	[sflag:s0] =	ssyncset.done $0x0  }
0x96: {  	[sflag:s0] =	ssyncadd.s32 $0xFFFFC400  }
0x97: {  	_ =	swait.ge [sflag:s25], $0x168  }
0x98: {  	[sflag:s25] =	ssyncset.done $0x0  }
0x99: {  	[sflag:s25] =	ssyncadd.s32 $0xFFFFFE98  }
0x9a: {  	_ =	swait.ge [sflag:s25], $0x168  }
0x9b: {  	[sflag:s25] =	ssyncset.done $0x0  }
0x9c: {  	[sflag:s25] =	ssyncadd.s32 $0xFFFFFE98  }
0x9d: {  	[tilespmem:s28], [sflag:$0x1] =	stream.indirect.gather [hbm4b:s4+s26], $0x80, s12, s26, $0xb8;
	[tilespmem:$0x1F300] =	vst v63  }
0x9e: {  	s14 =	sadd.s32 $0x348, s10  }
0x9f: {  	[spmem:s1] =	stream.indirect.scatter.add.f32 [tilespmem:s29], [sflag:$0x5], $0x80, s14, s26, $0xb8;
	[tilespmem:$0x1F300] =	vst v63  }
0xa0: {  	_ =	swait.ge [sflag:s24], $0x3C00  }
0xa1: {  	[sflag:s24] =	ssyncset.done $0x0  }
0xa2: {  	[sflag:s24] =	ssyncadd.s32 $0xFFFFC400  }
0xa3: {  	_ =	swait.ge [sflag:s2], $0x3C00  }
0xa4: {  	[sflag:s2] =	ssyncset.done $0x0  }
0xa5: {  	s12 =	sadd.s32 $0x78, s12;
	[sflag:s2] =	ssyncadd.s32 $0xFFFFC400  }
0xa6: {  	[tilespmem:s29], [sflag:$0x2] =	stream.indirect.gather [hbm4b:s4+s26], $0x80, s12, s26, $0xb8;
	[tilespmem:$0x1F300] =	vst v63  }
.Ltmp1:
0xa7: {  	_ = 	snop;
	(pc) =	sbr.rel @p1 .LBB2_4-.Ltmp1, $4  }
0xa8: {  	s9 =	sadd.s32 $0x168, s9;
	s11 =	sand.u32 $0x1, s11;
	s10 =	sadd.s32 $0x3C0, s10  }
0xa9: {  	[spmem:s1] =	stream.indirect.scatter.add.f32 [tilespmem:s31], [sflag:$0x5], $0x80, s10, s26, $0xb8;
	[tilespmem:$0x1F300] =	vst v63  }
0xaa: {  	s14 =	smul.u32 $0x5A0, s11;
	s10 =	sxor.u32 $0x1, s11;
	_ =	swait.ge [sflag:s24], $0x3C00  }
0xab: {  	s12 =	smul.u32 $0x5A0, s10;
	s10 =	smov.u32 s15;
	[sflag:s24] =	ssyncset.done $0x0  }
0xac: {  	s9 =	sshrl.u32 s9, $0x3  }
0xad: {  	[sflag:s24] =	ssyncadd.s32 $0xFFFFC400;
	s10 =	sshrl.u32 s12, $0x2;
	s11 =	sadd.s32 s5, s9  }
0xae: {  	[tilespmem:s10], [sflag:$0x4] =	stream.linear.gather [hbm4b:s11+s3], $0x168, $0x38;
	[tilespmem:$0x1F300] =	vst v63  }
0xaf: {  	s9 =	sadd.s32 s6, s9;
	s16 =	sadd.s32 $0x2D0, s10  }
0xb0: {  	[tilespmem:s16], [sflag:$0x4] =	stream.linear.gather [hbm4b:s9+s3], $0x168, $0x38;
	[tilespmem:$0x1F300] =	vst v63  }
0xb1: {  	_ =	swait.ge [sflag:s30], $0x3C00  }
0xb2: {  	s12 =	sshrl.u32 s14, $0x2;
	[sflag:s30] =	ssyncset.done $0x0  }
0xb3: {  	s14 =	sadd.s32 $0xF0, s12;
	[sflag:s30] =	ssyncadd.s32 $0xFFFFC400  }
0xb4: {  	[tilespmem:s31], [sflag:$0x3] =	stream.indirect.gather [hbm4b:s4+s26], $0x80, s14, s26, $0xb8;
	[tilespmem:$0x1F300] =	vst v63  }
0xb5: {  	s15 =	sadd.s32 $0x2D0, s12  }
0xb6: {  	[spmem:s1] =	stream.indirect.scatter.add.f32 [tilespmem:s28], [sflag:$0x5], $0x80, s15, s26, $0xb8;
	[tilespmem:$0x1F300] =	vst v63  }
0xb7: {  	_ =	swait.ge [sflag:s24], $0x3C00  }
0xb8: {  	[sflag:s24] =	ssyncset.done $0x0  }
0xb9: {  	[sflag:s24] =	ssyncadd.s32 $0xFFFFC400  }
0xba: {  	_ =	swait.ge [sflag:s0], $0x3C00  }
0xbb: {  	[sflag:s0] =	ssyncset.done $0x0  }
0xbc: {  	[sflag:s0] =	ssyncadd.s32 $0xFFFFC400  }
0xbd: {  	_ =	swait.ge [sflag:s25], $0x168  }
0xbe: {  	[sflag:s25] =	ssyncset.done $0x0  }
0xbf: {  	[sflag:s25] =	ssyncadd.s32 $0xFFFFFE98  }
0xc0: {  	_ =	swait.ge [sflag:s25], $0x168  }
0xc1: {  	[sflag:s25] =	ssyncset.done $0x0  }
0xc2: {  	[sflag:s25] =	ssyncadd.s32 $0xFFFFFE98  }
0xc3: {  	[tilespmem:s28], [sflag:$0x1] =	stream.indirect.gather [hbm4b:s4+s26], $0x80, s10, s26, $0xb8;
	[tilespmem:$0x1F300] =	vst v63  }
0xc4: {  	s16 =	sadd.s32 $0x348, s12  }
0xc5: {  	[spmem:s1] =	stream.indirect.scatter.add.f32 [tilespmem:s29], [sflag:$0x5], $0x80, s16, s26, $0xb8;
	[tilespmem:$0x1F300] =	vst v63  }
0xc6: {  	_ =	swait.ge [sflag:s24], $0x3C00  }
0xc7: {  	[sflag:s24] =	ssyncset.done $0x0  }
0xc8: {  	[sflag:s24] =	ssyncadd.s32 $0xFFFFC400  }
0xc9: {  	_ =	swait.ge [sflag:s2], $0x3C00  }
0xca: {  	[sflag:s2] =	ssyncset.done $0x0  }
0xcb: {  	s10 =	sadd.s32 $0x78, s10;
	[sflag:s2] =	ssyncadd.s32 $0xFFFFC400  }
0xcc: {  	[tilespmem:s29], [sflag:$0x2] =	stream.indirect.gather [hbm4b:s4+s26], $0x80, s10, s26, $0xb8;
	[tilespmem:$0x1F300] =	vst v63  }
0xcd: {  	s9 =	sadd.s32 $0x3C0, s12  }
0xce: {  	[spmem:s1] =	stream.indirect.scatter.add.f32 [tilespmem:s31], [sflag:$0x5], $0x80, s9, s26, $0xb8;
	[tilespmem:$0x1F300] =	vst v63  }
0xcf: {  	_ =	swait.ge [sflag:s24], $0x3C00  }
0xd0: {  	[sflag:s24] =	ssyncset.done $0x0  }
0xd1: {  	[sflag:s24] =	ssyncadd.s32 $0xFFFFC400  }
0xd2: {  	_ =	swait.ge [sflag:s30], $0x3C00  }
0xd3: {  	[sflag:s30] =	ssyncset.done $0x0  }
0xd4: {  	s12 =	simm.s32 $0x258;
	[sflag:s30] =	ssyncadd.s32 $0xFFFFC400  }
0xd5: {  	[tilespmem:s31], [sflag:$0x3] =	stream.indirect.gather [hbm4b:s4+s26], $0x80, s12, s26, $0xb8;
	[tilespmem:$0x1F300] =	vst v63  }
0xd6: {  	s14 =	simm.s32 $0x438  }
0xd7: {  	[spmem:s1] =	stream.indirect.scatter.add.f32 [tilespmem:s28], [sflag:$0x5], $0x80, s14, s26, $0xb8;
	[tilespmem:$0x1F300] =	vst v63  }
0xd8: {  	_ =	swait.ge [sflag:s24], $0x3C00  }
0xd9: {  	[sflag:s24] =	ssyncset.done $0x0  }
0xda: {  	[sflag:s24] =	ssyncadd.s32 $0xFFFFC400  }
0xdb: {  	_ =	swait.ge [sflag:s0], $0x3C00  }
0xdc: {  	[sflag:s0] =	ssyncset.done $0x0  }
0xdd: {  	s15 =	simm.s32 $0x4B0;
	[sflag:s0] =	ssyncadd.s32 $0xFFFFC400  }
0xde: {  	[spmem:s1] =	stream.indirect.scatter.add.f32 [tilespmem:s29], [sflag:$0x5], $0x80, s15, s26, $0xb8;
	[tilespmem:$0x1F300] =	vst v63  }
0xdf: {  	_ =	swait.ge [sflag:s24], $0x3C00  }
0xe0: {  	[sflag:s24] =	ssyncset.done $0x0  }
0xe1: {  	[sflag:s24] =	ssyncadd.s32 $0xFFFFC400  }
0xe2: {  	_ =	swait.ge [sflag:s2], $0x3C00  }
0xe3: {  	[sflag:s2] =	ssyncset.done $0x0  }
0xe4: {  	s16 =	simm.s32 $0x528;
	[sflag:s2] =	ssyncadd.s32 $0xFFFFC400  }
0xe5: {  	[spmem:s1] =	stream.indirect.scatter.add.f32 [tilespmem:s31], [sflag:$0x5], $0x80, s16, s26, $0xb8;
	[tilespmem:$0x1F300] =	vst v63  }
0xe6: {  	_ =	swait.ge [sflag:s24], $0x3C00  }
0xe7: {  	[sflag:s24] =	ssyncset.done $0x0  }
0xe8: {  	[sflag:s24] =	ssyncadd.s32 $0xFFFFC400  }
0xe9: {  	s10 =	simm.s32 @p0 $0x1FC5;
	s9 =	sshrl.u32 @p0 s13, $0x3;
	[bflag:$0x0] =	sbarrier.arrive $0xFFFF  }
0xea: {  	[hbm:s21], [sflag:s10] =	dma.local @p0 [spmem:s9], $0x2180  }
0xeb: {  	s9 =	simm.s32 @p0 $0x5  }
0xec: {  	s8 =	sadd.s32 $0x1, s8;
	s10 =	stileid.u32;
	_ =	swait.ge @p0 [sflag:s9], $0x2180  }
0xed: {  	p1 =	sne.s32 s8, s22;
	s10 =	sshll.u32 @!p0 s10, $0x6;
	[sflag:s9] =	ssyncset.done @p0 $0x0  }
0xee: {  	[sflag:s9] =	ssyncadd.s32 @p0 $0xFFFFDE80;
	s9 =	sor.u32 @!p0 $0x1C05, s10;
	s10 =	sshrl.u32 @!p0 s7, $0x3  }
0xef: {  	[hbm:s20], [sflag:s9] =	dma.local @!p0 [spmem:s10], $0x2780  }
.Ltmp2:
0xf0: {  	_ = 	snop;
	(pc) =	sbr.rel @p1 .LBB2_1-.Ltmp2, $4  }
0xf1: {  	s9 =	simm.s32 @!p0 $0x5  }
0xf2: {  	_ =	swait.ge @!p0 [sflag:s9], $0x2780  }
0xf3: {  	[sflag:s9] =	ssyncset.done @!p0 $0x0  }
0xf4: {  	[sflag:s9] =	ssyncadd.s32 @!p0 $0xFFFFD880  }
0xf5: {  	_ =	sfence.sel $0x180000  }
0xf6: {  	[bflag:$0x0] =	sbarrier.arrive $0xFFFF  }
0xf7: {  	_ =	strace $0x9000004D  }
0xf8: {  	s0 =	stileid.u32;
	[bflag:$0x2] =	sbarrier.arrive $0xFFFF  }
0xf9: {  	p0 =	sne.s32 s0, $0x0;
	s0 =	rddreg [dreg:$0x2]  }
0xfa: {  	s0 =	sadd.s32 @!p0 $0x100000, s0  }
0xfb: {  	[sflag:s0] =	ssyncadd.tile.s32 @!p0 $0x1;
	_ =	shalt  }
.Lfunc_end2:
_tile_overlayer_lowered:
.L_overlay_start_2:
0xfc: {  	(tag) =	ssettag $0x2  }
0xfd: {  	s0 =	rddreg [dreg:$0x0];
	s2 =	stileid.u32  }
0xfe: {  	s1 =	rddreg [dreg:$0x1];
	p0 =	sne.s32 s2, $0x0  }
0xff: {  	s3 =	rddreg [dreg:$0x2];
	[bflag:$0x3] =	sbarrier.arrive $0xFFFF;
	s2 =	simm.s32 @!p0 $0x1C05  }
0x100: {  	[timem:s3], [sflag:s2] =	dma.local @!p0 [hbm:s0], s1  }
0x101: {  	s0 =	simm.s32 @!p0 $0x5  }
0x102: {  	_ =	swait.ge @!p0 [sflag:s0], s1  }
0x103: {  	s1 =	ssub.s32 @!p0 $0x0, s1;
	[sflag:s0] =	ssyncset.done @!p0 $0x0  }
0x104: {  	[sflag:s0] =	ssyncadd.s32 @!p0 s1  }
0x105: {  	[bflag:$0x3] =	sbarrier.arrive $0xFFFF  }
0x106: {  	_ =	shalt  }

// kernel: kernel.19.cloned.1.call-start
scs
__scs_entry_jumppad:
0x0: {  	(pc) =	sbr.rel $0x88, $3  }
0x1: {  	(tag) =	ssettag $0x0;
	lr =	simm.s32 $0x1  }
0x2: {  	[smem:$0x3F91] =	sst lr;
	_ =	strace $0xD0000000  }
0x3: {  	_ = 	snop  }
0x4: {  	_ = 	snop  }
0x5: {  	_ = 	snop  }
0x6: {  	_ = 	snop  }
0x7: {  	_ = 	snop  }
__scs_overlays_trampoline_lowered:
0x8: {  	[smem:$0x3FA0] =	sst s0  }
0x9: {  	[smem:$0x3FA1] =	sst s1  }
0xa: {  	[smem:$0x3FA2] =	sst s2  }
0xb: {  	[smem:$0x3FA3] =	sst s3  }
0xc: {  	[smem:$0x3FA4] =	sst s4  }
0xd: {  	[smem:$0x3FA5] =	sst s5  }
0xe: {  	[smem:$0x3FA6] =	sst s6  }
0xf: {  	[smem:$0x3FA7] =	sst s7  }
0x10: {  	[smem:$0x3FA8] =	sst s8  }
0x11: {  	[smem:$0x3FA9] =	sst s9;
	s0 =	simm.s32 @!p0 $0x0  }
0x12: {  	s1 =	sld [smem:$0x3F8F];
	s0 =	simm.s32 @p0 $0x1  }
0x13: {  	[smem:$0x3FAA] =	sst s0;
	s0 =	simm.s32 @!p1 $0x0  }
0x14: {  	s2 =	sld [smem:$0x3F8E];
	s0 =	simm.s32 @p1 $0x1  }
0x15: {  	[smem:$0x3FAB] =	sst s0;
	s0 =	simm.s32 @!p2 $0x0  }
0x16: {  	s3 =	sld [smem:$0x3FDB];
	s0 =	simm.s32 @p2 $0x1  }
0x17: {  	s4 =	simm.s32 $0x1BF5;
	[smem:$0x3FAD] =	sst s0  }
0x18: {  	s0 =	sld [smem:$0x3F90];
	_ =	swait.ge [sflag:s4], $0x0  }
0x19: {  	s7 =	sld [smem:$0x3F91]  }
0x1a: {  	s8 =	sadd.s32 $0xFFFFE003, lr  }
0x1b: {  	s9 =	sadd.s32 $0xFFFFFEF7, lr;
	s5 =	simm.s32 $0xFFFFFFFF;
	p2 =	slt.u32 s8, $0xFFFFF086  }
0x1c: {  	p1 =	slt.u32 s9, $0xF7A;
	s5 =	simm.s32 @!p2 $0x0  }
0x1d: {  	s5 =	simm.s32 @p1 $0x1;
	p0 =	seq.s32 s7, s2  }
0x1e: {  	s7 =	smul.u32 @!p0 $0xF7A, s2;
	p2 =	seq.s32 @!p0 s5, $0x0  }
0x1f: {  	s9 =	smul.u32 $0xF7A, s1;
	s8 =	simm.s32 @!p0 $0x1BF5;
	p2 =	por !p2, p0  }
0x20: {  	[sflag:s8] =	ssyncset.s32 @!p0 $0xFFFFF086;
	s6 =	sadd.s32 @!p0 s3, s7;
	s7 =	simm.s32 @!p0 $0x108  }
0x21: {  	s3 =	sadd.s32 s3, s9;
	s6 =	sadd.s32 @!p0 $0x88, s6;
	s7 =	simm.s32 @p2 $0x1082  }
0x22: {  	[simem:s7], [sflag:s8] =	dma.local @!p0 [hbm:s6], $0xF7A  }
0x23: {  	s9 =	sor.u32 $0xD0000000, s2;
	s6 =	simm.s32 $0x108;
	_ =	swait.ge @!p0 [sflag:s8], $0x0  }
0x24: {  	s3 =	sadd.s32 $0x88, s3;
	s6 =	simm.s32 @!p1 $0x1082;
	[sflag:s4] =	ssyncset.s32 $0xFFFFF086  }
0x25: {  	[simem:s6], [sflag:s4] =	dma.local [hbm:s3], $0xF7A  }
0x26: {  	[smem:$0x3F91] =	sst s1;
	(tag) =	ssettag s2;
	_ =	strace s9  }
0x27: {  	s1 =	sld [smem:$0x3FA1]  }
0x28: {  	s2 =	sld [smem:$0x3FA2]  }
0x29: {  	s4 =	sld [smem:$0x3FA4]  }
0x2a: {  	p0 =	seq.s32 s5, $0x0;
	s5 =	sld [smem:$0x3FA5]  }
0x2b: {  	s6 =	sld [smem:$0x3FA6]  }
0x2c: {  	s7 =	sld [smem:$0x3FA7]  }
0x2d: {  	s3 =	simm.s32 $0x108;
	s8 =	sld [smem:$0x3FA8]  }
0x2e: {  	s3 =	simm.s32 @!p0 $0x1082;
	s9 =	sld [smem:$0x3FA9]  }
0x2f: {  	lr =	sadd.s32 s0, s3;
	s0 =	sld [smem:$0x3FA0]  }
0x30: {  	s3 =	sld [smem:$0x3FA3]  }
0x31: {  	[smem:$0x3FAC] =	sst s10  }
0x32: {  	s10 =	sld [smem:$0x3FAA];
	_ =	sdelay $0x3  }
0x33: {  	p0 =	seq.s32 s10, $0x1;
	s10 =	sld [smem:$0x3FAC];
	_ =	sdelay $0x3  }
0x34: {  	[smem:$0x3FAC] =	sst s10  }
0x35: {  	s10 =	sld [smem:$0x3FAB];
	_ =	sdelay $0x3  }
0x36: {  	p1 =	seq.s32 s10, $0x1;
	s10 =	sld [smem:$0x3FAC];
	_ =	sdelay $0x3  }
0x37: {  	[smem:$0x3FAC] =	sst s10  }
0x38: {  	s10 =	sld [smem:$0x3FAD]  }
0x39: {  	_ = 	snop;
	(pc) =	sbr.ind lr, $3  }
0x3a: {  	_ = 	snop  }
0x3b: {  	_ = 	snop  }
0x3c: {  	p2 =	seq.s32 s10, $0x1;
	s10 =	sld [smem:$0x3FAC]  }
0x3d: {  	_ =	shalt  }
0x3e: {  	_ =	shalt  }
0x3f: {  	_ =	shalt  }
0x40: {  	_ =	shalt  }
0x41: {  	_ =	shalt  }
0x42: {  	_ =	shalt  }
0x43: {  	_ =	shalt  }
0x44: {  	_ =	shalt  }
0x45: {  	_ =	shalt  }
0x46: {  	_ =	shalt  }
0x47: {  	_ =	shalt  }
0x48: {  	_ =	shalt  }
0x49: {  	_ =	shalt  }
0x4a: {  	_ =	shalt  }
0x4b: {  	_ =	shalt  }
0x4c: {  	_ =	shalt  }
0x4d: {  	_ =	shalt  }
0x4e: {  	_ =	shalt  }
0x4f: {  	_ =	shalt  }
0x50: {  	_ =	shalt  }
0x51: {  	_ =	shalt  }
0x52: {  	_ =	shalt  }
0x53: {  	_ =	shalt  }
0x54: {  	_ =	shalt  }
0x55: {  	_ =	shalt  }
0x56: {  	_ =	shalt  }
0x57: {  	_ =	shalt  }
0x58: {  	_ =	shalt  }
0x59: {  	_ =	shalt  }
0x5a: {  	_ =	shalt  }
0x5b: {  	_ =	shalt  }
0x5c: {  	_ =	shalt  }
0x5d: {  	_ =	shalt  }
0x5e: {  	_ =	shalt  }
0x5f: {  	_ =	shalt  }
0x60: {  	_ =	shalt  }
0x61: {  	_ =	shalt  }
0x62: {  	_ =	shalt  }
0x63: {  	_ =	shalt  }
0x64: {  	_ =	shalt  }
0x65: {  	_ =	shalt  }
0x66: {  	_ =	shalt  }
0x67: {  	_ =	shalt  }
0x68: {  	_ =	shalt  }
0x69: {  	_ =	shalt  }
0x6a: {  	_ =	shalt  }
0x6b: {  	_ =	shalt  }
0x6c: {  	_ =	shalt  }
0x6d: {  	_ =	shalt  }
0x6e: {  	_ =	shalt  }
0x6f: {  	_ =	shalt  }
0x70: {  	_ =	shalt  }
0x71: {  	_ =	shalt  }
0x72: {  	_ =	shalt  }
0x73: {  	_ =	shalt  }
0x74: {  	_ =	shalt  }
0x75: {  	_ =	shalt  }
0x76: {  	_ =	shalt  }
0x77: {  	_ =	shalt  }
0x78: {  	_ =	shalt  }
0x79: {  	_ =	shalt  }
0x7a: {  	_ =	shalt  }
0x7b: {  	_ =	shalt  }
0x7c: {  	_ =	shalt  }
0x7d: {  	_ =	shalt  }
0x7e: {  	_ =	shalt  }
0x7f: {  	_ =	shalt  }
0x80: {  	_ =	shalt  }
0x81: {  	_ =	shalt  }
0x82: {  	_ =	shalt  }
0x83: {  	_ =	shalt  }
0x84: {  	_ =	shalt  }
0x85: {  	_ =	shalt  }
0x86: {  	_ =	shalt  }
0x87: {  	_ =	shalt  }
.Lfunc_end0:
.L_simem_size_0:
called_computation.3_lowered:
.L_overlay_start_0:
0x88: {  	s2 =	sld [smem:$0x3FD9]  }
0x89: {  	s3 =	sld [smem:$0x3FFE];
	_ =	sdelay $0x1  }
0x8a: {  	s1 =	srdreg.scid  }
0x8b: {  	s0 =	sand.u32 $0x1, s1  }
0x8c: {  	s16 =	sshll.u32 s0, $0xA;
	s2 =	sadd.s32 s3, s2  }
0x8d: {  	s2 =	sadd.s32 s2, s16  }
0x8e: {  	[smem:$0x3FB8] =	sst s2  }
0x8f: {  	_ = 	snop  }
0x90: {  	(tm) =	ssettm $0x1  }
0x91: {  	s17 =	sld [smem:$0x3FFB];
	_ =	sdelay $0x3  }
0x92: {  	_ =	strace s17  }
0x93: {  	s2 =	sld [smem:$0x3FFC];
	_ =	sdelay $0x3  }
0x94: {  	_ =	strace s2  }
0x95: {  	s2 =	sld [smem:$0x3FFD];
	_ =	sdelay $0x3  }
0x96: {  	_ =	strace s2  }
0x97: {  	_ =	strace $0x8FFFFFFF  }
0x98: {  	s18 =	sld [smem:$0x3FDB];
	_ =	sdelay $0x1  }
0x99: {  	s19 =	simm.s32 $_scs_section_size  }
0x9a: {  	s4 =	simm.s32 $_size__tile_overlayer_lowered;
	s5 =	simm.s32 $_tile_overlayer_lowered  }
0x9b: {  	s22 =	simm.s32 $0x1BFF;
	s21 =	sshll.u32 s5, $0x1;
	s2 =	sadd.s32 s19, s18  }
0x9c: {  	s6 =	simm.s32 $0x0;
	s20 =	sshll.u32 s4, $0x1;
	s4 =	sadd.s32 s21, s2  }
0x9d: {  	[timem:s6], [sflag:s22] =	dma.local [hbm:s4], s20  }
0x9e: {  	_ =	swait.ge [sflag:s22], s20  }
0x9f: {  	s3 =	ssub.s32 $0x0, s20;
	[sflag:s22] =	ssyncset.done $0x0  }
0xa0: {  	[sflag:s22] =	ssyncadd.s32 s3;
	_ =	sdelay $0x1  }
0xa1: {  	s23 =	simm.s32 $0x1B8B  }
0xa2: {  	_ =	swait.ge [sflag:s23], $0x1  }
0xa3: {  	[sflag:s23] =	ssyncset.done $0x0  }
0xa4: {  	s25 =	simm.s32 $0x1B8E;
	s24 =	sld [smem:$0x3FFE];
	[sflag:s23] =	ssyncadd.s32 $0xFFFFFFFF  }
0xa5: {  	s26 =	simm.s32 $execute0_lowered;
	[smem:$0x3FD2] =	sst s25  }
0xa6: {  	s4 =	sshll.u32 s26, $0x1;
	_ =	strace $0x8000004F;
	[dreg:$0x1] =	wrdreg $0xFFFFFFFF  }
0xa7: {  	s28 =	simm.s32 $_size_execute0_lowered;
	s2 =	sadd.s32 s2, s4;
	[dreg:$0x0] =	wrdreg $0x0  }
0xa8: {  	s4 =	sshll.u32 s28, $0x1;
	[dreg:$0x2] =	wrdreg s2  }
0xa9: {  	[dreg:$0x3] =	wrdreg s4  }
0xaa: {  	[dreg:$0x4] =	wrdreg $0xC0  }
0xab: {  	_ =	task [dreg:s6], $0x5FFFF  }
0xac: {  	[dreg:$0x1] =	wrdreg $0xFFFFFFFF  }
0xad: {  	[dreg:$0x0] =	wrdreg $0x60  }
0xae: {  	[dreg:$0x2] =	wrdreg s24  }
0xaf: {  	[dreg:$0x3] =	wrdreg $0xBA000  }
0xb0: {  	[dreg:$0x4] =	wrdreg $0x9  }
0xb1: {  	_ =	task.clear_ibuf [dreg:s6], $0x5FFFF;
	_ =	strace $0x9000004F  }
0xb2: {  	s29 =	simm.s32 $0x9;
	_ =	strace $0x80000051  }
0xb3: {  	_ =	swait.ge [sflag:s29], $0x1  }
0xb4: {  	[sflag:s29] =	ssyncadd.s32 $0xFFFFFFFF  }
0xb5: {  	_ =	strace $0x90000051  }
0xb6: {  	_ =	sfence  }
0xb7: {  	s30 =	sld [smem:$0x0];
	_ =	sdelay $0x2  }
0xb8: {  	s31 =	sshll.u32 s1, $0xD;
	s1 =	sshrl.u32 s1, $0x2  }
0xb9: {  	s3 =	sand.u32 $0x4000, s31;
	s1 =	sadd.s32 s1, s30  }
0xba: {  	s0 =	sor.u32 s3, s0;
	s1 =	sshll.u32 s1, $0x11  }
0xbb: {  	s0 =	sor.u32 s1, s0  }
0xbc: {  	s0 =	sadd.s32 $0x8F2B, s0  }
0xbd: {  	[sflag:s0] =	ssyncadd.remote.s32 $0x1  }
0xbe: {  	_ =	sfence.sel $0xFFFF  }
0xbf: {  	[dreg:$0x0] =	wrdreg $0xFFFFFFFF;
	(pc) =	sbr.abs _section_cstart, $3  }
0xc0: {  	[dreg:$0x1] =	wrdreg $0xFFFFFFFF  }
0xc1: {  	_ =	task.clear_ibuf [dreg:s6], $0x2FFFF;
	_ =	strace $0x9FFFFFFF  }
0xc2: {  	(tm) =	ssettm $0x7FFFFFFF  }
0xc3: {  	_ =	shalt  }
tec
execute0_lowered:
.L_overlay_start_1:
0x0: {  	(tag) =	ssettag $0x1  }
0x1: {  	s0 =	rddreg [dreg:$0x0]  }
0x2: {  	s1 =	rddreg [dreg:$0x1];
	s3 =	simm.s32 $0x0  }
0x3: {  	s14 =	stileid.u32;
	s2 =	srdreg.scid;
	s28 =	simm.s32 $0x600  }
0x4: {  	s29 =	simm.s32 $0x4200;
	s30 =	simm.s32 $0x1;
	s31 =	simm.s32 $0x7E00  }
0x5: {  	[smem:$0x7FF] =	sst s3;
	s4 =	sadd.s32 $0x19E00, s0;
	s7 =	smul.u32 $0x4F000, s14  }
0x6: {  	s5 =	sadd.s32 $0x10000, s0;
	s6 =	sadd.s32 $0x6200, s0;
	s0 =	sadd.s32 $0x41000, s0  }
0x7: {  	s2 =	sand.u32 $0x1, s2;
	s13 =	sadd.s32 $0x128400, s1;
	s22 =	sadd.s32 $0x12FC00, s1  }
0x8: {  	s21 =	sadd.s32 $0x12C000, s1;
	s11 =	sadd.s32 $0x133800, s1;
	s24 =	smul.u32 $0x13C00, s14  }
0x9: {  	s12 =	smul.u32 $0x2760, s14;
	_ =	strace $0x80000050;
	[dreg:$0x8] =	wrdreg s21  }
0xa: {  	p0 =	seq.s32 s14, $0xF;
	s8 =	ssub.s32 $0x2, s2;
	[dreg:$0x9] =	wrdreg s22  }
0xb: {  	s10 =	sshll.u32 s2, $0x4;
	s23 =	smul.u32 $0x139000, s2;
	[dreg:$0xa] =	wrdreg s11  }
0xc: {  	s2 =	smul.u32 $0x27600, s2;
	s7 =	sshrl.u32 s7, $0x2;
	s9 =	sshrl.u32 s8, $0x1  }
0xd: {  	s15 =	sor.u32 s14, s10;
	s7 =	sadd.s32 s7, s1;
	s8 =	ssub.s32 s8, s9  }
0xe: {  	s9 =	smul.u32 $0x2760, s15;
	s11 =	sadd.s32 s24, s23;
	s10 =	sshrl.u32 s23, $0x3  }
0xf: {  	s26 =	sadd.s32 s12, s2;
	s24 =	simm.s32 $0x5;
	s2 =	simm.s32 $0x3  }
0x10: {  	s16 =	sadd.s32 $0x3C00, s7;
	s17 =	sadd.s32 $0x7800, s7;
	s18 =	sadd.s32 $0xB400, s7  }
0x11: {  	s19 =	sadd.s32 $0xF000, s7;
	s20 =	sadd.s32 $0x12C00, s7;
	[dreg:$0x3] =	wrdreg s16  }
0x12: {  	s25 =	sshrl.u32 s11, $0x3;
	s10 =	sadd.s32 s0, s10;
	[dreg:$0x4] =	wrdreg s17  }
0x13: {  	s22 =	smax.u32 s8, $0x1;
	s23 =	sadd.s32 $0x168, s26;
	[dreg:$0x5] =	wrdreg s18  }
0x14: {  	s26 =	simm.s32 $0x78;
	s8 =	simm.s32 $0x0;
	[dreg:$0x6] =	wrdreg s19  }
0x15: {  	[dreg:$0x7] =	wrdreg s20;
	s9 =	sshrl.u32 s9, $0x3;
	s17 =	sadd.s32 $0x137400, s1  }
0x16: {  	s20 =	sadd.s32 s0, s25;
	s21 =	sadd.s32 $0x25080, s10;
	s0 =	simm.s32 $0x2  }
0x17: {  	v0 =	vimm.f32 $0.0e+00;
	s25 =	simm.s32 $0x4;
	s18 =	sadd.s32 s5, s9;
	s19 =	sadd.s32 s6, s9  }
.LBB2_1:
0x18: {  	s9 =	simm.s32 $0x0;
	s10 =	simm.s32 $0x200  }
.LBB2_2:
0x19: {  	p1 =	sne.s32 s10, $0xEE00;
	[tilespmem:s9+$0x670] =	vst v0  }
0x1a: {  	[tilespmem:s9+$0x600] =	vst v0  }
0x1b: {  	[tilespmem:s9+$0x610] =	vst v0  }
.Ltmp0:
0x1c: {  	[tilespmem:s9+$0x620] =	vst v0;
	(pc) =	sbr.rel @p1 .LBB2_2-.Ltmp0, $4  }
0x1d: {  	[tilespmem:s9+$0x630] =	vst v0  }
0x1e: {  	[tilespmem:s9+$0x640] =	vst v0  }
0x1f: {  	[tilespmem:s9+$0x650] =	vst v0  }
0x20: {  	[tilespmem:s9+$0x660] =	vst v0;
	s9 =	sshra.s32 s10, $0x2;
	s10 =	sadd.s32 $0x200, s10  }
0x21: {  	[tilespmem:s9+$0x670] =	vst v0  }
0x22: {  	[tilespmem:s9+$0x600] =	vst v0  }
0x23: {  	[tilespmem:s9+$0x610] =	vst v0  }
0x24: {  	[tilespmem:s9+$0x620] =	vst v0  }
0x25: {  	[tilespmem:s9+$0x630] =	vst v0  }
0x26: {  	[tilespmem:s9+$0x640] =	vst v0  }
0x27: {  	[tilespmem:s9+$0x650] =	vst v0  }
0x28: {  	[tilespmem:s9+$0x660] =	vst v0;
	s9 =	simm.s32 @p0 $0x600;
	s10 =	simm.s32 @p0 $0x5  }
0x29: {  	[spmem:s13] =	stream.linear.scatter @p0 [tilespmem:s9], [sflag:$0x5], $0x3C00, $0x38;
	[tilespmem:$0x1F300] =	vst v63  }
0x2a: {  	_ =	swait.ge @p0 [sflag:s10], $0x3C00  }
0x2b: {  	[sflag:s10] =	ssyncset.done @p0 $0x0  }
0x2c: {  	s11 =	rddreg [dreg:$0x8];
	[sflag:s10] =	ssyncadd.s32 @p0 $0xFFFFC400  }
0x2d: {  	[spmem:s11] =	stream.linear.scatter @p0 [tilespmem:s9], [sflag:$0x5], $0x3C00, $0x38;
	[tilespmem:$0x1F300] =	vst v63  }
0x2e: {  	_ =	swait.ge @p0 [sflag:s10], $0x3C00  }
0x2f: {  	[sflag:s10] =	ssyncset.done @p0 $0x0  }
0x30: {  	s11 =	rddreg [dreg:$0x9];
	[sflag:s10] =	ssyncadd.s32 @p0 $0xFFFFC400  }
0x31: {  	[spmem:s11] =	stream.linear.scatter @p0 [tilespmem:s9], [sflag:$0x5], $0x3C00, $0x38;
	[tilespmem:$0x1F300] =	vst v63  }
0x32: {  	_ =	swait.ge @p0 [sflag:s10], $0x3C00  }
0x33: {  	[sflag:s10] =	ssyncset.done @p0 $0x0  }
0x34: {  	s11 =	rddreg [dreg:$0xa];
	[sflag:s10] =	ssyncadd.s32 @p0 $0xFFFFC400  }
0x35: {  	[spmem:s11] =	stream.linear.scatter @p0 [tilespmem:s9], [sflag:$0x5], $0x3C00, $0x38;
	[tilespmem:$0x1F300] =	vst v63  }
0x36: {  	_ =	swait.ge @p0 [sflag:s10], $0x3C00  }
0x37: {  	[sflag:s10] =	ssyncset.done @p0 $0x0  }
0x38: {  	[sflag:s10] =	ssyncadd.s32 @p0 $0xFFFFC400  }
0x39: {  	[spmem:s17] =	stream.linear.scatter @p0 [tilespmem:s9], [sflag:$0x5], $0x1C00, $0x38;
	[tilespmem:$0x1F300] =	vst v63  }
0x3a: {  	_ =	swait.ge @p0 [sflag:s10], $0x1C00  }
0x3b: {  	[sflag:s10] =	ssyncset.done @p0 $0x0  }
0x3c: {  	s9 =	simm.s32 @!p0 $0x600;
	[sflag:s10] =	ssyncadd.s32 @p0 $0xFFFFE400;
	s10 =	simm.s32 @!p0 $0x5  }
0x3d: {  	[spmem:s7] =	stream.linear.scatter @!p0 [tilespmem:s9], [sflag:$0x5], $0x3C00, $0x38;
	[tilespmem:$0x1F300] =	vst v63  }
0x3e: {  	_ =	swait.ge @!p0 [sflag:s10], $0x3C00  }
0x3f: {  	[sflag:s10] =	ssyncset.done @!p0 $0x0  }
0x40: {  	s11 =	rddreg [dreg:$0x3];
	[sflag:s10] =	ssyncadd.s32 @!p0 $0xFFFFC400  }
0x41: {  	[spmem:s11] =	stream.linear.scatter @!p0 [tilespmem:s9], [sflag:$0x5], $0x3C00, $0x38;
	[tilespmem:$0x1F300] =	vst v63  }
0x42: {  	_ =	swait.ge @!p0 [sflag:s10], $0x3C00  }
0x43: {  	[sflag:s10] =	ssyncset.done @!p0 $0x0  }
0x44: {  	s11 =	rddreg [dreg:$0x4];
	[sflag:s10] =	ssyncadd.s32 @!p0 $0xFFFFC400  }
0x45: {  	[spmem:s11] =	stream.linear.scatter @!p0 [tilespmem:s9], [sflag:$0x5], $0x3C00, $0x38;
	[tilespmem:$0x1F300] =	vst v63  }
0x46: {  	_ =	swait.ge @!p0 [sflag:s10], $0x3C00  }
0x47: {  	[sflag:s10] =	ssyncset.done @!p0 $0x0  }
0x48: {  	s11 =	rddreg [dreg:$0x5];
	[sflag:s10] =	ssyncadd.s32 @!p0 $0xFFFFC400  }
0x49: {  	[spmem:s11] =	stream.linear.scatter @!p0 [tilespmem:s9], [sflag:$0x5], $0x3C00, $0x38;
	[tilespmem:$0x1F300] =	vst v63  }
0x4a: {  	_ =	swait.ge @!p0 [sflag:s10], $0x3C00  }
0x4b: {  	[sflag:s10] =	ssyncset.done @!p0 $0x0  }
0x4c: {  	s11 =	rddreg [dreg:$0x6];
	[sflag:s10] =	ssyncadd.s32 @!p0 $0xFFFFC400  }
0x4d: {  	[spmem:s11] =	stream.linear.scatter @!p0 [tilespmem:s9], [sflag:$0x5], $0x3C00, $0x38;
	[tilespmem:$0x1F300] =	vst v63  }
0x4e: {  	_ =	swait.ge @!p0 [sflag:s10], $0x3C00  }
0x4f: {  	[sflag:s10] =	ssyncset.done @!p0 $0x0  }
0x50: {  	s11 =	rddreg [dreg:$0x7];
	[sflag:s10] =	ssyncadd.s32 @!p0 $0xFFFFC400  }
0x51: {  	[spmem:s11] =	stream.linear.scatter @!p0 [tilespmem:s9], [sflag:$0x5], $0x1000, $0x38;
	[tilespmem:$0x1F300] =	vst v63  }
0x52: {  	_ =	swait.ge @!p0 [sflag:s10], $0x1000  }
0x53: {  	[sflag:s10] =	ssyncset.done @!p0 $0x0  }
0x54: {  	[sflag:s10] =	ssyncadd.s32 @!p0 $0xFFFFF000  }
0x55: {  	s16 =	simm.s32 $0x0;
	[bflag:$0x0] =	sbarrier.arrive $0xFFFF  }
0x56: {  	[tilespmem:s16], [sflag:$0x5] =	stream.linear.gather [hbm4b:s18+s16], $0x168, $0x38;
	[tilespmem:$0x1F300] =	vst v63  }
0x57: {  	_ =	swait.ge [sflag:s24], $0x168  }
0x58: {  	[sflag:s24] =	ssyncset.done $0x0  }
0x59: {  	s11 =	simm.s32 $0x2D0;
	[sflag:s24] =	ssyncadd.s32 $0xFFFFFE98  }
0x5a: {  	[tilespmem:s11], [sflag:$0x5] =	stream.linear.gather [hbm4b:s19+s16], $0x168, $0x38;
	[tilespmem:$0x1F300] =	vst v63  }
0x5b: {  	_ =	swait.ge [sflag:s24], $0x168  }
0x5c: {  	s9 =	sand.u32 $0x1, s16;
	[sflag:s24] =	ssyncset.done $0x0  }
0x5d: {  	s12 =	sxor.u32 $0x1, s9;
	[sflag:s24] =	ssyncadd.s32 $0xFFFFFE98  }
0x5e: {  	[tilespmem:s28], [sflag:$0x1] =	stream.indirect.gather [hbm4b:s4+s26], $0x80, s16, s26, $0xb8;
	[tilespmem:$0x1F300] =	vst v63  }
0x5f: {  	s14 =	sshrl.u32 s23, $0x3;
	s10 =	smul.u32 $0x5A0, s12  }
0x60: {  	[tilespmem:s29], [sflag:$0x2] =	stream.indirect.gather [hbm4b:s4+s26], $0x80, s26, s26, $0xb8;
	[tilespmem:$0x1F300] =	vst v63  }
0x61: {  	s12 =	sadd.s32 s5, s14;
	s10 =	sshrl.u32 s10, $0x2  }
0x62: {  	[tilespmem:s10], [sflag:$0x4] =	stream.linear.gather [hbm4b:s12+s3], $0x168, $0x38;
	[tilespmem:$0x1F300] =	vst v63  }
0x63: {  	s9 =	smul.u32 $0x5A0, s9;
	s15 =	sadd.s32 $0x2D0, s10;
	s11 =	sadd.s32 s6, s14  }
0x64: {  	[tilespmem:s15], [sflag:$0x4] =	stream.linear.gather [hbm4b:s11+s3], $0x168, $0x38;
	[tilespmem:$0x1F300] =	vst v63  }
0x65: {  	_ =	swait.ge [sflag:s30], $0x3C00  }
0x66: {  	s9 =	sshrl.u32 s9, $0x2;
	[sflag:s30] =	ssyncset.done $0x0  }
0x67: {  	s16 =	sadd.s32 $0xF0, s9;
	[sflag:s30] =	ssyncadd.s32 $0xFFFFC400  }
0x68: {  	[tilespmem:s31], [sflag:$0x3] =	stream.indirect.gather [hbm4b:s4+s26], $0x80, s16, s26, $0xb8;
	[tilespmem:$0x1F300] =	vst v63  }
0x69: {  	s12 =	sadd.s32 $0x2D0, s9  }
0x6a: {  	[spmem:s1] =	stream.indirect.scatter.add.f32 [tilespmem:s28], [sflag:$0x5], $0x80, s12, s26, $0xb8;
	[tilespmem:$0x1F300] =	vst v63  }
0x6b: {  	_ =	swait.ge [sflag:s24], $0x3C00  }
0x6c: {  	[sflag:s24] =	ssyncset.done $0x0  }
0x6d: {  	[sflag:s24] =	ssyncadd.s32 $0xFFFFC400  }
0x6e: {  	_ =	swait.ge [sflag:s0], $0x3C00  }
0x6f: {  	[sflag:s0] =	ssyncset.done $0x0  }
0x70: {  	[sflag:s0] =	ssyncadd.s32 $0xFFFFC400  }
0x71: {  	_ =	swait.ge [sflag:s25], $0x168  }
0x72: {  	[sflag:s25] =	ssyncset.done $0x0  }
0x73: {  	[sflag:s25] =	ssyncadd.s32 $0xFFFFFE98  }
0x74: {  	_ =	swait.ge [sflag:s25], $0x168  }
0x75: {  	[sflag:s25] =	ssyncset.done $0x0  }
0x76: {  	[sflag:s25] =	ssyncadd.s32 $0xFFFFFE98  }
0x77: {  	[tilespmem:s28], [sflag:$0x1] =	stream.indirect.gather [hbm4b:s4+s26], $0x80, s10, s26, $0xb8;
	[tilespmem:$0x1F300] =	vst v63  }
0x78: {  	s14 =	sadd.s32 $0x348, s9  }
0x79: {  	[spmem:s1] =	stream.indirect.scatter.add.f32 [tilespmem:s29], [sflag:$0x5], $0x80, s14, s26, $0xb8;
	[tilespmem:$0x1F300] =	vst v63  }
0x7a: {  	_ =	swait.ge [sflag:s24], $0x3C00  }
0x7b: {  	[sflag:s24] =	ssyncset.done $0x0  }
0x7c: {  	[sflag:s24] =	ssyncadd.s32 $0xFFFFC400  }
0x7d: {  	s15 =	simm.s32 $0x1;
	_ =	swait.ge [sflag:s2], $0x3C00  }
0x7e: {  	s11 =	sand.u32 $0x1, s15;
	[sflag:s2] =	ssyncset.done $0x0  }
0x7f: {  	s16 =	sxor.u32 $0x1, s11;
	s10 =	sadd.s32 $0x78, s10;
	[sflag:s2] =	ssyncadd.s32 $0xFFFFC400  }
0x80: {  	[tilespmem:s29], [sflag:$0x2] =	stream.indirect.gather [hbm4b:s4+s26], $0x80, s10, s26, $0xb8;
	[tilespmem:$0x1F300] =	vst v63  }
0x81: {  	s9 =	sadd.s32 $0x3C0, s9;
	s12 =	smul.u32 $0x5A0, s16  }
0x82: {  	[spmem:s1] =	stream.indirect.scatter.add.f32 [tilespmem:s31], [sflag:$0x5], $0x80, s9, s26, $0xb8;
	[tilespmem:$0x1F300] =	vst v63  }
0x83: {  	s14 =	smul.u32 $0x5A0, s11;
	_ =	swait.ge [sflag:s24], $0x3C00  }
0x84: {  	s10 =	simm.s32 $0x2;
	s9 =	sadd.s32 $0x168, s23;
	[sflag:s24] =	ssyncset.done $0x0  }
.LBB2_4:
0x85: {  	s16 =	sshrl.u32 s9, $0x3  }
0x86: {  	[sflag:s24] =	ssyncadd.s32 $0xFFFFC400;
	s11 =	smov.u32 s10;
	s15 =	sadd.s32 $0x1, s10  }
0x87: {  	p1 =	sne.s32 s10, $0x1A;
	s12 =	sshrl.u32 s12, $0x2;
	s10 =	sadd.s32 s5, s16  }
0x88: {  	[tilespmem:s12], [sflag:$0x4] =	stream.linear.gather [hbm4b:s10+s3], $0x168, $0x38;
	[tilespmem:$0x1F300] =	vst v63  }
0x89: {  	s16 =	sadd.s32 s6, s16;
	s10 =	sadd.s32 $0x2D0, s12  }
0x8a: {  	[tilespmem:s10], [sflag:$0x4] =	stream.linear.gather [hbm4b:s16+s3], $0x168, $0x38;
	[tilespmem:$0x1F300] =	vst v63  }
0x8b: {  	_ =	swait.ge [sflag:s30], $0x3C00  }
0x8c: {  	s10 =	sshrl.u32 s14, $0x2;
	[sflag:s30] =	ssyncset.done $0x0  }
0x8d: {  	s14 =	sadd.s32 $0xF0, s10;
	[sflag:s30] =	ssyncadd.s32 $0xFFFFC400  }
0x8e: {  	[tilespmem:s31], [sflag:$0x3] =	stream.indirect.gather [hbm4b:s4+s26], $0x80, s14, s26, $0xb8;
	[tilespmem:$0x1F300] =	vst v63  }
0x8f: {  	s14 =	sadd.s32 $0x2D0, s10  }
0x90: {  	[spmem:s1] =	stream.indirect.scatter.add.f32 [tilespmem:s28], [sflag:$0x5], $0x80, s14, s26, $0xb8;
	[tilespmem:$0x1F300] =	vst v63  }
0x91: {  	_ =	swait.ge [sflag:s24], $0x3C00  }
0x92: {  	[sflag:s24] =	ssyncset.done $0x0  }
0x93: {  	[sflag:s24] =	ssyncadd.s32 $0xFFFFC400  }
0x94: {  	_ =	swait.ge [sflag:s0], $0x3C00  }
0x95: {  	[sflag:s0] =	ssyncset.done $0x0  }
0x96: {  	[sflag:s0] =	ssyncadd.s32 $0xFFFFC400  }
0x97: {  	_ =	swait.ge [sflag:s25], $0x168  }
0x98: {  	[sflag:s25] =	ssyncset.done $0x0  }
0x99: {  	[sflag:s25] =	ssyncadd.s32 $0xFFFFFE98  }
0x9a: {  	_ =	swait.ge [sflag:s25], $0x168  }
0x9b: {  	[sflag:s25] =	ssyncset.done $0x0  }
0x9c: {  	[sflag:s25] =	ssyncadd.s32 $0xFFFFFE98  }
0x9d: {  	[tilespmem:s28], [sflag:$0x1] =	stream.indirect.gather [hbm4b:s4+s26], $0x80, s12, s26, $0xb8;
	[tilespmem:$0x1F300] =	vst v63  }
0x9e: {  	s14 =	sadd.s32 $0x348, s10  }
0x9f: {  	[spmem:s1] =	stream.indirect.scatter.add.f32 [tilespmem:s29], [sflag:$0x5], $0x80, s14, s26, $0xb8;
	[tilespmem:$0x1F300] =	vst v63  }
0xa0: {  	_ =	swait.ge [sflag:s24], $0x3C00  }
0xa1: {  	[sflag:s24] =	ssyncset.done $0x0  }
0xa2: {  	[sflag:s24] =	ssyncadd.s32 $0xFFFFC400  }
0xa3: {  	_ =	swait.ge [sflag:s2], $0x3C00  }
0xa4: {  	[sflag:s2] =	ssyncset.done $0x0  }
0xa5: {  	s12 =	sadd.s32 $0x78, s12;
	[sflag:s2] =	ssyncadd.s32 $0xFFFFC400  }
0xa6: {  	[tilespmem:s29], [sflag:$0x2] =	stream.indirect.gather [hbm4b:s4+s26], $0x80, s12, s26, $0xb8;
	[tilespmem:$0x1F300] =	vst v63  }
.Ltmp1:
0xa7: {  	_ = 	snop;
	(pc) =	sbr.rel @p1 .LBB2_4-.Ltmp1, $4  }
0xa8: {  	s9 =	sadd.s32 $0x168, s9;
	s11 =	sand.u32 $0x1, s11;
	s10 =	sadd.s32 $0x3C0, s10  }
0xa9: {  	[spmem:s1] =	stream.indirect.scatter.add.f32 [tilespmem:s31], [sflag:$0x5], $0x80, s10, s26, $0xb8;
	[tilespmem:$0x1F300] =	vst v63  }
0xaa: {  	s14 =	smul.u32 $0x5A0, s11;
	s10 =	sxor.u32 $0x1, s11;
	_ =	swait.ge [sflag:s24], $0x3C00  }
0xab: {  	s12 =	smul.u32 $0x5A0, s10;
	s10 =	smov.u32 s15;
	[sflag:s24] =	ssyncset.done $0x0  }
0xac: {  	s9 =	sshrl.u32 s9, $0x3  }
0xad: {  	[sflag:s24] =	ssyncadd.s32 $0xFFFFC400;
	s10 =	sshrl.u32 s12, $0x2;
	s11 =	sadd.s32 s5, s9  }
0xae: {  	[tilespmem:s10], [sflag:$0x4] =	stream.linear.gather [hbm4b:s11+s3], $0x168, $0x38;
	[tilespmem:$0x1F300] =	vst v63  }
0xaf: {  	s9 =	sadd.s32 s6, s9;
	s16 =	sadd.s32 $0x2D0, s10  }
0xb0: {  	[tilespmem:s16], [sflag:$0x4] =	stream.linear.gather [hbm4b:s9+s3], $0x168, $0x38;
	[tilespmem:$0x1F300] =	vst v63  }
0xb1: {  	_ =	swait.ge [sflag:s30], $0x3C00  }
0xb2: {  	s12 =	sshrl.u32 s14, $0x2;
	[sflag:s30] =	ssyncset.done $0x0  }
0xb3: {  	s14 =	sadd.s32 $0xF0, s12;
	[sflag:s30] =	ssyncadd.s32 $0xFFFFC400  }
0xb4: {  	[tilespmem:s31], [sflag:$0x3] =	stream.indirect.gather [hbm4b:s4+s26], $0x80, s14, s26, $0xb8;
	[tilespmem:$0x1F300] =	vst v63  }
0xb5: {  	s15 =	sadd.s32 $0x2D0, s12  }
0xb6: {  	[spmem:s1] =	stream.indirect.scatter.add.f32 [tilespmem:s28], [sflag:$0x5], $0x80, s15, s26, $0xb8;
	[tilespmem:$0x1F300] =	vst v63  }
0xb7: {  	_ =	swait.ge [sflag:s24], $0x3C00  }
0xb8: {  	[sflag:s24] =	ssyncset.done $0x0  }
0xb9: {  	[sflag:s24] =	ssyncadd.s32 $0xFFFFC400  }
0xba: {  	_ =	swait.ge [sflag:s0], $0x3C00  }
0xbb: {  	[sflag:s0] =	ssyncset.done $0x0  }
0xbc: {  	[sflag:s0] =	ssyncadd.s32 $0xFFFFC400  }
0xbd: {  	_ =	swait.ge [sflag:s25], $0x168  }
0xbe: {  	[sflag:s25] =	ssyncset.done $0x0  }
0xbf: {  	[sflag:s25] =	ssyncadd.s32 $0xFFFFFE98  }
0xc0: {  	_ =	swait.ge [sflag:s25], $0x168  }
0xc1: {  	[sflag:s25] =	ssyncset.done $0x0  }
0xc2: {  	[sflag:s25] =	ssyncadd.s32 $0xFFFFFE98  }
0xc3: {  	[tilespmem:s28], [sflag:$0x1] =	stream.indirect.gather [hbm4b:s4+s26], $0x80, s10, s26, $0xb8;
	[tilespmem:$0x1F300] =	vst v63  }
0xc4: {  	s16 =	sadd.s32 $0x348, s12  }
0xc5: {  	[spmem:s1] =	stream.indirect.scatter.add.f32 [tilespmem:s29], [sflag:$0x5], $0x80, s16, s26, $0xb8;
	[tilespmem:$0x1F300] =	vst v63  }
0xc6: {  	_ =	swait.ge [sflag:s24], $0x3C00  }
0xc7: {  	[sflag:s24] =	ssyncset.done $0x0  }
0xc8: {  	[sflag:s24] =	ssyncadd.s32 $0xFFFFC400  }
0xc9: {  	_ =	swait.ge [sflag:s2], $0x3C00  }
0xca: {  	[sflag:s2] =	ssyncset.done $0x0  }
0xcb: {  	s10 =	sadd.s32 $0x78, s10;
	[sflag:s2] =	ssyncadd.s32 $0xFFFFC400  }
0xcc: {  	[tilespmem:s29], [sflag:$0x2] =	stream.indirect.gather [hbm4b:s4+s26], $0x80, s10, s26, $0xb8;
	[tilespmem:$0x1F300] =	vst v63  }
0xcd: {  	s9 =	sadd.s32 $0x3C0, s12  }
0xce: {  	[spmem:s1] =	stream.indirect.scatter.add.f32 [tilespmem:s31], [sflag:$0x5], $0x80, s9, s26, $0xb8;
	[tilespmem:$0x1F300] =	vst v63  }
0xcf: {  	_ =	swait.ge [sflag:s24], $0x3C00  }
0xd0: {  	[sflag:s24] =	ssyncset.done $0x0  }
0xd1: {  	[sflag:s24] =	ssyncadd.s32 $0xFFFFC400  }
0xd2: {  	_ =	swait.ge [sflag:s30], $0x3C00  }
0xd3: {  	[sflag:s30] =	ssyncset.done $0x0  }
0xd4: {  	s12 =	simm.s32 $0x258;
	[sflag:s30] =	ssyncadd.s32 $0xFFFFC400  }
0xd5: {  	[tilespmem:s31], [sflag:$0x3] =	stream.indirect.gather [hbm4b:s4+s26], $0x80, s12, s26, $0xb8;
	[tilespmem:$0x1F300] =	vst v63  }
0xd6: {  	s14 =	simm.s32 $0x438  }
0xd7: {  	[spmem:s1] =	stream.indirect.scatter.add.f32 [tilespmem:s28], [sflag:$0x5], $0x80, s14, s26, $0xb8;
	[tilespmem:$0x1F300] =	vst v63  }
0xd8: {  	_ =	swait.ge [sflag:s24], $0x3C00  }
0xd9: {  	[sflag:s24] =	ssyncset.done $0x0  }
0xda: {  	[sflag:s24] =	ssyncadd.s32 $0xFFFFC400  }
0xdb: {  	_ =	swait.ge [sflag:s0], $0x3C00  }
0xdc: {  	[sflag:s0] =	ssyncset.done $0x0  }
0xdd: {  	s15 =	simm.s32 $0x4B0;
	[sflag:s0] =	ssyncadd.s32 $0xFFFFC400  }
0xde: {  	[spmem:s1] =	stream.indirect.scatter.add.f32 [tilespmem:s29], [sflag:$0x5], $0x80, s15, s26, $0xb8;
	[tilespmem:$0x1F300] =	vst v63  }
0xdf: {  	_ =	swait.ge [sflag:s24], $0x3C00  }
0xe0: {  	[sflag:s24] =	ssyncset.done $0x0  }
0xe1: {  	[sflag:s24] =	ssyncadd.s32 $0xFFFFC400  }
0xe2: {  	_ =	swait.ge [sflag:s2], $0x3C00  }
0xe3: {  	[sflag:s2] =	ssyncset.done $0x0  }
0xe4: {  	s16 =	simm.s32 $0x528;
	[sflag:s2] =	ssyncadd.s32 $0xFFFFC400  }
0xe5: {  	[spmem:s1] =	stream.indirect.scatter.add.f32 [tilespmem:s31], [sflag:$0x5], $0x80, s16, s26, $0xb8;
	[tilespmem:$0x1F300] =	vst v63  }
0xe6: {  	_ =	swait.ge [sflag:s24], $0x3C00  }
0xe7: {  	[sflag:s24] =	ssyncset.done $0x0  }
0xe8: {  	[sflag:s24] =	ssyncadd.s32 $0xFFFFC400  }
0xe9: {  	s10 =	simm.s32 @p0 $0x1FC5;
	s9 =	sshrl.u32 @p0 s13, $0x3;
	[bflag:$0x0] =	sbarrier.arrive $0xFFFF  }
0xea: {  	[hbm:s21], [sflag:s10] =	dma.local @p0 [spmem:s9], $0x2180  }
0xeb: {  	s9 =	simm.s32 @p0 $0x5  }
0xec: {  	s8 =	sadd.s32 $0x1, s8;
	s10 =	stileid.u32;
	_ =	swait.ge @p0 [sflag:s9], $0x2180  }
0xed: {  	p1 =	sne.s32 s8, s22;
	s10 =	sshll.u32 @!p0 s10, $0x6;
	[sflag:s9] =	ssyncset.done @p0 $0x0  }
0xee: {  	[sflag:s9] =	ssyncadd.s32 @p0 $0xFFFFDE80;
	s9 =	sor.u32 @!p0 $0x1C05, s10;
	s10 =	sshrl.u32 @!p0 s7, $0x3  }
0xef: {  	[hbm:s20], [sflag:s9] =	dma.local @!p0 [spmem:s10], $0x2780  }
.Ltmp2:
0xf0: {  	_ = 	snop;
	(pc) =	sbr.rel @p1 .LBB2_1-.Ltmp2, $4  }
0xf1: {  	s9 =	simm.s32 @!p0 $0x5  }
0xf2: {  	_ =	swait.ge @!p0 [sflag:s9], $0x2780  }
0xf3: {  	[sflag:s9] =	ssyncset.done @!p0 $0x0  }
0xf4: {  	[sflag:s9] =	ssyncadd.s32 @!p0 $0xFFFFD880  }
0xf5: {  	_ =	sfence.sel $0x180000  }
0xf6: {  	[bflag:$0x0] =	sbarrier.arrive $0xFFFF  }
0xf7: {  	_ =	strace $0x90000050  }
0xf8: {  	s0 =	stileid.u32;
	[bflag:$0x2] =	sbarrier.arrive $0xFFFF  }
0xf9: {  	p0 =	sne.s32 s0, $0x0;
	s0 =	rddreg [dreg:$0x2]  }
0xfa: {  	s0 =	sadd.s32 @!p0 $0x100000, s0  }
0xfb: {  	[sflag:s0] =	ssyncadd.tile.s32 @!p0 $0x1;
	_ =	shalt  }
.Lfunc_end2:
_tile_overlayer_lowered:
.L_overlay_start_2:
0xfc: {  	(tag) =	ssettag $0x2  }
0xfd: {  	s0 =	rddreg [dreg:$0x0];
	s2 =	stileid.u32  }
0xfe: {  	s1 =	rddreg [dreg:$0x1];
	p0 =	sne.s32 s2, $0x0  }
0xff: {  	s3 =	rddreg [dreg:$0x2];
	[bflag:$0x3] =	sbarrier.arrive $0xFFFF;
	s2 =	simm.s32 @!p0 $0x1C05  }
0x100: {  	[timem:s3], [sflag:s2] =	dma.local @!p0 [hbm:s0], s1  }
0x101: {  	s0 =	simm.s32 @!p0 $0x5  }
0x102: {  	_ =	swait.ge @!p0 [sflag:s0], s1  }
0x103: {  	s1 =	ssub.s32 @!p0 $0x0, s1;
	[sflag:s0] =	ssyncset.done @!p0 $0x0  }
0x104: {  	[sflag:s0] =	ssyncadd.s32 @!p0 s1  }
0x105: {  	[bflag:$0x3] =	sbarrier.arrive $0xFFFF  }
0x106: {  	_ =	shalt  }

</sc_bundles>
